<compile_context>
chip_gen: v7x
topology: tpu7x:2x2x1
jax: 0.10.2.dev20260603
libtpu: 0.0.44.dev20260713+nightly
codegen_flags: <defaults>
</compile_context>

<pallas_src>
import jax
import jax.numpy as jnp
from jax import lax
from jax.experimental import pallas as pl
from jax.experimental.pallas import tpu as pltpu
from jax.experimental.pallas import tpu_sc as plsc

_B, _S, _D, _V, _P, _K = 32, 8, 4096, 100000, 512, 20
_ROWS = _B * _S
_NC, _NS, _L = 2, 16, 16
_NW = _NC * _NS
_RPW = _ROWS // _NW
_NVREG = _V // _L
_GRP = 8
_NGRP = 782
_VPAD = 784 * _GRP * _L
_GMAX = 784 * _L
_NSG = 49
_CAP = 64
_CBUF = _CAP + _L

_NEG = float("-inf")
_BIG = 2**30

_CG0 = (0, 194, 388, 582, 776, 781)
_CGN = (194, 194, 194, 194, 5, 1)
_CW0 = (0, 24832, 49664, 74496, 99328, 99968)
_CWN = (24832, 24832, 24832, 24832, 640, 32)
_NCH = 6


def _flags_body(h_ref, p_ref, o_ref):
    emb = jnp.mean(h_ref[...], axis=1)
    protos = p_ref[...]
    na = jnp.sqrt(jnp.sum(emb * emb, axis=1, keepdims=True))
    ones = jnp.ones((1, _D), dtype=jnp.float32)
    nb_sq = lax.dot_general(
        ones, protos * protos, (((1,), (1,)), ((), ())),
        preferred_element_type=jnp.float32,
        precision=lax.Precision.HIGHEST)
    nb = jnp.sqrt(nb_sq)
    dots = lax.dot_general(
        emb, protos, (((1,), (1,)), ((), ())),
        preferred_element_type=jnp.float32,
        precision=lax.Precision.HIGHEST)
    sims = dots / jnp.maximum(na * nb, 1e-8)
    sim = jnp.mean(sims, axis=1, keepdims=True)
    o_ref[...] = (sim > 0.0).astype(jnp.float32)[:, :, None]


def _sc_body(x_hbm, xt_hbm, f_hbm, o_hbm, ot_hbm, row_v, gmax_v, sgmax_v,
             cval_v, cidx_v, flg_v, idx_v, in_sem, out_sem, patch_sem):
    wid = lax.axis_index("s") * _NC + lax.axis_index("c")
    pltpu.sync_copy(f_hbm, flg_v)
    lanes = lax.iota(jnp.int32, _L)
    f0 = flg_v[pl.ds(0, _L)]
    f1 = flg_v[pl.ds(_L, _L)]
    zf = jnp.full((_L,), 0.0, jnp.float32)
    fsel = (jnp.where(lanes == wid, f0, zf)
            + jnp.where(lanes == wid - _L, f1, zf))
    suppress = plsc.all_reduce_population_count(fsel > 0.5)[0] > 0

    def _bfly(v, op):
        for sh in (8, 4, 2, 1):
            v = op(v, v.at[lanes ^ sh].get(mode="promise_in_bounds"))
        return v

    for t in range(_NVREG, 784 * _GRP):
        row_v[pl.ds(t * _L, _L)] = jnp.full((_L,), _NEG)
    for g in (782, 783):
        gmax_v[pl.ds(g * _L, _L)] = jnp.full((_L,), _NEG)

    def _inc(row, c):
        if c == _NCH - 1:
            return pltpu.make_async_copy(
                xt_hbm.at[pl.ds(row * 32, 32)],
                row_v.at[pl.ds(_CW0[c], _CWN[c])], in_sem)
        return pltpu.make_async_copy(
            x_hbm.at[row, pl.ds(_CW0[c], _CWN[c])],
            row_v.at[pl.ds(_CW0[c], _CWN[c])], in_sem)

    def _outc(row, c):
        if c == _NCH - 1:
            return pltpu.make_async_copy(
                row_v.at[pl.ds(_CW0[c], _CWN[c])],
                ot_hbm.at[pl.ds(row * 32, 32)], out_sem)
        return pltpu.make_async_copy(
            row_v.at[pl.ds(_CW0[c], _CWN[c])],
            o_hbm.at[row, pl.ds(_CW0[c], _CWN[c])], out_sem)

    row0 = wid * _RPW
    for c in range(_NCH):
        _inc(row0, c).start()

    def _patch(row, k):
        iv = idx_v[pl.ds(0, _L)] if k < _L else idx_v[pl.ds(_L, _L)]
        idx = iv[k % _L]

        def descr():
            c0 = pl.multiple_of((idx >> 7) << 7, 128)
            return pltpu.make_async_copy(
                row_v.at[pl.ds(c0, 128)],
                o_hbm.at[row, pl.ds(c0, 128)], patch_sem)

        def descr_tail():
            return pltpu.make_async_copy(
                row_v.at[pl.ds(_V - 32, 32)],
                ot_hbm.at[pl.ds(row * 32, 32)], patch_sem)
        return idx, descr, descr_tail

    def rloop(j, carry):
        base = wid * _RPW + j
        for c in range(_NCH):
            _inc(base, c).wait()
            _outc(base, c).start()

            @pl.when(suppress)
            def _(c=c):
                def p1(g, c1):
                    gb = g * _GRP * _L
                    a0 = jnp.full((_L,), _NEG)
                    a1 = jnp.full((_L,), _NEG)
                    a2 = jnp.full((_L,), _NEG)
                    a3 = jnp.full((_L,), _NEG)
                    for u in range(0, _GRP, 4):
                        a0 = jnp.maximum(a0, row_v[pl.ds(gb + u * _L, _L)])
                        a1 = jnp.maximum(a1, row_v[pl.ds(gb + (u + 1) * _L, _L)])
                        a2 = jnp.maximum(a2, row_v[pl.ds(gb + (u + 2) * _L, _L)])
                        a3 = jnp.maximum(a3, row_v[pl.ds(gb + (u + 3) * _L, _L)])
                    gmax_v[pl.ds(g * _L, _L)] = jnp.maximum(
                        jnp.maximum(a0, a1), jnp.maximum(a2, a3))
                    return c1
                lax.fori_loop(_CG0[c], _CG0[c] + _CGN[c], p1, 0)

        @pl.when(suppress)
        def _():
            def p1b(sg, carry2):
                g1a, g2a, g1b, g2b = carry2
                sgm = jnp.full((_L,), _NEG)
                for u in range(0, _L, 2):
                    va = gmax_v[pl.ds((sg * _L + u) * _L, _L)]
                    vb = gmax_v[pl.ds((sg * _L + u + 1) * _L, _L)]
                    sgm = jnp.maximum(sgm, jnp.maximum(va, vb))
                    g2a = jnp.maximum(g2a, jnp.minimum(g1a, va))
                    g1a = jnp.maximum(g1a, va)
                    g2b = jnp.maximum(g2b, jnp.minimum(g1b, vb))
                    g1b = jnp.maximum(g1b, vb)
                sgmax_v[pl.ds(sg * _L, _L)] = sgm
                return g1a, g2a, g1b, g2b
            nf = jnp.full((_L,), _NEG)
            g1a, g2a, g1b, g2b = lax.fori_loop(
                0, _NSG, p1b, (nf, nf, nf, nf))
            g1 = jnp.maximum(g1a, g1b)
            g2 = jnp.maximum(jnp.minimum(g1a, g1b), jnp.maximum(g2a, g2b))

            def sel(k, carry2):
                a, b2, _ = carry2
                m = _bfly(jnp.maximum(a, b2), jnp.maximum)
                return (jnp.where(a >= m, _NEG, a),
                        jnp.where(b2 >= m, _NEG, b2), m)
            _, _, t_ap = lax.fori_loop(
                0, _K, sel,
                (g1, g2, jnp.full((_L,), 0.0, jnp.float32)))

            for t in range(_CBUF // _L):
                cval_v[pl.ds(t * _L, _L)] = jnp.full((_L,), _NEG)
                cidx_v[pl.ds(t * _L, _L)] = jnp.full((_L,), _BIG)

            def p2(g, cnt):
                hits = plsc.all_reduce_population_count(
                    gmax_v[pl.ds(g * _L, _L)] >= t_ap)

                def scan_grp(cnt_in):
                    for u in range(_GRP):
                        i = g * _GRP + u
                        v = row_v[pl.ds(i * _L, _L)]
                        msk = jnp.logical_and(
                            v >= t_ap, jnp.full((_L,), cnt_in < _CAP))
                        plsc.store_compressed(
                            cval_v.at[pl.ds(cnt_in, _L)], v, mask=msk)
                        plsc.store_compressed(
                            cidx_v.at[pl.ds(cnt_in, _L)], lanes + i * _L,
                            mask=msk)
                        n = plsc.all_reduce_population_count(msk)
                        cnt_in = cnt_in + n[0]
                    return cnt_in
                return lax.cond(hits[0] > 0, scan_grp, lambda cc: cc, cnt)

            def p2s(sg, cnt):
                sh = plsc.all_reduce_population_count(
                    sgmax_v[pl.ds(sg * _L, _L)] >= t_ap)
                return lax.cond(
                    sh[0] > 0,
                    lambda cc: lax.fori_loop(sg * _L, (sg + 1) * _L, p2, cc),
                    lambda cc: cc, cnt)
            lax.fori_loop(0, _NSG, p2s, jnp.int32(0))

            def ext(k, carry2):
                i0, i1 = carry2
                macc = jnp.full((_L,), _NEG)
                for t in range(_CBUF // _L):
                    macc = jnp.maximum(macc, cval_v[pl.ds(t * _L, _L)])
                m = _bfly(macc, jnp.maximum)
                iacc = jnp.full((_L,), _BIG)
                for t in range(_CBUF // _L):
                    cv = cval_v[pl.ds(t * _L, _L)]
                    ci = cidx_v[pl.ds(t * _L, _L)]
                    iacc = jnp.minimum(iacc, jnp.where(cv == m, ci, _BIG))
                isel = _bfly(iacc, jnp.minimum)
                for t in range(_CBUF // _L):
                    cv = cval_v[pl.ds(t * _L, _L)]
                    ci = cidx_v[pl.ds(t * _L, _L)]
                    hit = jnp.logical_and(cv == m, ci == isel)
                    cval_v[pl.ds(t * _L, _L)] = jnp.where(hit, _NEG, cv)
                i0 = jnp.where(lanes == k, isel, i0)
                i1 = jnp.where(lanes == k - _L, isel, i1)
                return i0, i1
            zeros = jnp.full((_L,), jnp.int32(0))
            i0, i1 = lax.fori_loop(0, _K, ext, (zeros, zeros))
            idx_v[pl.ds(0, _L)] = i0
            idx_v[pl.ds(_L, _L)] = jnp.where(lanes < _K - _L, i1, _BIG)

        for c in range(_NCH):
            _outc(base, c).wait()

        @pl.when(suppress)
        def _():
            i0 = idx_v[pl.ds(0, _L)]
            i1 = idx_v[pl.ds(_L, _L)]
            neg100 = jnp.full((_L,), jnp.float32(-100.0))
            plsc.store_scatter(row_v, [i0], neg100, mask=i0 < jnp.int32(_V))
            plsc.store_scatter(row_v, [i1], neg100, mask=i1 < jnp.int32(_V))
            for k in range(_K):
                idx, descr, descr_tail = _patch(base, k)

                @pl.when(jnp.logical_and(idx < _V, idx < _V - 32))
                def _(descr=descr):
                    descr().start()

                @pl.when(jnp.logical_and(idx < _V, idx >= _V - 32))
                def _(descr_tail=descr_tail):
                    descr_tail().start()
            for k in range(_K):
                idx, descr, descr_tail = _patch(base, k)

                @pl.when(jnp.logical_and(idx < _V, idx < _V - 32))
                def _(descr=descr):
                    descr().wait()

                @pl.when(jnp.logical_and(idx < _V, idx >= _V - 32))
                def _(descr_tail=descr_tail):
                    descr_tail().wait()

        @pl.when(j < _RPW - 1)
        def _():
            for c in range(_NCH):
                _inc(base + 1, c).start()
        return carry

    lax.fori_loop(0, _RPW, rloop, 0)


def kernel(hidden_states, logits, prototypes):
    flags = pl.pallas_call(
        _flags_body,
        out_shape=jax.ShapeDtypeStruct((_B, 1, 1), jnp.float32),
    )(hidden_states, prototypes)

    sc = pl.kernel(
        _sc_body,
        out_type=(jax.ShapeDtypeStruct((_ROWS, _V), jnp.float32),
                  jax.ShapeDtypeStruct((_ROWS * 32,), jnp.float32)),
        mesh=plsc.VectorSubcoreMesh(core_axis_name="c", subcore_axis_name="s"),
        compiler_params=pltpu.CompilerParams(needs_layout_passes=False),
        scratch_types=[
            pltpu.VMEM((_VPAD,), jnp.float32),
            pltpu.VMEM((_GMAX,), jnp.float32),
            pltpu.VMEM((_NSG * _L,), jnp.float32),
            pltpu.VMEM((_CBUF,), jnp.float32),
            pltpu.VMEM((_CBUF,), jnp.int32),
            pltpu.VMEM((_B,), jnp.float32),
            pltpu.VMEM((2 * _L,), jnp.int32),
            pltpu.SemaphoreType.DMA,
            pltpu.SemaphoreType.DMA,
            pltpu.SemaphoreType.DMA,
        ],
    )
    x2 = logits.reshape(_ROWS, _V)
    x_tail = x2[:, _V - 32:].reshape(_ROWS * 32)
    out, out_tail = sc(x2, x_tail, flags.reshape(_B))
    out = out.at[:, _V - 32:].set(out_tail.reshape(_ROWS, 32))
    return out.reshape(_B, 1, _S, _V)

# --- scband reference (transcript-rebuilt; emitter-appended) ---
"""Pipeline reference for scband-prototype-suppressor-11733850653128 (READ-ONLY COPY).

The authoritative reference and input builder live on the scoring server;
editing this copy changes nothing except your own understanding.
"""

import jax, jax.numpy as jnp
import numpy as np

B, S, D, V, P, K = 32, 8, 4096, 100000, 512, 20
THRESH = 0.0


def setup_inputs(seed: int = 0) -> dict:
    key = jax.random.key(seed)
    k1, k2, k3 = jax.random.split(key, 3)
    hidden_states = jax.random.normal(k1, (B, S, D), dtype=jnp.float32)
    logits = jax.random.normal(k2, (B, 1, S, V), dtype=jnp.float32)
    prototypes = jax.random.normal(k3, (P, D), dtype=jnp.float32)
    return {"hidden_states": hidden_states, "logits": logits, "prototypes": prototypes}


def reference(hidden_states, logits, prototypes):
    # batch_embeddings = hidden_states.mean(dim=1) -> [B, D]
    batch_emb = hidden_states.mean(axis=1)
    # cosine similarity of each sample embedding vs each prototype, then mean over prototypes
    na = jnp.linalg.norm(batch_emb, axis=-1, keepdims=True)          # [B, 1]
    nb = jnp.linalg.norm(prototypes, axis=-1, keepdims=True)         # [P, 1]
    dots = batch_emb @ prototypes.T                                   # [B, P]
    denom = jnp.maximum(na * nb.T, 1e-8)                              # torch F.cosine_similarity eps clamp
    sims = dots / denom                                               # [B, P]
    sim = sims.mean(axis=1)                                           # [B]
    should_suppress = sim > THRESH                                    # [B] bool
    # mask_indices = torch.topk(logits, k=20, dim=-1).indices -> [B, 1, S, K]
    _, topk_idx = jax.lax.top_k(logits, K)
    bi = jnp.arange(logits.shape[0])[:, None, None, None]
    ci = jnp.arange(logits.shape[1])[None, :, None, None]
    si = jnp.arange(logits.shape[2])[None, None, :, None]
    # scatter -100.0 at top-k indices along the vocab axis (dim 2 of logits[b] == last axis)
    suppressed = logits.at[bi, ci, si, topk_idx].set(-100.0)
    # apply suppression only to batch rows where should_suppress is True
    out = jnp.where(should_suppress[:, None, None, None], suppressed, logits)
    return out

if __name__ == "__main__":
    import jax
    _d = setup_inputs()
    print(jax.jit(kernel)(*tuple(_d.values())))

</pallas_src>

<mosaic_0001>
#map = affine_map<(d0, d1) -> (0, 0)>
#map1 = affine_map<(d0, d1) -> (0)>
module attributes {stable_mosaic.version = 14 : i64} {
  func.func @_sc_body(%arg0: i32, %arg1: i32, %arg2: memref<256x100000xf32, #tpu.memory_space<hbm>>, %arg3: memref<8192xf32, #tpu.memory_space<hbm>>, %arg4: memref<32xf32, #tpu.memory_space<hbm>>, %arg5: memref<256x100000xf32, #tpu.memory_space<hbm>>, %arg6: memref<8192xf32, #tpu.memory_space<hbm>>, %arg7: memref<100352xf32, #tpu.memory_space<vmem>>, %arg8: memref<12544xf32, #tpu.memory_space<vmem>>, %arg9: memref<784xf32, #tpu.memory_space<vmem>>, %arg10: memref<80xf32, #tpu.memory_space<vmem>>, %arg11: memref<80xi32, #tpu.memory_space<vmem>>, %arg12: memref<32xf32, #tpu.memory_space<vmem>>, %arg13: memref<32xi32, #tpu.memory_space<vmem>>, %arg14: memref<!tpu.dma_semaphore, #tpu.memory_space<semaphore_mem>>, %arg15: memref<!tpu.dma_semaphore, #tpu.memory_space<semaphore_mem>>, %arg16: memref<!tpu.dma_semaphore, #tpu.memory_space<semaphore_mem>>) attributes {dimension_semantics = [#tpu.dimension_semantics<core_parallel>, #tpu.dimension_semantics<subcore_parallel>], iteration_bounds = array<i64: 2, 16>, scalar_prefetch = 0 : i64, scratch_operands = 10 : i64, tpu.core_type = #tpu.core_type<sc_vector_subcore>, window_params = [{transform_indices = #map}, {transform_indices = #map1}, {transform_indices = #map1}, {transform_indices = #map}, {transform_indices = #map1}]} {
    %mul3A = arith.constant 2 : i32
    %mul3A_0 = arith.muli %arg1, %mul3A : i32
    %add3A = arith.addi %mul3A_0, %arg0 : i32
    "tpu.region"() ({
      %run_scoped3A = tpu.sem_alloc : memref<!tpu.dma_semaphore, #tpu.memory_space<semaphore_mem>>
      tpu.enqueue_dma source(%arg4 : memref<32xf32, #tpu.memory_space<hbm>>) target(%arg12 : memref<32xf32, #tpu.memory_space<vmem>>) target_semaphore(%run_scoped3A : memref<!tpu.dma_semaphore, #tpu.memory_space<semaphore_mem>>)
      tpu.wait_dma2 semaphore(%run_scoped3A : memref<!tpu.dma_semaphore, #tpu.memory_space<semaphore_mem>>) src(%arg4 : memref<32xf32, #tpu.memory_space<hbm>>) dst(%arg12 : memref<32xf32, #tpu.memory_space<vmem>>)
      tpu.yield
    }) : () -> ()
    %iota3A = tpu.iota {dimensions = array<i32: 0>} : vector<16xi32>
    %get3A = arith.constant 0 : index
    %get3A_1 = tpu.vector_load %arg12[%get3A] {strides = array<i32>} : memref<32xf32, #tpu.memory_space<vmem>>, vector<16xf32>,
    %get3A_2 = arith.constant 16 : index
    %get3A_3 = tpu.vector_load %arg12[%get3A_2] {strides = array<i32>} : memref<32xf32, #tpu.memory_space<vmem>>, vector<16xf32>,
    %broadcast_in_dim3A = arith.constant 0.000000e+00 : f32
    %broadcast_in_dim3A_4 = vector.broadcast %broadcast_in_dim3A : f32 to vector<16xf32>
    %eq3A = vector.broadcast %add3A : i32 to vector<16xi32>
    %eq3A_5 = arith.cmpi eq, %iota3A, %eq3A : vector<16xi32>
    %select_n3A = arith.select %eq3A_5, %get3A_1, %broadcast_in_dim3A_4 : vector<16xi1>, vector<16xf32>
    %sub3A = arith.constant 16 : i32
    %sub3A_6 = arith.subi %add3A, %sub3A : i32
    %eq3A_7 = vector.broadcast %sub3A_6 : i32 to vector<16xi32>
    %eq3A_8 = arith.cmpi eq, %iota3A, %eq3A_7 : vector<16xi32>
    %select_n3A_9 = arith.select %eq3A_8, %get3A_3, %broadcast_in_dim3A_4 : vector<16xi1>, vector<16xf32>
    %add3A_10 = arith.addf %select_n3A, %select_n3A_9 : vector<16xf32>
    %gt3A = arith.constant 5.000000e-01 : f32
    %gt3A_11 = vector.broadcast %gt3A : f32 to vector<16xf32>
    %gt3A_12 = arith.cmpf ogt, %add3A_10, %gt3A_11 : vector<16xf32>
    %all_reduce_population_count3A = tpu.all_reduce %gt3A_12 {dim = 0 : i64, kind = #tpu.reduction_kind<sum>} : vector<16xi1> -> vector<16xi32>
    %slice3A = vector.extract_strided_slice %all_reduce_population_count3A {offsets = [0], sizes = [1], strides = [1]} : vector<16xi32> to vector<1xi32>
    %squeeze3A = vector.extract %slice3A[0] : i32 from vector<1xi32>
    %gt3A_13 = arith.constant 0 : i32
    %gt3A_14 = arith.cmpi sgt, %squeeze3A, %gt3A_13 : i32
    %broadcast_in_dim3A_15 = arith.constant 0xFF800000 : f32
    %broadcast_in_dim3A_16 = vector.broadcast %broadcast_in_dim3A_15 : f32 to vector<16xf32>
    %swap3A = arith.constant 100000 : index
    %swap3A_17 = tpu.vector_load %arg7[%swap3A] {strides = array<i32>} : memref<100352xf32, #tpu.memory_space<vmem>>, vector<16xf32>,
    tpu.vector_store %arg7[%swap3A], %broadcast_in_dim3A_16 {strides = array<i32>} : memref<100352xf32, #tpu.memory_space<vmem>>, vector<16xf32>,
    %broadcast_in_dim3A_18 = arith.constant 0xFF800000 : f32
    %broadcast_in_dim3A_19 = vector.broadcast %broadcast_in_dim3A_18 : f32 to vector<16xf32>
    %swap3A_20 = arith.constant 100016 : index
    %swap3A_21 = tpu.vector_load %arg7[%swap3A_20] {strides = array<i32>} : memref<100352xf32, #tpu.memory_space<vmem>>, vector<16xf32>,
    tpu.vector_store %arg7[%swap3A_20], %broadcast_in_dim3A_19 {strides = array<i32>} : memref<100352xf32, #tpu.memory_space<vmem>>, vector<16xf32>,
    %broadcast_in_dim3A_22 = arith.constant 0xFF800000 : f32
    %broadcast_in_dim3A_23 = vector.broadcast %broadcast_in_dim3A_22 : f32 to vector<16xf32>
    %swap3A_24 = arith.constant 100032 : index
    %swap3A_25 = tpu.vector_load %arg7[%swap3A_24] {strides = array<i32>} : memref<100352xf32, #tpu.memory_space<vmem>>, vector<16xf32>,
    tpu.vector_store %arg7[%swap3A_24], %broadcast_in_dim3A_23 {strides = array<i32>} : memref<100352xf32, #tpu.memory_space<vmem>>, vector<16xf32>,
    %broadcast_in_dim3A_26 = arith.constant 0xFF800000 : f32
    %broadcast_in_dim3A_27 = vector.broadcast %broadcast_in_dim3A_26 : f32 to vector<16xf32>
    %swap3A_28 = arith.constant 100048 : index
    %swap3A_29 = tpu.vector_load %arg7[%swap3A_28] {strides = array<i32>} : memref<100352xf32, #tpu.memory_space<vmem>>, vector<16xf32>,
    tpu.vector_store %arg7[%swap3A_28], %broadcast_in_dim3A_27 {strides = array<i32>} : memref<100352xf32, #tpu.memory_space<vmem>>, vector<16xf32>,
    %broadcast_in_dim3A_30 = arith.constant 0xFF800000 : f32
    %broadcast_in_dim3A_31 = vector.broadcast %broadcast_in_dim3A_30 : f32 to vector<16xf32>
    %swap3A_32 = arith.constant 100064 : index
    %swap3A_33 = tpu.vector_load %arg7[%swap3A_32] {strides = array<i32>} : memref<100352xf32, #tpu.memory_space<vmem>>, vector<16xf32>,
    tpu.vector_store %arg7[%swap3A_32], %broadcast_in_dim3A_31 {strides = array<i32>} : memref<100352xf32, #tpu.memory_space<vmem>>, vector<16xf32>,
    %broadcast_in_dim3A_34 = arith.constant 0xFF800000 : f32
    %broadcast_in_dim3A_35 = vector.broadcast %broadcast_in_dim3A_34 : f32 to vector<16xf32>
    %swap3A_36 = arith.constant 100080 : index
    %swap3A_37 = tpu.vector_load %arg7[%swap3A_36] {strides = array<i32>} : memref<100352xf32, #tpu.memory_space<vmem>>, vector<16xf32>,
    tpu.vector_store %arg7[%swap3A_36], %broadcast_in_dim3A_35 {strides = array<i32>} : memref<100352xf32, #tpu.memory_space<vmem>>, vector<16xf32>,
    %broadcast_in_dim3A_38 = arith.constant 0xFF800000 : f32
    %broadcast_in_dim3A_39 = vector.broadcast %broadcast_in_dim3A_38 : f32 to vector<16xf32>
    %swap3A_40 = arith.constant 100096 : index
    %swap3A_41 = tpu.vector_load %arg7[%swap3A_40] {strides = array<i32>} : memref<100352xf32, #tpu.memory_space<vmem>>, vector<16xf32>,
    tpu.vector_store %arg7[%swap3A_40], %broadcast_in_dim3A_39 {strides = array<i32>} : memref<100352xf32, #tpu.memory_space<vmem>>, vector<16xf32>,
    %broadcast_in_dim3A_42 = arith.constant 0xFF800000 : f32
    %broadcast_in_dim3A_43 = vector.broadcast %broadcast_in_dim3A_42 : f32 to vector<16xf32>
    %swap3A_44 = arith.constant 100112 : index
    %swap3A_45 = tpu.vector_load %arg7[%swap3A_44] {strides = array<i32>} : memref<100352xf32, #tpu.memory_space<vmem>>, vector<16xf32>,
    tpu.vector_store %arg7[%swap3A_44], %broadcast_in_dim3A_43 {strides = array<i32>} : memref<100352xf32, #tpu.memory_space<vmem>>, vector<16xf32>,
    %broadcast_in_dim3A_46 = arith.constant 0xFF800000 : f32
    %broadcast_in_dim3A_47 = vector.broadcast %broadcast_in_dim3A_46 : f32 to vector<16xf32>
    %swap3A_48 = arith.constant 100128 : index
    %swap3A_49 = tpu.vector_load %arg7[%swap3A_48] {strides = array<i32>} : memref<100352xf32, #tpu.memory_space<vmem>>, vector<16xf32>,
    tpu.vector_store %arg7[%swap3A_48], %broadcast_in_dim3A_47 {strides = array<i32>} : memref<100352xf32, #tpu.memory_space<vmem>>, vector<16xf32>,
    %broadcast_in_dim3A_50 = arith.constant 0xFF800000 : f32
    %broadcast_in_dim3A_51 = vector.broadcast %broadcast_in_dim3A_50 : f32 to vector<16xf32>
    %swap3A_52 = arith.constant 100144 : index
    %swap3A_53 = tpu.vector_load %arg7[%swap3A_52] {strides = array<i32>} : memref<100352xf32, #tpu.memory_space<vmem>>, vector<16xf32>,
    tpu.vector_store %arg7[%swap3A_52], %broadcast_in_dim3A_51 {strides = array<i32>} : memref<100352xf32, #tpu.memory_space<vmem>>, vector<16xf32>,
    %broadcast_in_dim3A_54 = arith.constant 0xFF800000 : f32
    %broadcast_in_dim3A_55 = vector.broadcast %broadcast_in_dim3A_54 : f32 to vector<16xf32>
    %swap3A_56 = arith.constant 100160 : index
    %swap3A_57 = tpu.vector_load %arg7[%swap3A_56] {strides = array<i32>} : memref<100352xf32, #tpu.memory_space<vmem>>, vector<16xf32>,
    tpu.vector_store %arg7[%swap3A_56], %broadcast_in_dim3A_55 {strides = array<i32>} : memref<100352xf32, #tpu.memory_space<vmem>>, vector<16xf32>,
    %broadcast_in_dim3A_58 = arith.constant 0xFF800000 : f32
    %broadcast_in_dim3A_59 = vector.broadcast %broadcast_in_dim3A_58 : f32 to vector<16xf32>
    %swap3A_60 = arith.constant 100176 : index
    %swap3A_61 = tpu.vector_load %arg7[%swap3A_60] {strides = array<i32>} : memref<100352xf32, #tpu.memory_space<vmem>>, vector<16xf32>,
    tpu.vector_store %arg7[%swap3A_60], %broadcast_in_dim3A_59 {strides = array<i32>} : memref<100352xf32, #tpu.memory_space<vmem>>, vector<16xf32>,
    %broadcast_in_dim3A_62 = arith.constant 0xFF800000 : f32
    %broadcast_in_dim3A_63 = vector.broadcast %broadcast_in_dim3A_62 : f32 to vector<16xf32>
    %swap3A_64 = arith.constant 100192 : index
    %swap3A_65 = tpu.vector_load %arg7[%swap3A_64] {strides = array<i32>} : memref<100352xf32, #tpu.memory_space<vmem>>, vector<16xf32>,
    tpu.vector_store %arg7[%swap3A_64], %broadcast_in_dim3A_63 {strides = array<i32>} : memref<100352xf32, #tpu.memory_space<vmem>>, vector<16xf32>,
    %broadcast_in_dim3A_66 = arith.constant 0xFF800000 : f32
    %broadcast_in_dim3A_67 = vector.broadcast %broadcast_in_dim3A_66 : f32 to vector<16xf32>
    %swap3A_68 = arith.constant 100208 : index
    %swap3A_69 = tpu.vector_load %arg7[%swap3A_68] {strides = array<i32>} : memref<100352xf32, #tpu.memory_space<vmem>>, vector<16xf32>,
    tpu.vector_store %arg7[%swap3A_68], %broadcast_in_dim3A_67 {strides = array<i32>} : memref<100352xf32, #tpu.memory_space<vmem>>, vector<16xf32>,
    %broadcast_in_dim3A_70 = arith.constant 0xFF800000 : f32
    %broadcast_in_dim3A_71 = vector.broadcast %broadcast_in_dim3A_70 : f32 to vector<16xf32>
    %swap3A_72 = arith.constant 100224 : index
    %swap3A_73 = tpu.vector_load %arg7[%swap3A_72] {strides = array<i32>} : memref<100352xf32, #tpu.memory_space<vmem>>, vector<16xf32>,
    tpu.vector_store %arg7[%swap3A_72], %broadcast_in_dim3A_71 {strides = array<i32>} : memref<100352xf32, #tpu.memory_space<vmem>>, vector<16xf32>,
    %broadcast_in_dim3A_74 = arith.constant 0xFF800000 : f32
    %broadcast_in_dim3A_75 = vector.broadcast %broadcast_in_dim3A_74 : f32 to vector<16xf32>
    %swap3A_76 = arith.constant 100240 : index
    %swap3A_77 = tpu.vector_load %arg7[%swap3A_76] {strides = array<i32>} : memref<100352xf32, #tpu.memory_space<vmem>>, vector<16xf32>,
    tpu.vector_store %arg7[%swap3A_76], %broadcast_in_dim3A_75 {strides = array<i32>} : memref<100352xf32, #tpu.memory_space<vmem>>, vector<16xf32>,
    %broadcast_in_dim3A_78 = arith.constant 0xFF800000 : f32
    %broadcast_in_dim3A_79 = vector.broadcast %broadcast_in_dim3A_78 : f32 to vector<16xf32>
    %swap3A_80 = arith.constant 100256 : index
    %swap3A_81 = tpu.vector_load %arg7[%swap3A_80] {strides = array<i32>} : memref<100352xf32, #tpu.memory_space<vmem>>, vector<16xf32>,
    tpu.vector_store %arg7[%swap3A_80], %broadcast_in_dim3A_79 {strides = array<i32>} : memref<100352xf32, #tpu.memory_space<vmem>>, vector<16xf32>,
    %broadcast_in_dim3A_82 = arith.constant 0xFF800000 : f32
    %broadcast_in_dim3A_83 = vector.broadcast %broadcast_in_dim3A_82 : f32 to vector<16xf32>
    %swap3A_84 = arith.constant 100272 : index
    %swap3A_85 = tpu.vector_load %arg7[%swap3A_84] {strides = array<i32>} : memref<100352xf32, #tpu.memory_space<vmem>>, vector<16xf32>,
    tpu.vector_store %arg7[%swap3A_84], %broadcast_in_dim3A_83 {strides = array<i32>} : memref<100352xf32, #tpu.memory_space<vmem>>, vector<16xf32>,
    %broadcast_in_dim3A_86 = arith.constant 0xFF800000 : f32
    %broadcast_in_dim3A_87 = vector.broadcast %broadcast_in_dim3A_86 : f32 to vector<16xf32>
    %swap3A_88 = arith.constant 100288 : index
    %swap3A_89 = tpu.vector_load %arg7[%swap3A_88] {strides = array<i32>} : memref<100352xf32, #tpu.memory_space<vmem>>, vector<16xf32>,
    tpu.vector_store %arg7[%swap3A_88], %broadcast_in_dim3A_87 {strides = array<i32>} : memref<100352xf32, #tpu.memory_space<vmem>>, vector<16xf32>,
    %broadcast_in_dim3A_90 = arith.constant 0xFF800000 : f32
    %broadcast_in_dim3A_91 = vector.broadcast %broadcast_in_dim3A_90 : f32 to vector<16xf32>
    %swap3A_92 = arith.constant 100304 : index
    %swap3A_93 = tpu.vector_load %arg7[%swap3A_92] {strides = array<i32>} : memref<100352xf32, #tpu.memory_space<vmem>>, vector<16xf32>,
    tpu.vector_store %arg7[%swap3A_92], %broadcast_in_dim3A_91 {strides = array<i32>} : memref<100352xf32, #tpu.memory_space<vmem>>, vector<16xf32>,
    %broadcast_in_dim3A_94 = arith.constant 0xFF800000 : f32
    %broadcast_in_dim3A_95 = vector.broadcast %broadcast_in_dim3A_94 : f32 to vector<16xf32>
    %swap3A_96 = arith.constant 100320 : index
    %swap3A_97 = tpu.vector_load %arg7[%swap3A_96] {strides = array<i32>} : memref<100352xf32, #tpu.memory_space<vmem>>, vector<16xf32>,
    tpu.vector_store %arg7[%swap3A_96], %broadcast_in_dim3A_95 {strides = array<i32>} : memref<100352xf32, #tpu.memory_space<vmem>>, vector<16xf32>,
    %broadcast_in_dim3A_98 = arith.constant 0xFF800000 : f32
    %broadcast_in_dim3A_99 = vector.broadcast %broadcast_in_dim3A_98 : f32 to vector<16xf32>
    %swap3A_100 = arith.constant 100336 : index
    %swap3A_101 = tpu.vector_load %arg7[%swap3A_100] {strides = array<i32>} : memref<100352xf32, #tpu.memory_space<vmem>>, vector<16xf32>,
    tpu.vector_store %arg7[%swap3A_100], %broadcast_in_dim3A_99 {strides = array<i32>} : memref<100352xf32, #tpu.memory_space<vmem>>, vector<16xf32>,
    %broadcast_in_dim3A_102 = arith.constant 0xFF800000 : f32
    %broadcast_in_dim3A_103 = vector.broadcast %broadcast_in_dim3A_102 : f32 to vector<16xf32>
    %swap3A_104 = arith.constant 12512 : index
    %swap3A_105 = tpu.vector_load %arg8[%swap3A_104] {strides = array<i32>} : memref<12544xf32, #tpu.memory_space<vmem>>, vector<16xf32>,
    tpu.vector_store %arg8[%swap3A_104], %broadcast_in_dim3A_103 {strides = array<i32>} : memref<12544xf32, #tpu.memory_space<vmem>>, vector<16xf32>,
    %broadcast_in_dim3A_106 = arith.constant 0xFF800000 : f32
    %broadcast_in_dim3A_107 = vector.broadcast %broadcast_in_dim3A_106 : f32 to vector<16xf32>
    %swap3A_108 = arith.constant 12528 : index
    %swap3A_109 = tpu.vector_load %arg8[%swap3A_108] {strides = array<i32>} : memref<12544xf32, #tpu.memory_space<vmem>>, vector<16xf32>,
    tpu.vector_store %arg8[%swap3A_108], %broadcast_in_dim3A_107 {strides = array<i32>} : memref<12544xf32, #tpu.memory_space<vmem>>, vector<16xf32>,
    %mul3A_110 = arith.constant 8 : i32
    %mul3A_111 = arith.muli %add3A, %mul3A_110 : i32
    %dma_start3A = arith.constant 0 : i32
    %dma_start3A_112 = tpu.memref_slice %arg7[%dma_start3A] : memref<100352xf32, #tpu.memory_space<vmem>> -> memref<24832xf32, #tpu.memory_space<vmem>>
    %dma_start3A_113 = arith.constant 0 : i32
    %dma_start3A_114 = tpu.memref_slice %arg2[%mul3A_111, %dma_start3A_113] : memref<256x100000xf32, #tpu.memory_space<hbm>> -> memref<1x24832xf32, #tpu.memory_space<hbm>>
    %dma_start3A_115 = tpu.memref_squeeze %dma_start3A_114 : memref<1x24832xf32, #tpu.memory_space<hbm>> -> memref<24832xf32, #tpu.memory_space<hbm>>
    %dma_start3A_116 = arith.constant 0 : i32
    %dma_start3A_117 = tpu.memref_slice %arg7[%dma_start3A_116] : memref<100352xf32, #tpu.memory_space<vmem>> -> memref<24832xf32, #tpu.memory_space<vmem>>
    %dma_start3A_118 = arith.constant 0 : i32
    %dma_start3A_119 = tpu.memref_slice %arg2[%mul3A_111, %dma_start3A_118] : memref<256x100000xf32, #tpu.memory_space<hbm>> -> memref<1x24832xf32, #tpu.memory_space<hbm>>
    %dma_start3A_120 = tpu.memref_squeeze %dma_start3A_119 : memref<1x24832xf32, #tpu.memory_space<hbm>> -> memref<24832xf32, #tpu.memory_space<hbm>>
    tpu.enqueue_dma source(%dma_start3A_120 : memref<24832xf32, #tpu.memory_space<hbm>>) target(%dma_start3A_117 : memref<24832xf32, #tpu.memory_space<vmem>>) target_semaphore(%arg14 : memref<!tpu.dma_semaphore, #tpu.memory_space<semaphore_mem>>)
    %dma_start3A_121 = arith.constant 24832 : i32
    %dma_start3A_122 = tpu.memref_slice %arg7[%dma_start3A_121] : memref<100352xf32, #tpu.memory_space<vmem>> -> memref<24832xf32, #tpu.memory_space<vmem>>
    %dma_start3A_123 = arith.constant 24832 : i32
    %dma_start3A_124 = tpu.memref_slice %arg2[%mul3A_111, %dma_start3A_123] : memref<256x100000xf32, #tpu.memory_space<hbm>> -> memref<1x24832xf32, #tpu.memory_space<hbm>>
    %dma_start3A_125 = tpu.memref_squeeze %dma_start3A_124 : memref<1x24832xf32, #tpu.memory_space<hbm>> -> memref<24832xf32, #tpu.memory_space<hbm>>
    %dma_start3A_126 = arith.constant 24832 : i32
    %dma_start3A_127 = tpu.memref_slice %arg7[%dma_start3A_126] : memref<100352xf32, #tpu.memory_space<vmem>> -> memref<24832xf32, #tpu.memory_space<vmem>>
    %dma_start3A_128 = arith.constant 24832 : i32
    %dma_start3A_129 = tpu.memref_slice %arg2[%mul3A_111, %dma_start3A_128] : memref<256x100000xf32, #tpu.memory_space<hbm>> -> memref<1x24832xf32, #tpu.memory_space<hbm>>
    %dma_start3A_130 = tpu.memref_squeeze %dma_start3A_129 : memref<1x24832xf32, #tpu.memory_space<hbm>> -> memref<24832xf32, #tpu.memory_space<hbm>>
    tpu.enqueue_dma source(%dma_start3A_130 : memref<24832xf32, #tpu.memory_space<hbm>>) target(%dma_start3A_127 : memref<24832xf32, #tpu.memory_space<vmem>>) target_semaphore(%arg14 : memref<!tpu.dma_semaphore, #tpu.memory_space<semaphore_mem>>)
    %dma_start3A_131 = arith.constant 49664 : i32
    %dma_start3A_132 = tpu.memref_slice %arg7[%dma_start3A_131] : memref<100352xf32, #tpu.memory_space<vmem>> -> memref<24832xf32, #tpu.memory_space<vmem>>
    %dma_start3A_133 = arith.constant 49664 : i32
    %dma_start3A_134 = tpu.memref_slice %arg2[%mul3A_111, %dma_start3A_133] : memref<256x100000xf32, #tpu.memory_space<hbm>> -> memref<1x24832xf32, #tpu.memory_space<hbm>>
    %dma_start3A_135 = tpu.memref_squeeze %dma_start3A_134 : memref<1x24832xf32, #tpu.memory_space<hbm>> -> memref<24832xf32, #tpu.memory_space<hbm>>
    %dma_start3A_136 = arith.constant 49664 : i32
    %dma_start3A_137 = tpu.memref_slice %arg7[%dma_start3A_136] : memref<100352xf32, #tpu.memory_space<vmem>> -> memref<24832xf32, #tpu.memory_space<vmem>>
    %dma_start3A_138 = arith.constant 49664 : i32
    %dma_start3A_139 = tpu.memref_slice %arg2[%mul3A_111, %dma_start3A_138] : memref<256x100000xf32, #tpu.memory_space<hbm>> -> memref<1x24832xf32, #tpu.memory_space<hbm>>
    %dma_start3A_140 = tpu.memref_squeeze %dma_start3A_139 : memref<1x24832xf32, #tpu.memory_space<hbm>> -> memref<24832xf32, #tpu.memory_space<hbm>>
    tpu.enqueue_dma source(%dma_start3A_140 : memref<24832xf32, #tpu.memory_space<hbm>>) target(%dma_start3A_137 : memref<24832xf32, #tpu.memory_space<vmem>>) target_semaphore(%arg14 : memref<!tpu.dma_semaphore, #tpu.memory_space<semaphore_mem>>)
    %dma_start3A_141 = arith.constant 74496 : i32
    %dma_start3A_142 = tpu.memref_slice %arg7[%dma_start3A_141] : memref<100352xf32, #tpu.memory_space<vmem>> -> memref<24832xf32, #tpu.memory_space<vmem>>
    %dma_start3A_143 = arith.constant 74496 : i32
    %dma_start3A_144 = tpu.memref_slice %arg2[%mul3A_111, %dma_start3A_143] : memref<256x100000xf32, #tpu.memory_space<hbm>> -> memref<1x24832xf32, #tpu.memory_space<hbm>>
    %dma_start3A_145 = tpu.memref_squeeze %dma_start3A_144 : memref<1x24832xf32, #tpu.memory_space<hbm>> -> memref<24832xf32, #tpu.memory_space<hbm>>
    %dma_start3A_146 = arith.constant 74496 : i32
    %dma_start3A_147 = tpu.memref_slice %arg7[%dma_start3A_146] : memref<100352xf32, #tpu.memory_space<vmem>> -> memref<24832xf32, #tpu.memory_space<vmem>>
    %dma_start3A_148 = arith.constant 74496 : i32
    %dma_start3A_149 = tpu.memref_slice %arg2[%mul3A_111, %dma_start3A_148] : memref<256x100000xf32, #tpu.memory_space<hbm>> -> memref<1x24832xf32, #tpu.memory_space<hbm>>
    %dma_start3A_150 = tpu.memref_squeeze %dma_start3A_149 : memref<1x24832xf32, #tpu.memory_space<hbm>> -> memref<24832xf32, #tpu.memory_space<hbm>>
    tpu.enqueue_dma source(%dma_start3A_150 : memref<24832xf32, #tpu.memory_space<hbm>>) target(%dma_start3A_147 : memref<24832xf32, #tpu.memory_space<vmem>>) target_semaphore(%arg14 : memref<!tpu.dma_semaphore, #tpu.memory_space<semaphore_mem>>)
    %dma_start3A_151 = arith.constant 99328 : i32
    %dma_start3A_152 = tpu.memref_slice %arg7[%dma_start3A_151] : memref<100352xf32, #tpu.memory_space<vmem>> -> memref<640xf32, #tpu.memory_space<vmem>>
    %dma_start3A_153 = arith.constant 99328 : i32
    %dma_start3A_154 = tpu.memref_slice %arg2[%mul3A_111, %dma_start3A_153] : memref<256x100000xf32, #tpu.memory_space<hbm>> -> memref<1x640xf32, #tpu.memory_space<hbm>>
    %dma_start3A_155 = tpu.memref_squeeze %dma_start3A_154 : memref<1x640xf32, #tpu.memory_space<hbm>> -> memref<640xf32, #tpu.memory_space<hbm>>
    %dma_start3A_156 = arith.constant 99328 : i32
    %dma_start3A_157 = tpu.memref_slice %arg7[%dma_start3A_156] : memref<100352xf32, #tpu.memory_space<vmem>> -> memref<640xf32, #tpu.memory_space<vmem>>
    %dma_start3A_158 = arith.constant 99328 : i32
    %dma_start3A_159 = tpu.memref_slice %arg2[%mul3A_111, %dma_start3A_158] : memref<256x100000xf32, #tpu.memory_space<hbm>> -> memref<1x640xf32, #tpu.memory_space<hbm>>
    %dma_start3A_160 = tpu.memref_squeeze %dma_start3A_159 : memref<1x640xf32, #tpu.memory_space<hbm>> -> memref<640xf32, #tpu.memory_space<hbm>>
    tpu.enqueue_dma source(%dma_start3A_160 : memref<640xf32, #tpu.memory_space<hbm>>) target(%dma_start3A_157 : memref<640xf32, #tpu.memory_space<vmem>>) target_semaphore(%arg14 : memref<!tpu.dma_semaphore, #tpu.memory_space<semaphore_mem>>)
    %mul3A_161 = arith.constant 32 : i32
    %mul3A_162 = arith.muli %mul3A_111, %mul3A_161 : i32
    %dma_start3A_163 = arith.constant 99968 : i32
    %dma_start3A_164 = tpu.memref_slice %arg7[%dma_start3A_163] : memref<100352xf32, #tpu.memory_space<vmem>> -> memref<32xf32, #tpu.memory_space<vmem>>
    %dma_start3A_165 = tpu.memref_slice %arg3[%mul3A_162] : memref<8192xf32, #tpu.memory_space<hbm>> -> memref<32xf32, #tpu.memory_space<hbm>>
    %dma_start3A_166 = arith.constant 99968 : i32
    %dma_start3A_167 = tpu.memref_slice %arg7[%dma_start3A_166] : memref<100352xf32, #tpu.memory_space<vmem>> -> memref<32xf32, #tpu.memory_space<vmem>>
    %dma_start3A_168 = tpu.memref_slice %arg3[%mul3A_162] : memref<8192xf32, #tpu.memory_space<hbm>> -> memref<32xf32, #tpu.memory_space<hbm>>
    tpu.enqueue_dma source(%dma_start3A_168 : memref<32xf32, #tpu.memory_space<hbm>>) target(%dma_start3A_167 : memref<32xf32, #tpu.memory_space<vmem>>) target_semaphore(%arg14 : memref<!tpu.dma_semaphore, #tpu.memory_space<semaphore_mem>>)
    %scan3A = arith.constant 0 : i32
    %scan3A_169 = arith.constant 0 : i32
    %scan3A_170 = arith.constant 8 : i32
    %scan3A_171 = arith.addi %scan3A_169, %scan3A_170 : i32
    %scan3A_172 = arith.constant 1 : i32
    scf.for %scan3A_174 = %scan3A_169 to %scan3A_171 step %scan3A_172  : i32 {
      %mul3A_175 = arith.constant 8 : i32
      %mul3A_176 = arith.muli %add3A, %mul3A_175 : i32
      %add3A_177 = arith.addi %mul3A_176, %scan3A_174 : i32
      %dma_wait3A = arith.constant 0 : i32
      %dma_wait3A_178 = tpu.memref_slice %arg7[%dma_wait3A] : memref<100352xf32, #tpu.memory_space<vmem>> -> memref<24832xf32, #tpu.memory_space<vmem>>
      %dma_wait3A_179 = arith.constant 0 : i32
      %dma_wait3A_180 = tpu.memref_slice %arg2[%add3A_177, %dma_wait3A_179] : memref<256x100000xf32, #tpu.memory_space<hbm>> -> memref<1x24832xf32, #tpu.memory_space<hbm>>
      %dma_wait3A_181 = tpu.memref_squeeze %dma_wait3A_180 : memref<1x24832xf32, #tpu.memory_space<hbm>> -> memref<24832xf32, #tpu.memory_space<hbm>>
      %dma_wait3A_182 = arith.constant 0 : i32
      %dma_wait3A_183 = tpu.memref_slice %arg7[%dma_wait3A_182] : memref<100352xf32, #tpu.memory_space<vmem>> -> memref<24832xf32, #tpu.memory_space<vmem>>
      %dma_wait3A_184 = arith.constant 0 : i32
      %dma_wait3A_185 = tpu.memref_slice %arg2[%add3A_177, %dma_wait3A_184] : memref<256x100000xf32, #tpu.memory_space<hbm>> -> memref<1x24832xf32, #tpu.memory_space<hbm>>
      %dma_wait3A_186 = tpu.memref_squeeze %dma_wait3A_185 : memref<1x24832xf32, #tpu.memory_space<hbm>> -> memref<24832xf32, #tpu.memory_space<hbm>>
      tpu.wait_dma2 semaphore(%arg14 : memref<!tpu.dma_semaphore, #tpu.memory_space<semaphore_mem>>) src(%dma_wait3A_186 : memref<24832xf32, #tpu.memory_space<hbm>>) dst(%dma_wait3A_183 : memref<24832xf32, #tpu.memory_space<vmem>>)
      %dma_start3A_187 = arith.constant 0 : i32
      %dma_start3A_188 = tpu.memref_slice %arg7[%dma_start3A_187] : memref<100352xf32, #tpu.memory_space<vmem>> -> memref<24832xf32, #tpu.memory_space<vmem>>
      %dma_start3A_189 = arith.constant 0 : i32
      %dma_start3A_190 = tpu.memref_slice %arg5[%add3A_177, %dma_start3A_189] : memref<256x100000xf32, #tpu.memory_space<hbm>> -> memref<1x24832xf32, #tpu.memory_space<hbm>>
      %dma_start3A_191 = tpu.memref_squeeze %dma_start3A_190 : memref<1x24832xf32, #tpu.memory_space<hbm>> -> memref<24832xf32, #tpu.memory_space<hbm>>
      %dma_start3A_192 = arith.constant 0 : i32
      %dma_start3A_193 = tpu.memref_slice %arg5[%add3A_177, %dma_start3A_192] : memref<256x100000xf32, #tpu.memory_space<hbm>> -> memref<1x24832xf32, #tpu.memory_space<hbm>>
      %dma_start3A_194 = tpu.memref_squeeze %dma_start3A_193 : memref<1x24832xf32, #tpu.memory_space<hbm>> -> memref<24832xf32, #tpu.memory_space<hbm>>
      %dma_start3A_195 = arith.constant 0 : i32
      %dma_start3A_196 = tpu.memref_slice %arg7[%dma_start3A_195] : memref<100352xf32, #tpu.memory_space<vmem>> -> memref<24832xf32, #tpu.memory_space<vmem>>
      tpu.enqueue_dma source(%dma_start3A_196 : memref<24832xf32, #tpu.memory_space<vmem>>) target(%dma_start3A_194 : memref<24832xf32, #tpu.memory_space<hbm>>) target_semaphore(%arg15 : memref<!tpu.dma_semaphore, #tpu.memory_space<semaphore_mem>>)
      %convert_element_type3A = arith.extui %gt3A_14 : i1 to i32
      %cond3A = arith.constant 0 : i32
      %cond3A_197 = arith.cmpi ne, %convert_element_type3A, %cond3A : i32
      scf.if %cond3A_197 {
        %scan3A_377 = arith.constant 0 : i32
        %scan3A_378 = arith.constant 0 : i32
        %scan3A_379 = arith.constant 194 : i32
        %scan3A_380 = arith.addi %scan3A_378, %scan3A_379 : i32
        %scan3A_381 = arith.constant 1 : i32
        scf.for %scan3A_383 = %scan3A_378 to %scan3A_380 step %scan3A_381  : i32 {
          %mul3A_384 = arith.constant 8 : i32
          %mul3A_385 = arith.muli %scan3A_383, %mul3A_384 : i32
          %mul3A_386 = arith.constant 16 : i32
          %mul3A_387 = arith.muli %mul3A_385, %mul3A_386 : i32
          %broadcast_in_dim3A_388 = arith.constant 0xFF800000 : f32
          %broadcast_in_dim3A_389 = vector.broadcast %broadcast_in_dim3A_388 : f32 to vector<16xf32>
          %broadcast_in_dim3A_390 = arith.constant 0xFF800000 : f32
          %broadcast_in_dim3A_391 = vector.broadcast %broadcast_in_dim3A_390 : f32 to vector<16xf32>
          %broadcast_in_dim3A_392 = arith.constant 0xFF800000 : f32
          %broadcast_in_dim3A_393 = vector.broadcast %broadcast_in_dim3A_392 : f32 to vector<16xf32>
          %broadcast_in_dim3A_394 = arith.constant 0xFF800000 : f32
          %broadcast_in_dim3A_395 = vector.broadcast %broadcast_in_dim3A_394 : f32 to vector<16xf32>
          %add3A_396 = arith.constant 0 : i32
          %add3A_397 = arith.addi %mul3A_387, %add3A_396 : i32
          %get3A_398 = arith.index_cast %add3A_397 : i32 to index
          %get3A_399 = tpu.vector_load %arg7[%get3A_398] {strides = array<i32>} : memref<100352xf32, #tpu.memory_space<vmem>>, vector<16xf32>,
          %max3A = arith.maximumf %broadcast_in_dim3A_389, %get3A_399 : vector<16xf32>
          %add3A_400 = arith.constant 16 : i32
          %add3A_401 = arith.addi %mul3A_387, %add3A_400 : i32
          %get3A_402 = arith.index_cast %add3A_401 : i32 to index
          %get3A_403 = tpu.vector_load %arg7[%get3A_402] {strides = array<i32>} : memref<100352xf32, #tpu.memory_space<vmem>>, vector<16xf32>,
          %max3A_404 = arith.maximumf %broadcast_in_dim3A_391, %get3A_403 : vector<16xf32>
          %add3A_405 = arith.constant 32 : i32
          %add3A_406 = arith.addi %mul3A_387, %add3A_405 : i32
          %get3A_407 = arith.index_cast %add3A_406 : i32 to index
          %get3A_408 = tpu.vector_load %arg7[%get3A_407] {strides = array<i32>} : memref<100352xf32, #tpu.memory_space<vmem>>, vector<16xf32>,
          %max3A_409 = arith.maximumf %broadcast_in_dim3A_393, %get3A_408 : vector<16xf32>
          %add3A_410 = arith.constant 48 : i32
          %add3A_411 = arith.addi %mul3A_387, %add3A_410 : i32
          %get3A_412 = arith.index_cast %add3A_411 : i32 to index
          %get3A_413 = tpu.vector_load %arg7[%get3A_412] {strides = array<i32>} : memref<100352xf32, #tpu.memory_space<vmem>>, vector<16xf32>,
          %max3A_414 = arith.maximumf %broadcast_in_dim3A_395, %get3A_413 : vector<16xf32>
          %add3A_415 = arith.constant 64 : i32
          %add3A_416 = arith.addi %mul3A_387, %add3A_415 : i32
          %get3A_417 = arith.index_cast %add3A_416 : i32 to index
          %get3A_418 = tpu.vector_load %arg7[%get3A_417] {strides = array<i32>} : memref<100352xf32, #tpu.memory_space<vmem>>, vector<16xf32>,
          %max3A_419 = arith.maximumf %max3A, %get3A_418 : vector<16xf32>
          %add3A_420 = arith.constant 80 : i32
          %add3A_421 = arith.addi %mul3A_387, %add3A_420 : i32
          %get3A_422 = arith.index_cast %add3A_421 : i32 to index
          %get3A_423 = tpu.vector_load %arg7[%get3A_422] {strides = array<i32>} : memref<100352xf32, #tpu.memory_space<vmem>>, vector<16xf32>,
          %max3A_424 = arith.maximumf %max3A_404, %get3A_423 : vector<16xf32>
          %add3A_425 = arith.constant 96 : i32
          %add3A_426 = arith.addi %mul3A_387, %add3A_425 : i32
          %get3A_427 = arith.index_cast %add3A_426 : i32 to index
          %get3A_428 = tpu.vector_load %arg7[%get3A_427] {strides = array<i32>} : memref<100352xf32, #tpu.memory_space<vmem>>, vector<16xf32>,
          %max3A_429 = arith.maximumf %max3A_409, %get3A_428 : vector<16xf32>
          %add3A_430 = arith.constant 112 : i32
          %add3A_431 = arith.addi %mul3A_387, %add3A_430 : i32
          %get3A_432 = arith.index_cast %add3A_431 : i32 to index
          %get3A_433 = tpu.vector_load %arg7[%get3A_432] {strides = array<i32>} : memref<100352xf32, #tpu.memory_space<vmem>>, vector<16xf32>,
          %max3A_434 = arith.maximumf %max3A_414, %get3A_433 : vector<16xf32>
          %max3A_435 = arith.maximumf %max3A_419, %max3A_424 : vector<16xf32>
          %max3A_436 = arith.maximumf %max3A_429, %max3A_434 : vector<16xf32>
          %max3A_437 = arith.maximumf %max3A_435, %max3A_436 : vector<16xf32>
          %mul3A_438 = arith.constant 16 : i32
          %mul3A_439 = arith.muli %scan3A_383, %mul3A_438 : i32
          %swap3A_440 = arith.index_cast %mul3A_439 : i32 to index
          %swap3A_441 = tpu.vector_load %arg8[%swap3A_440] {strides = array<i32>} : memref<12544xf32, #tpu.memory_space<vmem>>, vector<16xf32>,
          tpu.vector_store %arg8[%swap3A_440], %max3A_437 {strides = array<i32>} : memref<12544xf32, #tpu.memory_space<vmem>>, vector<16xf32>,
        }
        %scan3A_382 = arith.constant 194 : i32
      } else {
      }
      %dma_wait3A_198 = arith.constant 24832 : i32
      %dma_wait3A_199 = tpu.memref_slice %arg7[%dma_wait3A_198] : memref<100352xf32, #tpu.memory_space<vmem>> -> memref<24832xf32, #tpu.memory_space<vmem>>
      %dma_wait3A_200 = arith.constant 24832 : i32
      %dma_wait3A_201 = tpu.memref_slice %arg2[%add3A_177, %dma_wait3A_200] : memref<256x100000xf32, #tpu.memory_space<hbm>> -> memref<1x24832xf32, #tpu.memory_space<hbm>>
      %dma_wait3A_202 = tpu.memref_squeeze %dma_wait3A_201 : memref<1x24832xf32, #tpu.memory_space<hbm>> -> memref<24832xf32, #tpu.memory_space<hbm>>
      %dma_wait3A_203 = arith.constant 24832 : i32
      %dma_wait3A_204 = tpu.memref_slice %arg7[%dma_wait3A_203] : memref<100352xf32, #tpu.memory_space<vmem>> -> memref<24832xf32, #tpu.memory_space<vmem>>
      %dma_wait3A_205 = arith.constant 24832 : i32
      %dma_wait3A_206 = tpu.memref_slice %arg2[%add3A_177, %dma_wait3A_205] : memref<256x100000xf32, #tpu.memory_space<hbm>> -> memref<1x24832xf32, #tpu.memory_space<hbm>>
      %dma_wait3A_207 = tpu.memref_squeeze %dma_wait3A_206 : memref<1x24832xf32, #tpu.memory_space<hbm>> -> memref<24832xf32, #tpu.memory_space<hbm>>
      tpu.wait_dma2 semaphore(%arg14 : memref<!tpu.dma_semaphore, #tpu.memory_space<semaphore_mem>>) src(%dma_wait3A_207 : memref<24832xf32, #tpu.memory_space<hbm>>) dst(%dma_wait3A_204 : memref<24832xf32, #tpu.memory_space<vmem>>)
      %dma_start3A_208 = arith.constant 24832 : i32
      %dma_start3A_209 = tpu.memref_slice %arg7[%dma_start3A_208] : memref<100352xf32, #tpu.memory_space<vmem>> -> memref<24832xf32, #tpu.memory_space<vmem>>
      %dma_start3A_210 = arith.constant 24832 : i32
      %dma_start3A_211 = tpu.memref_slice %arg5[%add3A_177, %dma_start3A_210] : memref<256x100000xf32, #tpu.memory_space<hbm>> -> memref<1x24832xf32, #tpu.memory_space<hbm>>
      %dma_start3A_212 = tpu.memref_squeeze %dma_start3A_211 : memref<1x24832xf32, #tpu.memory_space<hbm>> -> memref<24832xf32, #tpu.memory_space<hbm>>
      %dma_start3A_213 = arith.constant 24832 : i32
      %dma_start3A_214 = tpu.memref_slice %arg5[%add3A_177, %dma_start3A_213] : memref<256x100000xf32, #tpu.memory_space<hbm>> -> memref<1x24832xf32, #tpu.memory_space<hbm>>
      %dma_start3A_215 = tpu.memref_squeeze %dma_start3A_214 : memref<1x24832xf32, #tpu.memory_space<hbm>> -> memref<24832xf32, #tpu.memory_space<hbm>>
      %dma_start3A_216 = arith.constant 24832 : i32
      %dma_start3A_217 = tpu.memref_slice %arg7[%dma_start3A_216] : memref<100352xf32, #tpu.memory_space<vmem>> -> memref<24832xf32, #tpu.memory_space<vmem>>
      tpu.enqueue_dma source(%dma_start3A_217 : memref<24832xf32, #tpu.memory_space<vmem>>) target(%dma_start3A_215 : memref<24832xf32, #tpu.memory_space<hbm>>) target_semaphore(%arg15 : memref<!tpu.dma_semaphore, #tpu.memory_space<semaphore_mem>>)
      %convert_element_type3A_218 = arith.extui %gt3A_14 : i1 to i32
      %cond3A_219 = arith.constant 0 : i32
      %cond3A_220 = arith.cmpi ne, %convert_element_type3A_218, %cond3A_219 : i32
      scf.if %cond3A_220 {
        %scan3A_377 = arith.constant 0 : i32
        %scan3A_378 = arith.constant 194 : i32
        %scan3A_379 = arith.constant 194 : i32
        %scan3A_380 = arith.addi %scan3A_378, %scan3A_379 : i32
        %scan3A_381 = arith.constant 1 : i32
        scf.for %scan3A_383 = %scan3A_378 to %scan3A_380 step %scan3A_381  : i32 {
          %mul3A_384 = arith.constant 8 : i32
          %mul3A_385 = arith.muli %scan3A_383, %mul3A_384 : i32
          %mul3A_386 = arith.constant 16 : i32
          %mul3A_387 = arith.muli %mul3A_385, %mul3A_386 : i32
          %broadcast_in_dim3A_388 = arith.constant 0xFF800000 : f32
          %broadcast_in_dim3A_389 = vector.broadcast %broadcast_in_dim3A_388 : f32 to vector<16xf32>
          %broadcast_in_dim3A_390 = arith.constant 0xFF800000 : f32
          %broadcast_in_dim3A_391 = vector.broadcast %broadcast_in_dim3A_390 : f32 to vector<16xf32>
          %broadcast_in_dim3A_392 = arith.constant 0xFF800000 : f32
          %broadcast_in_dim3A_393 = vector.broadcast %broadcast_in_dim3A_392 : f32 to vector<16xf32>
          %broadcast_in_dim3A_394 = arith.constant 0xFF800000 : f32
          %broadcast_in_dim3A_395 = vector.broadcast %broadcast_in_dim3A_394 : f32 to vector<16xf32>
          %add3A_396 = arith.constant 0 : i32
          %add3A_397 = arith.addi %mul3A_387, %add3A_396 : i32
          %get3A_398 = arith.index_cast %add3A_397 : i32 to index
          %get3A_399 = tpu.vector_load %arg7[%get3A_398] {strides = array<i32>} : memref<100352xf32, #tpu.memory_space<vmem>>, vector<16xf32>,
          %max3A = arith.maximumf %broadcast_in_dim3A_389, %get3A_399 : vector<16xf32>
          %add3A_400 = arith.constant 16 : i32
          %add3A_401 = arith.addi %mul3A_387, %add3A_400 : i32
          %get3A_402 = arith.index_cast %add3A_401 : i32 to index
          %get3A_403 = tpu.vector_load %arg7[%get3A_402] {strides = array<i32>} : memref<100352xf32, #tpu.memory_space<vmem>>, vector<16xf32>,
          %max3A_404 = arith.maximumf %broadcast_in_dim3A_391, %get3A_403 : vector<16xf32>
          %add3A_405 = arith.constant 32 : i32
          %add3A_406 = arith.addi %mul3A_387, %add3A_405 : i32
          %get3A_407 = arith.index_cast %add3A_406 : i32 to index
          %get3A_408 = tpu.vector_load %arg7[%get3A_407] {strides = array<i32>} : memref<100352xf32, #tpu.memory_space<vmem>>, vector<16xf32>,
          %max3A_409 = arith.maximumf %broadcast_in_dim3A_393, %get3A_408 : vector<16xf32>
          %add3A_410 = arith.constant 48 : i32
          %add3A_411 = arith.addi %mul3A_387, %add3A_410 : i32
          %get3A_412 = arith.index_cast %add3A_411 : i32 to index
          %get3A_413 = tpu.vector_load %arg7[%get3A_412] {strides = array<i32>} : memref<100352xf32, #tpu.memory_space<vmem>>, vector<16xf32>,
          %max3A_414 = arith.maximumf %broadcast_in_dim3A_395, %get3A_413 : vector<16xf32>
          %add3A_415 = arith.constant 64 : i32
          %add3A_416 = arith.addi %mul3A_387, %add3A_415 : i32
          %get3A_417 = arith.index_cast %add3A_416 : i32 to index
          %get3A_418 = tpu.vector_load %arg7[%get3A_417] {strides = array<i32>} : memref<100352xf32, #tpu.memory_space<vmem>>, vector<16xf32>,
          %max3A_419 = arith.maximumf %max3A, %get3A_418 : vector<16xf32>
          %add3A_420 = arith.constant 80 : i32
          %add3A_421 = arith.addi %mul3A_387, %add3A_420 : i32
          %get3A_422 = arith.index_cast %add3A_421 : i32 to index
          %get3A_423 = tpu.vector_load %arg7[%get3A_422] {strides = array<i32>} : memref<100352xf32, #tpu.memory_space<vmem>>, vector<16xf32>,
          %max3A_424 = arith.maximumf %max3A_404, %get3A_423 : vector<16xf32>
          %add3A_425 = arith.constant 96 : i32
          %add3A_426 = arith.addi %mul3A_387, %add3A_425 : i32
          %get3A_427 = arith.index_cast %add3A_426 : i32 to index
          %get3A_428 = tpu.vector_load %arg7[%get3A_427] {strides = array<i32>} : memref<100352xf32, #tpu.memory_space<vmem>>, vector<16xf32>,
          %max3A_429 = arith.maximumf %max3A_409, %get3A_428 : vector<16xf32>
          %add3A_430 = arith.constant 112 : i32
          %add3A_431 = arith.addi %mul3A_387, %add3A_430 : i32
          %get3A_432 = arith.index_cast %add3A_431 : i32 to index
          %get3A_433 = tpu.vector_load %arg7[%get3A_432] {strides = array<i32>} : memref<100352xf32, #tpu.memory_space<vmem>>, vector<16xf32>,
          %max3A_434 = arith.maximumf %max3A_414, %get3A_433 : vector<16xf32>
          %max3A_435 = arith.maximumf %max3A_419, %max3A_424 : vector<16xf32>
          %max3A_436 = arith.maximumf %max3A_429, %max3A_434 : vector<16xf32>
          %max3A_437 = arith.maximumf %max3A_435, %max3A_436 : vector<16xf32>
          %mul3A_438 = arith.constant 16 : i32
          %mul3A_439 = arith.muli %scan3A_383, %mul3A_438 : i32
          %swap3A_440 = arith.index_cast %mul3A_439 : i32 to index
          %swap3A_441 = tpu.vector_load %arg8[%swap3A_440] {strides = array<i32>} : memref<12544xf32, #tpu.memory_space<vmem>>, vector<16xf32>,
          tpu.vector_store %arg8[%swap3A_440], %max3A_437 {strides = array<i32>} : memref<12544xf32, #tpu.memory_space<vmem>>, vector<16xf32>,
        }
        %scan3A_382 = arith.constant 194 : i32
      } else {
      }
      %dma_wait3A_221 = arith.constant 49664 : i32
      %dma_wait3A_222 = tpu.memref_slice %arg7[%dma_wait3A_221] : memref<100352xf32, #tpu.memory_space<vmem>> -> memref<24832xf32, #tpu.memory_space<vmem>>
      %dma_wait3A_223 = arith.constant 49664 : i32
      %dma_wait3A_224 = tpu.memref_slice %arg2[%add3A_177, %dma_wait3A_223] : memref<256x100000xf32, #tpu.memory_space<hbm>> -> memref<1x24832xf32, #tpu.memory_space<hbm>>
      %dma_wait3A_225 = tpu.memref_squeeze %dma_wait3A_224 : memref<1x24832xf32, #tpu.memory_space<hbm>> -> memref<24832xf32, #tpu.memory_space<hbm>>
      %dma_wait3A_226 = arith.constant 49664 : i32
      %dma_wait3A_227 = tpu.memref_slice %arg7[%dma_wait3A_226] : memref<100352xf32, #tpu.memory_space<vmem>> -> memref<24832xf32, #tpu.memory_space<vmem>>
      %dma_wait3A_228 = arith.constant 49664 : i32
      %dma_wait3A_229 = tpu.memref_slice %arg2[%add3A_177, %dma_wait3A_228] : memref<256x100000xf32, #tpu.memory_space<hbm>> -> memref<1x24832xf32, #tpu.memory_space<hbm>>
      %dma_wait3A_230 = tpu.memref_squeeze %dma_wait3A_229 : memref<1x24832xf32, #tpu.memory_space<hbm>> -> memref<24832xf32, #tpu.memory_space<hbm>>
      tpu.wait_dma2 semaphore(%arg14 : memref<!tpu.dma_semaphore, #tpu.memory_space<semaphore_mem>>) src(%dma_wait3A_230 : memref<24832xf32, #tpu.memory_space<hbm>>) dst(%dma_wait3A_227 : memref<24832xf32, #tpu.memory_space<vmem>>)
      %dma_start3A_231 = arith.constant 49664 : i32
      %dma_start3A_232 = tpu.memref_slice %arg7[%dma_start3A_231] : memref<100352xf32, #tpu.memory_space<vmem>> -> memref<24832xf32, #tpu.memory_space<vmem>>
      %dma_start3A_233 = arith.constant 49664 : i32
      %dma_start3A_234 = tpu.memref_slice %arg5[%add3A_177, %dma_start3A_233] : memref<256x100000xf32, #tpu.memory_space<hbm>> -> memref<1x24832xf32, #tpu.memory_space<hbm>>
      %dma_start3A_235 = tpu.memref_squeeze %dma_start3A_234 : memref<1x24832xf32, #tpu.memory_space<hbm>> -> memref<24832xf32, #tpu.memory_space<hbm>>
      %dma_start3A_236 = arith.constant 49664 : i32
      %dma_start3A_237 = tpu.memref_slice %arg5[%add3A_177, %dma_start3A_236] : memref<256x100000xf32, #tpu.memory_space<hbm>> -> memref<1x24832xf32, #tpu.memory_space<hbm>>
      %dma_start3A_238 = tpu.memref_squeeze %dma_start3A_237 : memref<1x24832xf32, #tpu.memory_space<hbm>> -> memref<24832xf32, #tpu.memory_space<hbm>>
      %dma_start3A_239 = arith.constant 49664 : i32
      %dma_start3A_240 = tpu.memref_slice %arg7[%dma_start3A_239] : memref<100352xf32, #tpu.memory_space<vmem>> -> memref<24832xf32, #tpu.memory_space<vmem>>
      tpu.enqueue_dma source(%dma_start3A_240 : memref<24832xf32, #tpu.memory_space<vmem>>) target(%dma_start3A_238 : memref<24832xf32, #tpu.memory_space<hbm>>) target_semaphore(%arg15 : memref<!tpu.dma_semaphore, #tpu.memory_space<semaphore_mem>>)
      %convert_element_type3A_241 = arith.extui %gt3A_14 : i1 to i32
      %cond3A_242 = arith.constant 0 : i32
      %cond3A_243 = arith.cmpi ne, %convert_element_type3A_241, %cond3A_242 : i32
      scf.if %cond3A_243 {
        %scan3A_377 = arith.constant 0 : i32
        %scan3A_378 = arith.constant 388 : i32
        %scan3A_379 = arith.constant 194 : i32
        %scan3A_380 = arith.addi %scan3A_378, %scan3A_379 : i32
        %scan3A_381 = arith.constant 1 : i32
        scf.for %scan3A_383 = %scan3A_378 to %scan3A_380 step %scan3A_381  : i32 {
          %mul3A_384 = arith.constant 8 : i32
          %mul3A_385 = arith.muli %scan3A_383, %mul3A_384 : i32
          %mul3A_386 = arith.constant 16 : i32
          %mul3A_387 = arith.muli %mul3A_385, %mul3A_386 : i32
          %broadcast_in_dim3A_388 = arith.constant 0xFF800000 : f32
          %broadcast_in_dim3A_389 = vector.broadcast %broadcast_in_dim3A_388 : f32 to vector<16xf32>
          %broadcast_in_dim3A_390 = arith.constant 0xFF800000 : f32
          %broadcast_in_dim3A_391 = vector.broadcast %broadcast_in_dim3A_390 : f32 to vector<16xf32>
          %broadcast_in_dim3A_392 = arith.constant 0xFF800000 : f32
          %broadcast_in_dim3A_393 = vector.broadcast %broadcast_in_dim3A_392 : f32 to vector<16xf32>
          %broadcast_in_dim3A_394 = arith.constant 0xFF800000 : f32
          %broadcast_in_dim3A_395 = vector.broadcast %broadcast_in_dim3A_394 : f32 to vector<16xf32>
          %add3A_396 = arith.constant 0 : i32
          %add3A_397 = arith.addi %mul3A_387, %add3A_396 : i32
          %get3A_398 = arith.index_cast %add3A_397 : i32 to index
          %get3A_399 = tpu.vector_load %arg7[%get3A_398] {strides = array<i32>} : memref<100352xf32, #tpu.memory_space<vmem>>, vector<16xf32>,
          %max3A = arith.maximumf %broadcast_in_dim3A_389, %get3A_399 : vector<16xf32>
          %add3A_400 = arith.constant 16 : i32
          %add3A_401 = arith.addi %mul3A_387, %add3A_400 : i32
          %get3A_402 = arith.index_cast %add3A_401 : i32 to index
          %get3A_403 = tpu.vector_load %arg7[%get3A_402] {strides = array<i32>} : memref<100352xf32, #tpu.memory_space<vmem>>, vector<16xf32>,
          %max3A_404 = arith.maximumf %broadcast_in_dim3A_391, %get3A_403 : vector<16xf32>
          %add3A_405 = arith.constant 32 : i32
          %add3A_406 = arith.addi %mul3A_387, %add3A_405 : i32
          %get3A_407 = arith.index_cast %add3A_406 : i32 to index
          %get3A_408 = tpu.vector_load %arg7[%get3A_407] {strides = array<i32>} : memref<100352xf32, #tpu.memory_space<vmem>>, vector<16xf32>,
          %max3A_409 = arith.maximumf %broadcast_in_dim3A_393, %get3A_408 : vector<16xf32>
          %add3A_410 = arith.constant 48 : i32
          %add3A_411 = arith.addi %mul3A_387, %add3A_410 : i32
          %get3A_412 = arith.index_cast %add3A_411 : i32 to index
          %get3A_413 = tpu.vector_load %arg7[%get3A_412] {strides = array<i32>} : memref<100352xf32, #tpu.memory_space<vmem>>, vector<16xf32>,
          %max3A_414 = arith.maximumf %broadcast_in_dim3A_395, %get3A_413 : vector<16xf32>
          %add3A_415 = arith.constant 64 : i32
          %add3A_416 = arith.addi %mul3A_387, %add3A_415 : i32
          %get3A_417 = arith.index_cast %add3A_416 : i32 to index
          %get3A_418 = tpu.vector_load %arg7[%get3A_417] {strides = array<i32>} : memref<100352xf32, #tpu.memory_space<vmem>>, vector<16xf32>,
          %max3A_419 = arith.maximumf %max3A, %get3A_418 : vector<16xf32>
          %add3A_420 = arith.constant 80 : i32
          %add3A_421 = arith.addi %mul3A_387, %add3A_420 : i32
          %get3A_422 = arith.index_cast %add3A_421 : i32 to index
          %get3A_423 = tpu.vector_load %arg7[%get3A_422] {strides = array<i32>} : memref<100352xf32, #tpu.memory_space<vmem>>, vector<16xf32>,
          %max3A_424 = arith.maximumf %max3A_404, %get3A_423 : vector<16xf32>
          %add3A_425 = arith.constant 96 : i32
          %add3A_426 = arith.addi %mul3A_387, %add3A_425 : i32
          %get3A_427 = arith.index_cast %add3A_426 : i32 to index
          %get3A_428 = tpu.vector_load %arg7[%get3A_427] {strides = array<i32>} : memref<100352xf32, #tpu.memory_space<vmem>>, vector<16xf32>,
          %max3A_429 = arith.maximumf %max3A_409, %get3A_428 : vector<16xf32>
          %add3A_430 = arith.constant 112 : i32
          %add3A_431 = arith.addi %mul3A_387, %add3A_430 : i32
          %get3A_432 = arith.index_cast %add3A_431 : i32 to index
          %get3A_433 = tpu.vector_load %arg7[%get3A_432] {strides = array<i32>} : memref<100352xf32, #tpu.memory_space<vmem>>, vector<16xf32>,
          %max3A_434 = arith.maximumf %max3A_414, %get3A_433 : vector<16xf32>
          %max3A_435 = arith.maximumf %max3A_419, %max3A_424 : vector<16xf32>
          %max3A_436 = arith.maximumf %max3A_429, %max3A_434 : vector<16xf32>
          %max3A_437 = arith.maximumf %max3A_435, %max3A_436 : vector<16xf32>
          %mul3A_438 = arith.constant 16 : i32
          %mul3A_439 = arith.muli %scan3A_383, %mul3A_438 : i32
          %swap3A_440 = arith.index_cast %mul3A_439 : i32 to index
          %swap3A_441 = tpu.vector_load %arg8[%swap3A_440] {strides = array<i32>} : memref<12544xf32, #tpu.memory_space<vmem>>, vector<16xf32>,
          tpu.vector_store %arg8[%swap3A_440], %max3A_437 {strides = array<i32>} : memref<12544xf32, #tpu.memory_space<vmem>>, vector<16xf32>,
        }
        %scan3A_382 = arith.constant 194 : i32
      } else {
      }
      %dma_wait3A_244 = arith.constant 74496 : i32
      %dma_wait3A_245 = tpu.memref_slice %arg7[%dma_wait3A_244] : memref<100352xf32, #tpu.memory_space<vmem>> -> memref<24832xf32, #tpu.memory_space<vmem>>
      %dma_wait3A_246 = arith.constant 74496 : i32
      %dma_wait3A_247 = tpu.memref_slice %arg2[%add3A_177, %dma_wait3A_246] : memref<256x100000xf32, #tpu.memory_space<hbm>> -> memref<1x24832xf32, #tpu.memory_space<hbm>>
      %dma_wait3A_248 = tpu.memref_squeeze %dma_wait3A_247 : memref<1x24832xf32, #tpu.memory_space<hbm>> -> memref<24832xf32, #tpu.memory_space<hbm>>
      %dma_wait3A_249 = arith.constant 74496 : i32
      %dma_wait3A_250 = tpu.memref_slice %arg7[%dma_wait3A_249] : memref<100352xf32, #tpu.memory_space<vmem>> -> memref<24832xf32, #tpu.memory_space<vmem>>
      %dma_wait3A_251 = arith.constant 74496 : i32
      %dma_wait3A_252 = tpu.memref_slice %arg2[%add3A_177, %dma_wait3A_251] : memref<256x100000xf32, #tpu.memory_space<hbm>> -> memref<1x24832xf32, #tpu.memory_space<hbm>>
      %dma_wait3A_253 = tpu.memref_squeeze %dma_wait3A_252 : memref<1x24832xf32, #tpu.memory_space<hbm>> -> memref<24832xf32, #tpu.memory_space<hbm>>
      tpu.wait_dma2 semaphore(%arg14 : memref<!tpu.dma_semaphore, #tpu.memory_space<semaphore_mem>>) src(%dma_wait3A_253 : memref<24832xf32, #tpu.memory_space<hbm>>) dst(%dma_wait3A_250 : memref<24832xf32, #tpu.memory_space<vmem>>)
      %dma_start3A_254 = arith.constant 74496 : i32
      %dma_start3A_255 = tpu.memref_slice %arg7[%dma_start3A_254] : memref<100352xf32, #tpu.memory_space<vmem>> -> memref<24832xf32, #tpu.memory_space<vmem>>
      %dma_start3A_256 = arith.constant 74496 : i32
      %dma_start3A_257 = tpu.memref_slice %arg5[%add3A_177, %dma_start3A_256] : memref<256x100000xf32, #tpu.memory_space<hbm>> -> memref<1x24832xf32, #tpu.memory_space<hbm>>
      %dma_start3A_258 = tpu.memref_squeeze %dma_start3A_257 : memref<1x24832xf32, #tpu.memory_space<hbm>> -> memref<24832xf32, #tpu.memory_space<hbm>>
      %dma_start3A_259 = arith.constant 74496 : i32
      %dma_start3A_260 = tpu.memref_slice %arg5[%add3A_177, %dma_start3A_259] : memref<256x100000xf32, #tpu.memory_space<hbm>> -> memref<1x24832xf32, #tpu.memory_space<hbm>>
      %dma_start3A_261 = tpu.memref_squeeze %dma_start3A_260 : memref<1x24832xf32, #tpu.memory_space<hbm>> -> memref<24832xf32, #tpu.memory_space<hbm>>
      %dma_start3A_262 = arith.constant 74496 : i32
      %dma_start3A_263 = tpu.memref_slice %arg7[%dma_start3A_262] : memref<100352xf32, #tpu.memory_space<vmem>> -> memref<24832xf32, #tpu.memory_space<vmem>>
      tpu.enqueue_dma source(%dma_start3A_263 : memref<24832xf32, #tpu.memory_space<vmem>>) target(%dma_start3A_261 : memref<24832xf32, #tpu.memory_space<hbm>>) target_semaphore(%arg15 : memref<!tpu.dma_semaphore, #tpu.memory_space<semaphore_mem>>)
      %convert_element_type3A_264 = arith.extui %gt3A_14 : i1 to i32
      %cond3A_265 = arith.constant 0 : i32
      %cond3A_266 = arith.cmpi ne, %convert_element_type3A_264, %cond3A_265 : i32
      scf.if %cond3A_266 {
        %scan3A_377 = arith.constant 0 : i32
        %scan3A_378 = arith.constant 582 : i32
        %scan3A_379 = arith.constant 194 : i32
        %scan3A_380 = arith.addi %scan3A_378, %scan3A_379 : i32
        %scan3A_381 = arith.constant 1 : i32
        scf.for %scan3A_383 = %scan3A_378 to %scan3A_380 step %scan3A_381  : i32 {
          %mul3A_384 = arith.constant 8 : i32
          %mul3A_385 = arith.muli %scan3A_383, %mul3A_384 : i32
          %mul3A_386 = arith.constant 16 : i32
          %mul3A_387 = arith.muli %mul3A_385, %mul3A_386 : i32
          %broadcast_in_dim3A_388 = arith.constant 0xFF800000 : f32
          %broadcast_in_dim3A_389 = vector.broadcast %broadcast_in_dim3A_388 : f32 to vector<16xf32>
          %broadcast_in_dim3A_390 = arith.constant 0xFF800000 : f32
          %broadcast_in_dim3A_391 = vector.broadcast %broadcast_in_dim3A_390 : f32 to vector<16xf32>
          %broadcast_in_dim3A_392 = arith.constant 0xFF800000 : f32
          %broadcast_in_dim3A_393 = vector.broadcast %broadcast_in_dim3A_392 : f32 to vector<16xf32>
          %broadcast_in_dim3A_394 = arith.constant 0xFF800000 : f32
          %broadcast_in_dim3A_395 = vector.broadcast %broadcast_in_dim3A_394 : f32 to vector<16xf32>
          %add3A_396 = arith.constant 0 : i32
          %add3A_397 = arith.addi %mul3A_387, %add3A_396 : i32
          %get3A_398 = arith.index_cast %add3A_397 : i32 to index
          %get3A_399 = tpu.vector_load %arg7[%get3A_398] {strides = array<i32>} : memref<100352xf32, #tpu.memory_space<vmem>>, vector<16xf32>,
          %max3A = arith.maximumf %broadcast_in_dim3A_389, %get3A_399 : vector<16xf32>
          %add3A_400 = arith.constant 16 : i32
          %add3A_401 = arith.addi %mul3A_387, %add3A_400 : i32
          %get3A_402 = arith.index_cast %add3A_401 : i32 to index
          %get3A_403 = tpu.vector_load %arg7[%get3A_402] {strides = array<i32>} : memref<100352xf32, #tpu.memory_space<vmem>>, vector<16xf32>,
          %max3A_404 = arith.maximumf %broadcast_in_dim3A_391, %get3A_403 : vector<16xf32>
          %add3A_405 = arith.constant 32 : i32
          %add3A_406 = arith.addi %mul3A_387, %add3A_405 : i32
          %get3A_407 = arith.index_cast %add3A_406 : i32 to index
          %get3A_408 = tpu.vector_load %arg7[%get3A_407] {strides = array<i32>} : memref<100352xf32, #tpu.memory_space<vmem>>, vector<16xf32>,
          %max3A_409 = arith.maximumf %broadcast_in_dim3A_393, %get3A_408 : vector<16xf32>
          %add3A_410 = arith.constant 48 : i32
          %add3A_411 = arith.addi %mul3A_387, %add3A_410 : i32
          %get3A_412 = arith.index_cast %add3A_411 : i32 to index
          %get3A_413 = tpu.vector_load %arg7[%get3A_412] {strides = array<i32>} : memref<100352xf32, #tpu.memory_space<vmem>>, vector<16xf32>,
          %max3A_414 = arith.maximumf %broadcast_in_dim3A_395, %get3A_413 : vector<16xf32>
          %add3A_415 = arith.constant 64 : i32
          %add3A_416 = arith.addi %mul3A_387, %add3A_415 : i32
          %get3A_417 = arith.index_cast %add3A_416 : i32 to index
          %get3A_418 = tpu.vector_load %arg7[%get3A_417] {strides = array<i32>} : memref<100352xf32, #tpu.memory_space<vmem>>, vector<16xf32>,
          %max3A_419 = arith.maximumf %max3A, %get3A_418 : vector<16xf32>
          %add3A_420 = arith.constant 80 : i32
          %add3A_421 = arith.addi %mul3A_387, %add3A_420 : i32
          %get3A_422 = arith.index_cast %add3A_421 : i32 to index
          %get3A_423 = tpu.vector_load %arg7[%get3A_422] {strides = array<i32>} : memref<100352xf32, #tpu.memory_space<vmem>>, vector<16xf32>,
          %max3A_424 = arith.maximumf %max3A_404, %get3A_423 : vector<16xf32>
          %add3A_425 = arith.constant 96 : i32
          %add3A_426 = arith.addi %mul3A_387, %add3A_425 : i32
          %get3A_427 = arith.index_cast %add3A_426 : i32 to index
          %get3A_428 = tpu.vector_load %arg7[%get3A_427] {strides = array<i32>} : memref<100352xf32, #tpu.memory_space<vmem>>, vector<16xf32>,
          %max3A_429 = arith.maximumf %max3A_409, %get3A_428 : vector<16xf32>
          %add3A_430 = arith.constant 112 : i32
          %add3A_431 = arith.addi %mul3A_387, %add3A_430 : i32
          %get3A_432 = arith.index_cast %add3A_431 : i32 to index
          %get3A_433 = tpu.vector_load %arg7[%get3A_432] {strides = array<i32>} : memref<100352xf32, #tpu.memory_space<vmem>>, vector<16xf32>,
          %max3A_434 = arith.maximumf %max3A_414, %get3A_433 : vector<16xf32>
          %max3A_435 = arith.maximumf %max3A_419, %max3A_424 : vector<16xf32>
          %max3A_436 = arith.maximumf %max3A_429, %max3A_434 : vector<16xf32>
          %max3A_437 = arith.maximumf %max3A_435, %max3A_436 : vector<16xf32>
          %mul3A_438 = arith.constant 16 : i32
          %mul3A_439 = arith.muli %scan3A_383, %mul3A_438 : i32
          %swap3A_440 = arith.index_cast %mul3A_439 : i32 to index
          %swap3A_441 = tpu.vector_load %arg8[%swap3A_440] {strides = array<i32>} : memref<12544xf32, #tpu.memory_space<vmem>>, vector<16xf32>,
          tpu.vector_store %arg8[%swap3A_440], %max3A_437 {strides = array<i32>} : memref<12544xf32, #tpu.memory_space<vmem>>, vector<16xf32>,
        }
        %scan3A_382 = arith.constant 194 : i32
      } else {
      }
      %dma_wait3A_267 = arith.constant 99328 : i32
      %dma_wait3A_268 = tpu.memref_slice %arg7[%dma_wait3A_267] : memref<100352xf32, #tpu.memory_space<vmem>> -> memref<640xf32, #tpu.memory_space<vmem>>
      %dma_wait3A_269 = arith.constant 99328 : i32
      %dma_wait3A_270 = tpu.memref_slice %arg2[%add3A_177, %dma_wait3A_269] : memref<256x100000xf32, #tpu.memory_space<hbm>> -> memref<1x640xf32, #tpu.memory_space<hbm>>
      %dma_wait3A_271 = tpu.memref_squeeze %dma_wait3A_270 : memref<1x640xf32, #tpu.memory_space<hbm>> -> memref<640xf32, #tpu.memory_space<hbm>>
      %dma_wait3A_272 = arith.constant 99328 : i32
      %dma_wait3A_273 = tpu.memref_slice %arg7[%dma_wait3A_272] : memref<100352xf32, #tpu.memory_space<vmem>> -> memref<640xf32, #tpu.memory_space<vmem>>
      %dma_wait3A_274 = arith.constant 99328 : i32
      %dma_wait3A_275 = tpu.memref_slice %arg2[%add3A_177, %dma_wait3A_274] : memref<256x100000xf32, #tpu.memory_space<hbm>> -> memref<1x640xf32, #tpu.memory_space<hbm>>
      %dma_wait3A_276 = tpu.memref_squeeze %dma_wait3A_275 : memref<1x640xf32, #tpu.memory_space<hbm>> -> memref<640xf32, #tpu.memory_space<hbm>>
      tpu.wait_dma2 semaphore(%arg14 : memref<!tpu.dma_semaphore, #tpu.memory_space<semaphore_mem>>) src(%dma_wait3A_276 : memref<640xf32, #tpu.memory_space<hbm>>) dst(%dma_wait3A_273 : memref<640xf32, #tpu.memory_space<vmem>>)
      %dma_start3A_277 = arith.constant 99328 : i32
      %dma_start3A_278 = tpu.memref_slice %arg7[%dma_start3A_277] : memref<100352xf32, #tpu.memory_space<vmem>> -> memref<640xf32, #tpu.memory_space<vmem>>
      %dma_start3A_279 = arith.constant 99328 : i32
      %dma_start3A_280 = tpu.memref_slice %arg5[%add3A_177, %dma_start3A_279] : memref<256x100000xf32, #tpu.memory_space<hbm>> -> memref<1x640xf32, #tpu.memory_space<hbm>>
      %dma_start3A_281 = tpu.memref_squeeze %dma_start3A_280 : memref<1x640xf32, #tpu.memory_space<hbm>> -> memref<640xf32, #tpu.memory_space<hbm>>
      %dma_start3A_282 = arith.constant 99328 : i32
      %dma_start3A_283 = tpu.memref_slice %arg5[%add3A_177, %dma_start3A_282] : memref<256x100000xf32, #tpu.memory_space<hbm>> -> memref<1x640xf32, #tpu.memory_space<hbm>>
      %dma_start3A_284 = tpu.memref_squeeze %dma_start3A_283 : memref<1x640xf32, #tpu.memory_space<hbm>> -> memref<640xf32, #tpu.memory_space<hbm>>
      %dma_start3A_285 = arith.constant 99328 : i32
      %dma_start3A_286 = tpu.memref_slice %arg7[%dma_start3A_285] : memref<100352xf32, #tpu.memory_space<vmem>> -> memref<640xf32, #tpu.memory_space<vmem>>
      tpu.enqueue_dma source(%dma_start3A_286 : memref<640xf32, #tpu.memory_space<vmem>>) target(%dma_start3A_284 : memref<640xf32, #tpu.memory_space<hbm>>) target_semaphore(%arg15 : memref<!tpu.dma_semaphore, #tpu.memory_space<semaphore_mem>>)
      %convert_element_type3A_287 = arith.extui %gt3A_14 : i1 to i32
      %cond3A_288 = arith.constant 0 : i32
      %cond3A_289 = arith.cmpi ne, %convert_element_type3A_287, %cond3A_288 : i32
      scf.if %cond3A_289 {
        %scan3A_377 = arith.constant 0 : i32
        %scan3A_378 = arith.constant 776 : i32
        %scan3A_379 = arith.constant 5 : i32
        %scan3A_380 = arith.addi %scan3A_378, %scan3A_379 : i32
        %scan3A_381 = arith.constant 1 : i32
        scf.for %scan3A_383 = %scan3A_378 to %scan3A_380 step %scan3A_381  : i32 {
          %mul3A_384 = arith.constant 8 : i32
          %mul3A_385 = arith.muli %scan3A_383, %mul3A_384 : i32
          %mul3A_386 = arith.constant 16 : i32
          %mul3A_387 = arith.muli %mul3A_385, %mul3A_386 : i32
          %broadcast_in_dim3A_388 = arith.constant 0xFF800000 : f32
          %broadcast_in_dim3A_389 = vector.broadcast %broadcast_in_dim3A_388 : f32 to vector<16xf32>
          %broadcast_in_dim3A_390 = arith.constant 0xFF800000 : f32
          %broadcast_in_dim3A_391 = vector.broadcast %broadcast_in_dim3A_390 : f32 to vector<16xf32>
          %broadcast_in_dim3A_392 = arith.constant 0xFF800000 : f32
          %broadcast_in_dim3A_393 = vector.broadcast %broadcast_in_dim3A_392 : f32 to vector<16xf32>
          %broadcast_in_dim3A_394 = arith.constant 0xFF800000 : f32
          %broadcast_in_dim3A_395 = vector.broadcast %broadcast_in_dim3A_394 : f32 to vector<16xf32>
          %add3A_396 = arith.constant 0 : i32
          %add3A_397 = arith.addi %mul3A_387, %add3A_396 : i32
          %get3A_398 = arith.index_cast %add3A_397 : i32 to index
          %get3A_399 = tpu.vector_load %arg7[%get3A_398] {strides = array<i32>} : memref<100352xf32, #tpu.memory_space<vmem>>, vector<16xf32>,
          %max3A = arith.maximumf %broadcast_in_dim3A_389, %get3A_399 : vector<16xf32>
          %add3A_400 = arith.constant 16 : i32
          %add3A_401 = arith.addi %mul3A_387, %add3A_400 : i32
          %get3A_402 = arith.index_cast %add3A_401 : i32 to index
          %get3A_403 = tpu.vector_load %arg7[%get3A_402] {strides = array<i32>} : memref<100352xf32, #tpu.memory_space<vmem>>, vector<16xf32>,
          %max3A_404 = arith.maximumf %broadcast_in_dim3A_391, %get3A_403 : vector<16xf32>
          %add3A_405 = arith.constant 32 : i32
          %add3A_406 = arith.addi %mul3A_387, %add3A_405 : i32
          %get3A_407 = arith.index_cast %add3A_406 : i32 to index
          %get3A_408 = tpu.vector_load %arg7[%get3A_407] {strides = array<i32>} : memref<100352xf32, #tpu.memory_space<vmem>>, vector<16xf32>,
          %max3A_409 = arith.maximumf %broadcast_in_dim3A_393, %get3A_408 : vector<16xf32>
          %add3A_410 = arith.constant 48 : i32
          %add3A_411 = arith.addi %mul3A_387, %add3A_410 : i32
          %get3A_412 = arith.index_cast %add3A_411 : i32 to index
          %get3A_413 = tpu.vector_load %arg7[%get3A_412] {strides = array<i32>} : memref<100352xf32, #tpu.memory_space<vmem>>, vector<16xf32>,
          %max3A_414 = arith.maximumf %broadcast_in_dim3A_395, %get3A_413 : vector<16xf32>
          %add3A_415 = arith.constant 64 : i32
          %add3A_416 = arith.addi %mul3A_387, %add3A_415 : i32
          %get3A_417 = arith.index_cast %add3A_416 : i32 to index
          %get3A_418 = tpu.vector_load %arg7[%get3A_417] {strides = array<i32>} : memref<100352xf32, #tpu.memory_space<vmem>>, vector<16xf32>,
          %max3A_419 = arith.maximumf %max3A, %get3A_418 : vector<16xf32>
          %add3A_420 = arith.constant 80 : i32
          %add3A_421 = arith.addi %mul3A_387, %add3A_420 : i32
          %get3A_422 = arith.index_cast %add3A_421 : i32 to index
          %get3A_423 = tpu.vector_load %arg7[%get3A_422] {strides = array<i32>} : memref<100352xf32, #tpu.memory_space<vmem>>, vector<16xf32>,
          %max3A_424 = arith.maximumf %max3A_404, %get3A_423 : vector<16xf32>
          %add3A_425 = arith.constant 96 : i32
          %add3A_426 = arith.addi %mul3A_387, %add3A_425 : i32
          %get3A_427 = arith.index_cast %add3A_426 : i32 to index
          %get3A_428 = tpu.vector_load %arg7[%get3A_427] {strides = array<i32>} : memref<100352xf32, #tpu.memory_space<vmem>>, vector<16xf32>,
          %max3A_429 = arith.maximumf %max3A_409, %get3A_428 : vector<16xf32>
          %add3A_430 = arith.constant 112 : i32
          %add3A_431 = arith.addi %mul3A_387, %add3A_430 : i32
          %get3A_432 = arith.index_cast %add3A_431 : i32 to index
          %get3A_433 = tpu.vector_load %arg7[%get3A_432] {strides = array<i32>} : memref<100352xf32, #tpu.memory_space<vmem>>, vector<16xf32>,
          %max3A_434 = arith.maximumf %max3A_414, %get3A_433 : vector<16xf32>
          %max3A_435 = arith.maximumf %max3A_419, %max3A_424 : vector<16xf32>
          %max3A_436 = arith.maximumf %max3A_429, %max3A_434 : vector<16xf32>
          %max3A_437 = arith.maximumf %max3A_435, %max3A_436 : vector<16xf32>
          %mul3A_438 = arith.constant 16 : i32
          %mul3A_439 = arith.muli %scan3A_383, %mul3A_438 : i32
          %swap3A_440 = arith.index_cast %mul3A_439 : i32 to index
          %swap3A_441 = tpu.vector_load %arg8[%swap3A_440] {strides = array<i32>} : memref<12544xf32, #tpu.memory_space<vmem>>, vector<16xf32>,
          tpu.vector_store %arg8[%swap3A_440], %max3A_437 {strides = array<i32>} : memref<12544xf32, #tpu.memory_space<vmem>>, vector<16xf32>,
        }
        %scan3A_382 = arith.constant 5 : i32
      } else {
      }
      %mul3A_290 = arith.constant 32 : i32
      %mul3A_291 = arith.muli %add3A_177, %mul3A_290 : i32
      %dma_wait3A_292 = arith.constant 99968 : i32
      %dma_wait3A_293 = tpu.memref_slice %arg7[%dma_wait3A_292] : memref<100352xf32, #tpu.memory_space<vmem>> -> memref<32xf32, #tpu.memory_space<vmem>>
      %dma_wait3A_294 = tpu.memref_slice %arg3[%mul3A_291] : memref<8192xf32, #tpu.memory_space<hbm>> -> memref<32xf32, #tpu.memory_space<hbm>>
      %dma_wait3A_295 = arith.constant 99968 : i32
      %dma_wait3A_296 = tpu.memref_slice %arg7[%dma_wait3A_295] : memref<100352xf32, #tpu.memory_space<vmem>> -> memref<32xf32, #tpu.memory_space<vmem>>
      %dma_wait3A_297 = tpu.memref_slice %arg3[%mul3A_291] : memref<8192xf32, #tpu.memory_space<hbm>> -> memref<32xf32, #tpu.memory_space<hbm>>
      tpu.wait_dma2 semaphore(%arg14 : memref<!tpu.dma_semaphore, #tpu.memory_space<semaphore_mem>>) src(%dma_wait3A_297 : memref<32xf32, #tpu.memory_space<hbm>>) dst(%dma_wait3A_296 : memref<32xf32, #tpu.memory_space<vmem>>)
      %mul3A_298 = arith.constant 32 : i32
      %mul3A_299 = arith.muli %add3A_177, %mul3A_298 : i32
      %dma_start3A_300 = arith.constant 99968 : i32
      %dma_start3A_301 = tpu.memref_slice %arg7[%dma_start3A_300] : memref<100352xf32, #tpu.memory_space<vmem>> -> memref<32xf32, #tpu.memory_space<vmem>>
      %dma_start3A_302 = tpu.memref_slice %arg6[%mul3A_299] : memref<8192xf32, #tpu.memory_space<hbm>> -> memref<32xf32, #tpu.memory_space<hbm>>
      %dma_start3A_303 = tpu.memref_slice %arg6[%mul3A_299] : memref<8192xf32, #tpu.memory_space<hbm>> -> memref<32xf32, #tpu.memory_space<hbm>>
      %dma_start3A_304 = arith.constant 99968 : i32
      %dma_start3A_305 = tpu.memref_slice %arg7[%dma_start3A_304] : memref<100352xf32, #tpu.memory_space<vmem>> -> memref<32xf32, #tpu.memory_space<vmem>>
      tpu.enqueue_dma source(%dma_start3A_305 : memref<32xf32, #tpu.memory_space<vmem>>) target(%dma_start3A_303 : memref<32xf32, #tpu.memory_space<hbm>>) target_semaphore(%arg15 : memref<!tpu.dma_semaphore, #tpu.memory_space<semaphore_mem>>)
      %convert_element_type3A_306 = arith.extui %gt3A_14 : i1 to i32
      %cond3A_307 = arith.constant 0 : i32
      %cond3A_308 = arith.cmpi ne, %convert_element_type3A_306, %cond3A_307 : i32
      scf.if %cond3A_308 {
        %scan3A_377 = arith.constant 0 : i32
        %scan3A_378 = arith.constant 781 : i32
        %mul3A_379 = arith.constant 8 : i32
        %mul3A_380 = arith.muli %scan3A_378, %mul3A_379 : i32
        %mul3A_381 = arith.constant 16 : i32
        %mul3A_382 = arith.muli %mul3A_380, %mul3A_381 : i32
        %broadcast_in_dim3A_383 = arith.constant 0xFF800000 : f32
        %broadcast_in_dim3A_384 = vector.broadcast %broadcast_in_dim3A_383 : f32 to vector<16xf32>
        %broadcast_in_dim3A_385 = arith.constant 0xFF800000 : f32
        %broadcast_in_dim3A_386 = vector.broadcast %broadcast_in_dim3A_385 : f32 to vector<16xf32>
        %broadcast_in_dim3A_387 = arith.constant 0xFF800000 : f32
        %broadcast_in_dim3A_388 = vector.broadcast %broadcast_in_dim3A_387 : f32 to vector<16xf32>
        %broadcast_in_dim3A_389 = arith.constant 0xFF800000 : f32
        %broadcast_in_dim3A_390 = vector.broadcast %broadcast_in_dim3A_389 : f32 to vector<16xf32>
        %add3A_391 = arith.constant 0 : i32
        %add3A_392 = arith.addi %mul3A_382, %add3A_391 : i32
        %get3A_393 = arith.index_cast %add3A_392 : i32 to index
        %get3A_394 = tpu.vector_load %arg7[%get3A_393] {strides = array<i32>} : memref<100352xf32, #tpu.memory_space<vmem>>, vector<16xf32>,
        %max3A = arith.maximumf %broadcast_in_dim3A_384, %get3A_394 : vector<16xf32>
        %add3A_395 = arith.constant 16 : i32
        %add3A_396 = arith.addi %mul3A_382, %add3A_395 : i32
        %get3A_397 = arith.index_cast %add3A_396 : i32 to index
        %get3A_398 = tpu.vector_load %arg7[%get3A_397] {strides = array<i32>} : memref<100352xf32, #tpu.memory_space<vmem>>, vector<16xf32>,
        %max3A_399 = arith.maximumf %broadcast_in_dim3A_386, %get3A_398 : vector<16xf32>
        %add3A_400 = arith.constant 32 : i32
        %add3A_401 = arith.addi %mul3A_382, %add3A_400 : i32
        %get3A_402 = arith.index_cast %add3A_401 : i32 to index
        %get3A_403 = tpu.vector_load %arg7[%get3A_402] {strides = array<i32>} : memref<100352xf32, #tpu.memory_space<vmem>>, vector<16xf32>,
        %max3A_404 = arith.maximumf %broadcast_in_dim3A_388, %get3A_403 : vector<16xf32>
        %add3A_405 = arith.constant 48 : i32
        %add3A_406 = arith.addi %mul3A_382, %add3A_405 : i32
        %get3A_407 = arith.index_cast %add3A_406 : i32 to index
        %get3A_408 = tpu.vector_load %arg7[%get3A_407] {strides = array<i32>} : memref<100352xf32, #tpu.memory_space<vmem>>, vector<16xf32>,
        %max3A_409 = arith.maximumf %broadcast_in_dim3A_390, %get3A_408 : vector<16xf32>
        %add3A_410 = arith.constant 64 : i32
        %add3A_411 = arith.addi %mul3A_382, %add3A_410 : i32
        %get3A_412 = arith.index_cast %add3A_411 : i32 to index
        %get3A_413 = tpu.vector_load %arg7[%get3A_412] {strides = array<i32>} : memref<100352xf32, #tpu.memory_space<vmem>>, vector<16xf32>,
        %max3A_414 = arith.maximumf %max3A, %get3A_413 : vector<16xf32>
        %add3A_415 = arith.constant 80 : i32
        %add3A_416 = arith.addi %mul3A_382, %add3A_415 : i32
        %get3A_417 = arith.index_cast %add3A_416 : i32 to index
        %get3A_418 = tpu.vector_load %arg7[%get3A_417] {strides = array<i32>} : memref<100352xf32, #tpu.memory_space<vmem>>, vector<16xf32>,
        %max3A_419 = arith.maximumf %max3A_399, %get3A_418 : vector<16xf32>
        %add3A_420 = arith.constant 96 : i32
        %add3A_421 = arith.addi %mul3A_382, %add3A_420 : i32
        %get3A_422 = arith.index_cast %add3A_421 : i32 to index
        %get3A_423 = tpu.vector_load %arg7[%get3A_422] {strides = array<i32>} : memref<100352xf32, #tpu.memory_space<vmem>>, vector<16xf32>,
        %max3A_424 = arith.maximumf %max3A_404, %get3A_423 : vector<16xf32>
        %add3A_425 = arith.constant 112 : i32
        %add3A_426 = arith.addi %mul3A_382, %add3A_425 : i32
        %get3A_427 = arith.index_cast %add3A_426 : i32 to index
        %get3A_428 = tpu.vector_load %arg7[%get3A_427] {strides = array<i32>} : memref<100352xf32, #tpu.memory_space<vmem>>, vector<16xf32>,
        %max3A_429 = arith.maximumf %max3A_409, %get3A_428 : vector<16xf32>
        %max3A_430 = arith.maximumf %max3A_414, %max3A_419 : vector<16xf32>
        %max3A_431 = arith.maximumf %max3A_424, %max3A_429 : vector<16xf32>
        %max3A_432 = arith.maximumf %max3A_430, %max3A_431 : vector<16xf32>
        %mul3A_433 = arith.constant 16 : i32
        %mul3A_434 = arith.muli %scan3A_378, %mul3A_433 : i32
        %swap3A_435 = arith.index_cast %mul3A_434 : i32 to index
        %swap3A_436 = tpu.vector_load %arg8[%swap3A_435] {strides = array<i32>} : memref<12544xf32, #tpu.memory_space<vmem>>, vector<16xf32>,
        tpu.vector_store %arg8[%swap3A_435], %max3A_432 {strides = array<i32>} : memref<12544xf32, #tpu.memory_space<vmem>>, vector<16xf32>,
        %scan3A_437 = arith.constant 1 : i32
      } else {
      }
      %convert_element_type3A_309 = arith.extui %gt3A_14 : i1 to i32
      %cond3A_310 = arith.constant 0 : i32
      %cond3A_311 = arith.cmpi ne, %convert_element_type3A_309, %cond3A_310 : i32
      scf.if %cond3A_311 {
        %broadcast_in_dim3A_377 = arith.constant 0xFF800000 : f32
        %broadcast_in_dim3A_378 = vector.broadcast %broadcast_in_dim3A_377 : f32 to vector<16xf32>
        %scan3A_379 = arith.constant 0 : i32
        %scan3A_380 = arith.constant 49 : i32
        %scan3A_381 = arith.addi %scan3A_379, %scan3A_380 : i32
        %scan3A_382 = arith.constant 1 : i32
        %scan3A_383:4 = scf.for %scan3A_459 = %scan3A_379 to %scan3A_381 step %scan3A_382 iter_args(%scan3A_460 = %broadcast_in_dim3A_378, %scan3A_461 = %broadcast_in_dim3A_378, %scan3A_462 = %broadcast_in_dim3A_378, %scan3A_463 = %broadcast_in_dim3A_378) -> (vector<16xf32>, vector<16xf32>, vector<16xf32>, vector<16xf32>)  : i32 {
          %broadcast_in_dim3A_464 = arith.constant 0xFF800000 : f32
          %broadcast_in_dim3A_465 = vector.broadcast %broadcast_in_dim3A_464 : f32 to vector<16xf32>
          %mul3A_466 = arith.constant 16 : i32
          %mul3A_467 = arith.muli %scan3A_459, %mul3A_466 : i32
          %add3A_468 = arith.constant 0 : i32
          %add3A_469 = arith.addi %mul3A_467, %add3A_468 : i32
          %mul3A_470 = arith.constant 16 : i32
          %mul3A_471 = arith.muli %add3A_469, %mul3A_470 : i32
          %get3A_472 = arith.index_cast %mul3A_471 : i32 to index
          %get3A_473 = tpu.vector_load %arg8[%get3A_472] {strides = array<i32>} : memref<12544xf32, #tpu.memory_space<vmem>>, vector<16xf32>,
          %mul3A_474 = arith.constant 16 : i32
          %mul3A_475 = arith.muli %scan3A_459, %mul3A_474 : i32
          %add3A_476 = arith.constant 0 : i32
          %add3A_477 = arith.addi %mul3A_475, %add3A_476 : i32
          %add3A_478 = arith.constant 1 : i32
          %add3A_479 = arith.addi %add3A_477, %add3A_478 : i32
          %mul3A_480 = arith.constant 16 : i32
          %mul3A_481 = arith.muli %add3A_479, %mul3A_480 : i32
          %get3A_482 = arith.index_cast %mul3A_481 : i32 to index
          %get3A_483 = tpu.vector_load %arg8[%get3A_482] {strides = array<i32>} : memref<12544xf32, #tpu.memory_space<vmem>>, vector<16xf32>,
          %max3A_484 = arith.maximumf %get3A_473, %get3A_483 : vector<16xf32>
          %max3A_485 = arith.maximumf %broadcast_in_dim3A_465, %max3A_484 : vector<16xf32>
          %min3A_486 = arith.minimumf %scan3A_460, %get3A_473 : vector<16xf32>
          %max3A_487 = arith.maximumf %scan3A_461, %min3A_486 : vector<16xf32>
          %max3A_488 = arith.maximumf %scan3A_460, %get3A_473 : vector<16xf32>
          %min3A_489 = arith.minimumf %scan3A_462, %get3A_483 : vector<16xf32>
          %max3A_490 = arith.maximumf %scan3A_463, %min3A_489 : vector<16xf32>
          %max3A_491 = arith.maximumf %scan3A_462, %get3A_483 : vector<16xf32>
          %mul3A_492 = arith.constant 16 : i32
          %mul3A_493 = arith.muli %scan3A_459, %mul3A_492 : i32
          %add3A_494 = arith.constant 2 : i32
          %add3A_495 = arith.addi %mul3A_493, %add3A_494 : i32
          %mul3A_496 = arith.constant 16 : i32
          %mul3A_497 = arith.muli %add3A_495, %mul3A_496 : i32
          %get3A_498 = arith.index_cast %mul3A_497 : i32 to index
          %get3A_499 = tpu.vector_load %arg8[%get3A_498] {strides = array<i32>} : memref<12544xf32, #tpu.memory_space<vmem>>, vector<16xf32>,
          %mul3A_500 = arith.constant 16 : i32
          %mul3A_501 = arith.muli %scan3A_459, %mul3A_500 : i32
          %add3A_502 = arith.constant 2 : i32
          %add3A_503 = arith.addi %mul3A_501, %add3A_502 : i32
          %add3A_504 = arith.constant 1 : i32
          %add3A_505 = arith.addi %add3A_503, %add3A_504 : i32
          %mul3A_506 = arith.constant 16 : i32
          %mul3A_507 = arith.muli %add3A_505, %mul3A_506 : i32
          %get3A_508 = arith.index_cast %mul3A_507 : i32 to index
          %get3A_509 = tpu.vector_load %arg8[%get3A_508] {strides = array<i32>} : memref<12544xf32, #tpu.memory_space<vmem>>, vector<16xf32>,
          %max3A_510 = arith.maximumf %get3A_499, %get3A_509 : vector<16xf32>
          %max3A_511 = arith.maximumf %max3A_485, %max3A_510 : vector<16xf32>
          %min3A_512 = arith.minimumf %max3A_488, %get3A_499 : vector<16xf32>
          %max3A_513 = arith.maximumf %max3A_487, %min3A_512 : vector<16xf32>
          %max3A_514 = arith.maximumf %max3A_488, %get3A_499 : vector<16xf32>
          %min3A_515 = arith.minimumf %max3A_491, %get3A_509 : vector<16xf32>
          %max3A_516 = arith.maximumf %max3A_490, %min3A_515 : vector<16xf32>
          %max3A_517 = arith.maximumf %max3A_491, %get3A_509 : vector<16xf32>
          %mul3A_518 = arith.constant 16 : i32
          %mul3A_519 = arith.muli %scan3A_459, %mul3A_518 : i32
          %add3A_520 = arith.constant 4 : i32
          %add3A_521 = arith.addi %mul3A_519, %add3A_520 : i32
          %mul3A_522 = arith.constant 16 : i32
          %mul3A_523 = arith.muli %add3A_521, %mul3A_522 : i32
          %get3A_524 = arith.index_cast %mul3A_523 : i32 to index
          %get3A_525 = tpu.vector_load %arg8[%get3A_524] {strides = array<i32>} : memref<12544xf32, #tpu.memory_space<vmem>>, vector<16xf32>,
          %mul3A_526 = arith.constant 16 : i32
          %mul3A_527 = arith.muli %scan3A_459, %mul3A_526 : i32
          %add3A_528 = arith.constant 4 : i32
          %add3A_529 = arith.addi %mul3A_527, %add3A_528 : i32
          %add3A_530 = arith.constant 1 : i32
          %add3A_531 = arith.addi %add3A_529, %add3A_530 : i32
          %mul3A_532 = arith.constant 16 : i32
          %mul3A_533 = arith.muli %add3A_531, %mul3A_532 : i32
          %get3A_534 = arith.index_cast %mul3A_533 : i32 to index
          %get3A_535 = tpu.vector_load %arg8[%get3A_534] {strides = array<i32>} : memref<12544xf32, #tpu.memory_space<vmem>>, vector<16xf32>,
          %max3A_536 = arith.maximumf %get3A_525, %get3A_535 : vector<16xf32>
          %max3A_537 = arith.maximumf %max3A_511, %max3A_536 : vector<16xf32>
          %min3A_538 = arith.minimumf %max3A_514, %get3A_525 : vector<16xf32>
          %max3A_539 = arith.maximumf %max3A_513, %min3A_538 : vector<16xf32>
          %max3A_540 = arith.maximumf %max3A_514, %get3A_525 : vector<16xf32>
          %min3A_541 = arith.minimumf %max3A_517, %get3A_535 : vector<16xf32>
          %max3A_542 = arith.maximumf %max3A_516, %min3A_541 : vector<16xf32>
          %max3A_543 = arith.maximumf %max3A_517, %get3A_535 : vector<16xf32>
          %mul3A_544 = arith.constant 16 : i32
          %mul3A_545 = arith.muli %scan3A_459, %mul3A_544 : i32
          %add3A_546 = arith.constant 6 : i32
          %add3A_547 = arith.addi %mul3A_545, %add3A_546 : i32
          %mul3A_548 = arith.constant 16 : i32
          %mul3A_549 = arith.muli %add3A_547, %mul3A_548 : i32
          %get3A_550 = arith.index_cast %mul3A_549 : i32 to index
          %get3A_551 = tpu.vector_load %arg8[%get3A_550] {strides = array<i32>} : memref<12544xf32, #tpu.memory_space<vmem>>, vector<16xf32>,
          %mul3A_552 = arith.constant 16 : i32
          %mul3A_553 = arith.muli %scan3A_459, %mul3A_552 : i32
          %add3A_554 = arith.constant 6 : i32
          %add3A_555 = arith.addi %mul3A_553, %add3A_554 : i32
          %add3A_556 = arith.constant 1 : i32
          %add3A_557 = arith.addi %add3A_555, %add3A_556 : i32
          %mul3A_558 = arith.constant 16 : i32
          %mul3A_559 = arith.muli %add3A_557, %mul3A_558 : i32
          %get3A_560 = arith.index_cast %mul3A_559 : i32 to index
          %get3A_561 = tpu.vector_load %arg8[%get3A_560] {strides = array<i32>} : memref<12544xf32, #tpu.memory_space<vmem>>, vector<16xf32>,
          %max3A_562 = arith.maximumf %get3A_551, %get3A_561 : vector<16xf32>
          %max3A_563 = arith.maximumf %max3A_537, %max3A_562 : vector<16xf32>
          %min3A_564 = arith.minimumf %max3A_540, %get3A_551 : vector<16xf32>
          %max3A_565 = arith.maximumf %max3A_539, %min3A_564 : vector<16xf32>
          %max3A_566 = arith.maximumf %max3A_540, %get3A_551 : vector<16xf32>
          %min3A_567 = arith.minimumf %max3A_543, %get3A_561 : vector<16xf32>
          %max3A_568 = arith.maximumf %max3A_542, %min3A_567 : vector<16xf32>
          %max3A_569 = arith.maximumf %max3A_543, %get3A_561 : vector<16xf32>
          %mul3A_570 = arith.constant 16 : i32
          %mul3A_571 = arith.muli %scan3A_459, %mul3A_570 : i32
          %add3A_572 = arith.constant 8 : i32
          %add3A_573 = arith.addi %mul3A_571, %add3A_572 : i32
          %mul3A_574 = arith.constant 16 : i32
          %mul3A_575 = arith.muli %add3A_573, %mul3A_574 : i32
          %get3A_576 = arith.index_cast %mul3A_575 : i32 to index
          %get3A_577 = tpu.vector_load %arg8[%get3A_576] {strides = array<i32>} : memref<12544xf32, #tpu.memory_space<vmem>>, vector<16xf32>,
          %mul3A_578 = arith.constant 16 : i32
          %mul3A_579 = arith.muli %scan3A_459, %mul3A_578 : i32
          %add3A_580 = arith.constant 8 : i32
          %add3A_581 = arith.addi %mul3A_579, %add3A_580 : i32
          %add3A_582 = arith.constant 1 : i32
          %add3A_583 = arith.addi %add3A_581, %add3A_582 : i32
          %mul3A_584 = arith.constant 16 : i32
          %mul3A_585 = arith.muli %add3A_583, %mul3A_584 : i32
          %get3A_586 = arith.index_cast %mul3A_585 : i32 to index
          %get3A_587 = tpu.vector_load %arg8[%get3A_586] {strides = array<i32>} : memref<12544xf32, #tpu.memory_space<vmem>>, vector<16xf32>,
          %max3A_588 = arith.maximumf %get3A_577, %get3A_587 : vector<16xf32>
          %max3A_589 = arith.maximumf %max3A_563, %max3A_588 : vector<16xf32>
          %min3A_590 = arith.minimumf %max3A_566, %get3A_577 : vector<16xf32>
          %max3A_591 = arith.maximumf %max3A_565, %min3A_590 : vector<16xf32>
          %max3A_592 = arith.maximumf %max3A_566, %get3A_577 : vector<16xf32>
          %min3A_593 = arith.minimumf %max3A_569, %get3A_587 : vector<16xf32>
          %max3A_594 = arith.maximumf %max3A_568, %min3A_593 : vector<16xf32>
          %max3A_595 = arith.maximumf %max3A_569, %get3A_587 : vector<16xf32>
          %mul3A_596 = arith.constant 16 : i32
          %mul3A_597 = arith.muli %scan3A_459, %mul3A_596 : i32
          %add3A_598 = arith.constant 10 : i32
          %add3A_599 = arith.addi %mul3A_597, %add3A_598 : i32
          %mul3A_600 = arith.constant 16 : i32
          %mul3A_601 = arith.muli %add3A_599, %mul3A_600 : i32
          %get3A_602 = arith.index_cast %mul3A_601 : i32 to index
          %get3A_603 = tpu.vector_load %arg8[%get3A_602] {strides = array<i32>} : memref<12544xf32, #tpu.memory_space<vmem>>, vector<16xf32>,
          %mul3A_604 = arith.constant 16 : i32
          %mul3A_605 = arith.muli %scan3A_459, %mul3A_604 : i32
          %add3A_606 = arith.constant 10 : i32
          %add3A_607 = arith.addi %mul3A_605, %add3A_606 : i32
          %add3A_608 = arith.constant 1 : i32
          %add3A_609 = arith.addi %add3A_607, %add3A_608 : i32
          %mul3A_610 = arith.constant 16 : i32
          %mul3A_611 = arith.muli %add3A_609, %mul3A_610 : i32
          %get3A_612 = arith.index_cast %mul3A_611 : i32 to index
          %get3A_613 = tpu.vector_load %arg8[%get3A_612] {strides = array<i32>} : memref<12544xf32, #tpu.memory_space<vmem>>, vector<16xf32>,
          %max3A_614 = arith.maximumf %get3A_603, %get3A_613 : vector<16xf32>
          %max3A_615 = arith.maximumf %max3A_589, %max3A_614 : vector<16xf32>
          %min3A_616 = arith.minimumf %max3A_592, %get3A_603 : vector<16xf32>
          %max3A_617 = arith.maximumf %max3A_591, %min3A_616 : vector<16xf32>
          %max3A_618 = arith.maximumf %max3A_592, %get3A_603 : vector<16xf32>
          %min3A_619 = arith.minimumf %max3A_595, %get3A_613 : vector<16xf32>
          %max3A_620 = arith.maximumf %max3A_594, %min3A_619 : vector<16xf32>
          %max3A_621 = arith.maximumf %max3A_595, %get3A_613 : vector<16xf32>
          %mul3A_622 = arith.constant 16 : i32
          %mul3A_623 = arith.muli %scan3A_459, %mul3A_622 : i32
          %add3A_624 = arith.constant 12 : i32
          %add3A_625 = arith.addi %mul3A_623, %add3A_624 : i32
          %mul3A_626 = arith.constant 16 : i32
          %mul3A_627 = arith.muli %add3A_625, %mul3A_626 : i32
          %get3A_628 = arith.index_cast %mul3A_627 : i32 to index
          %get3A_629 = tpu.vector_load %arg8[%get3A_628] {strides = array<i32>} : memref<12544xf32, #tpu.memory_space<vmem>>, vector<16xf32>,
          %mul3A_630 = arith.constant 16 : i32
          %mul3A_631 = arith.muli %scan3A_459, %mul3A_630 : i32
          %add3A_632 = arith.constant 12 : i32
          %add3A_633 = arith.addi %mul3A_631, %add3A_632 : i32
          %add3A_634 = arith.constant 1 : i32
          %add3A_635 = arith.addi %add3A_633, %add3A_634 : i32
          %mul3A_636 = arith.constant 16 : i32
          %mul3A_637 = arith.muli %add3A_635, %mul3A_636 : i32
          %get3A_638 = arith.index_cast %mul3A_637 : i32 to index
          %get3A_639 = tpu.vector_load %arg8[%get3A_638] {strides = array<i32>} : memref<12544xf32, #tpu.memory_space<vmem>>, vector<16xf32>,
          %max3A_640 = arith.maximumf %get3A_629, %get3A_639 : vector<16xf32>
          %max3A_641 = arith.maximumf %max3A_615, %max3A_640 : vector<16xf32>
          %min3A_642 = arith.minimumf %max3A_618, %get3A_629 : vector<16xf32>
          %max3A_643 = arith.maximumf %max3A_617, %min3A_642 : vector<16xf32>
          %max3A_644 = arith.maximumf %max3A_618, %get3A_629 : vector<16xf32>
          %min3A_645 = arith.minimumf %max3A_621, %get3A_639 : vector<16xf32>
          %max3A_646 = arith.maximumf %max3A_620, %min3A_645 : vector<16xf32>
          %max3A_647 = arith.maximumf %max3A_621, %get3A_639 : vector<16xf32>
          %mul3A_648 = arith.constant 16 : i32
          %mul3A_649 = arith.muli %scan3A_459, %mul3A_648 : i32
          %add3A_650 = arith.constant 14 : i32
          %add3A_651 = arith.addi %mul3A_649, %add3A_650 : i32
          %mul3A_652 = arith.constant 16 : i32
          %mul3A_653 = arith.muli %add3A_651, %mul3A_652 : i32
          %get3A_654 = arith.index_cast %mul3A_653 : i32 to index
          %get3A_655 = tpu.vector_load %arg8[%get3A_654] {strides = array<i32>} : memref<12544xf32, #tpu.memory_space<vmem>>, vector<16xf32>,
          %mul3A_656 = arith.constant 16 : i32
          %mul3A_657 = arith.muli %scan3A_459, %mul3A_656 : i32
          %add3A_658 = arith.constant 14 : i32
          %add3A_659 = arith.addi %mul3A_657, %add3A_658 : i32
          %add3A_660 = arith.constant 1 : i32
          %add3A_661 = arith.addi %add3A_659, %add3A_660 : i32
          %mul3A_662 = arith.constant 16 : i32
          %mul3A_663 = arith.muli %add3A_661, %mul3A_662 : i32
          %get3A_664 = arith.index_cast %mul3A_663 : i32 to index
          %get3A_665 = tpu.vector_load %arg8[%get3A_664] {strides = array<i32>} : memref<12544xf32, #tpu.memory_space<vmem>>, vector<16xf32>,
          %max3A_666 = arith.maximumf %get3A_655, %get3A_665 : vector<16xf32>
          %max3A_667 = arith.maximumf %max3A_641, %max3A_666 : vector<16xf32>
          %min3A_668 = arith.minimumf %max3A_644, %get3A_655 : vector<16xf32>
          %max3A_669 = arith.maximumf %max3A_643, %min3A_668 : vector<16xf32>
          %max3A_670 = arith.maximumf %max3A_644, %get3A_655 : vector<16xf32>
          %min3A_671 = arith.minimumf %max3A_647, %get3A_665 : vector<16xf32>
          %max3A_672 = arith.maximumf %max3A_646, %min3A_671 : vector<16xf32>
          %max3A_673 = arith.maximumf %max3A_647, %get3A_665 : vector<16xf32>
          %mul3A_674 = arith.constant 16 : i32
          %mul3A_675 = arith.muli %scan3A_459, %mul3A_674 : i32
          %swap3A_676 = arith.index_cast %mul3A_675 : i32 to index
          %swap3A_677 = tpu.vector_load %arg9[%swap3A_676] {strides = array<i32>} : memref<784xf32, #tpu.memory_space<vmem>>, vector<16xf32>,
          tpu.vector_store %arg9[%swap3A_676], %max3A_667 {strides = array<i32>} : memref<784xf32, #tpu.memory_space<vmem>>, vector<16xf32>,
          scf.yield %max3A_670, %max3A_669, %max3A_673, %max3A_672 : vector<16xf32>, vector<16xf32>, vector<16xf32>, vector<16xf32>
        }
        %scan3A_384 = arith.constant 49 : i32
        %max3A = arith.maximumf %scan3A_383#0, %scan3A_383#2 : vector<16xf32>
        %min3A = arith.minimumf %scan3A_383#0, %scan3A_383#2 : vector<16xf32>
        %max3A_385 = arith.maximumf %scan3A_383#1, %scan3A_383#3 : vector<16xf32>
        %max3A_386 = arith.maximumf %min3A, %max3A_385 : vector<16xf32>
        %broadcast_in_dim3A_387 = arith.constant 0.000000e+00 : f32
        %broadcast_in_dim3A_388 = vector.broadcast %broadcast_in_dim3A_387 : f32 to vector<16xf32>
        %scan3A_389 = arith.constant 0 : i32
        %scan3A_390 = arith.constant 20 : i32
        %scan3A_391 = arith.addi %scan3A_389, %scan3A_390 : i32
        %scan3A_392 = arith.constant 1 : i32
        %scan3A_393:3 = scf.for %scan3A_459 = %scan3A_389 to %scan3A_391 step %scan3A_392 iter_args(%scan3A_460 = %max3A, %scan3A_461 = %max3A_386, %scan3A_462 = %broadcast_in_dim3A_388) -> (vector<16xf32>, vector<16xf32>, vector<16xf32>)  : i32 {
          %max3A_463 = arith.maximumf %scan3A_460, %scan3A_461 : vector<16xf32>
          %xor3A = arith.constant 8 : i32
          %xor3A_464 = vector.broadcast %xor3A : i32 to vector<16xi32>
          %xor3A_465 = arith.xori %iota3A, %xor3A_464 : vector<16xi32>
          %lt3A_466 = arith.constant 0 : i32
          %lt3A_467 = vector.broadcast %lt3A_466 : i32 to vector<16xi32>
          %lt3A_468 = arith.cmpi slt, %xor3A_465, %lt3A_467 : vector<16xi32>
          %add3A_469 = arith.constant 16 : i32
          %add3A_470 = vector.broadcast %add3A_469 : i32 to vector<16xi32>
          %add3A_471 = arith.addi %xor3A_465, %add3A_470 : vector<16xi32>
          %select_n3A_472 = arith.select %lt3A_468, %add3A_471, %xor3A_465 : vector<16xi1>, vector<16xi32>
          %broadcast_in_dim3A_473 = vector.shape_cast %select_n3A_472 : vector<16xi32> to vector<16x1xi32>
          %gather3A = vector.shape_cast %broadcast_in_dim3A_473 : vector<16x1xi32> to vector<16xi32>
          %gather3A_474 = tpu.dynamic_gather %max3A_463[%gather3A] in [0] : vector<16xf32>, vector<16xi32> -> vector<16xf32>
          %max3A_475 = arith.maximumf %max3A_463, %gather3A_474 : vector<16xf32>
          %xor3A_476 = arith.constant 4 : i32
          %xor3A_477 = vector.broadcast %xor3A_476 : i32 to vector<16xi32>
          %xor3A_478 = arith.xori %iota3A, %xor3A_477 : vector<16xi32>
          %lt3A_479 = arith.constant 0 : i32
          %lt3A_480 = vector.broadcast %lt3A_479 : i32 to vector<16xi32>
          %lt3A_481 = arith.cmpi slt, %xor3A_478, %lt3A_480 : vector<16xi32>
          %add3A_482 = arith.constant 16 : i32
          %add3A_483 = vector.broadcast %add3A_482 : i32 to vector<16xi32>
          %add3A_484 = arith.addi %xor3A_478, %add3A_483 : vector<16xi32>
          %select_n3A_485 = arith.select %lt3A_481, %add3A_484, %xor3A_478 : vector<16xi1>, vector<16xi32>
          %broadcast_in_dim3A_486 = vector.shape_cast %select_n3A_485 : vector<16xi32> to vector<16x1xi32>
          %gather3A_487 = vector.shape_cast %broadcast_in_dim3A_486 : vector<16x1xi32> to vector<16xi32>
          %gather3A_488 = tpu.dynamic_gather %max3A_475[%gather3A_487] in [0] : vector<16xf32>, vector<16xi32> -> vector<16xf32>
          %max3A_489 = arith.maximumf %max3A_475, %gather3A_488 : vector<16xf32>
          %xor3A_490 = arith.constant 2 : i32
          %xor3A_491 = vector.broadcast %xor3A_490 : i32 to vector<16xi32>
          %xor3A_492 = arith.xori %iota3A, %xor3A_491 : vector<16xi32>
          %lt3A_493 = arith.constant 0 : i32
          %lt3A_494 = vector.broadcast %lt3A_493 : i32 to vector<16xi32>
          %lt3A_495 = arith.cmpi slt, %xor3A_492, %lt3A_494 : vector<16xi32>
          %add3A_496 = arith.constant 16 : i32
          %add3A_497 = vector.broadcast %add3A_496 : i32 to vector<16xi32>
          %add3A_498 = arith.addi %xor3A_492, %add3A_497 : vector<16xi32>
          %select_n3A_499 = arith.select %lt3A_495, %add3A_498, %xor3A_492 : vector<16xi1>, vector<16xi32>
          %broadcast_in_dim3A_500 = vector.shape_cast %select_n3A_499 : vector<16xi32> to vector<16x1xi32>
          %gather3A_501 = vector.shape_cast %broadcast_in_dim3A_500 : vector<16x1xi32> to vector<16xi32>
          %gather3A_502 = tpu.dynamic_gather %max3A_489[%gather3A_501] in [0] : vector<16xf32>, vector<16xi32> -> vector<16xf32>
          %max3A_503 = arith.maximumf %max3A_489, %gather3A_502 : vector<16xf32>
          %xor3A_504 = arith.constant 1 : i32
          %xor3A_505 = vector.broadcast %xor3A_504 : i32 to vector<16xi32>
          %xor3A_506 = arith.xori %iota3A, %xor3A_505 : vector<16xi32>
          %lt3A_507 = arith.constant 0 : i32
          %lt3A_508 = vector.broadcast %lt3A_507 : i32 to vector<16xi32>
          %lt3A_509 = arith.cmpi slt, %xor3A_506, %lt3A_508 : vector<16xi32>
          %add3A_510 = arith.constant 16 : i32
          %add3A_511 = vector.broadcast %add3A_510 : i32 to vector<16xi32>
          %add3A_512 = arith.addi %xor3A_506, %add3A_511 : vector<16xi32>
          %select_n3A_513 = arith.select %lt3A_509, %add3A_512, %xor3A_506 : vector<16xi1>, vector<16xi32>
          %broadcast_in_dim3A_514 = vector.shape_cast %select_n3A_513 : vector<16xi32> to vector<16x1xi32>
          %gather3A_515 = vector.shape_cast %broadcast_in_dim3A_514 : vector<16x1xi32> to vector<16xi32>
          %gather3A_516 = tpu.dynamic_gather %max3A_503[%gather3A_515] in [0] : vector<16xf32>, vector<16xi32> -> vector<16xf32>
          %max3A_517 = arith.maximumf %max3A_503, %gather3A_516 : vector<16xf32>
          %ge3A = arith.cmpf oge, %scan3A_460, %max3A_517 : vector<16xf32>
          %jit3A_518 = arith.constant 0xFF800000 : f32
          %broadcast_in_dim3A_519 = vector.broadcast %jit3A_518 : f32 to vector<16xf32>
          %select_n3A_520 = arith.select %ge3A, %broadcast_in_dim3A_519, %scan3A_460 : vector<16xi1>, vector<16xf32>
          %ge3A_521 = arith.cmpf oge, %scan3A_461, %max3A_517 : vector<16xf32>
          %jit3A_522 = arith.constant 0xFF800000 : f32
          %broadcast_in_dim3A_523 = vector.broadcast %jit3A_522 : f32 to vector<16xf32>
          %select_n3A_524 = arith.select %ge3A_521, %broadcast_in_dim3A_523, %scan3A_461 : vector<16xi1>, vector<16xf32>
          scf.yield %select_n3A_520, %select_n3A_524, %max3A_517 : vector<16xf32>, vector<16xf32>, vector<16xf32>
        }
        %scan3A_394 = arith.constant 20 : i32
        %broadcast_in_dim3A_395 = arith.constant 0xFF800000 : f32
        %broadcast_in_dim3A_396 = vector.broadcast %broadcast_in_dim3A_395 : f32 to vector<16xf32>
        %swap3A_397 = arith.constant 0 : index
        %swap3A_398 = tpu.vector_load %arg10[%swap3A_397] {strides = array<i32>} : memref<80xf32, #tpu.memory_space<vmem>>, vector<16xf32>,
        tpu.vector_store %arg10[%swap3A_397], %broadcast_in_dim3A_396 {strides = array<i32>} : memref<80xf32, #tpu.memory_space<vmem>>, vector<16xf32>,
        %broadcast_in_dim3A_399 = arith.constant 1073741824 : i32
        %broadcast_in_dim3A_400 = vector.broadcast %broadcast_in_dim3A_399 : i32 to vector<16xi32>
        %swap3A_401 = arith.constant 0 : index
        %swap3A_402 = tpu.vector_load %arg11[%swap3A_401] {strides = array<i32>} : memref<80xi32, #tpu.memory_space<vmem>>, vector<16xi32>,
        tpu.vector_store %arg11[%swap3A_401], %broadcast_in_dim3A_400 {strides = array<i32>} : memref<80xi32, #tpu.memory_space<vmem>>, vector<16xi32>,
        %broadcast_in_dim3A_403 = arith.constant 0xFF800000 : f32
        %broadcast_in_dim3A_404 = vector.broadcast %broadcast_in_dim3A_403 : f32 to vector<16xf32>
        %swap3A_405 = arith.constant 16 : index
        %swap3A_406 = tpu.vector_load %arg10[%swap3A_405] {strides = array<i32>} : memref<80xf32, #tpu.memory_space<vmem>>, vector<16xf32>,
        tpu.vector_store %arg10[%swap3A_405], %broadcast_in_dim3A_404 {strides = array<i32>} : memref<80xf32, #tpu.memory_space<vmem>>, vector<16xf32>,
        %broadcast_in_dim3A_407 = arith.constant 1073741824 : i32
        %broadcast_in_dim3A_408 = vector.broadcast %broadcast_in_dim3A_407 : i32 to vector<16xi32>
        %swap3A_409 = arith.constant 16 : index
        %swap3A_410 = tpu.vector_load %arg11[%swap3A_409] {strides = array<i32>} : memref<80xi32, #tpu.memory_space<vmem>>, vector<16xi32>,
        tpu.vector_store %arg11[%swap3A_409], %broadcast_in_dim3A_408 {strides = array<i32>} : memref<80xi32, #tpu.memory_space<vmem>>, vector<16xi32>,
        %broadcast_in_dim3A_411 = arith.constant 0xFF800000 : f32
        %broadcast_in_dim3A_412 = vector.broadcast %broadcast_in_dim3A_411 : f32 to vector<16xf32>
        %swap3A_413 = arith.constant 32 : index
        %swap3A_414 = tpu.vector_load %arg10[%swap3A_413] {strides = array<i32>} : memref<80xf32, #tpu.memory_space<vmem>>, vector<16xf32>,
        tpu.vector_store %arg10[%swap3A_413], %broadcast_in_dim3A_412 {strides = array<i32>} : memref<80xf32, #tpu.memory_space<vmem>>, vector<16xf32>,
        %broadcast_in_dim3A_415 = arith.constant 1073741824 : i32
        %broadcast_in_dim3A_416 = vector.broadcast %broadcast_in_dim3A_415 : i32 to vector<16xi32>
        %swap3A_417 = arith.constant 32 : index
        %swap3A_418 = tpu.vector_load %arg11[%swap3A_417] {strides = array<i32>} : memref<80xi32, #tpu.memory_space<vmem>>, vector<16xi32>,
        tpu.vector_store %arg11[%swap3A_417], %broadcast_in_dim3A_416 {strides = array<i32>} : memref<80xi32, #tpu.memory_space<vmem>>, vector<16xi32>,
        %broadcast_in_dim3A_419 = arith.constant 0xFF800000 : f32
        %broadcast_in_dim3A_420 = vector.broadcast %broadcast_in_dim3A_419 : f32 to vector<16xf32>
        %swap3A_421 = arith.constant 48 : index
        %swap3A_422 = tpu.vector_load %arg10[%swap3A_421] {strides = array<i32>} : memref<80xf32, #tpu.memory_space<vmem>>, vector<16xf32>,
        tpu.vector_store %arg10[%swap3A_421], %broadcast_in_dim3A_420 {strides = array<i32>} : memref<80xf32, #tpu.memory_space<vmem>>, vector<16xf32>,
        %broadcast_in_dim3A_423 = arith.constant 1073741824 : i32
        %broadcast_in_dim3A_424 = vector.broadcast %broadcast_in_dim3A_423 : i32 to vector<16xi32>
        %swap3A_425 = arith.constant 48 : index
        %swap3A_426 = tpu.vector_load %arg11[%swap3A_425] {strides = array<i32>} : memref<80xi32, #tpu.memory_space<vmem>>, vector<16xi32>,
        tpu.vector_store %arg11[%swap3A_425], %broadcast_in_dim3A_424 {strides = array<i32>} : memref<80xi32, #tpu.memory_space<vmem>>, vector<16xi32>,
        %broadcast_in_dim3A_427 = arith.constant 0xFF800000 : f32
        %broadcast_in_dim3A_428 = vector.broadcast %broadcast_in_dim3A_427 : f32 to vector<16xf32>
        %swap3A_429 = arith.constant 64 : index
        %swap3A_430 = tpu.vector_load %arg10[%swap3A_429] {strides = array<i32>} : memref<80xf32, #tpu.memory_space<vmem>>, vector<16xf32>,
        tpu.vector_store %arg10[%swap3A_429], %broadcast_in_dim3A_428 {strides = array<i32>} : memref<80xf32, #tpu.memory_space<vmem>>, vector<16xf32>,
        %broadcast_in_dim3A_431 = arith.constant 1073741824 : i32
        %broadcast_in_dim3A_432 = vector.broadcast %broadcast_in_dim3A_431 : i32 to vector<16xi32>
        %swap3A_433 = arith.constant 64 : index
        %swap3A_434 = tpu.vector_load %arg11[%swap3A_433] {strides = array<i32>} : memref<80xi32, #tpu.memory_space<vmem>>, vector<16xi32>,
        tpu.vector_store %arg11[%swap3A_433], %broadcast_in_dim3A_432 {strides = array<i32>} : memref<80xi32, #tpu.memory_space<vmem>>, vector<16xi32>,
        %scan3A_435 = arith.constant 0 : i32
        %scan3A_436 = arith.constant 0 : i32
        %scan3A_437 = arith.constant 49 : i32
        %scan3A_438 = arith.addi %scan3A_436, %scan3A_437 : i32
        %scan3A_439 = arith.constant 1 : i32
        %scan3A_440 = scf.for %scan3A_459 = %scan3A_436 to %scan3A_438 step %scan3A_439 iter_args(%scan3A_460 = %scan3A_435) -> (i32)  : i32 {
          %mul3A_461 = arith.constant 16 : i32
          %mul3A_462 = arith.muli %scan3A_459, %mul3A_461 : i32
          %get3A_463 = arith.index_cast %mul3A_462 : i32 to index
          %get3A_464 = tpu.vector_load %arg9[%get3A_463] {strides = array<i32>} : memref<784xf32, #tpu.memory_space<vmem>>, vector<16xf32>,
          %ge3A = arith.cmpf oge, %get3A_464, %scan3A_393#2 : vector<16xf32>
          %all_reduce_population_count3A_465 = tpu.all_reduce %ge3A {dim = 0 : i64, kind = #tpu.reduction_kind<sum>} : vector<16xi1> -> vector<16xi32>
          %slice3A_466 = vector.extract_strided_slice %all_reduce_population_count3A_465 {offsets = [0], sizes = [1], strides = [1]} : vector<16xi32> to vector<1xi32>
          %squeeze3A_467 = vector.extract %slice3A_466[0] : i32 from vector<1xi32>
          %gt3A_468 = arith.constant 0 : i32
          %gt3A_469 = arith.cmpi sgt, %squeeze3A_467, %gt3A_468 : i32
          %convert_element_type3A_470 = arith.extui %gt3A_469 : i1 to i32
          %cond3A_471 = arith.constant 0 : i32
          %cond3A_472 = arith.cmpi ne, %convert_element_type3A_470, %cond3A_471 : i32
          %cond3A_473 = scf.if %cond3A_472 -> (i32) {
            %mul3A_474 = arith.constant 16 : i32
            %mul3A_475 = arith.muli %scan3A_459, %mul3A_474 : i32
            %add3A_476 = arith.constant 1 : i32
            %add3A_477 = arith.addi %scan3A_459, %add3A_476 : i32
            %mul3A_478 = arith.constant 16 : i32
            %mul3A_479 = arith.muli %add3A_477, %mul3A_478 : i32
            %while3A = arith.subi %mul3A_479, %mul3A_475 : i32
            %while3A_480 = arith.addi %mul3A_475, %while3A : i32
            %while3A_481 = arith.constant 1 : i32
            %while3A_482 = arith.divsi %while3A, %while3A_481 : i32
            %while3A_483 = arith.muli %while3A_482, %while3A_481 : i32
            %while3A_484 = arith.addi %mul3A_475, %while3A_483 : i32
            %while3A_485 = arith.constant 1 : i32
            %while3A_486 = scf.for %while3A_489 = %mul3A_475 to %while3A_484 step %while3A_485 iter_args(%while3A_490 = %scan3A_460) -> (i32)  : i32 {
              %mul3A_491 = arith.constant 16 : i32
              %mul3A_492 = arith.muli %while3A_489, %mul3A_491 : i32
              %get3A_493 = arith.index_cast %mul3A_492 : i32 to index
              %get3A_494 = tpu.vector_load %arg8[%get3A_493] {strides = array<i32>} : memref<12544xf32, #tpu.memory_space<vmem>>, vector<16xf32>,
              %ge3A_495 = arith.cmpf oge, %get3A_494, %scan3A_393#2 : vector<16xf32>
              %all_reduce_population_count3A_496 = tpu.all_reduce %ge3A_495 {dim = 0 : i64, kind = #tpu.reduction_kind<sum>} : vector<16xi1> -> vector<16xi32>
              %slice3A_497 = vector.extract_strided_slice %all_reduce_population_count3A_496 {offsets = [0], sizes = [1], strides = [1]} : vector<16xi32> to vector<1xi32>
              %squeeze3A_498 = vector.extract %slice3A_497[0] : i32 from vector<1xi32>
              %gt3A_499 = arith.constant 0 : i32
              %gt3A_500 = arith.cmpi sgt, %squeeze3A_498, %gt3A_499 : i32
              %convert_element_type3A_501 = arith.extui %gt3A_500 : i1 to i32
              %cond3A_502 = arith.constant 0 : i32
              %cond3A_503 = arith.cmpi ne, %convert_element_type3A_501, %cond3A_502 : i32
              %cond3A_504 = scf.if %cond3A_503 -> (i32) {
                %mul3A_505 = arith.constant 8 : i32
                %mul3A_506 = arith.muli %while3A_489, %mul3A_505 : i32
                %add3A_507 = arith.constant 0 : i32
                %add3A_508 = arith.addi %mul3A_506, %add3A_507 : i32
                %mul3A_509 = arith.constant 16 : i32
                %mul3A_510 = arith.muli %add3A_508, %mul3A_509 : i32
                %get3A_511 = arith.index_cast %mul3A_510 : i32 to index
                %get3A_512 = tpu.vector_load %arg7[%get3A_511] {strides = array<i32>} : memref<100352xf32, #tpu.memory_space<vmem>>, vector<16xf32>,
                %ge3A_513 = arith.cmpf oge, %get3A_512, %scan3A_393#2 : vector<16xf32>
                %lt3A_514 = arith.constant 64 : i32
                %lt3A_515 = arith.cmpi slt, %while3A_490, %lt3A_514 : i32
                %broadcast_in_dim3A_516 = vector.broadcast %lt3A_515 : i1 to vector<16xi1>
                %and3A = arith.andi %ge3A_513, %broadcast_in_dim3A_516 : vector<16xi1>
                %swap3A_517 = arith.index_cast %while3A_490 : i32 to index
                %swap3A_518 = tpu.vector_load %arg10[%swap3A_517] masked %and3A {strides = array<i32>} : memref<80xf32, #tpu.memory_space<vmem>>, vector<16xf32>, vector<16xi1>
                tpu.vector_store %arg10[%swap3A_517], %get3A_512 masked %and3A {strides = array<i32>} : memref<80xf32, #tpu.memory_space<vmem>>, vector<16xf32>, vector<16xi1>
                %mul3A_519 = arith.constant 16 : i32
                %mul3A_520 = arith.muli %add3A_508, %mul3A_519 : i32
                %add3A_521 = vector.broadcast %mul3A_520 : i32 to vector<16xi32>
                %add3A_522 = arith.addi %iota3A, %add3A_521 : vector<16xi32>
                %swap3A_523 = arith.index_cast %while3A_490 : i32 to index
                %swap3A_524 = tpu.vector_load %arg11[%swap3A_523] masked %and3A {strides = array<i32>} : memref<80xi32, #tpu.memory_space<vmem>>, vector<16xi32>, vector<16xi1>
                tpu.vector_store %arg11[%swap3A_523], %add3A_522 masked %and3A {strides = array<i32>} : memref<80xi32, #tpu.memory_space<vmem>>, vector<16xi32>, vector<16xi1>
                %all_reduce_population_count3A_525 = tpu.all_reduce %and3A {dim = 0 : i64, kind = #tpu.reduction_kind<sum>} : vector<16xi1> -> vector<16xi32>
                %slice3A_526 = vector.extract_strided_slice %all_reduce_population_count3A_525 {offsets = [0], sizes = [1], strides = [1]} : vector<16xi32> to vector<1xi32>
                %squeeze3A_527 = vector.extract %slice3A_526[0] : i32 from vector<1xi32>
                %add3A_528 = arith.addi %while3A_490, %squeeze3A_527 : i32
                %mul3A_529 = arith.constant 8 : i32
                %mul3A_530 = arith.muli %while3A_489, %mul3A_529 : i32
                %add3A_531 = arith.constant 1 : i32
                %add3A_532 = arith.addi %mul3A_530, %add3A_531 : i32
                %mul3A_533 = arith.constant 16 : i32
                %mul3A_534 = arith.muli %add3A_532, %mul3A_533 : i32
                %get3A_535 = arith.index_cast %mul3A_534 : i32 to index
                %get3A_536 = tpu.vector_load %arg7[%get3A_535] {strides = array<i32>} : memref<100352xf32, #tpu.memory_space<vmem>>, vector<16xf32>,
                %ge3A_537 = arith.cmpf oge, %get3A_536, %scan3A_393#2 : vector<16xf32>
                %lt3A_538 = arith.constant 64 : i32
                %lt3A_539 = arith.cmpi slt, %add3A_528, %lt3A_538 : i32
                %broadcast_in_dim3A_540 = vector.broadcast %lt3A_539 : i1 to vector<16xi1>
                %and3A_541 = arith.andi %ge3A_537, %broadcast_in_dim3A_540 : vector<16xi1>
                %swap3A_542 = arith.index_cast %add3A_528 : i32 to index
                %swap3A_543 = tpu.vector_load %arg10[%swap3A_542] masked %and3A_541 {strides = array<i32>} : memref<80xf32, #tpu.memory_space<vmem>>, vector<16xf32>, vector<16xi1>
                tpu.vector_store %arg10[%swap3A_542], %get3A_536 masked %and3A_541 {strides = array<i32>} : memref<80xf32, #tpu.memory_space<vmem>>, vector<16xf32>, vector<16xi1>
                %mul3A_544 = arith.constant 16 : i32
                %mul3A_545 = arith.muli %add3A_532, %mul3A_544 : i32
                %add3A_546 = vector.broadcast %mul3A_545 : i32 to vector<16xi32>
                %add3A_547 = arith.addi %iota3A, %add3A_546 : vector<16xi32>
                %swap3A_548 = arith.index_cast %add3A_528 : i32 to index
                %swap3A_549 = tpu.vector_load %arg11[%swap3A_548] masked %and3A_541 {strides = array<i32>} : memref<80xi32, #tpu.memory_space<vmem>>, vector<16xi32>, vector<16xi1>
                tpu.vector_store %arg11[%swap3A_548], %add3A_547 masked %and3A_541 {strides = array<i32>} : memref<80xi32, #tpu.memory_space<vmem>>, vector<16xi32>, vector<16xi1>
                %all_reduce_population_count3A_550 = tpu.all_reduce %and3A_541 {dim = 0 : i64, kind = #tpu.reduction_kind<sum>} : vector<16xi1> -> vector<16xi32>
                %slice3A_551 = vector.extract_strided_slice %all_reduce_population_count3A_550 {offsets = [0], sizes = [1], strides = [1]} : vector<16xi32> to vector<1xi32>
                %squeeze3A_552 = vector.extract %slice3A_551[0] : i32 from vector<1xi32>
                %add3A_553 = arith.addi %add3A_528, %squeeze3A_552 : i32
                %mul3A_554 = arith.constant 8 : i32
                %mul3A_555 = arith.muli %while3A_489, %mul3A_554 : i32
                %add3A_556 = arith.constant 2 : i32
                %add3A_557 = arith.addi %mul3A_555, %add3A_556 : i32
                %mul3A_558 = arith.constant 16 : i32
                %mul3A_559 = arith.muli %add3A_557, %mul3A_558 : i32
                %get3A_560 = arith.index_cast %mul3A_559 : i32 to index
                %get3A_561 = tpu.vector_load %arg7[%get3A_560] {strides = array<i32>} : memref<100352xf32, #tpu.memory_space<vmem>>, vector<16xf32>,
                %ge3A_562 = arith.cmpf oge, %get3A_561, %scan3A_393#2 : vector<16xf32>
                %lt3A_563 = arith.constant 64 : i32
                %lt3A_564 = arith.cmpi slt, %add3A_553, %lt3A_563 : i32
                %broadcast_in_dim3A_565 = vector.broadcast %lt3A_564 : i1 to vector<16xi1>
                %and3A_566 = arith.andi %ge3A_562, %broadcast_in_dim3A_565 : vector<16xi1>
                %swap3A_567 = arith.index_cast %add3A_553 : i32 to index
                %swap3A_568 = tpu.vector_load %arg10[%swap3A_567] masked %and3A_566 {strides = array<i32>} : memref<80xf32, #tpu.memory_space<vmem>>, vector<16xf32>, vector<16xi1>
                tpu.vector_store %arg10[%swap3A_567], %get3A_561 masked %and3A_566 {strides = array<i32>} : memref<80xf32, #tpu.memory_space<vmem>>, vector<16xf32>, vector<16xi1>
                %mul3A_569 = arith.constant 16 : i32
                %mul3A_570 = arith.muli %add3A_557, %mul3A_569 : i32
                %add3A_571 = vector.broadcast %mul3A_570 : i32 to vector<16xi32>
                %add3A_572 = arith.addi %iota3A, %add3A_571 : vector<16xi32>
                %swap3A_573 = arith.index_cast %add3A_553 : i32 to index
                %swap3A_574 = tpu.vector_load %arg11[%swap3A_573] masked %and3A_566 {strides = array<i32>} : memref<80xi32, #tpu.memory_space<vmem>>, vector<16xi32>, vector<16xi1>
                tpu.vector_store %arg11[%swap3A_573], %add3A_572 masked %and3A_566 {strides = array<i32>} : memref<80xi32, #tpu.memory_space<vmem>>, vector<16xi32>, vector<16xi1>
                %all_reduce_population_count3A_575 = tpu.all_reduce %and3A_566 {dim = 0 : i64, kind = #tpu.reduction_kind<sum>} : vector<16xi1> -> vector<16xi32>
                %slice3A_576 = vector.extract_strided_slice %all_reduce_population_count3A_575 {offsets = [0], sizes = [1], strides = [1]} : vector<16xi32> to vector<1xi32>
                %squeeze3A_577 = vector.extract %slice3A_576[0] : i32 from vector<1xi32>
                %add3A_578 = arith.addi %add3A_553, %squeeze3A_577 : i32
                %mul3A_579 = arith.constant 8 : i32
                %mul3A_580 = arith.muli %while3A_489, %mul3A_579 : i32
                %add3A_581 = arith.constant 3 : i32
                %add3A_582 = arith.addi %mul3A_580, %add3A_581 : i32
                %mul3A_583 = arith.constant 16 : i32
                %mul3A_584 = arith.muli %add3A_582, %mul3A_583 : i32
                %get3A_585 = arith.index_cast %mul3A_584 : i32 to index
                %get3A_586 = tpu.vector_load %arg7[%get3A_585] {strides = array<i32>} : memref<100352xf32, #tpu.memory_space<vmem>>, vector<16xf32>,
                %ge3A_587 = arith.cmpf oge, %get3A_586, %scan3A_393#2 : vector<16xf32>
                %lt3A_588 = arith.constant 64 : i32
                %lt3A_589 = arith.cmpi slt, %add3A_578, %lt3A_588 : i32
                %broadcast_in_dim3A_590 = vector.broadcast %lt3A_589 : i1 to vector<16xi1>
                %and3A_591 = arith.andi %ge3A_587, %broadcast_in_dim3A_590 : vector<16xi1>
                %swap3A_592 = arith.index_cast %add3A_578 : i32 to index
                %swap3A_593 = tpu.vector_load %arg10[%swap3A_592] masked %and3A_591 {strides = array<i32>} : memref<80xf32, #tpu.memory_space<vmem>>, vector<16xf32>, vector<16xi1>
                tpu.vector_store %arg10[%swap3A_592], %get3A_586 masked %and3A_591 {strides = array<i32>} : memref<80xf32, #tpu.memory_space<vmem>>, vector<16xf32>, vector<16xi1>
                %mul3A_594 = arith.constant 16 : i32
                %mul3A_595 = arith.muli %add3A_582, %mul3A_594 : i32
                %add3A_596 = vector.broadcast %mul3A_595 : i32 to vector<16xi32>
                %add3A_597 = arith.addi %iota3A, %add3A_596 : vector<16xi32>
                %swap3A_598 = arith.index_cast %add3A_578 : i32 to index
                %swap3A_599 = tpu.vector_load %arg11[%swap3A_598] masked %and3A_591 {strides = array<i32>} : memref<80xi32, #tpu.memory_space<vmem>>, vector<16xi32>, vector<16xi1>
                tpu.vector_store %arg11[%swap3A_598], %add3A_597 masked %and3A_591 {strides = array<i32>} : memref<80xi32, #tpu.memory_space<vmem>>, vector<16xi32>, vector<16xi1>
                %all_reduce_population_count3A_600 = tpu.all_reduce %and3A_591 {dim = 0 : i64, kind = #tpu.reduction_kind<sum>} : vector<16xi1> -> vector<16xi32>
                %slice3A_601 = vector.extract_strided_slice %all_reduce_population_count3A_600 {offsets = [0], sizes = [1], strides = [1]} : vector<16xi32> to vector<1xi32>
                %squeeze3A_602 = vector.extract %slice3A_601[0] : i32 from vector<1xi32>
                %add3A_603 = arith.addi %add3A_578, %squeeze3A_602 : i32
                %mul3A_604 = arith.constant 8 : i32
                %mul3A_605 = arith.muli %while3A_489, %mul3A_604 : i32
                %add3A_606 = arith.constant 4 : i32
                %add3A_607 = arith.addi %mul3A_605, %add3A_606 : i32
                %mul3A_608 = arith.constant 16 : i32
                %mul3A_609 = arith.muli %add3A_607, %mul3A_608 : i32
                %get3A_610 = arith.index_cast %mul3A_609 : i32 to index
                %get3A_611 = tpu.vector_load %arg7[%get3A_610] {strides = array<i32>} : memref<100352xf32, #tpu.memory_space<vmem>>, vector<16xf32>,
                %ge3A_612 = arith.cmpf oge, %get3A_611, %scan3A_393#2 : vector<16xf32>
                %lt3A_613 = arith.constant 64 : i32
                %lt3A_614 = arith.cmpi slt, %add3A_603, %lt3A_613 : i32
                %broadcast_in_dim3A_615 = vector.broadcast %lt3A_614 : i1 to vector<16xi1>
                %and3A_616 = arith.andi %ge3A_612, %broadcast_in_dim3A_615 : vector<16xi1>
                %swap3A_617 = arith.index_cast %add3A_603 : i32 to index
                %swap3A_618 = tpu.vector_load %arg10[%swap3A_617] masked %and3A_616 {strides = array<i32>} : memref<80xf32, #tpu.memory_space<vmem>>, vector<16xf32>, vector<16xi1>
                tpu.vector_store %arg10[%swap3A_617], %get3A_611 masked %and3A_616 {strides = array<i32>} : memref<80xf32, #tpu.memory_space<vmem>>, vector<16xf32>, vector<16xi1>
                %mul3A_619 = arith.constant 16 : i32
                %mul3A_620 = arith.muli %add3A_607, %mul3A_619 : i32
                %add3A_621 = vector.broadcast %mul3A_620 : i32 to vector<16xi32>
                %add3A_622 = arith.addi %iota3A, %add3A_621 : vector<16xi32>
                %swap3A_623 = arith.index_cast %add3A_603 : i32 to index
                %swap3A_624 = tpu.vector_load %arg11[%swap3A_623] masked %and3A_616 {strides = array<i32>} : memref<80xi32, #tpu.memory_space<vmem>>, vector<16xi32>, vector<16xi1>
                tpu.vector_store %arg11[%swap3A_623], %add3A_622 masked %and3A_616 {strides = array<i32>} : memref<80xi32, #tpu.memory_space<vmem>>, vector<16xi32>, vector<16xi1>
                %all_reduce_population_count3A_625 = tpu.all_reduce %and3A_616 {dim = 0 : i64, kind = #tpu.reduction_kind<sum>} : vector<16xi1> -> vector<16xi32>
                %slice3A_626 = vector.extract_strided_slice %all_reduce_population_count3A_625 {offsets = [0], sizes = [1], strides = [1]} : vector<16xi32> to vector<1xi32>
                %squeeze3A_627 = vector.extract %slice3A_626[0] : i32 from vector<1xi32>
                %add3A_628 = arith.addi %add3A_603, %squeeze3A_627 : i32
                %mul3A_629 = arith.constant 8 : i32
                %mul3A_630 = arith.muli %while3A_489, %mul3A_629 : i32
                %add3A_631 = arith.constant 5 : i32
                %add3A_632 = arith.addi %mul3A_630, %add3A_631 : i32
                %mul3A_633 = arith.constant 16 : i32
                %mul3A_634 = arith.muli %add3A_632, %mul3A_633 : i32
                %get3A_635 = arith.index_cast %mul3A_634 : i32 to index
                %get3A_636 = tpu.vector_load %arg7[%get3A_635] {strides = array<i32>} : memref<100352xf32, #tpu.memory_space<vmem>>, vector<16xf32>,
                %ge3A_637 = arith.cmpf oge, %get3A_636, %scan3A_393#2 : vector<16xf32>
                %lt3A_638 = arith.constant 64 : i32
                %lt3A_639 = arith.cmpi slt, %add3A_628, %lt3A_638 : i32
                %broadcast_in_dim3A_640 = vector.broadcast %lt3A_639 : i1 to vector<16xi1>
                %and3A_641 = arith.andi %ge3A_637, %broadcast_in_dim3A_640 : vector<16xi1>
                %swap3A_642 = arith.index_cast %add3A_628 : i32 to index
                %swap3A_643 = tpu.vector_load %arg10[%swap3A_642] masked %and3A_641 {strides = array<i32>} : memref<80xf32, #tpu.memory_space<vmem>>, vector<16xf32>, vector<16xi1>
                tpu.vector_store %arg10[%swap3A_642], %get3A_636 masked %and3A_641 {strides = array<i32>} : memref<80xf32, #tpu.memory_space<vmem>>, vector<16xf32>, vector<16xi1>
                %mul3A_644 = arith.constant 16 : i32
                %mul3A_645 = arith.muli %add3A_632, %mul3A_644 : i32
                %add3A_646 = vector.broadcast %mul3A_645 : i32 to vector<16xi32>
                %add3A_647 = arith.addi %iota3A, %add3A_646 : vector<16xi32>
                %swap3A_648 = arith.index_cast %add3A_628 : i32 to index
                %swap3A_649 = tpu.vector_load %arg11[%swap3A_648] masked %and3A_641 {strides = array<i32>} : memref<80xi32, #tpu.memory_space<vmem>>, vector<16xi32>, vector<16xi1>
                tpu.vector_store %arg11[%swap3A_648], %add3A_647 masked %and3A_641 {strides = array<i32>} : memref<80xi32, #tpu.memory_space<vmem>>, vector<16xi32>, vector<16xi1>
                %all_reduce_population_count3A_650 = tpu.all_reduce %and3A_641 {dim = 0 : i64, kind = #tpu.reduction_kind<sum>} : vector<16xi1> -> vector<16xi32>
                %slice3A_651 = vector.extract_strided_slice %all_reduce_population_count3A_650 {offsets = [0], sizes = [1], strides = [1]} : vector<16xi32> to vector<1xi32>
                %squeeze3A_652 = vector.extract %slice3A_651[0] : i32 from vector<1xi32>
                %add3A_653 = arith.addi %add3A_628, %squeeze3A_652 : i32
                %mul3A_654 = arith.constant 8 : i32
                %mul3A_655 = arith.muli %while3A_489, %mul3A_654 : i32
                %add3A_656 = arith.constant 6 : i32
                %add3A_657 = arith.addi %mul3A_655, %add3A_656 : i32
                %mul3A_658 = arith.constant 16 : i32
                %mul3A_659 = arith.muli %add3A_657, %mul3A_658 : i32
                %get3A_660 = arith.index_cast %mul3A_659 : i32 to index
                %get3A_661 = tpu.vector_load %arg7[%get3A_660] {strides = array<i32>} : memref<100352xf32, #tpu.memory_space<vmem>>, vector<16xf32>,
                %ge3A_662 = arith.cmpf oge, %get3A_661, %scan3A_393#2 : vector<16xf32>
                %lt3A_663 = arith.constant 64 : i32
                %lt3A_664 = arith.cmpi slt, %add3A_653, %lt3A_663 : i32
                %broadcast_in_dim3A_665 = vector.broadcast %lt3A_664 : i1 to vector<16xi1>
                %and3A_666 = arith.andi %ge3A_662, %broadcast_in_dim3A_665 : vector<16xi1>
                %swap3A_667 = arith.index_cast %add3A_653 : i32 to index
                %swap3A_668 = tpu.vector_load %arg10[%swap3A_667] masked %and3A_666 {strides = array<i32>} : memref<80xf32, #tpu.memory_space<vmem>>, vector<16xf32>, vector<16xi1>
                tpu.vector_store %arg10[%swap3A_667], %get3A_661 masked %and3A_666 {strides = array<i32>} : memref<80xf32, #tpu.memory_space<vmem>>, vector<16xf32>, vector<16xi1>
                %mul3A_669 = arith.constant 16 : i32
                %mul3A_670 = arith.muli %add3A_657, %mul3A_669 : i32
                %add3A_671 = vector.broadcast %mul3A_670 : i32 to vector<16xi32>
                %add3A_672 = arith.addi %iota3A, %add3A_671 : vector<16xi32>
                %swap3A_673 = arith.index_cast %add3A_653 : i32 to index
                %swap3A_674 = tpu.vector_load %arg11[%swap3A_673] masked %and3A_666 {strides = array<i32>} : memref<80xi32, #tpu.memory_space<vmem>>, vector<16xi32>, vector<16xi1>
                tpu.vector_store %arg11[%swap3A_673], %add3A_672 masked %and3A_666 {strides = array<i32>} : memref<80xi32, #tpu.memory_space<vmem>>, vector<16xi32>, vector<16xi1>
                %all_reduce_population_count3A_675 = tpu.all_reduce %and3A_666 {dim = 0 : i64, kind = #tpu.reduction_kind<sum>} : vector<16xi1> -> vector<16xi32>
                %slice3A_676 = vector.extract_strided_slice %all_reduce_population_count3A_675 {offsets = [0], sizes = [1], strides = [1]} : vector<16xi32> to vector<1xi32>
                %squeeze3A_677 = vector.extract %slice3A_676[0] : i32 from vector<1xi32>
                %add3A_678 = arith.addi %add3A_653, %squeeze3A_677 : i32
                %mul3A_679 = arith.constant 8 : i32
                %mul3A_680 = arith.muli %while3A_489, %mul3A_679 : i32
                %add3A_681 = arith.constant 7 : i32
                %add3A_682 = arith.addi %mul3A_680, %add3A_681 : i32
                %mul3A_683 = arith.constant 16 : i32
                %mul3A_684 = arith.muli %add3A_682, %mul3A_683 : i32
                %get3A_685 = arith.index_cast %mul3A_684 : i32 to index
                %get3A_686 = tpu.vector_load %arg7[%get3A_685] {strides = array<i32>} : memref<100352xf32, #tpu.memory_space<vmem>>, vector<16xf32>,
                %ge3A_687 = arith.cmpf oge, %get3A_686, %scan3A_393#2 : vector<16xf32>
                %lt3A_688 = arith.constant 64 : i32
                %lt3A_689 = arith.cmpi slt, %add3A_678, %lt3A_688 : i32
                %broadcast_in_dim3A_690 = vector.broadcast %lt3A_689 : i1 to vector<16xi1>
                %and3A_691 = arith.andi %ge3A_687, %broadcast_in_dim3A_690 : vector<16xi1>
                %swap3A_692 = arith.index_cast %add3A_678 : i32 to index
                %swap3A_693 = tpu.vector_load %arg10[%swap3A_692] masked %and3A_691 {strides = array<i32>} : memref<80xf32, #tpu.memory_space<vmem>>, vector<16xf32>, vector<16xi1>
                tpu.vector_store %arg10[%swap3A_692], %get3A_686 masked %and3A_691 {strides = array<i32>} : memref<80xf32, #tpu.memory_space<vmem>>, vector<16xf32>, vector<16xi1>
                %mul3A_694 = arith.constant 16 : i32
                %mul3A_695 = arith.muli %add3A_682, %mul3A_694 : i32
                %add3A_696 = vector.broadcast %mul3A_695 : i32 to vector<16xi32>
                %add3A_697 = arith.addi %iota3A, %add3A_696 : vector<16xi32>
                %swap3A_698 = arith.index_cast %add3A_678 : i32 to index
                %swap3A_699 = tpu.vector_load %arg11[%swap3A_698] masked %and3A_691 {strides = array<i32>} : memref<80xi32, #tpu.memory_space<vmem>>, vector<16xi32>, vector<16xi1>
                tpu.vector_store %arg11[%swap3A_698], %add3A_697 masked %and3A_691 {strides = array<i32>} : memref<80xi32, #tpu.memory_space<vmem>>, vector<16xi32>, vector<16xi1>
                %all_reduce_population_count3A_700 = tpu.all_reduce %and3A_691 {dim = 0 : i64, kind = #tpu.reduction_kind<sum>} : vector<16xi1> -> vector<16xi32>
                %slice3A_701 = vector.extract_strided_slice %all_reduce_population_count3A_700 {offsets = [0], sizes = [1], strides = [1]} : vector<16xi32> to vector<1xi32>
                %squeeze3A_702 = vector.extract %slice3A_701[0] : i32 from vector<1xi32>
                %add3A_703 = arith.addi %add3A_678, %squeeze3A_702 : i32
                scf.yield %add3A_703 : i32
              } else {
                scf.yield %while3A_490 : i32
              }
              scf.yield %cond3A_504 : i32
            }
            %while3A_487 = arith.constant 1 : i32
            %while3A_488 = scf.for %while3A_489 = %while3A_484 to %while3A_480 step %while3A_487 iter_args(%while3A_490 = %while3A_486) -> (i32)  : i32 {
              %mul3A_491 = arith.constant 16 : i32
              %mul3A_492 = arith.muli %while3A_489, %mul3A_491 : i32
              %get3A_493 = arith.index_cast %mul3A_492 : i32 to index
              %get3A_494 = tpu.vector_load %arg8[%get3A_493] {strides = array<i32>} : memref<12544xf32, #tpu.memory_space<vmem>>, vector<16xf32>,
              %ge3A_495 = arith.cmpf oge, %get3A_494, %scan3A_393#2 : vector<16xf32>
              %all_reduce_population_count3A_496 = tpu.all_reduce %ge3A_495 {dim = 0 : i64, kind = #tpu.reduction_kind<sum>} : vector<16xi1> -> vector<16xi32>
              %slice3A_497 = vector.extract_strided_slice %all_reduce_population_count3A_496 {offsets = [0], sizes = [1], strides = [1]} : vector<16xi32> to vector<1xi32>
              %squeeze3A_498 = vector.extract %slice3A_497[0] : i32 from vector<1xi32>
              %gt3A_499 = arith.constant 0 : i32
              %gt3A_500 = arith.cmpi sgt, %squeeze3A_498, %gt3A_499 : i32
              %convert_element_type3A_501 = arith.extui %gt3A_500 : i1 to i32
              %cond3A_502 = arith.constant 0 : i32
              %cond3A_503 = arith.cmpi ne, %convert_element_type3A_501, %cond3A_502 : i32
              %cond3A_504 = scf.if %cond3A_503 -> (i32) {
                %mul3A_505 = arith.constant 8 : i32
                %mul3A_506 = arith.muli %while3A_489, %mul3A_505 : i32
                %add3A_507 = arith.constant 0 : i32
                %add3A_508 = arith.addi %mul3A_506, %add3A_507 : i32
                %mul3A_509 = arith.constant 16 : i32
                %mul3A_510 = arith.muli %add3A_508, %mul3A_509 : i32
                %get3A_511 = arith.index_cast %mul3A_510 : i32 to index
                %get3A_512 = tpu.vector_load %arg7[%get3A_511] {strides = array<i32>} : memref<100352xf32, #tpu.memory_space<vmem>>, vector<16xf32>,
                %ge3A_513 = arith.cmpf oge, %get3A_512, %scan3A_393#2 : vector<16xf32>
                %lt3A_514 = arith.constant 64 : i32
                %lt3A_515 = arith.cmpi slt, %while3A_490, %lt3A_514 : i32
                %broadcast_in_dim3A_516 = vector.broadcast %lt3A_515 : i1 to vector<16xi1>
                %and3A = arith.andi %ge3A_513, %broadcast_in_dim3A_516 : vector<16xi1>
                %swap3A_517 = arith.index_cast %while3A_490 : i32 to index
                %swap3A_518 = tpu.vector_load %arg10[%swap3A_517] masked %and3A {strides = array<i32>} : memref<80xf32, #tpu.memory_space<vmem>>, vector<16xf32>, vector<16xi1>
                tpu.vector_store %arg10[%swap3A_517], %get3A_512 masked %and3A {strides = array<i32>} : memref<80xf32, #tpu.memory_space<vmem>>, vector<16xf32>, vector<16xi1>
                %mul3A_519 = arith.constant 16 : i32
                %mul3A_520 = arith.muli %add3A_508, %mul3A_519 : i32
                %add3A_521 = vector.broadcast %mul3A_520 : i32 to vector<16xi32>
                %add3A_522 = arith.addi %iota3A, %add3A_521 : vector<16xi32>
                %swap3A_523 = arith.index_cast %while3A_490 : i32 to index
                %swap3A_524 = tpu.vector_load %arg11[%swap3A_523] masked %and3A {strides = array<i32>} : memref<80xi32, #tpu.memory_space<vmem>>, vector<16xi32>, vector<16xi1>
                tpu.vector_store %arg11[%swap3A_523], %add3A_522 masked %and3A {strides = array<i32>} : memref<80xi32, #tpu.memory_space<vmem>>, vector<16xi32>, vector<16xi1>
                %all_reduce_population_count3A_525 = tpu.all_reduce %and3A {dim = 0 : i64, kind = #tpu.reduction_kind<sum>} : vector<16xi1> -> vector<16xi32>
                %slice3A_526 = vector.extract_strided_slice %all_reduce_population_count3A_525 {offsets = [0], sizes = [1], strides = [1]} : vector<16xi32> to vector<1xi32>
                %squeeze3A_527 = vector.extract %slice3A_526[0] : i32 from vector<1xi32>
                %add3A_528 = arith.addi %while3A_490, %squeeze3A_527 : i32
                %mul3A_529 = arith.constant 8 : i32
                %mul3A_530 = arith.muli %while3A_489, %mul3A_529 : i32
                %add3A_531 = arith.constant 1 : i32
                %add3A_532 = arith.addi %mul3A_530, %add3A_531 : i32
                %mul3A_533 = arith.constant 16 : i32
                %mul3A_534 = arith.muli %add3A_532, %mul3A_533 : i32
                %get3A_535 = arith.index_cast %mul3A_534 : i32 to index
                %get3A_536 = tpu.vector_load %arg7[%get3A_535] {strides = array<i32>} : memref<100352xf32, #tpu.memory_space<vmem>>, vector<16xf32>,
                %ge3A_537 = arith.cmpf oge, %get3A_536, %scan3A_393#2 : vector<16xf32>
                %lt3A_538 = arith.constant 64 : i32
                %lt3A_539 = arith.cmpi slt, %add3A_528, %lt3A_538 : i32
                %broadcast_in_dim3A_540 = vector.broadcast %lt3A_539 : i1 to vector<16xi1>
                %and3A_541 = arith.andi %ge3A_537, %broadcast_in_dim3A_540 : vector<16xi1>
                %swap3A_542 = arith.index_cast %add3A_528 : i32 to index
                %swap3A_543 = tpu.vector_load %arg10[%swap3A_542] masked %and3A_541 {strides = array<i32>} : memref<80xf32, #tpu.memory_space<vmem>>, vector<16xf32>, vector<16xi1>
                tpu.vector_store %arg10[%swap3A_542], %get3A_536 masked %and3A_541 {strides = array<i32>} : memref<80xf32, #tpu.memory_space<vmem>>, vector<16xf32>, vector<16xi1>
                %mul3A_544 = arith.constant 16 : i32
                %mul3A_545 = arith.muli %add3A_532, %mul3A_544 : i32
                %add3A_546 = vector.broadcast %mul3A_545 : i32 to vector<16xi32>
                %add3A_547 = arith.addi %iota3A, %add3A_546 : vector<16xi32>
                %swap3A_548 = arith.index_cast %add3A_528 : i32 to index
                %swap3A_549 = tpu.vector_load %arg11[%swap3A_548] masked %and3A_541 {strides = array<i32>} : memref<80xi32, #tpu.memory_space<vmem>>, vector<16xi32>, vector<16xi1>
                tpu.vector_store %arg11[%swap3A_548], %add3A_547 masked %and3A_541 {strides = array<i32>} : memref<80xi32, #tpu.memory_space<vmem>>, vector<16xi32>, vector<16xi1>
                %all_reduce_population_count3A_550 = tpu.all_reduce %and3A_541 {dim = 0 : i64, kind = #tpu.reduction_kind<sum>} : vector<16xi1> -> vector<16xi32>
                %slice3A_551 = vector.extract_strided_slice %all_reduce_population_count3A_550 {offsets = [0], sizes = [1], strides = [1]} : vector<16xi32> to vector<1xi32>
                %squeeze3A_552 = vector.extract %slice3A_551[0] : i32 from vector<1xi32>
                %add3A_553 = arith.addi %add3A_528, %squeeze3A_552 : i32
                %mul3A_554 = arith.constant 8 : i32
                %mul3A_555 = arith.muli %while3A_489, %mul3A_554 : i32
                %add3A_556 = arith.constant 2 : i32
                %add3A_557 = arith.addi %mul3A_555, %add3A_556 : i32
                %mul3A_558 = arith.constant 16 : i32
                %mul3A_559 = arith.muli %add3A_557, %mul3A_558 : i32
                %get3A_560 = arith.index_cast %mul3A_559 : i32 to index
                %get3A_561 = tpu.vector_load %arg7[%get3A_560] {strides = array<i32>} : memref<100352xf32, #tpu.memory_space<vmem>>, vector<16xf32>,
                %ge3A_562 = arith.cmpf oge, %get3A_561, %scan3A_393#2 : vector<16xf32>
                %lt3A_563 = arith.constant 64 : i32
                %lt3A_564 = arith.cmpi slt, %add3A_553, %lt3A_563 : i32
                %broadcast_in_dim3A_565 = vector.broadcast %lt3A_564 : i1 to vector<16xi1>
                %and3A_566 = arith.andi %ge3A_562, %broadcast_in_dim3A_565 : vector<16xi1>
                %swap3A_567 = arith.index_cast %add3A_553 : i32 to index
                %swap3A_568 = tpu.vector_load %arg10[%swap3A_567] masked %and3A_566 {strides = array<i32>} : memref<80xf32, #tpu.memory_space<vmem>>, vector<16xf32>, vector<16xi1>
                tpu.vector_store %arg10[%swap3A_567], %get3A_561 masked %and3A_566 {strides = array<i32>} : memref<80xf32, #tpu.memory_space<vmem>>, vector<16xf32>, vector<16xi1>
                %mul3A_569 = arith.constant 16 : i32
                %mul3A_570 = arith.muli %add3A_557, %mul3A_569 : i32
                %add3A_571 = vector.broadcast %mul3A_570 : i32 to vector<16xi32>
                %add3A_572 = arith.addi %iota3A, %add3A_571 : vector<16xi32>
                %swap3A_573 = arith.index_cast %add3A_553 : i32 to index
                %swap3A_574 = tpu.vector_load %arg11[%swap3A_573] masked %and3A_566 {strides = array<i32>} : memref<80xi32, #tpu.memory_space<vmem>>, vector<16xi32>, vector<16xi1>
                tpu.vector_store %arg11[%swap3A_573], %add3A_572 masked %and3A_566 {strides = array<i32>} : memref<80xi32, #tpu.memory_space<vmem>>, vector<16xi32>, vector<16xi1>
                %all_reduce_population_count3A_575 = tpu.all_reduce %and3A_566 {dim = 0 : i64, kind = #tpu.reduction_kind<sum>} : vector<16xi1> -> vector<16xi32>
                %slice3A_576 = vector.extract_strided_slice %all_reduce_population_count3A_575 {offsets = [0], sizes = [1], strides = [1]} : vector<16xi32> to vector<1xi32>
                %squeeze3A_577 = vector.extract %slice3A_576[0] : i32 from vector<1xi32>
                %add3A_578 = arith.addi %add3A_553, %squeeze3A_577 : i32
                %mul3A_579 = arith.constant 8 : i32
                %mul3A_580 = arith.muli %while3A_489, %mul3A_579 : i32
                %add3A_581 = arith.constant 3 : i32
                %add3A_582 = arith.addi %mul3A_580, %add3A_581 : i32
                %mul3A_583 = arith.constant 16 : i32
                %mul3A_584 = arith.muli %add3A_582, %mul3A_583 : i32
                %get3A_585 = arith.index_cast %mul3A_584 : i32 to index
                %get3A_586 = tpu.vector_load %arg7[%get3A_585] {strides = array<i32>} : memref<100352xf32, #tpu.memory_space<vmem>>, vector<16xf32>,
                %ge3A_587 = arith.cmpf oge, %get3A_586, %scan3A_393#2 : vector<16xf32>
                %lt3A_588 = arith.constant 64 : i32
                %lt3A_589 = arith.cmpi slt, %add3A_578, %lt3A_588 : i32
                %broadcast_in_dim3A_590 = vector.broadcast %lt3A_589 : i1 to vector<16xi1>
                %and3A_591 = arith.andi %ge3A_587, %broadcast_in_dim3A_590 : vector<16xi1>
                %swap3A_592 = arith.index_cast %add3A_578 : i32 to index
                %swap3A_593 = tpu.vector_load %arg10[%swap3A_592] masked %and3A_591 {strides = array<i32>} : memref<80xf32, #tpu.memory_space<vmem>>, vector<16xf32>, vector<16xi1>
                tpu.vector_store %arg10[%swap3A_592], %get3A_586 masked %and3A_591 {strides = array<i32>} : memref<80xf32, #tpu.memory_space<vmem>>, vector<16xf32>, vector<16xi1>
                %mul3A_594 = arith.constant 16 : i32
                %mul3A_595 = arith.muli %add3A_582, %mul3A_594 : i32
                %add3A_596 = vector.broadcast %mul3A_595 : i32 to vector<16xi32>
                %add3A_597 = arith.addi %iota3A, %add3A_596 : vector<16xi32>
                %swap3A_598 = arith.index_cast %add3A_578 : i32 to index
                %swap3A_599 = tpu.vector_load %arg11[%swap3A_598] masked %and3A_591 {strides = array<i32>} : memref<80xi32, #tpu.memory_space<vmem>>, vector<16xi32>, vector<16xi1>
                tpu.vector_store %arg11[%swap3A_598], %add3A_597 masked %and3A_591 {strides = array<i32>} : memref<80xi32, #tpu.memory_space<vmem>>, vector<16xi32>, vector<16xi1>
                %all_reduce_population_count3A_600 = tpu.all_reduce %and3A_591 {dim = 0 : i64, kind = #tpu.reduction_kind<sum>} : vector<16xi1> -> vector<16xi32>
                %slice3A_601 = vector.extract_strided_slice %all_reduce_population_count3A_600 {offsets = [0], sizes = [1], strides = [1]} : vector<16xi32> to vector<1xi32>
                %squeeze3A_602 = vector.extract %slice3A_601[0] : i32 from vector<1xi32>
                %add3A_603 = arith.addi %add3A_578, %squeeze3A_602 : i32
                %mul3A_604 = arith.constant 8 : i32
                %mul3A_605 = arith.muli %while3A_489, %mul3A_604 : i32
                %add3A_606 = arith.constant 4 : i32
                %add3A_607 = arith.addi %mul3A_605, %add3A_606 : i32
                %mul3A_608 = arith.constant 16 : i32
                %mul3A_609 = arith.muli %add3A_607, %mul3A_608 : i32
                %get3A_610 = arith.index_cast %mul3A_609 : i32 to index
                %get3A_611 = tpu.vector_load %arg7[%get3A_610] {strides = array<i32>} : memref<100352xf32, #tpu.memory_space<vmem>>, vector<16xf32>,
                %ge3A_612 = arith.cmpf oge, %get3A_611, %scan3A_393#2 : vector<16xf32>
                %lt3A_613 = arith.constant 64 : i32
                %lt3A_614 = arith.cmpi slt, %add3A_603, %lt3A_613 : i32
                %broadcast_in_dim3A_615 = vector.broadcast %lt3A_614 : i1 to vector<16xi1>
                %and3A_616 = arith.andi %ge3A_612, %broadcast_in_dim3A_615 : vector<16xi1>
                %swap3A_617 = arith.index_cast %add3A_603 : i32 to index
                %swap3A_618 = tpu.vector_load %arg10[%swap3A_617] masked %and3A_616 {strides = array<i32>} : memref<80xf32, #tpu.memory_space<vmem>>, vector<16xf32>, vector<16xi1>
                tpu.vector_store %arg10[%swap3A_617], %get3A_611 masked %and3A_616 {strides = array<i32>} : memref<80xf32, #tpu.memory_space<vmem>>, vector<16xf32>, vector<16xi1>
                %mul3A_619 = arith.constant 16 : i32
                %mul3A_620 = arith.muli %add3A_607, %mul3A_619 : i32
                %add3A_621 = vector.broadcast %mul3A_620 : i32 to vector<16xi32>
                %add3A_622 = arith.addi %iota3A, %add3A_621 : vector<16xi32>
                %swap3A_623 = arith.index_cast %add3A_603 : i32 to index
                %swap3A_624 = tpu.vector_load %arg11[%swap3A_623] masked %and3A_616 {strides = array<i32>} : memref<80xi32, #tpu.memory_space<vmem>>, vector<16xi32>, vector<16xi1>
                tpu.vector_store %arg11[%swap3A_623], %add3A_622 masked %and3A_616 {strides = array<i32>} : memref<80xi32, #tpu.memory_space<vmem>>, vector<16xi32>, vector<16xi1>
                %all_reduce_population_count3A_625 = tpu.all_reduce %and3A_616 {dim = 0 : i64, kind = #tpu.reduction_kind<sum>} : vector<16xi1> -> vector<16xi32>
                %slice3A_626 = vector.extract_strided_slice %all_reduce_population_count3A_625 {offsets = [0], sizes = [1], strides = [1]} : vector<16xi32> to vector<1xi32>
                %squeeze3A_627 = vector.extract %slice3A_626[0] : i32 from vector<1xi32>
                %add3A_628 = arith.addi %add3A_603, %squeeze3A_627 : i32
                %mul3A_629 = arith.constant 8 : i32
                %mul3A_630 = arith.muli %while3A_489, %mul3A_629 : i32
                %add3A_631 = arith.constant 5 : i32
                %add3A_632 = arith.addi %mul3A_630, %add3A_631 : i32
                %mul3A_633 = arith.constant 16 : i32
                %mul3A_634 = arith.muli %add3A_632, %mul3A_633 : i32
                %get3A_635 = arith.index_cast %mul3A_634 : i32 to index
                %get3A_636 = tpu.vector_load %arg7[%get3A_635] {strides = array<i32>} : memref<100352xf32, #tpu.memory_space<vmem>>, vector<16xf32>,
                %ge3A_637 = arith.cmpf oge, %get3A_636, %scan3A_393#2 : vector<16xf32>
                %lt3A_638 = arith.constant 64 : i32
                %lt3A_639 = arith.cmpi slt, %add3A_628, %lt3A_638 : i32
                %broadcast_in_dim3A_640 = vector.broadcast %lt3A_639 : i1 to vector<16xi1>
                %and3A_641 = arith.andi %ge3A_637, %broadcast_in_dim3A_640 : vector<16xi1>
                %swap3A_642 = arith.index_cast %add3A_628 : i32 to index
                %swap3A_643 = tpu.vector_load %arg10[%swap3A_642] masked %and3A_641 {strides = array<i32>} : memref<80xf32, #tpu.memory_space<vmem>>, vector<16xf32>, vector<16xi1>
                tpu.vector_store %arg10[%swap3A_642], %get3A_636 masked %and3A_641 {strides = array<i32>} : memref<80xf32, #tpu.memory_space<vmem>>, vector<16xf32>, vector<16xi1>
                %mul3A_644 = arith.constant 16 : i32
                %mul3A_645 = arith.muli %add3A_632, %mul3A_644 : i32
                %add3A_646 = vector.broadcast %mul3A_645 : i32 to vector<16xi32>
                %add3A_647 = arith.addi %iota3A, %add3A_646 : vector<16xi32>
                %swap3A_648 = arith.index_cast %add3A_628 : i32 to index
                %swap3A_649 = tpu.vector_load %arg11[%swap3A_648] masked %and3A_641 {strides = array<i32>} : memref<80xi32, #tpu.memory_space<vmem>>, vector<16xi32>, vector<16xi1>
                tpu.vector_store %arg11[%swap3A_648], %add3A_647 masked %and3A_641 {strides = array<i32>} : memref<80xi32, #tpu.memory_space<vmem>>, vector<16xi32>, vector<16xi1>
                %all_reduce_population_count3A_650 = tpu.all_reduce %and3A_641 {dim = 0 : i64, kind = #tpu.reduction_kind<sum>} : vector<16xi1> -> vector<16xi32>
                %slice3A_651 = vector.extract_strided_slice %all_reduce_population_count3A_650 {offsets = [0], sizes = [1], strides = [1]} : vector<16xi32> to vector<1xi32>
                %squeeze3A_652 = vector.extract %slice3A_651[0] : i32 from vector<1xi32>
                %add3A_653 = arith.addi %add3A_628, %squeeze3A_652 : i32
                %mul3A_654 = arith.constant 8 : i32
                %mul3A_655 = arith.muli %while3A_489, %mul3A_654 : i32
                %add3A_656 = arith.constant 6 : i32
                %add3A_657 = arith.addi %mul3A_655, %add3A_656 : i32
                %mul3A_658 = arith.constant 16 : i32
                %mul3A_659 = arith.muli %add3A_657, %mul3A_658 : i32
                %get3A_660 = arith.index_cast %mul3A_659 : i32 to index
                %get3A_661 = tpu.vector_load %arg7[%get3A_660] {strides = array<i32>} : memref<100352xf32, #tpu.memory_space<vmem>>, vector<16xf32>,
                %ge3A_662 = arith.cmpf oge, %get3A_661, %scan3A_393#2 : vector<16xf32>
                %lt3A_663 = arith.constant 64 : i32
                %lt3A_664 = arith.cmpi slt, %add3A_653, %lt3A_663 : i32
                %broadcast_in_dim3A_665 = vector.broadcast %lt3A_664 : i1 to vector<16xi1>
                %and3A_666 = arith.andi %ge3A_662, %broadcast_in_dim3A_665 : vector<16xi1>
                %swap3A_667 = arith.index_cast %add3A_653 : i32 to index
                %swap3A_668 = tpu.vector_load %arg10[%swap3A_667] masked %and3A_666 {strides = array<i32>} : memref<80xf32, #tpu.memory_space<vmem>>, vector<16xf32>, vector<16xi1>
                tpu.vector_store %arg10[%swap3A_667], %get3A_661 masked %and3A_666 {strides = array<i32>} : memref<80xf32, #tpu.memory_space<vmem>>, vector<16xf32>, vector<16xi1>
                %mul3A_669 = arith.constant 16 : i32
                %mul3A_670 = arith.muli %add3A_657, %mul3A_669 : i32
                %add3A_671 = vector.broadcast %mul3A_670 : i32 to vector<16xi32>
                %add3A_672 = arith.addi %iota3A, %add3A_671 : vector<16xi32>
                %swap3A_673 = arith.index_cast %add3A_653 : i32 to index
                %swap3A_674 = tpu.vector_load %arg11[%swap3A_673] masked %and3A_666 {strides = array<i32>} : memref<80xi32, #tpu.memory_space<vmem>>, vector<16xi32>, vector<16xi1>
                tpu.vector_store %arg11[%swap3A_673], %add3A_672 masked %and3A_666 {strides = array<i32>} : memref<80xi32, #tpu.memory_space<vmem>>, vector<16xi32>, vector<16xi1>
                %all_reduce_population_count3A_675 = tpu.all_reduce %and3A_666 {dim = 0 : i64, kind = #tpu.reduction_kind<sum>} : vector<16xi1> -> vector<16xi32>
                %slice3A_676 = vector.extract_strided_slice %all_reduce_population_count3A_675 {offsets = [0], sizes = [1], strides = [1]} : vector<16xi32> to vector<1xi32>
                %squeeze3A_677 = vector.extract %slice3A_676[0] : i32 from vector<1xi32>
                %add3A_678 = arith.addi %add3A_653, %squeeze3A_677 : i32
                %mul3A_679 = arith.constant 8 : i32
                %mul3A_680 = arith.muli %while3A_489, %mul3A_679 : i32
                %add3A_681 = arith.constant 7 : i32
                %add3A_682 = arith.addi %mul3A_680, %add3A_681 : i32
                %mul3A_683 = arith.constant 16 : i32
                %mul3A_684 = arith.muli %add3A_682, %mul3A_683 : i32
                %get3A_685 = arith.index_cast %mul3A_684 : i32 to index
                %get3A_686 = tpu.vector_load %arg7[%get3A_685] {strides = array<i32>} : memref<100352xf32, #tpu.memory_space<vmem>>, vector<16xf32>,
                %ge3A_687 = arith.cmpf oge, %get3A_686, %scan3A_393#2 : vector<16xf32>
                %lt3A_688 = arith.constant 64 : i32
                %lt3A_689 = arith.cmpi slt, %add3A_678, %lt3A_688 : i32
                %broadcast_in_dim3A_690 = vector.broadcast %lt3A_689 : i1 to vector<16xi1>
                %and3A_691 = arith.andi %ge3A_687, %broadcast_in_dim3A_690 : vector<16xi1>
                %swap3A_692 = arith.index_cast %add3A_678 : i32 to index
                %swap3A_693 = tpu.vector_load %arg10[%swap3A_692] masked %and3A_691 {strides = array<i32>} : memref<80xf32, #tpu.memory_space<vmem>>, vector<16xf32>, vector<16xi1>
                tpu.vector_store %arg10[%swap3A_692], %get3A_686 masked %and3A_691 {strides = array<i32>} : memref<80xf32, #tpu.memory_space<vmem>>, vector<16xf32>, vector<16xi1>
                %mul3A_694 = arith.constant 16 : i32
                %mul3A_695 = arith.muli %add3A_682, %mul3A_694 : i32
                %add3A_696 = vector.broadcast %mul3A_695 : i32 to vector<16xi32>
                %add3A_697 = arith.addi %iota3A, %add3A_696 : vector<16xi32>
                %swap3A_698 = arith.index_cast %add3A_678 : i32 to index
                %swap3A_699 = tpu.vector_load %arg11[%swap3A_698] masked %and3A_691 {strides = array<i32>} : memref<80xi32, #tpu.memory_space<vmem>>, vector<16xi32>, vector<16xi1>
                tpu.vector_store %arg11[%swap3A_698], %add3A_697 masked %and3A_691 {strides = array<i32>} : memref<80xi32, #tpu.memory_space<vmem>>, vector<16xi32>, vector<16xi1>
                %all_reduce_population_count3A_700 = tpu.all_reduce %and3A_691 {dim = 0 : i64, kind = #tpu.reduction_kind<sum>} : vector<16xi1> -> vector<16xi32>
                %slice3A_701 = vector.extract_strided_slice %all_reduce_population_count3A_700 {offsets = [0], sizes = [1], strides = [1]} : vector<16xi32> to vector<1xi32>
                %squeeze3A_702 = vector.extract %slice3A_701[0] : i32 from vector<1xi32>
                %add3A_703 = arith.addi %add3A_678, %squeeze3A_702 : i32
                scf.yield %add3A_703 : i32
              } else {
                scf.yield %while3A_490 : i32
              }
              scf.yield %cond3A_504 : i32
            }
            scf.yield %while3A_488 : i32
          } else {
            scf.yield %scan3A_460 : i32
          }
          scf.yield %cond3A_473 : i32
        }
        %scan3A_441 = arith.constant 49 : i32
        %broadcast_in_dim3A_442 = arith.constant 0 : i32
        %broadcast_in_dim3A_443 = vector.broadcast %broadcast_in_dim3A_442 : i32 to vector<16xi32>
        %scan3A_444 = arith.constant 0 : i32
        %scan3A_445 = arith.constant 20 : i32
        %scan3A_446 = arith.addi %scan3A_444, %scan3A_445 : i32
        %scan3A_447 = arith.constant 1 : i32
        %scan3A_448:2 = scf.for %scan3A_459 = %scan3A_444 to %scan3A_446 step %scan3A_447 iter_args(%scan3A_460 = %broadcast_in_dim3A_443, %scan3A_461 = %broadcast_in_dim3A_443) -> (vector<16xi32>, vector<16xi32>)  : i32 {
          %broadcast_in_dim3A_462 = arith.constant 0xFF800000 : f32
          %broadcast_in_dim3A_463 = vector.broadcast %broadcast_in_dim3A_462 : f32 to vector<16xf32>
          %get3A_464 = arith.constant 0 : index
          %get3A_465 = tpu.vector_load %arg10[%get3A_464] {strides = array<i32>} : memref<80xf32, #tpu.memory_space<vmem>>, vector<16xf32>,
          %max3A_466 = arith.maximumf %broadcast_in_dim3A_463, %get3A_465 : vector<16xf32>
          %get3A_467 = arith.constant 16 : index
          %get3A_468 = tpu.vector_load %arg10[%get3A_467] {strides = array<i32>} : memref<80xf32, #tpu.memory_space<vmem>>, vector<16xf32>,
          %max3A_469 = arith.maximumf %max3A_466, %get3A_468 : vector<16xf32>
          %get3A_470 = arith.constant 32 : index
          %get3A_471 = tpu.vector_load %arg10[%get3A_470] {strides = array<i32>} : memref<80xf32, #tpu.memory_space<vmem>>, vector<16xf32>,
          %max3A_472 = arith.maximumf %max3A_469, %get3A_471 : vector<16xf32>
          %get3A_473 = arith.constant 48 : index
          %get3A_474 = tpu.vector_load %arg10[%get3A_473] {strides = array<i32>} : memref<80xf32, #tpu.memory_space<vmem>>, vector<16xf32>,
          %max3A_475 = arith.maximumf %max3A_472, %get3A_474 : vector<16xf32>
          %get3A_476 = arith.constant 64 : index
          %get3A_477 = tpu.vector_load %arg10[%get3A_476] {strides = array<i32>} : memref<80xf32, #tpu.memory_space<vmem>>, vector<16xf32>,
          %max3A_478 = arith.maximumf %max3A_475, %get3A_477 : vector<16xf32>
          %xor3A = arith.constant 8 : i32
          %xor3A_479 = vector.broadcast %xor3A : i32 to vector<16xi32>
          %xor3A_480 = arith.xori %iota3A, %xor3A_479 : vector<16xi32>
          %lt3A_481 = arith.constant 0 : i32
          %lt3A_482 = vector.broadcast %lt3A_481 : i32 to vector<16xi32>
          %lt3A_483 = arith.cmpi slt, %xor3A_480, %lt3A_482 : vector<16xi32>
          %add3A_484 = arith.constant 16 : i32
          %add3A_485 = vector.broadcast %add3A_484 : i32 to vector<16xi32>
          %add3A_486 = arith.addi %xor3A_480, %add3A_485 : vector<16xi32>
          %select_n3A_487 = arith.select %lt3A_483, %add3A_486, %xor3A_480 : vector<16xi1>, vector<16xi32>
          %broadcast_in_dim3A_488 = vector.shape_cast %select_n3A_487 : vector<16xi32> to vector<16x1xi32>
          %gather3A = vector.shape_cast %broadcast_in_dim3A_488 : vector<16x1xi32> to vector<16xi32>
          %gather3A_489 = tpu.dynamic_gather %max3A_478[%gather3A] in [0] : vector<16xf32>, vector<16xi32> -> vector<16xf32>
          %max3A_490 = arith.maximumf %max3A_478, %gather3A_489 : vector<16xf32>
          %xor3A_491 = arith.constant 4 : i32
          %xor3A_492 = vector.broadcast %xor3A_491 : i32 to vector<16xi32>
          %xor3A_493 = arith.xori %iota3A, %xor3A_492 : vector<16xi32>
          %lt3A_494 = arith.constant 0 : i32
          %lt3A_495 = vector.broadcast %lt3A_494 : i32 to vector<16xi32>
          %lt3A_496 = arith.cmpi slt, %xor3A_493, %lt3A_495 : vector<16xi32>
          %add3A_497 = arith.constant 16 : i32
          %add3A_498 = vector.broadcast %add3A_497 : i32 to vector<16xi32>
          %add3A_499 = arith.addi %xor3A_493, %add3A_498 : vector<16xi32>
          %select_n3A_500 = arith.select %lt3A_496, %add3A_499, %xor3A_493 : vector<16xi1>, vector<16xi32>
          %broadcast_in_dim3A_501 = vector.shape_cast %select_n3A_500 : vector<16xi32> to vector<16x1xi32>
          %gather3A_502 = vector.shape_cast %broadcast_in_dim3A_501 : vector<16x1xi32> to vector<16xi32>
          %gather3A_503 = tpu.dynamic_gather %max3A_490[%gather3A_502] in [0] : vector<16xf32>, vector<16xi32> -> vector<16xf32>
          %max3A_504 = arith.maximumf %max3A_490, %gather3A_503 : vector<16xf32>
          %xor3A_505 = arith.constant 2 : i32
          %xor3A_506 = vector.broadcast %xor3A_505 : i32 to vector<16xi32>
          %xor3A_507 = arith.xori %iota3A, %xor3A_506 : vector<16xi32>
          %lt3A_508 = arith.constant 0 : i32
          %lt3A_509 = vector.broadcast %lt3A_508 : i32 to vector<16xi32>
          %lt3A_510 = arith.cmpi slt, %xor3A_507, %lt3A_509 : vector<16xi32>
          %add3A_511 = arith.constant 16 : i32
          %add3A_512 = vector.broadcast %add3A_511 : i32 to vector<16xi32>
          %add3A_513 = arith.addi %xor3A_507, %add3A_512 : vector<16xi32>
          %select_n3A_514 = arith.select %lt3A_510, %add3A_513, %xor3A_507 : vector<16xi1>, vector<16xi32>
          %broadcast_in_dim3A_515 = vector.shape_cast %select_n3A_514 : vector<16xi32> to vector<16x1xi32>
          %gather3A_516 = vector.shape_cast %broadcast_in_dim3A_515 : vector<16x1xi32> to vector<16xi32>
          %gather3A_517 = tpu.dynamic_gather %max3A_504[%gather3A_516] in [0] : vector<16xf32>, vector<16xi32> -> vector<16xf32>
          %max3A_518 = arith.maximumf %max3A_504, %gather3A_517 : vector<16xf32>
          %xor3A_519 = arith.constant 1 : i32
          %xor3A_520 = vector.broadcast %xor3A_519 : i32 to vector<16xi32>
          %xor3A_521 = arith.xori %iota3A, %xor3A_520 : vector<16xi32>
          %lt3A_522 = arith.constant 0 : i32
          %lt3A_523 = vector.broadcast %lt3A_522 : i32 to vector<16xi32>
          %lt3A_524 = arith.cmpi slt, %xor3A_521, %lt3A_523 : vector<16xi32>
          %add3A_525 = arith.constant 16 : i32
          %add3A_526 = vector.broadcast %add3A_525 : i32 to vector<16xi32>
          %add3A_527 = arith.addi %xor3A_521, %add3A_526 : vector<16xi32>
          %select_n3A_528 = arith.select %lt3A_524, %add3A_527, %xor3A_521 : vector<16xi1>, vector<16xi32>
          %broadcast_in_dim3A_529 = vector.shape_cast %select_n3A_528 : vector<16xi32> to vector<16x1xi32>
          %gather3A_530 = vector.shape_cast %broadcast_in_dim3A_529 : vector<16x1xi32> to vector<16xi32>
          %gather3A_531 = tpu.dynamic_gather %max3A_518[%gather3A_530] in [0] : vector<16xf32>, vector<16xi32> -> vector<16xf32>
          %max3A_532 = arith.maximumf %max3A_518, %gather3A_531 : vector<16xf32>
          %broadcast_in_dim3A_533 = arith.constant 1073741824 : i32
          %broadcast_in_dim3A_534 = vector.broadcast %broadcast_in_dim3A_533 : i32 to vector<16xi32>
          %get3A_535 = arith.constant 0 : index
          %get3A_536 = tpu.vector_load %arg10[%get3A_535] {strides = array<i32>} : memref<80xf32, #tpu.memory_space<vmem>>, vector<16xf32>,
          %get3A_537 = arith.constant 0 : index
          %get3A_538 = tpu.vector_load %arg11[%get3A_537] {strides = array<i32>} : memref<80xi32, #tpu.memory_space<vmem>>, vector<16xi32>,
          %eq3A_539 = arith.cmpf oeq, %get3A_536, %max3A_532 : vector<16xf32>
          %jit3A_540 = arith.constant 1073741824 : i32
          %broadcast_in_dim3A_541 = vector.broadcast %jit3A_540 : i32 to vector<16xi32>
          %select_n3A_542 = arith.select %eq3A_539, %get3A_538, %broadcast_in_dim3A_541 : vector<16xi1>, vector<16xi32>
          %min3A_543 = arith.minsi %broadcast_in_dim3A_534, %select_n3A_542 : vector<16xi32>
          %get3A_544 = arith.constant 16 : index
          %get3A_545 = tpu.vector_load %arg10[%get3A_544] {strides = array<i32>} : memref<80xf32, #tpu.memory_space<vmem>>, vector<16xf32>,
          %get3A_546 = arith.constant 16 : index
          %get3A_547 = tpu.vector_load %arg11[%get3A_546] {strides = array<i32>} : memref<80xi32, #tpu.memory_space<vmem>>, vector<16xi32>,
          %eq3A_548 = arith.cmpf oeq, %get3A_545, %max3A_532 : vector<16xf32>
          %jit3A_549 = arith.constant 1073741824 : i32
          %broadcast_in_dim3A_550 = vector.broadcast %jit3A_549 : i32 to vector<16xi32>
          %select_n3A_551 = arith.select %eq3A_548, %get3A_547, %broadcast_in_dim3A_550 : vector<16xi1>, vector<16xi32>
          %min3A_552 = arith.minsi %min3A_543, %select_n3A_551 : vector<16xi32>
          %get3A_553 = arith.constant 32 : index
          %get3A_554 = tpu.vector_load %arg10[%get3A_553] {strides = array<i32>} : memref<80xf32, #tpu.memory_space<vmem>>, vector<16xf32>,
          %get3A_555 = arith.constant 32 : index
          %get3A_556 = tpu.vector_load %arg11[%get3A_555] {strides = array<i32>} : memref<80xi32, #tpu.memory_space<vmem>>, vector<16xi32>,
          %eq3A_557 = arith.cmpf oeq, %get3A_554, %max3A_532 : vector<16xf32>
          %jit3A_558 = arith.constant 1073741824 : i32
          %broadcast_in_dim3A_559 = vector.broadcast %jit3A_558 : i32 to vector<16xi32>
          %select_n3A_560 = arith.select %eq3A_557, %get3A_556, %broadcast_in_dim3A_559 : vector<16xi1>, vector<16xi32>
          %min3A_561 = arith.minsi %min3A_552, %select_n3A_560 : vector<16xi32>
          %get3A_562 = arith.constant 48 : index
          %get3A_563 = tpu.vector_load %arg10[%get3A_562] {strides = array<i32>} : memref<80xf32, #tpu.memory_space<vmem>>, vector<16xf32>,
          %get3A_564 = arith.constant 48 : index
          %get3A_565 = tpu.vector_load %arg11[%get3A_564] {strides = array<i32>} : memref<80xi32, #tpu.memory_space<vmem>>, vector<16xi32>,
          %eq3A_566 = arith.cmpf oeq, %get3A_563, %max3A_532 : vector<16xf32>
          %jit3A_567 = arith.constant 1073741824 : i32
          %broadcast_in_dim3A_568 = vector.broadcast %jit3A_567 : i32 to vector<16xi32>
          %select_n3A_569 = arith.select %eq3A_566, %get3A_565, %broadcast_in_dim3A_568 : vector<16xi1>, vector<16xi32>
          %min3A_570 = arith.minsi %min3A_561, %select_n3A_569 : vector<16xi32>
          %get3A_571 = arith.constant 64 : index
          %get3A_572 = tpu.vector_load %arg10[%get3A_571] {strides = array<i32>} : memref<80xf32, #tpu.memory_space<vmem>>, vector<16xf32>,
          %get3A_573 = arith.constant 64 : index
          %get3A_574 = tpu.vector_load %arg11[%get3A_573] {strides = array<i32>} : memref<80xi32, #tpu.memory_space<vmem>>, vector<16xi32>,
          %eq3A_575 = arith.cmpf oeq, %get3A_572, %max3A_532 : vector<16xf32>
          %jit3A_576 = arith.constant 1073741824 : i32
          %broadcast_in_dim3A_577 = vector.broadcast %jit3A_576 : i32 to vector<16xi32>
          %select_n3A_578 = arith.select %eq3A_575, %get3A_574, %broadcast_in_dim3A_577 : vector<16xi1>, vector<16xi32>
          %min3A_579 = arith.minsi %min3A_570, %select_n3A_578 : vector<16xi32>
          %xor3A_580 = arith.constant 8 : i32
          %xor3A_581 = vector.broadcast %xor3A_580 : i32 to vector<16xi32>
          %xor3A_582 = arith.xori %iota3A, %xor3A_581 : vector<16xi32>
          %lt3A_583 = arith.constant 0 : i32
          %lt3A_584 = vector.broadcast %lt3A_583 : i32 to vector<16xi32>
          %lt3A_585 = arith.cmpi slt, %xor3A_582, %lt3A_584 : vector<16xi32>
          %add3A_586 = arith.constant 16 : i32
          %add3A_587 = vector.broadcast %add3A_586 : i32 to vector<16xi32>
          %add3A_588 = arith.addi %xor3A_582, %add3A_587 : vector<16xi32>
          %select_n3A_589 = arith.select %lt3A_585, %add3A_588, %xor3A_582 : vector<16xi1>, vector<16xi32>
          %broadcast_in_dim3A_590 = vector.shape_cast %select_n3A_589 : vector<16xi32> to vector<16x1xi32>
          %gather3A_591 = vector.shape_cast %broadcast_in_dim3A_590 : vector<16x1xi32> to vector<16xi32>
          %gather3A_592 = tpu.dynamic_gather %min3A_579[%gather3A_591] in [0] : vector<16xi32>, vector<16xi32> -> vector<16xi32>
          %min3A_593 = arith.minsi %min3A_579, %gather3A_592 : vector<16xi32>
          %xor3A_594 = arith.constant 4 : i32
          %xor3A_595 = vector.broadcast %xor3A_594 : i32 to vector<16xi32>
          %xor3A_596 = arith.xori %iota3A, %xor3A_595 : vector<16xi32>
          %lt3A_597 = arith.constant 0 : i32
          %lt3A_598 = vector.broadcast %lt3A_597 : i32 to vector<16xi32>
          %lt3A_599 = arith.cmpi slt, %xor3A_596, %lt3A_598 : vector<16xi32>
          %add3A_600 = arith.constant 16 : i32
          %add3A_601 = vector.broadcast %add3A_600 : i32 to vector<16xi32>
          %add3A_602 = arith.addi %xor3A_596, %add3A_601 : vector<16xi32>
          %select_n3A_603 = arith.select %lt3A_599, %add3A_602, %xor3A_596 : vector<16xi1>, vector<16xi32>
          %broadcast_in_dim3A_604 = vector.shape_cast %select_n3A_603 : vector<16xi32> to vector<16x1xi32>
          %gather3A_605 = vector.shape_cast %broadcast_in_dim3A_604 : vector<16x1xi32> to vector<16xi32>
          %gather3A_606 = tpu.dynamic_gather %min3A_593[%gather3A_605] in [0] : vector<16xi32>, vector<16xi32> -> vector<16xi32>
          %min3A_607 = arith.minsi %min3A_593, %gather3A_606 : vector<16xi32>
          %xor3A_608 = arith.constant 2 : i32
          %xor3A_609 = vector.broadcast %xor3A_608 : i32 to vector<16xi32>
          %xor3A_610 = arith.xori %iota3A, %xor3A_609 : vector<16xi32>
          %lt3A_611 = arith.constant 0 : i32
          %lt3A_612 = vector.broadcast %lt3A_611 : i32 to vector<16xi32>
          %lt3A_613 = arith.cmpi slt, %xor3A_610, %lt3A_612 : vector<16xi32>
          %add3A_614 = arith.constant 16 : i32
          %add3A_615 = vector.broadcast %add3A_614 : i32 to vector<16xi32>
          %add3A_616 = arith.addi %xor3A_610, %add3A_615 : vector<16xi32>
          %select_n3A_617 = arith.select %lt3A_613, %add3A_616, %xor3A_610 : vector<16xi1>, vector<16xi32>
          %broadcast_in_dim3A_618 = vector.shape_cast %select_n3A_617 : vector<16xi32> to vector<16x1xi32>
          %gather3A_619 = vector.shape_cast %broadcast_in_dim3A_618 : vector<16x1xi32> to vector<16xi32>
          %gather3A_620 = tpu.dynamic_gather %min3A_607[%gather3A_619] in [0] : vector<16xi32>, vector<16xi32> -> vector<16xi32>
          %min3A_621 = arith.minsi %min3A_607, %gather3A_620 : vector<16xi32>
          %xor3A_622 = arith.constant 1 : i32
          %xor3A_623 = vector.broadcast %xor3A_622 : i32 to vector<16xi32>
          %xor3A_624 = arith.xori %iota3A, %xor3A_623 : vector<16xi32>
          %lt3A_625 = arith.constant 0 : i32
          %lt3A_626 = vector.broadcast %lt3A_625 : i32 to vector<16xi32>
          %lt3A_627 = arith.cmpi slt, %xor3A_624, %lt3A_626 : vector<16xi32>
          %add3A_628 = arith.constant 16 : i32
          %add3A_629 = vector.broadcast %add3A_628 : i32 to vector<16xi32>
          %add3A_630 = arith.addi %xor3A_624, %add3A_629 : vector<16xi32>
          %select_n3A_631 = arith.select %lt3A_627, %add3A_630, %xor3A_624 : vector<16xi1>, vector<16xi32>
          %broadcast_in_dim3A_632 = vector.shape_cast %select_n3A_631 : vector<16xi32> to vector<16x1xi32>
          %gather3A_633 = vector.shape_cast %broadcast_in_dim3A_632 : vector<16x1xi32> to vector<16xi32>
          %gather3A_634 = tpu.dynamic_gather %min3A_621[%gather3A_633] in [0] : vector<16xi32>, vector<16xi32> -> vector<16xi32>
          %min3A_635 = arith.minsi %min3A_621, %gather3A_634 : vector<16xi32>
          %get3A_636 = arith.constant 0 : index
          %get3A_637 = tpu.vector_load %arg10[%get3A_636] {strides = array<i32>} : memref<80xf32, #tpu.memory_space<vmem>>, vector<16xf32>,
          %get3A_638 = arith.constant 0 : index
          %get3A_639 = tpu.vector_load %arg11[%get3A_638] {strides = array<i32>} : memref<80xi32, #tpu.memory_space<vmem>>, vector<16xi32>,
          %eq3A_640 = arith.cmpf oeq, %get3A_637, %max3A_532 : vector<16xf32>
          %eq3A_641 = arith.cmpi eq, %get3A_639, %min3A_635 : vector<16xi32>
          %and3A = arith.andi %eq3A_640, %eq3A_641 : vector<16xi1>
          %jit3A_642 = arith.constant 0xFF800000 : f32
          %broadcast_in_dim3A_643 = vector.broadcast %jit3A_642 : f32 to vector<16xf32>
          %select_n3A_644 = arith.select %and3A, %broadcast_in_dim3A_643, %get3A_637 : vector<16xi1>, vector<16xf32>
          %swap3A_645 = arith.constant 0 : index
          %swap3A_646 = tpu.vector_load %arg10[%swap3A_645] {strides = array<i32>} : memref<80xf32, #tpu.memory_space<vmem>>, vector<16xf32>,
          tpu.vector_store %arg10[%swap3A_645], %select_n3A_644 {strides = array<i32>} : memref<80xf32, #tpu.memory_space<vmem>>, vector<16xf32>,
          %get3A_647 = arith.constant 16 : index
          %get3A_648 = tpu.vector_load %arg10[%get3A_647] {strides = array<i32>} : memref<80xf32, #tpu.memory_space<vmem>>, vector<16xf32>,
          %get3A_649 = arith.constant 16 : index
          %get3A_650 = tpu.vector_load %arg11[%get3A_649] {strides = array<i32>} : memref<80xi32, #tpu.memory_space<vmem>>, vector<16xi32>,
          %eq3A_651 = arith.cmpf oeq, %get3A_648, %max3A_532 : vector<16xf32>
          %eq3A_652 = arith.cmpi eq, %get3A_650, %min3A_635 : vector<16xi32>
          %and3A_653 = arith.andi %eq3A_651, %eq3A_652 : vector<16xi1>
          %jit3A_654 = arith.constant 0xFF800000 : f32
          %broadcast_in_dim3A_655 = vector.broadcast %jit3A_654 : f32 to vector<16xf32>
          %select_n3A_656 = arith.select %and3A_653, %broadcast_in_dim3A_655, %get3A_648 : vector<16xi1>, vector<16xf32>
          %swap3A_657 = arith.constant 16 : index
          %swap3A_658 = tpu.vector_load %arg10[%swap3A_657] {strides = array<i32>} : memref<80xf32, #tpu.memory_space<vmem>>, vector<16xf32>,
          tpu.vector_store %arg10[%swap3A_657], %select_n3A_656 {strides = array<i32>} : memref<80xf32, #tpu.memory_space<vmem>>, vector<16xf32>,
          %get3A_659 = arith.constant 32 : index
          %get3A_660 = tpu.vector_load %arg10[%get3A_659] {strides = array<i32>} : memref<80xf32, #tpu.memory_space<vmem>>, vector<16xf32>,
          %get3A_661 = arith.constant 32 : index
          %get3A_662 = tpu.vector_load %arg11[%get3A_661] {strides = array<i32>} : memref<80xi32, #tpu.memory_space<vmem>>, vector<16xi32>,
          %eq3A_663 = arith.cmpf oeq, %get3A_660, %max3A_532 : vector<16xf32>
          %eq3A_664 = arith.cmpi eq, %get3A_662, %min3A_635 : vector<16xi32>
          %and3A_665 = arith.andi %eq3A_663, %eq3A_664 : vector<16xi1>
          %jit3A_666 = arith.constant 0xFF800000 : f32
          %broadcast_in_dim3A_667 = vector.broadcast %jit3A_666 : f32 to vector<16xf32>
          %select_n3A_668 = arith.select %and3A_665, %broadcast_in_dim3A_667, %get3A_660 : vector<16xi1>, vector<16xf32>
          %swap3A_669 = arith.constant 32 : index
          %swap3A_670 = tpu.vector_load %arg10[%swap3A_669] {strides = array<i32>} : memref<80xf32, #tpu.memory_space<vmem>>, vector<16xf32>,
          tpu.vector_store %arg10[%swap3A_669], %select_n3A_668 {strides = array<i32>} : memref<80xf32, #tpu.memory_space<vmem>>, vector<16xf32>,
          %get3A_671 = arith.constant 48 : index
          %get3A_672 = tpu.vector_load %arg10[%get3A_671] {strides = array<i32>} : memref<80xf32, #tpu.memory_space<vmem>>, vector<16xf32>,
          %get3A_673 = arith.constant 48 : index
          %get3A_674 = tpu.vector_load %arg11[%get3A_673] {strides = array<i32>} : memref<80xi32, #tpu.memory_space<vmem>>, vector<16xi32>,
          %eq3A_675 = arith.cmpf oeq, %get3A_672, %max3A_532 : vector<16xf32>
          %eq3A_676 = arith.cmpi eq, %get3A_674, %min3A_635 : vector<16xi32>
          %and3A_677 = arith.andi %eq3A_675, %eq3A_676 : vector<16xi1>
          %jit3A_678 = arith.constant 0xFF800000 : f32
          %broadcast_in_dim3A_679 = vector.broadcast %jit3A_678 : f32 to vector<16xf32>
          %select_n3A_680 = arith.select %and3A_677, %broadcast_in_dim3A_679, %get3A_672 : vector<16xi1>, vector<16xf32>
          %swap3A_681 = arith.constant 48 : index
          %swap3A_682 = tpu.vector_load %arg10[%swap3A_681] {strides = array<i32>} : memref<80xf32, #tpu.memory_space<vmem>>, vector<16xf32>,
          tpu.vector_store %arg10[%swap3A_681], %select_n3A_680 {strides = array<i32>} : memref<80xf32, #tpu.memory_space<vmem>>, vector<16xf32>,
          %get3A_683 = arith.constant 64 : index
          %get3A_684 = tpu.vector_load %arg10[%get3A_683] {strides = array<i32>} : memref<80xf32, #tpu.memory_space<vmem>>, vector<16xf32>,
          %get3A_685 = arith.constant 64 : index
          %get3A_686 = tpu.vector_load %arg11[%get3A_685] {strides = array<i32>} : memref<80xi32, #tpu.memory_space<vmem>>, vector<16xi32>,
          %eq3A_687 = arith.cmpf oeq, %get3A_684, %max3A_532 : vector<16xf32>
          %eq3A_688 = arith.cmpi eq, %get3A_686, %min3A_635 : vector<16xi32>
          %and3A_689 = arith.andi %eq3A_687, %eq3A_688 : vector<16xi1>
          %jit3A_690 = arith.constant 0xFF800000 : f32
          %broadcast_in_dim3A_691 = vector.broadcast %jit3A_690 : f32 to vector<16xf32>
          %select_n3A_692 = arith.select %and3A_689, %broadcast_in_dim3A_691, %get3A_684 : vector<16xi1>, vector<16xf32>
          %swap3A_693 = arith.constant 64 : index
          %swap3A_694 = tpu.vector_load %arg10[%swap3A_693] {strides = array<i32>} : memref<80xf32, #tpu.memory_space<vmem>>, vector<16xf32>,
          tpu.vector_store %arg10[%swap3A_693], %select_n3A_692 {strides = array<i32>} : memref<80xf32, #tpu.memory_space<vmem>>, vector<16xf32>,
          %eq3A_695 = vector.broadcast %scan3A_459 : i32 to vector<16xi32>
          %eq3A_696 = arith.cmpi eq, %iota3A, %eq3A_695 : vector<16xi32>
          %select_n3A_697 = arith.select %eq3A_696, %min3A_635, %scan3A_460 : vector<16xi1>, vector<16xi32>
          %sub3A_698 = arith.constant 16 : i32
          %sub3A_699 = arith.subi %scan3A_459, %sub3A_698 : i32
          %eq3A_700 = vector.broadcast %sub3A_699 : i32 to vector<16xi32>
          %eq3A_701 = arith.cmpi eq, %iota3A, %eq3A_700 : vector<16xi32>
          %select_n3A_702 = arith.select %eq3A_701, %min3A_635, %scan3A_461 : vector<16xi1>, vector<16xi32>
          scf.yield %select_n3A_697, %select_n3A_702 : vector<16xi32>, vector<16xi32>
        }
        %scan3A_449 = arith.constant 20 : i32
        %swap3A_450 = arith.constant 0 : index
        %swap3A_451 = tpu.vector_load %arg13[%swap3A_450] {strides = array<i32>} : memref<32xi32, #tpu.memory_space<vmem>>, vector<16xi32>,
        tpu.vector_store %arg13[%swap3A_450], %scan3A_448#0 {strides = array<i32>} : memref<32xi32, #tpu.memory_space<vmem>>, vector<16xi32>,
        %lt3A_452 = arith.constant 4 : i32
        %lt3A_453 = vector.broadcast %lt3A_452 : i32 to vector<16xi32>
        %lt3A_454 = arith.cmpi slt, %iota3A, %lt3A_453 : vector<16xi32>
        %jit3A = arith.constant 1073741824 : i32
        %broadcast_in_dim3A_455 = vector.broadcast %jit3A : i32 to vector<16xi32>
        %select_n3A_456 = arith.select %lt3A_454, %scan3A_448#1, %broadcast_in_dim3A_455 : vector<16xi1>, vector<16xi32>
        %swap3A_457 = arith.constant 16 : index
        %swap3A_458 = tpu.vector_load %arg13[%swap3A_457] {strides = array<i32>} : memref<32xi32, #tpu.memory_space<vmem>>, vector<16xi32>,
        tpu.vector_store %arg13[%swap3A_457], %select_n3A_456 {strides = array<i32>} : memref<32xi32, #tpu.memory_space<vmem>>, vector<16xi32>,
      } else {
      }
      %dma_wait3A_312 = arith.constant 0 : i32
      %dma_wait3A_313 = tpu.memref_slice %arg7[%dma_wait3A_312] : memref<100352xf32, #tpu.memory_space<vmem>> -> memref<24832xf32, #tpu.memory_space<vmem>>
      %dma_wait3A_314 = arith.constant 0 : i32
      %dma_wait3A_315 = tpu.memref_slice %arg5[%add3A_177, %dma_wait3A_314] : memref<256x100000xf32, #tpu.memory_space<hbm>> -> memref<1x24832xf32, #tpu.memory_space<hbm>>
      %dma_wait3A_316 = tpu.memref_squeeze %dma_wait3A_315 : memref<1x24832xf32, #tpu.memory_space<hbm>> -> memref<24832xf32, #tpu.memory_space<hbm>>
      %dma_wait3A_317 = arith.constant 0 : i32
      %dma_wait3A_318 = tpu.memref_slice %arg5[%add3A_177, %dma_wait3A_317] : memref<256x100000xf32, #tpu.memory_space<hbm>> -> memref<1x24832xf32, #tpu.memory_space<hbm>>
      %dma_wait3A_319 = tpu.memref_squeeze %dma_wait3A_318 : memref<1x24832xf32, #tpu.memory_space<hbm>> -> memref<24832xf32, #tpu.memory_space<hbm>>
      %dma_wait3A_320 = arith.constant 0 : i32
      %dma_wait3A_321 = tpu.memref_slice %arg7[%dma_wait3A_320] : memref<100352xf32, #tpu.memory_space<vmem>> -> memref<24832xf32, #tpu.memory_space<vmem>>
      tpu.wait_dma2 semaphore(%arg15 : memref<!tpu.dma_semaphore, #tpu.memory_space<semaphore_mem>>) src(%dma_wait3A_321 : memref<24832xf32, #tpu.memory_space<vmem>>) dst(%dma_wait3A_319 : memref<24832xf32, #tpu.memory_space<hbm>>)
      %dma_wait3A_322 = arith.constant 24832 : i32
      %dma_wait3A_323 = tpu.memref_slice %arg7[%dma_wait3A_322] : memref<100352xf32, #tpu.memory_space<vmem>> -> memref<24832xf32, #tpu.memory_space<vmem>>
      %dma_wait3A_324 = arith.constant 24832 : i32
      %dma_wait3A_325 = tpu.memref_slice %arg5[%add3A_177, %dma_wait3A_324] : memref<256x100000xf32, #tpu.memory_space<hbm>> -> memref<1x24832xf32, #tpu.memory_space<hbm>>
      %dma_wait3A_326 = tpu.memref_squeeze %dma_wait3A_325 : memref<1x24832xf32, #tpu.memory_space<hbm>> -> memref<24832xf32, #tpu.memory_space<hbm>>
      %dma_wait3A_327 = arith.constant 24832 : i32
      %dma_wait3A_328 = tpu.memref_slice %arg5[%add3A_177, %dma_wait3A_327] : memref<256x100000xf32, #tpu.memory_space<hbm>> -> memref<1x24832xf32, #tpu.memory_space<hbm>>
      %dma_wait3A_329 = tpu.memref_squeeze %dma_wait3A_328 : memref<1x24832xf32, #tpu.memory_space<hbm>> -> memref<24832xf32, #tpu.memory_space<hbm>>
      %dma_wait3A_330 = arith.constant 24832 : i32
      %dma_wait3A_331 = tpu.memref_slice %arg7[%dma_wait3A_330] : memref<100352xf32, #tpu.memory_space<vmem>> -> memref<24832xf32, #tpu.memory_space<vmem>>
      tpu.wait_dma2 semaphore(%arg15 : memref<!tpu.dma_semaphore, #tpu.memory_space<semaphore_mem>>) src(%dma_wait3A_331 : memref<24832xf32, #tpu.memory_space<vmem>>) dst(%dma_wait3A_329 : memref<24832xf32, #tpu.memory_space<hbm>>)
      %dma_wait3A_332 = arith.constant 49664 : i32
      %dma_wait3A_333 = tpu.memref_slice %arg7[%dma_wait3A_332] : memref<100352xf32, #tpu.memory_space<vmem>> -> memref<24832xf32, #tpu.memory_space<vmem>>
      %dma_wait3A_334 = arith.constant 49664 : i32
      %dma_wait3A_335 = tpu.memref_slice %arg5[%add3A_177, %dma_wait3A_334] : memref<256x100000xf32, #tpu.memory_space<hbm>> -> memref<1x24832xf32, #tpu.memory_space<hbm>>
      %dma_wait3A_336 = tpu.memref_squeeze %dma_wait3A_335 : memref<1x24832xf32, #tpu.memory_space<hbm>> -> memref<24832xf32, #tpu.memory_space<hbm>>
      %dma_wait3A_337 = arith.constant 49664 : i32
      %dma_wait3A_338 = tpu.memref_slice %arg5[%add3A_177, %dma_wait3A_337] : memref<256x100000xf32, #tpu.memory_space<hbm>> -> memref<1x24832xf32, #tpu.memory_space<hbm>>
      %dma_wait3A_339 = tpu.memref_squeeze %dma_wait3A_338 : memref<1x24832xf32, #tpu.memory_space<hbm>> -> memref<24832xf32, #tpu.memory_space<hbm>>
      %dma_wait3A_340 = arith.constant 49664 : i32
      %dma_wait3A_341 = tpu.memref_slice %arg7[%dma_wait3A_340] : memref<100352xf32, #tpu.memory_space<vmem>> -> memref<24832xf32, #tpu.memory_space<vmem>>
      tpu.wait_dma2 semaphore(%arg15 : memref<!tpu.dma_semaphore, #tpu.memory_space<semaphore_mem>>) src(%dma_wait3A_341 : memref<24832xf32, #tpu.memory_space<vmem>>) dst(%dma_wait3A_339 : memref<24832xf32, #tpu.memory_space<hbm>>)
      %dma_wait3A_342 = arith.constant 74496 : i32
      %dma_wait3A_343 = tpu.memref_slice %arg7[%dma_wait3A_342] : memref<100352xf32, #tpu.memory_space<vmem>> -> memref<24832xf32, #tpu.memory_space<vmem>>
      %dma_wait3A_344 = arith.constant 74496 : i32
      %dma_wait3A_345 = tpu.memref_slice %arg5[%add3A_177, %dma_wait3A_344] : memref<256x100000xf32, #tpu.memory_space<hbm>> -> memref<1x24832xf32, #tpu.memory_space<hbm>>
      %dma_wait3A_346 = tpu.memref_squeeze %dma_wait3A_345 : memref<1x24832xf32, #tpu.memory_space<hbm>> -> memref<24832xf32, #tpu.memory_space<hbm>>
      %dma_wait3A_347 = arith.constant 74496 : i32
      %dma_wait3A_348 = tpu.memref_slice %arg5[%add3A_177, %dma_wait3A_347] : memref<256x100000xf32, #tpu.memory_space<hbm>> -> memref<1x24832xf32, #tpu.memory_space<hbm>>
      %dma_wait3A_349 = tpu.memref_squeeze %dma_wait3A_348 : memref<1x24832xf32, #tpu.memory_space<hbm>> -> memref<24832xf32, #tpu.memory_space<hbm>>
      %dma_wait3A_350 = arith.constant 74496 : i32
      %dma_wait3A_351 = tpu.memref_slice %arg7[%dma_wait3A_350] : memref<100352xf32, #tpu.memory_space<vmem>> -> memref<24832xf32, #tpu.memory_space<vmem>>
      tpu.wait_dma2 semaphore(%arg15 : memref<!tpu.dma_semaphore, #tpu.memory_space<semaphore_mem>>) src(%dma_wait3A_351 : memref<24832xf32, #tpu.memory_space<vmem>>) dst(%dma_wait3A_349 : memref<24832xf32, #tpu.memory_space<hbm>>)
      %dma_wait3A_352 = arith.constant 99328 : i32
      %dma_wait3A_353 = tpu.memref_slice %arg7[%dma_wait3A_352] : memref<100352xf32, #tpu.memory_space<vmem>> -> memref<640xf32, #tpu.memory_space<vmem>>
      %dma_wait3A_354 = arith.constant 99328 : i32
      %dma_wait3A_355 = tpu.memref_slice %arg5[%add3A_177, %dma_wait3A_354] : memref<256x100000xf32, #tpu.memory_space<hbm>> -> memref<1x640xf32, #tpu.memory_space<hbm>>
      %dma_wait3A_356 = tpu.memref_squeeze %dma_wait3A_355 : memref<1x640xf32, #tpu.memory_space<hbm>> -> memref<640xf32, #tpu.memory_space<hbm>>
      %dma_wait3A_357 = arith.constant 99328 : i32
      %dma_wait3A_358 = tpu.memref_slice %arg5[%add3A_177, %dma_wait3A_357] : memref<256x100000xf32, #tpu.memory_space<hbm>> -> memref<1x640xf32, #tpu.memory_space<hbm>>
      %dma_wait3A_359 = tpu.memref_squeeze %dma_wait3A_358 : memref<1x640xf32, #tpu.memory_space<hbm>> -> memref<640xf32, #tpu.memory_space<hbm>>
      %dma_wait3A_360 = arith.constant 99328 : i32
      %dma_wait3A_361 = tpu.memref_slice %arg7[%dma_wait3A_360] : memref<100352xf32, #tpu.memory_space<vmem>> -> memref<640xf32, #tpu.memory_space<vmem>>
      tpu.wait_dma2 semaphore(%arg15 : memref<!tpu.dma_semaphore, #tpu.memory_space<semaphore_mem>>) src(%dma_wait3A_361 : memref<640xf32, #tpu.memory_space<vmem>>) dst(%dma_wait3A_359 : memref<640xf32, #tpu.memory_space<hbm>>)
      %mul3A_362 = arith.constant 32 : i32
      %mul3A_363 = arith.muli %add3A_177, %mul3A_362 : i32
      %dma_wait3A_364 = arith.constant 99968 : i32
      %dma_wait3A_365 = tpu.memref_slice %arg7[%dma_wait3A_364] : memref<100352xf32, #tpu.memory_space<vmem>> -> memref<32xf32, #tpu.memory_space<vmem>>
      %dma_wait3A_366 = tpu.memref_slice %arg6[%mul3A_363] : memref<8192xf32, #tpu.memory_space<hbm>> -> memref<32xf32, #tpu.memory_space<hbm>>
      %dma_wait3A_367 = tpu.memref_slice %arg6[%mul3A_363] : memref<8192xf32, #tpu.memory_space<hbm>> -> memref<32xf32, #tpu.memory_space<hbm>>
      %dma_wait3A_368 = arith.constant 99968 : i32
      %dma_wait3A_369 = tpu.memref_slice %arg7[%dma_wait3A_368] : memref<100352xf32, #tpu.memory_space<vmem>> -> memref<32xf32, #tpu.memory_space<vmem>>
      tpu.wait_dma2 semaphore(%arg15 : memref<!tpu.dma_semaphore, #tpu.memory_space<semaphore_mem>>) src(%dma_wait3A_369 : memref<32xf32, #tpu.memory_space<vmem>>) dst(%dma_wait3A_367 : memref<32xf32, #tpu.memory_space<hbm>>)
      %convert_element_type3A_370 = arith.extui %gt3A_14 : i1 to i32
      %cond3A_371 = arith.constant 0 : i32
      %cond3A_372 = arith.cmpi ne, %convert_element_type3A_370, %cond3A_371 : i32
      scf.if %cond3A_372 {
        %get3A_377 = arith.constant 0 : index
        %get3A_378 = tpu.vector_load %arg13[%get3A_377] {strides = array<i32>} : memref<32xi32, #tpu.memory_space<vmem>>, vector<16xi32>,
        %get3A_379 = arith.constant 16 : index
        %get3A_380 = tpu.vector_load %arg13[%get3A_379] {strides = array<i32>} : memref<32xi32, #tpu.memory_space<vmem>>, vector<16xi32>,
        %broadcast_in_dim3A_381 = arith.constant -1.000000e+02 : f32
        %broadcast_in_dim3A_382 = vector.broadcast %broadcast_in_dim3A_381 : f32 to vector<16xf32>
        %lt3A_383 = arith.constant 100000 : i32
        %lt3A_384 = vector.broadcast %lt3A_383 : i32 to vector<16xi32>
        %lt3A_385 = arith.cmpi slt, %get3A_378, %lt3A_384 : vector<16xi32>
        tpu.vector_store_idx %arg7[%get3A_378], %broadcast_in_dim3A_382 masked %lt3A_385 : memref<100352xf32, #tpu.memory_space<vmem>>[vector<16xi32>], vector<16xf32>, vector<16xi1>
        %lt3A_386 = arith.constant 100000 : i32
        %lt3A_387 = vector.broadcast %lt3A_386 : i32 to vector<16xi32>
        %lt3A_388 = arith.cmpi slt, %get3A_380, %lt3A_387 : vector<16xi32>
        tpu.vector_store_idx %arg7[%get3A_380], %broadcast_in_dim3A_382 masked %lt3A_388 : memref<100352xf32, #tpu.memory_space<vmem>>[vector<16xi32>], vector<16xf32>, vector<16xi1>
        %get3A_389 = arith.constant 0 : index
        %get3A_390 = tpu.vector_load %arg13[%get3A_389] {strides = array<i32>} : memref<32xi32, #tpu.memory_space<vmem>>, vector<16xi32>,
        %slice3A_391 = vector.extract_strided_slice %get3A_390 {offsets = [0], sizes = [1], strides = [1]} : vector<16xi32> to vector<1xi32>
        %squeeze3A_392 = vector.extract %slice3A_391[0] : i32 from vector<1xi32>
        %lt3A_393 = arith.constant 100000 : i32
        %lt3A_394 = arith.cmpi slt, %squeeze3A_392, %lt3A_393 : i32
        %lt3A_395 = arith.constant 99968 : i32
        %lt3A_396 = arith.cmpi slt, %squeeze3A_392, %lt3A_395 : i32
        %and3A = arith.andi %lt3A_394, %lt3A_396 : i1
        %convert_element_type3A_397 = arith.extui %and3A : i1 to i32
        %cond3A_398 = arith.constant 0 : i32
        %cond3A_399 = arith.cmpi ne, %convert_element_type3A_397, %cond3A_398 : i32
        scf.if %cond3A_399 {
          %shift_right_arithmetic3A = arith.constant 7 : i32
          %shift_right_arithmetic3A_1187 = arith.shrsi %squeeze3A_392, %shift_right_arithmetic3A : i32
          %shift_left3A = arith.constant 7 : i32
          %shift_left3A_1188 = arith.shli %shift_right_arithmetic3A_1187, %shift_left3A : i32
          %multiple_of3A = tpu.assume_multiple %shift_left3A_1188, 128 : i32
          %dma_start3A_1189 = tpu.memref_slice %arg7[%multiple_of3A] : memref<100352xf32, #tpu.memory_space<vmem>> -> memref<128xf32, #tpu.memory_space<vmem>>
          %dma_start3A_1190 = tpu.memref_slice %arg5[%add3A_177, %multiple_of3A] : memref<256x100000xf32, #tpu.memory_space<hbm>> -> memref<1x128xf32, #tpu.memory_space<hbm>>
          %dma_start3A_1191 = tpu.memref_squeeze %dma_start3A_1190 : memref<1x128xf32, #tpu.memory_space<hbm>> -> memref<128xf32, #tpu.memory_space<hbm>>
          %dma_start3A_1192 = tpu.memref_slice %arg5[%add3A_177, %multiple_of3A] : memref<256x100000xf32, #tpu.memory_space<hbm>> -> memref<1x128xf32, #tpu.memory_space<hbm>>
          %dma_start3A_1193 = tpu.memref_squeeze %dma_start3A_1192 : memref<1x128xf32, #tpu.memory_space<hbm>> -> memref<128xf32, #tpu.memory_space<hbm>>
          %dma_start3A_1194 = tpu.memref_slice %arg7[%multiple_of3A] : memref<100352xf32, #tpu.memory_space<vmem>> -> memref<128xf32, #tpu.memory_space<vmem>>
          tpu.enqueue_dma source(%dma_start3A_1194 : memref<128xf32, #tpu.memory_space<vmem>>) target(%dma_start3A_1193 : memref<128xf32, #tpu.memory_space<hbm>>) target_semaphore(%arg16 : memref<!tpu.dma_semaphore, #tpu.memory_space<semaphore_mem>>)
        } else {
        }
        %lt3A_400 = arith.constant 100000 : i32
        %lt3A_401 = arith.cmpi slt, %squeeze3A_392, %lt3A_400 : i32
        %ge3A = arith.constant 99968 : i32
        %ge3A_402 = arith.cmpi sge, %squeeze3A_392, %ge3A : i32
        %and3A_403 = arith.andi %lt3A_401, %ge3A_402 : i1
        %convert_element_type3A_404 = arith.extui %and3A_403 : i1 to i32
        %cond3A_405 = arith.constant 0 : i32
        %cond3A_406 = arith.cmpi ne, %convert_element_type3A_404, %cond3A_405 : i32
        scf.if %cond3A_406 {
          %mul3A_1187 = arith.constant 32 : i32
          %mul3A_1188 = arith.muli %add3A_177, %mul3A_1187 : i32
          %dma_start3A_1189 = arith.constant 99968 : i32
          %dma_start3A_1190 = tpu.memref_slice %arg7[%dma_start3A_1189] : memref<100352xf32, #tpu.memory_space<vmem>> -> memref<32xf32, #tpu.memory_space<vmem>>
          %dma_start3A_1191 = tpu.memref_slice %arg6[%mul3A_1188] : memref<8192xf32, #tpu.memory_space<hbm>> -> memref<32xf32, #tpu.memory_space<hbm>>
          %dma_start3A_1192 = tpu.memref_slice %arg6[%mul3A_1188] : memref<8192xf32, #tpu.memory_space<hbm>> -> memref<32xf32, #tpu.memory_space<hbm>>
          %dma_start3A_1193 = arith.constant 99968 : i32
          %dma_start3A_1194 = tpu.memref_slice %arg7[%dma_start3A_1193] : memref<100352xf32, #tpu.memory_space<vmem>> -> memref<32xf32, #tpu.memory_space<vmem>>
          tpu.enqueue_dma source(%dma_start3A_1194 : memref<32xf32, #tpu.memory_space<vmem>>) target(%dma_start3A_1192 : memref<32xf32, #tpu.memory_space<hbm>>) target_semaphore(%arg16 : memref<!tpu.dma_semaphore, #tpu.memory_space<semaphore_mem>>)
        } else {
        }
        %get3A_407 = arith.constant 0 : index
        %get3A_408 = tpu.vector_load %arg13[%get3A_407] {strides = array<i32>} : memref<32xi32, #tpu.memory_space<vmem>>, vector<16xi32>,
        %slice3A_409 = vector.extract_strided_slice %get3A_408 {offsets = [1], sizes = [1], strides = [1]} : vector<16xi32> to vector<1xi32>
        %squeeze3A_410 = vector.extract %slice3A_409[0] : i32 from vector<1xi32>
        %lt3A_411 = arith.constant 100000 : i32
        %lt3A_412 = arith.cmpi slt, %squeeze3A_410, %lt3A_411 : i32
        %lt3A_413 = arith.constant 99968 : i32
        %lt3A_414 = arith.cmpi slt, %squeeze3A_410, %lt3A_413 : i32
        %and3A_415 = arith.andi %lt3A_412, %lt3A_414 : i1
        %convert_element_type3A_416 = arith.extui %and3A_415 : i1 to i32
        %cond3A_417 = arith.constant 0 : i32
        %cond3A_418 = arith.cmpi ne, %convert_element_type3A_416, %cond3A_417 : i32
        scf.if %cond3A_418 {
          %shift_right_arithmetic3A = arith.constant 7 : i32
          %shift_right_arithmetic3A_1187 = arith.shrsi %squeeze3A_410, %shift_right_arithmetic3A : i32
          %shift_left3A = arith.constant 7 : i32
          %shift_left3A_1188 = arith.shli %shift_right_arithmetic3A_1187, %shift_left3A : i32
          %multiple_of3A = tpu.assume_multiple %shift_left3A_1188, 128 : i32
          %dma_start3A_1189 = tpu.memref_slice %arg7[%multiple_of3A] : memref<100352xf32, #tpu.memory_space<vmem>> -> memref<128xf32, #tpu.memory_space<vmem>>
          %dma_start3A_1190 = tpu.memref_slice %arg5[%add3A_177, %multiple_of3A] : memref<256x100000xf32, #tpu.memory_space<hbm>> -> memref<1x128xf32, #tpu.memory_space<hbm>>
          %dma_start3A_1191 = tpu.memref_squeeze %dma_start3A_1190 : memref<1x128xf32, #tpu.memory_space<hbm>> -> memref<128xf32, #tpu.memory_space<hbm>>
          %dma_start3A_1192 = tpu.memref_slice %arg5[%add3A_177, %multiple_of3A] : memref<256x100000xf32, #tpu.memory_space<hbm>> -> memref<1x128xf32, #tpu.memory_space<hbm>>
          %dma_start3A_1193 = tpu.memref_squeeze %dma_start3A_1192 : memref<1x128xf32, #tpu.memory_space<hbm>> -> memref<128xf32, #tpu.memory_space<hbm>>
          %dma_start3A_1194 = tpu.memref_slice %arg7[%multiple_of3A] : memref<100352xf32, #tpu.memory_space<vmem>> -> memref<128xf32, #tpu.memory_space<vmem>>
          tpu.enqueue_dma source(%dma_start3A_1194 : memref<128xf32, #tpu.memory_space<vmem>>) target(%dma_start3A_1193 : memref<128xf32, #tpu.memory_space<hbm>>) target_semaphore(%arg16 : memref<!tpu.dma_semaphore, #tpu.memory_space<semaphore_mem>>)
        } else {
        }
        %lt3A_419 = arith.constant 100000 : i32
        %lt3A_420 = arith.cmpi slt, %squeeze3A_410, %lt3A_419 : i32
        %ge3A_421 = arith.constant 99968 : i32
        %ge3A_422 = arith.cmpi sge, %squeeze3A_410, %ge3A_421 : i32
        %and3A_423 = arith.andi %lt3A_420, %ge3A_422 : i1
        %convert_element_type3A_424 = arith.extui %and3A_423 : i1 to i32
        %cond3A_425 = arith.constant 0 : i32
        %cond3A_426 = arith.cmpi ne, %convert_element_type3A_424, %cond3A_425 : i32
        scf.if %cond3A_426 {
          %mul3A_1187 = arith.constant 32 : i32
          %mul3A_1188 = arith.muli %add3A_177, %mul3A_1187 : i32
          %dma_start3A_1189 = arith.constant 99968 : i32
          %dma_start3A_1190 = tpu.memref_slice %arg7[%dma_start3A_1189] : memref<100352xf32, #tpu.memory_space<vmem>> -> memref<32xf32, #tpu.memory_space<vmem>>
          %dma_start3A_1191 = tpu.memref_slice %arg6[%mul3A_1188] : memref<8192xf32, #tpu.memory_space<hbm>> -> memref<32xf32, #tpu.memory_space<hbm>>
          %dma_start3A_1192 = tpu.memref_slice %arg6[%mul3A_1188] : memref<8192xf32, #tpu.memory_space<hbm>> -> memref<32xf32, #tpu.memory_space<hbm>>
          %dma_start3A_1193 = arith.constant 99968 : i32
          %dma_start3A_1194 = tpu.memref_slice %arg7[%dma_start3A_1193] : memref<100352xf32, #tpu.memory_space<vmem>> -> memref<32xf32, #tpu.memory_space<vmem>>
          tpu.enqueue_dma source(%dma_start3A_1194 : memref<32xf32, #tpu.memory_space<vmem>>) target(%dma_start3A_1192 : memref<32xf32, #tpu.memory_space<hbm>>) target_semaphore(%arg16 : memref<!tpu.dma_semaphore, #tpu.memory_space<semaphore_mem>>)
        } else {
        }
        %get3A_427 = arith.constant 0 : index
        %get3A_428 = tpu.vector_load %arg13[%get3A_427] {strides = array<i32>} : memref<32xi32, #tpu.memory_space<vmem>>, vector<16xi32>,
        %slice3A_429 = vector.extract_strided_slice %get3A_428 {offsets = [2], sizes = [1], strides = [1]} : vector<16xi32> to vector<1xi32>
        %squeeze3A_430 = vector.extract %slice3A_429[0] : i32 from vector<1xi32>
        %lt3A_431 = arith.constant 100000 : i32
        %lt3A_432 = arith.cmpi slt, %squeeze3A_430, %lt3A_431 : i32
        %lt3A_433 = arith.constant 99968 : i32
        %lt3A_434 = arith.cmpi slt, %squeeze3A_430, %lt3A_433 : i32
        %and3A_435 = arith.andi %lt3A_432, %lt3A_434 : i1
        %convert_element_type3A_436 = arith.extui %and3A_435 : i1 to i32
        %cond3A_437 = arith.constant 0 : i32
        %cond3A_438 = arith.cmpi ne, %convert_element_type3A_436, %cond3A_437 : i32
        scf.if %cond3A_438 {
          %shift_right_arithmetic3A = arith.constant 7 : i32
          %shift_right_arithmetic3A_1187 = arith.shrsi %squeeze3A_430, %shift_right_arithmetic3A : i32
          %shift_left3A = arith.constant 7 : i32
          %shift_left3A_1188 = arith.shli %shift_right_arithmetic3A_1187, %shift_left3A : i32
          %multiple_of3A = tpu.assume_multiple %shift_left3A_1188, 128 : i32
          %dma_start3A_1189 = tpu.memref_slice %arg7[%multiple_of3A] : memref<100352xf32, #tpu.memory_space<vmem>> -> memref<128xf32, #tpu.memory_space<vmem>>
          %dma_start3A_1190 = tpu.memref_slice %arg5[%add3A_177, %multiple_of3A] : memref<256x100000xf32, #tpu.memory_space<hbm>> -> memref<1x128xf32, #tpu.memory_space<hbm>>
          %dma_start3A_1191 = tpu.memref_squeeze %dma_start3A_1190 : memref<1x128xf32, #tpu.memory_space<hbm>> -> memref<128xf32, #tpu.memory_space<hbm>>
          %dma_start3A_1192 = tpu.memref_slice %arg5[%add3A_177, %multiple_of3A] : memref<256x100000xf32, #tpu.memory_space<hbm>> -> memref<1x128xf32, #tpu.memory_space<hbm>>
          %dma_start3A_1193 = tpu.memref_squeeze %dma_start3A_1192 : memref<1x128xf32, #tpu.memory_space<hbm>> -> memref<128xf32, #tpu.memory_space<hbm>>
          %dma_start3A_1194 = tpu.memref_slice %arg7[%multiple_of3A] : memref<100352xf32, #tpu.memory_space<vmem>> -> memref<128xf32, #tpu.memory_space<vmem>>
          tpu.enqueue_dma source(%dma_start3A_1194 : memref<128xf32, #tpu.memory_space<vmem>>) target(%dma_start3A_1193 : memref<128xf32, #tpu.memory_space<hbm>>) target_semaphore(%arg16 : memref<!tpu.dma_semaphore, #tpu.memory_space<semaphore_mem>>)
        } else {
        }
        %lt3A_439 = arith.constant 100000 : i32
        %lt3A_440 = arith.cmpi slt, %squeeze3A_430, %lt3A_439 : i32
        %ge3A_441 = arith.constant 99968 : i32
        %ge3A_442 = arith.cmpi sge, %squeeze3A_430, %ge3A_441 : i32
        %and3A_443 = arith.andi %lt3A_440, %ge3A_442 : i1
        %convert_element_type3A_444 = arith.extui %and3A_443 : i1 to i32
        %cond3A_445 = arith.constant 0 : i32
        %cond3A_446 = arith.cmpi ne, %convert_element_type3A_444, %cond3A_445 : i32
        scf.if %cond3A_446 {
          %mul3A_1187 = arith.constant 32 : i32
          %mul3A_1188 = arith.muli %add3A_177, %mul3A_1187 : i32
          %dma_start3A_1189 = arith.constant 99968 : i32
          %dma_start3A_1190 = tpu.memref_slice %arg7[%dma_start3A_1189] : memref<100352xf32, #tpu.memory_space<vmem>> -> memref<32xf32, #tpu.memory_space<vmem>>
          %dma_start3A_1191 = tpu.memref_slice %arg6[%mul3A_1188] : memref<8192xf32, #tpu.memory_space<hbm>> -> memref<32xf32, #tpu.memory_space<hbm>>
          %dma_start3A_1192 = tpu.memref_slice %arg6[%mul3A_1188] : memref<8192xf32, #tpu.memory_space<hbm>> -> memref<32xf32, #tpu.memory_space<hbm>>
          %dma_start3A_1193 = arith.constant 99968 : i32
          %dma_start3A_1194 = tpu.memref_slice %arg7[%dma_start3A_1193] : memref<100352xf32, #tpu.memory_space<vmem>> -> memref<32xf32, #tpu.memory_space<vmem>>
          tpu.enqueue_dma source(%dma_start3A_1194 : memref<32xf32, #tpu.memory_space<vmem>>) target(%dma_start3A_1192 : memref<32xf32, #tpu.memory_space<hbm>>) target_semaphore(%arg16 : memref<!tpu.dma_semaphore, #tpu.memory_space<semaphore_mem>>)
        } else {
        }
        %get3A_447 = arith.constant 0 : index
        %get3A_448 = tpu.vector_load %arg13[%get3A_447] {strides = array<i32>} : memref<32xi32, #tpu.memory_space<vmem>>, vector<16xi32>,
        %slice3A_449 = vector.extract_strided_slice %get3A_448 {offsets = [3], sizes = [1], strides = [1]} : vector<16xi32> to vector<1xi32>
        %squeeze3A_450 = vector.extract %slice3A_449[0] : i32 from vector<1xi32>
        %lt3A_451 = arith.constant 100000 : i32
        %lt3A_452 = arith.cmpi slt, %squeeze3A_450, %lt3A_451 : i32
        %lt3A_453 = arith.constant 99968 : i32
        %lt3A_454 = arith.cmpi slt, %squeeze3A_450, %lt3A_453 : i32
        %and3A_455 = arith.andi %lt3A_452, %lt3A_454 : i1
        %convert_element_type3A_456 = arith.extui %and3A_455 : i1 to i32
        %cond3A_457 = arith.constant 0 : i32
        %cond3A_458 = arith.cmpi ne, %convert_element_type3A_456, %cond3A_457 : i32
        scf.if %cond3A_458 {
          %shift_right_arithmetic3A = arith.constant 7 : i32
          %shift_right_arithmetic3A_1187 = arith.shrsi %squeeze3A_450, %shift_right_arithmetic3A : i32
          %shift_left3A = arith.constant 7 : i32
          %shift_left3A_1188 = arith.shli %shift_right_arithmetic3A_1187, %shift_left3A : i32
          %multiple_of3A = tpu.assume_multiple %shift_left3A_1188, 128 : i32
          %dma_start3A_1189 = tpu.memref_slice %arg7[%multiple_of3A] : memref<100352xf32, #tpu.memory_space<vmem>> -> memref<128xf32, #tpu.memory_space<vmem>>
          %dma_start3A_1190 = tpu.memref_slice %arg5[%add3A_177, %multiple_of3A] : memref<256x100000xf32, #tpu.memory_space<hbm>> -> memref<1x128xf32, #tpu.memory_space<hbm>>
          %dma_start3A_1191 = tpu.memref_squeeze %dma_start3A_1190 : memref<1x128xf32, #tpu.memory_space<hbm>> -> memref<128xf32, #tpu.memory_space<hbm>>
          %dma_start3A_1192 = tpu.memref_slice %arg5[%add3A_177, %multiple_of3A] : memref<256x100000xf32, #tpu.memory_space<hbm>> -> memref<1x128xf32, #tpu.memory_space<hbm>>
          %dma_start3A_1193 = tpu.memref_squeeze %dma_start3A_1192 : memref<1x128xf32, #tpu.memory_space<hbm>> -> memref<128xf32, #tpu.memory_space<hbm>>
          %dma_start3A_1194 = tpu.memref_slice %arg7[%multiple_of3A] : memref<100352xf32, #tpu.memory_space<vmem>> -> memref<128xf32, #tpu.memory_space<vmem>>
          tpu.enqueue_dma source(%dma_start3A_1194 : memref<128xf32, #tpu.memory_space<vmem>>) target(%dma_start3A_1193 : memref<128xf32, #tpu.memory_space<hbm>>) target_semaphore(%arg16 : memref<!tpu.dma_semaphore, #tpu.memory_space<semaphore_mem>>)
        } else {
        }
        %lt3A_459 = arith.constant 100000 : i32
        %lt3A_460 = arith.cmpi slt, %squeeze3A_450, %lt3A_459 : i32
        %ge3A_461 = arith.constant 99968 : i32
        %ge3A_462 = arith.cmpi sge, %squeeze3A_450, %ge3A_461 : i32
        %and3A_463 = arith.andi %lt3A_460, %ge3A_462 : i1
        %convert_element_type3A_464 = arith.extui %and3A_463 : i1 to i32
        %cond3A_465 = arith.constant 0 : i32
        %cond3A_466 = arith.cmpi ne, %convert_element_type3A_464, %cond3A_465 : i32
        scf.if %cond3A_466 {
          %mul3A_1187 = arith.constant 32 : i32
          %mul3A_1188 = arith.muli %add3A_177, %mul3A_1187 : i32
          %dma_start3A_1189 = arith.constant 99968 : i32
          %dma_start3A_1190 = tpu.memref_slice %arg7[%dma_start3A_1189] : memref<100352xf32, #tpu.memory_space<vmem>> -> memref<32xf32, #tpu.memory_space<vmem>>
          %dma_start3A_1191 = tpu.memref_slice %arg6[%mul3A_1188] : memref<8192xf32, #tpu.memory_space<hbm>> -> memref<32xf32, #tpu.memory_space<hbm>>
          %dma_start3A_1192 = tpu.memref_slice %arg6[%mul3A_1188] : memref<8192xf32, #tpu.memory_space<hbm>> -> memref<32xf32, #tpu.memory_space<hbm>>
          %dma_start3A_1193 = arith.constant 99968 : i32
          %dma_start3A_1194 = tpu.memref_slice %arg7[%dma_start3A_1193] : memref<100352xf32, #tpu.memory_space<vmem>> -> memref<32xf32, #tpu.memory_space<vmem>>
          tpu.enqueue_dma source(%dma_start3A_1194 : memref<32xf32, #tpu.memory_space<vmem>>) target(%dma_start3A_1192 : memref<32xf32, #tpu.memory_space<hbm>>) target_semaphore(%arg16 : memref<!tpu.dma_semaphore, #tpu.memory_space<semaphore_mem>>)
        } else {
        }
        %get3A_467 = arith.constant 0 : index
        %get3A_468 = tpu.vector_load %arg13[%get3A_467] {strides = array<i32>} : memref<32xi32, #tpu.memory_space<vmem>>, vector<16xi32>,
        %slice3A_469 = vector.extract_strided_slice %get3A_468 {offsets = [4], sizes = [1], strides = [1]} : vector<16xi32> to vector<1xi32>
        %squeeze3A_470 = vector.extract %slice3A_469[0] : i32 from vector<1xi32>
        %lt3A_471 = arith.constant 100000 : i32
        %lt3A_472 = arith.cmpi slt, %squeeze3A_470, %lt3A_471 : i32
        %lt3A_473 = arith.constant 99968 : i32
        %lt3A_474 = arith.cmpi slt, %squeeze3A_470, %lt3A_473 : i32
        %and3A_475 = arith.andi %lt3A_472, %lt3A_474 : i1
        %convert_element_type3A_476 = arith.extui %and3A_475 : i1 to i32
        %cond3A_477 = arith.constant 0 : i32
        %cond3A_478 = arith.cmpi ne, %convert_element_type3A_476, %cond3A_477 : i32
        scf.if %cond3A_478 {
          %shift_right_arithmetic3A = arith.constant 7 : i32
          %shift_right_arithmetic3A_1187 = arith.shrsi %squeeze3A_470, %shift_right_arithmetic3A : i32
          %shift_left3A = arith.constant 7 : i32
          %shift_left3A_1188 = arith.shli %shift_right_arithmetic3A_1187, %shift_left3A : i32
          %multiple_of3A = tpu.assume_multiple %shift_left3A_1188, 128 : i32
          %dma_start3A_1189 = tpu.memref_slice %arg7[%multiple_of3A] : memref<100352xf32, #tpu.memory_space<vmem>> -> memref<128xf32, #tpu.memory_space<vmem>>
          %dma_start3A_1190 = tpu.memref_slice %arg5[%add3A_177, %multiple_of3A] : memref<256x100000xf32, #tpu.memory_space<hbm>> -> memref<1x128xf32, #tpu.memory_space<hbm>>
          %dma_start3A_1191 = tpu.memref_squeeze %dma_start3A_1190 : memref<1x128xf32, #tpu.memory_space<hbm>> -> memref<128xf32, #tpu.memory_space<hbm>>
          %dma_start3A_1192 = tpu.memref_slice %arg5[%add3A_177, %multiple_of3A] : memref<256x100000xf32, #tpu.memory_space<hbm>> -> memref<1x128xf32, #tpu.memory_space<hbm>>
          %dma_start3A_1193 = tpu.memref_squeeze %dma_start3A_1192 : memref<1x128xf32, #tpu.memory_space<hbm>> -> memref<128xf32, #tpu.memory_space<hbm>>
          %dma_start3A_1194 = tpu.memref_slice %arg7[%multiple_of3A] : memref<100352xf32, #tpu.memory_space<vmem>> -> memref<128xf32, #tpu.memory_space<vmem>>
          tpu.enqueue_dma source(%dma_start3A_1194 : memref<128xf32, #tpu.memory_space<vmem>>) target(%dma_start3A_1193 : memref<128xf32, #tpu.memory_space<hbm>>) target_semaphore(%arg16 : memref<!tpu.dma_semaphore, #tpu.memory_space<semaphore_mem>>)
        } else {
        }
        %lt3A_479 = arith.constant 100000 : i32
        %lt3A_480 = arith.cmpi slt, %squeeze3A_470, %lt3A_479 : i32
        %ge3A_481 = arith.constant 99968 : i32
        %ge3A_482 = arith.cmpi sge, %squeeze3A_470, %ge3A_481 : i32
        %and3A_483 = arith.andi %lt3A_480, %ge3A_482 : i1
        %convert_element_type3A_484 = arith.extui %and3A_483 : i1 to i32
        %cond3A_485 = arith.constant 0 : i32
        %cond3A_486 = arith.cmpi ne, %convert_element_type3A_484, %cond3A_485 : i32
        scf.if %cond3A_486 {
          %mul3A_1187 = arith.constant 32 : i32
          %mul3A_1188 = arith.muli %add3A_177, %mul3A_1187 : i32
          %dma_start3A_1189 = arith.constant 99968 : i32
          %dma_start3A_1190 = tpu.memref_slice %arg7[%dma_start3A_1189] : memref<100352xf32, #tpu.memory_space<vmem>> -> memref<32xf32, #tpu.memory_space<vmem>>
          %dma_start3A_1191 = tpu.memref_slice %arg6[%mul3A_1188] : memref<8192xf32, #tpu.memory_space<hbm>> -> memref<32xf32, #tpu.memory_space<hbm>>
          %dma_start3A_1192 = tpu.memref_slice %arg6[%mul3A_1188] : memref<8192xf32, #tpu.memory_space<hbm>> -> memref<32xf32, #tpu.memory_space<hbm>>
          %dma_start3A_1193 = arith.constant 99968 : i32
          %dma_start3A_1194 = tpu.memref_slice %arg7[%dma_start3A_1193] : memref<100352xf32, #tpu.memory_space<vmem>> -> memref<32xf32, #tpu.memory_space<vmem>>
          tpu.enqueue_dma source(%dma_start3A_1194 : memref<32xf32, #tpu.memory_space<vmem>>) target(%dma_start3A_1192 : memref<32xf32, #tpu.memory_space<hbm>>) target_semaphore(%arg16 : memref<!tpu.dma_semaphore, #tpu.memory_space<semaphore_mem>>)
        } else {
        }
        %get3A_487 = arith.constant 0 : index
        %get3A_488 = tpu.vector_load %arg13[%get3A_487] {strides = array<i32>} : memref<32xi32, #tpu.memory_space<vmem>>, vector<16xi32>,
        %slice3A_489 = vector.extract_strided_slice %get3A_488 {offsets = [5], sizes = [1], strides = [1]} : vector<16xi32> to vector<1xi32>
        %squeeze3A_490 = vector.extract %slice3A_489[0] : i32 from vector<1xi32>
        %lt3A_491 = arith.constant 100000 : i32
        %lt3A_492 = arith.cmpi slt, %squeeze3A_490, %lt3A_491 : i32
        %lt3A_493 = arith.constant 99968 : i32
        %lt3A_494 = arith.cmpi slt, %squeeze3A_490, %lt3A_493 : i32
        %and3A_495 = arith.andi %lt3A_492, %lt3A_494 : i1
        %convert_element_type3A_496 = arith.extui %and3A_495 : i1 to i32
        %cond3A_497 = arith.constant 0 : i32
        %cond3A_498 = arith.cmpi ne, %convert_element_type3A_496, %cond3A_497 : i32
        scf.if %cond3A_498 {
          %shift_right_arithmetic3A = arith.constant 7 : i32
          %shift_right_arithmetic3A_1187 = arith.shrsi %squeeze3A_490, %shift_right_arithmetic3A : i32
          %shift_left3A = arith.constant 7 : i32
          %shift_left3A_1188 = arith.shli %shift_right_arithmetic3A_1187, %shift_left3A : i32
          %multiple_of3A = tpu.assume_multiple %shift_left3A_1188, 128 : i32
          %dma_start3A_1189 = tpu.memref_slice %arg7[%multiple_of3A] : memref<100352xf32, #tpu.memory_space<vmem>> -> memref<128xf32, #tpu.memory_space<vmem>>
          %dma_start3A_1190 = tpu.memref_slice %arg5[%add3A_177, %multiple_of3A] : memref<256x100000xf32, #tpu.memory_space<hbm>> -> memref<1x128xf32, #tpu.memory_space<hbm>>
          %dma_start3A_1191 = tpu.memref_squeeze %dma_start3A_1190 : memref<1x128xf32, #tpu.memory_space<hbm>> -> memref<128xf32, #tpu.memory_space<hbm>>
          %dma_start3A_1192 = tpu.memref_slice %arg5[%add3A_177, %multiple_of3A] : memref<256x100000xf32, #tpu.memory_space<hbm>> -> memref<1x128xf32, #tpu.memory_space<hbm>>
          %dma_start3A_1193 = tpu.memref_squeeze %dma_start3A_1192 : memref<1x128xf32, #tpu.memory_space<hbm>> -> memref<128xf32, #tpu.memory_space<hbm>>
          %dma_start3A_1194 = tpu.memref_slice %arg7[%multiple_of3A] : memref<100352xf32, #tpu.memory_space<vmem>> -> memref<128xf32, #tpu.memory_space<vmem>>
          tpu.enqueue_dma source(%dma_start3A_1194 : memref<128xf32, #tpu.memory_space<vmem>>) target(%dma_start3A_1193 : memref<128xf32, #tpu.memory_space<hbm>>) target_semaphore(%arg16 : memref<!tpu.dma_semaphore, #tpu.memory_space<semaphore_mem>>)
        } else {
        }
        %lt3A_499 = arith.constant 100000 : i32
        %lt3A_500 = arith.cmpi slt, %squeeze3A_490, %lt3A_499 : i32
        %ge3A_501 = arith.constant 99968 : i32
        %ge3A_502 = arith.cmpi sge, %squeeze3A_490, %ge3A_501 : i32
        %and3A_503 = arith.andi %lt3A_500, %ge3A_502 : i1
        %convert_element_type3A_504 = arith.extui %and3A_503 : i1 to i32
        %cond3A_505 = arith.constant 0 : i32
        %cond3A_506 = arith.cmpi ne, %convert_element_type3A_504, %cond3A_505 : i32
        scf.if %cond3A_506 {
          %mul3A_1187 = arith.constant 32 : i32
          %mul3A_1188 = arith.muli %add3A_177, %mul3A_1187 : i32
          %dma_start3A_1189 = arith.constant 99968 : i32
          %dma_start3A_1190 = tpu.memref_slice %arg7[%dma_start3A_1189] : memref<100352xf32, #tpu.memory_space<vmem>> -> memref<32xf32, #tpu.memory_space<vmem>>
          %dma_start3A_1191 = tpu.memref_slice %arg6[%mul3A_1188] : memref<8192xf32, #tpu.memory_space<hbm>> -> memref<32xf32, #tpu.memory_space<hbm>>
          %dma_start3A_1192 = tpu.memref_slice %arg6[%mul3A_1188] : memref<8192xf32, #tpu.memory_space<hbm>> -> memref<32xf32, #tpu.memory_space<hbm>>
          %dma_start3A_1193 = arith.constant 99968 : i32
          %dma_start3A_1194 = tpu.memref_slice %arg7[%dma_start3A_1193] : memref<100352xf32, #tpu.memory_space<vmem>> -> memref<32xf32, #tpu.memory_space<vmem>>
          tpu.enqueue_dma source(%dma_start3A_1194 : memref<32xf32, #tpu.memory_space<vmem>>) target(%dma_start3A_1192 : memref<32xf32, #tpu.memory_space<hbm>>) target_semaphore(%arg16 : memref<!tpu.dma_semaphore, #tpu.memory_space<semaphore_mem>>)
        } else {
        }
        %get3A_507 = arith.constant 0 : index
        %get3A_508 = tpu.vector_load %arg13[%get3A_507] {strides = array<i32>} : memref<32xi32, #tpu.memory_space<vmem>>, vector<16xi32>,
        %slice3A_509 = vector.extract_strided_slice %get3A_508 {offsets = [6], sizes = [1], strides = [1]} : vector<16xi32> to vector<1xi32>
        %squeeze3A_510 = vector.extract %slice3A_509[0] : i32 from vector<1xi32>
        %lt3A_511 = arith.constant 100000 : i32
        %lt3A_512 = arith.cmpi slt, %squeeze3A_510, %lt3A_511 : i32
        %lt3A_513 = arith.constant 99968 : i32
        %lt3A_514 = arith.cmpi slt, %squeeze3A_510, %lt3A_513 : i32
        %and3A_515 = arith.andi %lt3A_512, %lt3A_514 : i1
        %convert_element_type3A_516 = arith.extui %and3A_515 : i1 to i32
        %cond3A_517 = arith.constant 0 : i32
        %cond3A_518 = arith.cmpi ne, %convert_element_type3A_516, %cond3A_517 : i32
        scf.if %cond3A_518 {
          %shift_right_arithmetic3A = arith.constant 7 : i32
          %shift_right_arithmetic3A_1187 = arith.shrsi %squeeze3A_510, %shift_right_arithmetic3A : i32
          %shift_left3A = arith.constant 7 : i32
          %shift_left3A_1188 = arith.shli %shift_right_arithmetic3A_1187, %shift_left3A : i32
          %multiple_of3A = tpu.assume_multiple %shift_left3A_1188, 128 : i32
          %dma_start3A_1189 = tpu.memref_slice %arg7[%multiple_of3A] : memref<100352xf32, #tpu.memory_space<vmem>> -> memref<128xf32, #tpu.memory_space<vmem>>
          %dma_start3A_1190 = tpu.memref_slice %arg5[%add3A_177, %multiple_of3A] : memref<256x100000xf32, #tpu.memory_space<hbm>> -> memref<1x128xf32, #tpu.memory_space<hbm>>
          %dma_start3A_1191 = tpu.memref_squeeze %dma_start3A_1190 : memref<1x128xf32, #tpu.memory_space<hbm>> -> memref<128xf32, #tpu.memory_space<hbm>>
          %dma_start3A_1192 = tpu.memref_slice %arg5[%add3A_177, %multiple_of3A] : memref<256x100000xf32, #tpu.memory_space<hbm>> -> memref<1x128xf32, #tpu.memory_space<hbm>>
          %dma_start3A_1193 = tpu.memref_squeeze %dma_start3A_1192 : memref<1x128xf32, #tpu.memory_space<hbm>> -> memref<128xf32, #tpu.memory_space<hbm>>
          %dma_start3A_1194 = tpu.memref_slice %arg7[%multiple_of3A] : memref<100352xf32, #tpu.memory_space<vmem>> -> memref<128xf32, #tpu.memory_space<vmem>>
          tpu.enqueue_dma source(%dma_start3A_1194 : memref<128xf32, #tpu.memory_space<vmem>>) target(%dma_start3A_1193 : memref<128xf32, #tpu.memory_space<hbm>>) target_semaphore(%arg16 : memref<!tpu.dma_semaphore, #tpu.memory_space<semaphore_mem>>)
        } else {
        }
        %lt3A_519 = arith.constant 100000 : i32
        %lt3A_520 = arith.cmpi slt, %squeeze3A_510, %lt3A_519 : i32
        %ge3A_521 = arith.constant 99968 : i32
        %ge3A_522 = arith.cmpi sge, %squeeze3A_510, %ge3A_521 : i32
        %and3A_523 = arith.andi %lt3A_520, %ge3A_522 : i1
        %convert_element_type3A_524 = arith.extui %and3A_523 : i1 to i32
        %cond3A_525 = arith.constant 0 : i32
        %cond3A_526 = arith.cmpi ne, %convert_element_type3A_524, %cond3A_525 : i32
        scf.if %cond3A_526 {
          %mul3A_1187 = arith.constant 32 : i32
          %mul3A_1188 = arith.muli %add3A_177, %mul3A_1187 : i32
          %dma_start3A_1189 = arith.constant 99968 : i32
          %dma_start3A_1190 = tpu.memref_slice %arg7[%dma_start3A_1189] : memref<100352xf32, #tpu.memory_space<vmem>> -> memref<32xf32, #tpu.memory_space<vmem>>
          %dma_start3A_1191 = tpu.memref_slice %arg6[%mul3A_1188] : memref<8192xf32, #tpu.memory_space<hbm>> -> memref<32xf32, #tpu.memory_space<hbm>>
          %dma_start3A_1192 = tpu.memref_slice %arg6[%mul3A_1188] : memref<8192xf32, #tpu.memory_space<hbm>> -> memref<32xf32, #tpu.memory_space<hbm>>
          %dma_start3A_1193 = arith.constant 99968 : i32
          %dma_start3A_1194 = tpu.memref_slice %arg7[%dma_start3A_1193] : memref<100352xf32, #tpu.memory_space<vmem>> -> memref<32xf32, #tpu.memory_space<vmem>>
          tpu.enqueue_dma source(%dma_start3A_1194 : memref<32xf32, #tpu.memory_space<vmem>>) target(%dma_start3A_1192 : memref<32xf32, #tpu.memory_space<hbm>>) target_semaphore(%arg16 : memref<!tpu.dma_semaphore, #tpu.memory_space<semaphore_mem>>)
        } else {
        }
        %get3A_527 = arith.constant 0 : index
        %get3A_528 = tpu.vector_load %arg13[%get3A_527] {strides = array<i32>} : memref<32xi32, #tpu.memory_space<vmem>>, vector<16xi32>,
        %slice3A_529 = vector.extract_strided_slice %get3A_528 {offsets = [7], sizes = [1], strides = [1]} : vector<16xi32> to vector<1xi32>
        %squeeze3A_530 = vector.extract %slice3A_529[0] : i32 from vector<1xi32>
        %lt3A_531 = arith.constant 100000 : i32
        %lt3A_532 = arith.cmpi slt, %squeeze3A_530, %lt3A_531 : i32
        %lt3A_533 = arith.constant 99968 : i32
        %lt3A_534 = arith.cmpi slt, %squeeze3A_530, %lt3A_533 : i32
        %and3A_535 = arith.andi %lt3A_532, %lt3A_534 : i1
        %convert_element_type3A_536 = arith.extui %and3A_535 : i1 to i32
        %cond3A_537 = arith.constant 0 : i32
        %cond3A_538 = arith.cmpi ne, %convert_element_type3A_536, %cond3A_537 : i32
        scf.if %cond3A_538 {
          %shift_right_arithmetic3A = arith.constant 7 : i32
          %shift_right_arithmetic3A_1187 = arith.shrsi %squeeze3A_530, %shift_right_arithmetic3A : i32
          %shift_left3A = arith.constant 7 : i32
          %shift_left3A_1188 = arith.shli %shift_right_arithmetic3A_1187, %shift_left3A : i32
          %multiple_of3A = tpu.assume_multiple %shift_left3A_1188, 128 : i32
          %dma_start3A_1189 = tpu.memref_slice %arg7[%multiple_of3A] : memref<100352xf32, #tpu.memory_space<vmem>> -> memref<128xf32, #tpu.memory_space<vmem>>
          %dma_start3A_1190 = tpu.memref_slice %arg5[%add3A_177, %multiple_of3A] : memref<256x100000xf32, #tpu.memory_space<hbm>> -> memref<1x128xf32, #tpu.memory_space<hbm>>
          %dma_start3A_1191 = tpu.memref_squeeze %dma_start3A_1190 : memref<1x128xf32, #tpu.memory_space<hbm>> -> memref<128xf32, #tpu.memory_space<hbm>>
          %dma_start3A_1192 = tpu.memref_slice %arg5[%add3A_177, %multiple_of3A] : memref<256x100000xf32, #tpu.memory_space<hbm>> -> memref<1x128xf32, #tpu.memory_space<hbm>>
          %dma_start3A_1193 = tpu.memref_squeeze %dma_start3A_1192 : memref<1x128xf32, #tpu.memory_space<hbm>> -> memref<128xf32, #tpu.memory_space<hbm>>
          %dma_start3A_1194 = tpu.memref_slice %arg7[%multiple_of3A] : memref<100352xf32, #tpu.memory_space<vmem>> -> memref<128xf32, #tpu.memory_space<vmem>>
          tpu.enqueue_dma source(%dma_start3A_1194 : memref<128xf32, #tpu.memory_space<vmem>>) target(%dma_start3A_1193 : memref<128xf32, #tpu.memory_space<hbm>>) target_semaphore(%arg16 : memref<!tpu.dma_semaphore, #tpu.memory_space<semaphore_mem>>)
        } else {
        }
        %lt3A_539 = arith.constant 100000 : i32
        %lt3A_540 = arith.cmpi slt, %squeeze3A_530, %lt3A_539 : i32
        %ge3A_541 = arith.constant 99968 : i32
        %ge3A_542 = arith.cmpi sge, %squeeze3A_530, %ge3A_541 : i32
        %and3A_543 = arith.andi %lt3A_540, %ge3A_542 : i1
        %convert_element_type3A_544 = arith.extui %and3A_543 : i1 to i32
        %cond3A_545 = arith.constant 0 : i32
        %cond3A_546 = arith.cmpi ne, %convert_element_type3A_544, %cond3A_545 : i32
        scf.if %cond3A_546 {
          %mul3A_1187 = arith.constant 32 : i32
          %mul3A_1188 = arith.muli %add3A_177, %mul3A_1187 : i32
          %dma_start3A_1189 = arith.constant 99968 : i32
          %dma_start3A_1190 = tpu.memref_slice %arg7[%dma_start3A_1189] : memref<100352xf32, #tpu.memory_space<vmem>> -> memref<32xf32, #tpu.memory_space<vmem>>
          %dma_start3A_1191 = tpu.memref_slice %arg6[%mul3A_1188] : memref<8192xf32, #tpu.memory_space<hbm>> -> memref<32xf32, #tpu.memory_space<hbm>>
          %dma_start3A_1192 = tpu.memref_slice %arg6[%mul3A_1188] : memref<8192xf32, #tpu.memory_space<hbm>> -> memref<32xf32, #tpu.memory_space<hbm>>
          %dma_start3A_1193 = arith.constant 99968 : i32
          %dma_start3A_1194 = tpu.memref_slice %arg7[%dma_start3A_1193] : memref<100352xf32, #tpu.memory_space<vmem>> -> memref<32xf32, #tpu.memory_space<vmem>>
          tpu.enqueue_dma source(%dma_start3A_1194 : memref<32xf32, #tpu.memory_space<vmem>>) target(%dma_start3A_1192 : memref<32xf32, #tpu.memory_space<hbm>>) target_semaphore(%arg16 : memref<!tpu.dma_semaphore, #tpu.memory_space<semaphore_mem>>)
        } else {
        }
        %get3A_547 = arith.constant 0 : index
        %get3A_548 = tpu.vector_load %arg13[%get3A_547] {strides = array<i32>} : memref<32xi32, #tpu.memory_space<vmem>>, vector<16xi32>,
        %slice3A_549 = vector.extract_strided_slice %get3A_548 {offsets = [8], sizes = [1], strides = [1]} : vector<16xi32> to vector<1xi32>
        %squeeze3A_550 = vector.extract %slice3A_549[0] : i32 from vector<1xi32>
        %lt3A_551 = arith.constant 100000 : i32
        %lt3A_552 = arith.cmpi slt, %squeeze3A_550, %lt3A_551 : i32
        %lt3A_553 = arith.constant 99968 : i32
        %lt3A_554 = arith.cmpi slt, %squeeze3A_550, %lt3A_553 : i32
        %and3A_555 = arith.andi %lt3A_552, %lt3A_554 : i1
        %convert_element_type3A_556 = arith.extui %and3A_555 : i1 to i32
        %cond3A_557 = arith.constant 0 : i32
        %cond3A_558 = arith.cmpi ne, %convert_element_type3A_556, %cond3A_557 : i32
        scf.if %cond3A_558 {
          %shift_right_arithmetic3A = arith.constant 7 : i32
          %shift_right_arithmetic3A_1187 = arith.shrsi %squeeze3A_550, %shift_right_arithmetic3A : i32
          %shift_left3A = arith.constant 7 : i32
          %shift_left3A_1188 = arith.shli %shift_right_arithmetic3A_1187, %shift_left3A : i32
          %multiple_of3A = tpu.assume_multiple %shift_left3A_1188, 128 : i32
          %dma_start3A_1189 = tpu.memref_slice %arg7[%multiple_of3A] : memref<100352xf32, #tpu.memory_space<vmem>> -> memref<128xf32, #tpu.memory_space<vmem>>
          %dma_start3A_1190 = tpu.memref_slice %arg5[%add3A_177, %multiple_of3A] : memref<256x100000xf32, #tpu.memory_space<hbm>> -> memref<1x128xf32, #tpu.memory_space<hbm>>
          %dma_start3A_1191 = tpu.memref_squeeze %dma_start3A_1190 : memref<1x128xf32, #tpu.memory_space<hbm>> -> memref<128xf32, #tpu.memory_space<hbm>>
          %dma_start3A_1192 = tpu.memref_slice %arg5[%add3A_177, %multiple_of3A] : memref<256x100000xf32, #tpu.memory_space<hbm>> -> memref<1x128xf32, #tpu.memory_space<hbm>>
          %dma_start3A_1193 = tpu.memref_squeeze %dma_start3A_1192 : memref<1x128xf32, #tpu.memory_space<hbm>> -> memref<128xf32, #tpu.memory_space<hbm>>
          %dma_start3A_1194 = tpu.memref_slice %arg7[%multiple_of3A] : memref<100352xf32, #tpu.memory_space<vmem>> -> memref<128xf32, #tpu.memory_space<vmem>>
          tpu.enqueue_dma source(%dma_start3A_1194 : memref<128xf32, #tpu.memory_space<vmem>>) target(%dma_start3A_1193 : memref<128xf32, #tpu.memory_space<hbm>>) target_semaphore(%arg16 : memref<!tpu.dma_semaphore, #tpu.memory_space<semaphore_mem>>)
        } else {
        }
        %lt3A_559 = arith.constant 100000 : i32
        %lt3A_560 = arith.cmpi slt, %squeeze3A_550, %lt3A_559 : i32
        %ge3A_561 = arith.constant 99968 : i32
        %ge3A_562 = arith.cmpi sge, %squeeze3A_550, %ge3A_561 : i32
        %and3A_563 = arith.andi %lt3A_560, %ge3A_562 : i1
        %convert_element_type3A_564 = arith.extui %and3A_563 : i1 to i32
        %cond3A_565 = arith.constant 0 : i32
        %cond3A_566 = arith.cmpi ne, %convert_element_type3A_564, %cond3A_565 : i32
        scf.if %cond3A_566 {
          %mul3A_1187 = arith.constant 32 : i32
          %mul3A_1188 = arith.muli %add3A_177, %mul3A_1187 : i32
          %dma_start3A_1189 = arith.constant 99968 : i32
          %dma_start3A_1190 = tpu.memref_slice %arg7[%dma_start3A_1189] : memref<100352xf32, #tpu.memory_space<vmem>> -> memref<32xf32, #tpu.memory_space<vmem>>
          %dma_start3A_1191 = tpu.memref_slice %arg6[%mul3A_1188] : memref<8192xf32, #tpu.memory_space<hbm>> -> memref<32xf32, #tpu.memory_space<hbm>>
          %dma_start3A_1192 = tpu.memref_slice %arg6[%mul3A_1188] : memref<8192xf32, #tpu.memory_space<hbm>> -> memref<32xf32, #tpu.memory_space<hbm>>
          %dma_start3A_1193 = arith.constant 99968 : i32
          %dma_start3A_1194 = tpu.memref_slice %arg7[%dma_start3A_1193] : memref<100352xf32, #tpu.memory_space<vmem>> -> memref<32xf32, #tpu.memory_space<vmem>>
          tpu.enqueue_dma source(%dma_start3A_1194 : memref<32xf32, #tpu.memory_space<vmem>>) target(%dma_start3A_1192 : memref<32xf32, #tpu.memory_space<hbm>>) target_semaphore(%arg16 : memref<!tpu.dma_semaphore, #tpu.memory_space<semaphore_mem>>)
        } else {
        }
        %get3A_567 = arith.constant 0 : index
        %get3A_568 = tpu.vector_load %arg13[%get3A_567] {strides = array<i32>} : memref<32xi32, #tpu.memory_space<vmem>>, vector<16xi32>,
        %slice3A_569 = vector.extract_strided_slice %get3A_568 {offsets = [9], sizes = [1], strides = [1]} : vector<16xi32> to vector<1xi32>
        %squeeze3A_570 = vector.extract %slice3A_569[0] : i32 from vector<1xi32>
        %lt3A_571 = arith.constant 100000 : i32
        %lt3A_572 = arith.cmpi slt, %squeeze3A_570, %lt3A_571 : i32
        %lt3A_573 = arith.constant 99968 : i32
        %lt3A_574 = arith.cmpi slt, %squeeze3A_570, %lt3A_573 : i32
        %and3A_575 = arith.andi %lt3A_572, %lt3A_574 : i1
        %convert_element_type3A_576 = arith.extui %and3A_575 : i1 to i32
        %cond3A_577 = arith.constant 0 : i32
        %cond3A_578 = arith.cmpi ne, %convert_element_type3A_576, %cond3A_577 : i32
        scf.if %cond3A_578 {
          %shift_right_arithmetic3A = arith.constant 7 : i32
          %shift_right_arithmetic3A_1187 = arith.shrsi %squeeze3A_570, %shift_right_arithmetic3A : i32
          %shift_left3A = arith.constant 7 : i32
          %shift_left3A_1188 = arith.shli %shift_right_arithmetic3A_1187, %shift_left3A : i32
          %multiple_of3A = tpu.assume_multiple %shift_left3A_1188, 128 : i32
          %dma_start3A_1189 = tpu.memref_slice %arg7[%multiple_of3A] : memref<100352xf32, #tpu.memory_space<vmem>> -> memref<128xf32, #tpu.memory_space<vmem>>
          %dma_start3A_1190 = tpu.memref_slice %arg5[%add3A_177, %multiple_of3A] : memref<256x100000xf32, #tpu.memory_space<hbm>> -> memref<1x128xf32, #tpu.memory_space<hbm>>
          %dma_start3A_1191 = tpu.memref_squeeze %dma_start3A_1190 : memref<1x128xf32, #tpu.memory_space<hbm>> -> memref<128xf32, #tpu.memory_space<hbm>>
          %dma_start3A_1192 = tpu.memref_slice %arg5[%add3A_177, %multiple_of3A] : memref<256x100000xf32, #tpu.memory_space<hbm>> -> memref<1x128xf32, #tpu.memory_space<hbm>>
          %dma_start3A_1193 = tpu.memref_squeeze %dma_start3A_1192 : memref<1x128xf32, #tpu.memory_space<hbm>> -> memref<128xf32, #tpu.memory_space<hbm>>
          %dma_start3A_1194 = tpu.memref_slice %arg7[%multiple_of3A] : memref<100352xf32, #tpu.memory_space<vmem>> -> memref<128xf32, #tpu.memory_space<vmem>>
          tpu.enqueue_dma source(%dma_start3A_1194 : memref<128xf32, #tpu.memory_space<vmem>>) target(%dma_start3A_1193 : memref<128xf32, #tpu.memory_space<hbm>>) target_semaphore(%arg16 : memref<!tpu.dma_semaphore, #tpu.memory_space<semaphore_mem>>)
        } else {
        }
        %lt3A_579 = arith.constant 100000 : i32
        %lt3A_580 = arith.cmpi slt, %squeeze3A_570, %lt3A_579 : i32
        %ge3A_581 = arith.constant 99968 : i32
        %ge3A_582 = arith.cmpi sge, %squeeze3A_570, %ge3A_581 : i32
        %and3A_583 = arith.andi %lt3A_580, %ge3A_582 : i1
        %convert_element_type3A_584 = arith.extui %and3A_583 : i1 to i32
        %cond3A_585 = arith.constant 0 : i32
        %cond3A_586 = arith.cmpi ne, %convert_element_type3A_584, %cond3A_585 : i32
        scf.if %cond3A_586 {
          %mul3A_1187 = arith.constant 32 : i32
          %mul3A_1188 = arith.muli %add3A_177, %mul3A_1187 : i32
          %dma_start3A_1189 = arith.constant 99968 : i32
          %dma_start3A_1190 = tpu.memref_slice %arg7[%dma_start3A_1189] : memref<100352xf32, #tpu.memory_space<vmem>> -> memref<32xf32, #tpu.memory_space<vmem>>
          %dma_start3A_1191 = tpu.memref_slice %arg6[%mul3A_1188] : memref<8192xf32, #tpu.memory_space<hbm>> -> memref<32xf32, #tpu.memory_space<hbm>>
          %dma_start3A_1192 = tpu.memref_slice %arg6[%mul3A_1188] : memref<8192xf32, #tpu.memory_space<hbm>> -> memref<32xf32, #tpu.memory_space<hbm>>
          %dma_start3A_1193 = arith.constant 99968 : i32
          %dma_start3A_1194 = tpu.memref_slice %arg7[%dma_start3A_1193] : memref<100352xf32, #tpu.memory_space<vmem>> -> memref<32xf32, #tpu.memory_space<vmem>>
          tpu.enqueue_dma source(%dma_start3A_1194 : memref<32xf32, #tpu.memory_space<vmem>>) target(%dma_start3A_1192 : memref<32xf32, #tpu.memory_space<hbm>>) target_semaphore(%arg16 : memref<!tpu.dma_semaphore, #tpu.memory_space<semaphore_mem>>)
        } else {
        }
        %get3A_587 = arith.constant 0 : index
        %get3A_588 = tpu.vector_load %arg13[%get3A_587] {strides = array<i32>} : memref<32xi32, #tpu.memory_space<vmem>>, vector<16xi32>,
        %slice3A_589 = vector.extract_strided_slice %get3A_588 {offsets = [10], sizes = [1], strides = [1]} : vector<16xi32> to vector<1xi32>
        %squeeze3A_590 = vector.extract %slice3A_589[0] : i32 from vector<1xi32>
        %lt3A_591 = arith.constant 100000 : i32
        %lt3A_592 = arith.cmpi slt, %squeeze3A_590, %lt3A_591 : i32
        %lt3A_593 = arith.constant 99968 : i32
        %lt3A_594 = arith.cmpi slt, %squeeze3A_590, %lt3A_593 : i32
        %and3A_595 = arith.andi %lt3A_592, %lt3A_594 : i1
        %convert_element_type3A_596 = arith.extui %and3A_595 : i1 to i32
        %cond3A_597 = arith.constant 0 : i32
        %cond3A_598 = arith.cmpi ne, %convert_element_type3A_596, %cond3A_597 : i32
        scf.if %cond3A_598 {
          %shift_right_arithmetic3A = arith.constant 7 : i32
          %shift_right_arithmetic3A_1187 = arith.shrsi %squeeze3A_590, %shift_right_arithmetic3A : i32
          %shift_left3A = arith.constant 7 : i32
          %shift_left3A_1188 = arith.shli %shift_right_arithmetic3A_1187, %shift_left3A : i32
          %multiple_of3A = tpu.assume_multiple %shift_left3A_1188, 128 : i32
          %dma_start3A_1189 = tpu.memref_slice %arg7[%multiple_of3A] : memref<100352xf32, #tpu.memory_space<vmem>> -> memref<128xf32, #tpu.memory_space<vmem>>
          %dma_start3A_1190 = tpu.memref_slice %arg5[%add3A_177, %multiple_of3A] : memref<256x100000xf32, #tpu.memory_space<hbm>> -> memref<1x128xf32, #tpu.memory_space<hbm>>
          %dma_start3A_1191 = tpu.memref_squeeze %dma_start3A_1190 : memref<1x128xf32, #tpu.memory_space<hbm>> -> memref<128xf32, #tpu.memory_space<hbm>>
          %dma_start3A_1192 = tpu.memref_slice %arg5[%add3A_177, %multiple_of3A] : memref<256x100000xf32, #tpu.memory_space<hbm>> -> memref<1x128xf32, #tpu.memory_space<hbm>>
          %dma_start3A_1193 = tpu.memref_squeeze %dma_start3A_1192 : memref<1x128xf32, #tpu.memory_space<hbm>> -> memref<128xf32, #tpu.memory_space<hbm>>
          %dma_start3A_1194 = tpu.memref_slice %arg7[%multiple_of3A] : memref<100352xf32, #tpu.memory_space<vmem>> -> memref<128xf32, #tpu.memory_space<vmem>>
          tpu.enqueue_dma source(%dma_start3A_1194 : memref<128xf32, #tpu.memory_space<vmem>>) target(%dma_start3A_1193 : memref<128xf32, #tpu.memory_space<hbm>>) target_semaphore(%arg16 : memref<!tpu.dma_semaphore, #tpu.memory_space<semaphore_mem>>)
        } else {
        }
        %lt3A_599 = arith.constant 100000 : i32
        %lt3A_600 = arith.cmpi slt, %squeeze3A_590, %lt3A_599 : i32
        %ge3A_601 = arith.constant 99968 : i32
        %ge3A_602 = arith.cmpi sge, %squeeze3A_590, %ge3A_601 : i32
        %and3A_603 = arith.andi %lt3A_600, %ge3A_602 : i1
        %convert_element_type3A_604 = arith.extui %and3A_603 : i1 to i32
        %cond3A_605 = arith.constant 0 : i32
        %cond3A_606 = arith.cmpi ne, %convert_element_type3A_604, %cond3A_605 : i32
        scf.if %cond3A_606 {
          %mul3A_1187 = arith.constant 32 : i32
          %mul3A_1188 = arith.muli %add3A_177, %mul3A_1187 : i32
          %dma_start3A_1189 = arith.constant 99968 : i32
          %dma_start3A_1190 = tpu.memref_slice %arg7[%dma_start3A_1189] : memref<100352xf32, #tpu.memory_space<vmem>> -> memref<32xf32, #tpu.memory_space<vmem>>
          %dma_start3A_1191 = tpu.memref_slice %arg6[%mul3A_1188] : memref<8192xf32, #tpu.memory_space<hbm>> -> memref<32xf32, #tpu.memory_space<hbm>>
          %dma_start3A_1192 = tpu.memref_slice %arg6[%mul3A_1188] : memref<8192xf32, #tpu.memory_space<hbm>> -> memref<32xf32, #tpu.memory_space<hbm>>
          %dma_start3A_1193 = arith.constant 99968 : i32
          %dma_start3A_1194 = tpu.memref_slice %arg7[%dma_start3A_1193] : memref<100352xf32, #tpu.memory_space<vmem>> -> memref<32xf32, #tpu.memory_space<vmem>>
          tpu.enqueue_dma source(%dma_start3A_1194 : memref<32xf32, #tpu.memory_space<vmem>>) target(%dma_start3A_1192 : memref<32xf32, #tpu.memory_space<hbm>>) target_semaphore(%arg16 : memref<!tpu.dma_semaphore, #tpu.memory_space<semaphore_mem>>)
        } else {
        }
        %get3A_607 = arith.constant 0 : index
        %get3A_608 = tpu.vector_load %arg13[%get3A_607] {strides = array<i32>} : memref<32xi32, #tpu.memory_space<vmem>>, vector<16xi32>,
        %slice3A_609 = vector.extract_strided_slice %get3A_608 {offsets = [11], sizes = [1], strides = [1]} : vector<16xi32> to vector<1xi32>
        %squeeze3A_610 = vector.extract %slice3A_609[0] : i32 from vector<1xi32>
        %lt3A_611 = arith.constant 100000 : i32
        %lt3A_612 = arith.cmpi slt, %squeeze3A_610, %lt3A_611 : i32
        %lt3A_613 = arith.constant 99968 : i32
        %lt3A_614 = arith.cmpi slt, %squeeze3A_610, %lt3A_613 : i32
        %and3A_615 = arith.andi %lt3A_612, %lt3A_614 : i1
        %convert_element_type3A_616 = arith.extui %and3A_615 : i1 to i32
        %cond3A_617 = arith.constant 0 : i32
        %cond3A_618 = arith.cmpi ne, %convert_element_type3A_616, %cond3A_617 : i32
        scf.if %cond3A_618 {
          %shift_right_arithmetic3A = arith.constant 7 : i32
          %shift_right_arithmetic3A_1187 = arith.shrsi %squeeze3A_610, %shift_right_arithmetic3A : i32
          %shift_left3A = arith.constant 7 : i32
          %shift_left3A_1188 = arith.shli %shift_right_arithmetic3A_1187, %shift_left3A : i32
          %multiple_of3A = tpu.assume_multiple %shift_left3A_1188, 128 : i32
          %dma_start3A_1189 = tpu.memref_slice %arg7[%multiple_of3A] : memref<100352xf32, #tpu.memory_space<vmem>> -> memref<128xf32, #tpu.memory_space<vmem>>
          %dma_start3A_1190 = tpu.memref_slice %arg5[%add3A_177, %multiple_of3A] : memref<256x100000xf32, #tpu.memory_space<hbm>> -> memref<1x128xf32, #tpu.memory_space<hbm>>
          %dma_start3A_1191 = tpu.memref_squeeze %dma_start3A_1190 : memref<1x128xf32, #tpu.memory_space<hbm>> -> memref<128xf32, #tpu.memory_space<hbm>>
          %dma_start3A_1192 = tpu.memref_slice %arg5[%add3A_177, %multiple_of3A] : memref<256x100000xf32, #tpu.memory_space<hbm>> -> memref<1x128xf32, #tpu.memory_space<hbm>>
          %dma_start3A_1193 = tpu.memref_squeeze %dma_start3A_1192 : memref<1x128xf32, #tpu.memory_space<hbm>> -> memref<128xf32, #tpu.memory_space<hbm>>
          %dma_start3A_1194 = tpu.memref_slice %arg7[%multiple_of3A] : memref<100352xf32, #tpu.memory_space<vmem>> -> memref<128xf32, #tpu.memory_space<vmem>>
          tpu.enqueue_dma source(%dma_start3A_1194 : memref<128xf32, #tpu.memory_space<vmem>>) target(%dma_start3A_1193 : memref<128xf32, #tpu.memory_space<hbm>>) target_semaphore(%arg16 : memref<!tpu.dma_semaphore, #tpu.memory_space<semaphore_mem>>)
        } else {
        }
        %lt3A_619 = arith.constant 100000 : i32
        %lt3A_620 = arith.cmpi slt, %squeeze3A_610, %lt3A_619 : i32
        %ge3A_621 = arith.constant 99968 : i32
        %ge3A_622 = arith.cmpi sge, %squeeze3A_610, %ge3A_621 : i32
        %and3A_623 = arith.andi %lt3A_620, %ge3A_622 : i1
        %convert_element_type3A_624 = arith.extui %and3A_623 : i1 to i32
        %cond3A_625 = arith.constant 0 : i32
        %cond3A_626 = arith.cmpi ne, %convert_element_type3A_624, %cond3A_625 : i32
        scf.if %cond3A_626 {
          %mul3A_1187 = arith.constant 32 : i32
          %mul3A_1188 = arith.muli %add3A_177, %mul3A_1187 : i32
          %dma_start3A_1189 = arith.constant 99968 : i32
          %dma_start3A_1190 = tpu.memref_slice %arg7[%dma_start3A_1189] : memref<100352xf32, #tpu.memory_space<vmem>> -> memref<32xf32, #tpu.memory_space<vmem>>
          %dma_start3A_1191 = tpu.memref_slice %arg6[%mul3A_1188] : memref<8192xf32, #tpu.memory_space<hbm>> -> memref<32xf32, #tpu.memory_space<hbm>>
          %dma_start3A_1192 = tpu.memref_slice %arg6[%mul3A_1188] : memref<8192xf32, #tpu.memory_space<hbm>> -> memref<32xf32, #tpu.memory_space<hbm>>
          %dma_start3A_1193 = arith.constant 99968 : i32
          %dma_start3A_1194 = tpu.memref_slice %arg7[%dma_start3A_1193] : memref<100352xf32, #tpu.memory_space<vmem>> -> memref<32xf32, #tpu.memory_space<vmem>>
          tpu.enqueue_dma source(%dma_start3A_1194 : memref<32xf32, #tpu.memory_space<vmem>>) target(%dma_start3A_1192 : memref<32xf32, #tpu.memory_space<hbm>>) target_semaphore(%arg16 : memref<!tpu.dma_semaphore, #tpu.memory_space<semaphore_mem>>)
        } else {
        }
        %get3A_627 = arith.constant 0 : index
        %get3A_628 = tpu.vector_load %arg13[%get3A_627] {strides = array<i32>} : memref<32xi32, #tpu.memory_space<vmem>>, vector<16xi32>,
        %slice3A_629 = vector.extract_strided_slice %get3A_628 {offsets = [12], sizes = [1], strides = [1]} : vector<16xi32> to vector<1xi32>
        %squeeze3A_630 = vector.extract %slice3A_629[0] : i32 from vector<1xi32>
        %lt3A_631 = arith.constant 100000 : i32
        %lt3A_632 = arith.cmpi slt, %squeeze3A_630, %lt3A_631 : i32
        %lt3A_633 = arith.constant 99968 : i32
        %lt3A_634 = arith.cmpi slt, %squeeze3A_630, %lt3A_633 : i32
        %and3A_635 = arith.andi %lt3A_632, %lt3A_634 : i1
        %convert_element_type3A_636 = arith.extui %and3A_635 : i1 to i32
        %cond3A_637 = arith.constant 0 : i32
        %cond3A_638 = arith.cmpi ne, %convert_element_type3A_636, %cond3A_637 : i32
        scf.if %cond3A_638 {
          %shift_right_arithmetic3A = arith.constant 7 : i32
          %shift_right_arithmetic3A_1187 = arith.shrsi %squeeze3A_630, %shift_right_arithmetic3A : i32
          %shift_left3A = arith.constant 7 : i32
          %shift_left3A_1188 = arith.shli %shift_right_arithmetic3A_1187, %shift_left3A : i32
          %multiple_of3A = tpu.assume_multiple %shift_left3A_1188, 128 : i32
          %dma_start3A_1189 = tpu.memref_slice %arg7[%multiple_of3A] : memref<100352xf32, #tpu.memory_space<vmem>> -> memref<128xf32, #tpu.memory_space<vmem>>
          %dma_start3A_1190 = tpu.memref_slice %arg5[%add3A_177, %multiple_of3A] : memref<256x100000xf32, #tpu.memory_space<hbm>> -> memref<1x128xf32, #tpu.memory_space<hbm>>
          %dma_start3A_1191 = tpu.memref_squeeze %dma_start3A_1190 : memref<1x128xf32, #tpu.memory_space<hbm>> -> memref<128xf32, #tpu.memory_space<hbm>>
          %dma_start3A_1192 = tpu.memref_slice %arg5[%add3A_177, %multiple_of3A] : memref<256x100000xf32, #tpu.memory_space<hbm>> -> memref<1x128xf32, #tpu.memory_space<hbm>>
          %dma_start3A_1193 = tpu.memref_squeeze %dma_start3A_1192 : memref<1x128xf32, #tpu.memory_space<hbm>> -> memref<128xf32, #tpu.memory_space<hbm>>
          %dma_start3A_1194 = tpu.memref_slice %arg7[%multiple_of3A] : memref<100352xf32, #tpu.memory_space<vmem>> -> memref<128xf32, #tpu.memory_space<vmem>>
          tpu.enqueue_dma source(%dma_start3A_1194 : memref<128xf32, #tpu.memory_space<vmem>>) target(%dma_start3A_1193 : memref<128xf32, #tpu.memory_space<hbm>>) target_semaphore(%arg16 : memref<!tpu.dma_semaphore, #tpu.memory_space<semaphore_mem>>)
        } else {
        }
        %lt3A_639 = arith.constant 100000 : i32
        %lt3A_640 = arith.cmpi slt, %squeeze3A_630, %lt3A_639 : i32
        %ge3A_641 = arith.constant 99968 : i32
        %ge3A_642 = arith.cmpi sge, %squeeze3A_630, %ge3A_641 : i32
        %and3A_643 = arith.andi %lt3A_640, %ge3A_642 : i1
        %convert_element_type3A_644 = arith.extui %and3A_643 : i1 to i32
        %cond3A_645 = arith.constant 0 : i32
        %cond3A_646 = arith.cmpi ne, %convert_element_type3A_644, %cond3A_645 : i32
        scf.if %cond3A_646 {
          %mul3A_1187 = arith.constant 32 : i32
          %mul3A_1188 = arith.muli %add3A_177, %mul3A_1187 : i32
          %dma_start3A_1189 = arith.constant 99968 : i32
          %dma_start3A_1190 = tpu.memref_slice %arg7[%dma_start3A_1189] : memref<100352xf32, #tpu.memory_space<vmem>> -> memref<32xf32, #tpu.memory_space<vmem>>
          %dma_start3A_1191 = tpu.memref_slice %arg6[%mul3A_1188] : memref<8192xf32, #tpu.memory_space<hbm>> -> memref<32xf32, #tpu.memory_space<hbm>>
          %dma_start3A_1192 = tpu.memref_slice %arg6[%mul3A_1188] : memref<8192xf32, #tpu.memory_space<hbm>> -> memref<32xf32, #tpu.memory_space<hbm>>
          %dma_start3A_1193 = arith.constant 99968 : i32
          %dma_start3A_1194 = tpu.memref_slice %arg7[%dma_start3A_1193] : memref<100352xf32, #tpu.memory_space<vmem>> -> memref<32xf32, #tpu.memory_space<vmem>>
          tpu.enqueue_dma source(%dma_start3A_1194 : memref<32xf32, #tpu.memory_space<vmem>>) target(%dma_start3A_1192 : memref<32xf32, #tpu.memory_space<hbm>>) target_semaphore(%arg16 : memref<!tpu.dma_semaphore, #tpu.memory_space<semaphore_mem>>)
        } else {
        }
        %get3A_647 = arith.constant 0 : index
        %get3A_648 = tpu.vector_load %arg13[%get3A_647] {strides = array<i32>} : memref<32xi32, #tpu.memory_space<vmem>>, vector<16xi32>,
        %slice3A_649 = vector.extract_strided_slice %get3A_648 {offsets = [13], sizes = [1], strides = [1]} : vector<16xi32> to vector<1xi32>
        %squeeze3A_650 = vector.extract %slice3A_649[0] : i32 from vector<1xi32>
        %lt3A_651 = arith.constant 100000 : i32
        %lt3A_652 = arith.cmpi slt, %squeeze3A_650, %lt3A_651 : i32
        %lt3A_653 = arith.constant 99968 : i32
        %lt3A_654 = arith.cmpi slt, %squeeze3A_650, %lt3A_653 : i32
        %and3A_655 = arith.andi %lt3A_652, %lt3A_654 : i1
        %convert_element_type3A_656 = arith.extui %and3A_655 : i1 to i32
        %cond3A_657 = arith.constant 0 : i32
        %cond3A_658 = arith.cmpi ne, %convert_element_type3A_656, %cond3A_657 : i32
        scf.if %cond3A_658 {
          %shift_right_arithmetic3A = arith.constant 7 : i32
          %shift_right_arithmetic3A_1187 = arith.shrsi %squeeze3A_650, %shift_right_arithmetic3A : i32
          %shift_left3A = arith.constant 7 : i32
          %shift_left3A_1188 = arith.shli %shift_right_arithmetic3A_1187, %shift_left3A : i32
          %multiple_of3A = tpu.assume_multiple %shift_left3A_1188, 128 : i32
          %dma_start3A_1189 = tpu.memref_slice %arg7[%multiple_of3A] : memref<100352xf32, #tpu.memory_space<vmem>> -> memref<128xf32, #tpu.memory_space<vmem>>
          %dma_start3A_1190 = tpu.memref_slice %arg5[%add3A_177, %multiple_of3A] : memref<256x100000xf32, #tpu.memory_space<hbm>> -> memref<1x128xf32, #tpu.memory_space<hbm>>
          %dma_start3A_1191 = tpu.memref_squeeze %dma_start3A_1190 : memref<1x128xf32, #tpu.memory_space<hbm>> -> memref<128xf32, #tpu.memory_space<hbm>>
          %dma_start3A_1192 = tpu.memref_slice %arg5[%add3A_177, %multiple_of3A] : memref<256x100000xf32, #tpu.memory_space<hbm>> -> memref<1x128xf32, #tpu.memory_space<hbm>>
          %dma_start3A_1193 = tpu.memref_squeeze %dma_start3A_1192 : memref<1x128xf32, #tpu.memory_space<hbm>> -> memref<128xf32, #tpu.memory_space<hbm>>
          %dma_start3A_1194 = tpu.memref_slice %arg7[%multiple_of3A] : memref<100352xf32, #tpu.memory_space<vmem>> -> memref<128xf32, #tpu.memory_space<vmem>>
          tpu.enqueue_dma source(%dma_start3A_1194 : memref<128xf32, #tpu.memory_space<vmem>>) target(%dma_start3A_1193 : memref<128xf32, #tpu.memory_space<hbm>>) target_semaphore(%arg16 : memref<!tpu.dma_semaphore, #tpu.memory_space<semaphore_mem>>)
        } else {
        }
        %lt3A_659 = arith.constant 100000 : i32
        %lt3A_660 = arith.cmpi slt, %squeeze3A_650, %lt3A_659 : i32
        %ge3A_661 = arith.constant 99968 : i32
        %ge3A_662 = arith.cmpi sge, %squeeze3A_650, %ge3A_661 : i32
        %and3A_663 = arith.andi %lt3A_660, %ge3A_662 : i1
        %convert_element_type3A_664 = arith.extui %and3A_663 : i1 to i32
        %cond3A_665 = arith.constant 0 : i32
        %cond3A_666 = arith.cmpi ne, %convert_element_type3A_664, %cond3A_665 : i32
        scf.if %cond3A_666 {
          %mul3A_1187 = arith.constant 32 : i32
          %mul3A_1188 = arith.muli %add3A_177, %mul3A_1187 : i32
          %dma_start3A_1189 = arith.constant 99968 : i32
          %dma_start3A_1190 = tpu.memref_slice %arg7[%dma_start3A_1189] : memref<100352xf32, #tpu.memory_space<vmem>> -> memref<32xf32, #tpu.memory_space<vmem>>
          %dma_start3A_1191 = tpu.memref_slice %arg6[%mul3A_1188] : memref<8192xf32, #tpu.memory_space<hbm>> -> memref<32xf32, #tpu.memory_space<hbm>>
          %dma_start3A_1192 = tpu.memref_slice %arg6[%mul3A_1188] : memref<8192xf32, #tpu.memory_space<hbm>> -> memref<32xf32, #tpu.memory_space<hbm>>
          %dma_start3A_1193 = arith.constant 99968 : i32
          %dma_start3A_1194 = tpu.memref_slice %arg7[%dma_start3A_1193] : memref<100352xf32, #tpu.memory_space<vmem>> -> memref<32xf32, #tpu.memory_space<vmem>>
          tpu.enqueue_dma source(%dma_start3A_1194 : memref<32xf32, #tpu.memory_space<vmem>>) target(%dma_start3A_1192 : memref<32xf32, #tpu.memory_space<hbm>>) target_semaphore(%arg16 : memref<!tpu.dma_semaphore, #tpu.memory_space<semaphore_mem>>)
        } else {
        }
        %get3A_667 = arith.constant 0 : index
        %get3A_668 = tpu.vector_load %arg13[%get3A_667] {strides = array<i32>} : memref<32xi32, #tpu.memory_space<vmem>>, vector<16xi32>,
        %slice3A_669 = vector.extract_strided_slice %get3A_668 {offsets = [14], sizes = [1], strides = [1]} : vector<16xi32> to vector<1xi32>
        %squeeze3A_670 = vector.extract %slice3A_669[0] : i32 from vector<1xi32>
        %lt3A_671 = arith.constant 100000 : i32
        %lt3A_672 = arith.cmpi slt, %squeeze3A_670, %lt3A_671 : i32
        %lt3A_673 = arith.constant 99968 : i32
        %lt3A_674 = arith.cmpi slt, %squeeze3A_670, %lt3A_673 : i32
        %and3A_675 = arith.andi %lt3A_672, %lt3A_674 : i1
        %convert_element_type3A_676 = arith.extui %and3A_675 : i1 to i32
        %cond3A_677 = arith.constant 0 : i32
        %cond3A_678 = arith.cmpi ne, %convert_element_type3A_676, %cond3A_677 : i32
        scf.if %cond3A_678 {
          %shift_right_arithmetic3A = arith.constant 7 : i32
          %shift_right_arithmetic3A_1187 = arith.shrsi %squeeze3A_670, %shift_right_arithmetic3A : i32
          %shift_left3A = arith.constant 7 : i32
          %shift_left3A_1188 = arith.shli %shift_right_arithmetic3A_1187, %shift_left3A : i32
          %multiple_of3A = tpu.assume_multiple %shift_left3A_1188, 128 : i32
          %dma_start3A_1189 = tpu.memref_slice %arg7[%multiple_of3A] : memref<100352xf32, #tpu.memory_space<vmem>> -> memref<128xf32, #tpu.memory_space<vmem>>
          %dma_start3A_1190 = tpu.memref_slice %arg5[%add3A_177, %multiple_of3A] : memref<256x100000xf32, #tpu.memory_space<hbm>> -> memref<1x128xf32, #tpu.memory_space<hbm>>
          %dma_start3A_1191 = tpu.memref_squeeze %dma_start3A_1190 : memref<1x128xf32, #tpu.memory_space<hbm>> -> memref<128xf32, #tpu.memory_space<hbm>>
          %dma_start3A_1192 = tpu.memref_slice %arg5[%add3A_177, %multiple_of3A] : memref<256x100000xf32, #tpu.memory_space<hbm>> -> memref<1x128xf32, #tpu.memory_space<hbm>>
          %dma_start3A_1193 = tpu.memref_squeeze %dma_start3A_1192 : memref<1x128xf32, #tpu.memory_space<hbm>> -> memref<128xf32, #tpu.memory_space<hbm>>
          %dma_start3A_1194 = tpu.memref_slice %arg7[%multiple_of3A] : memref<100352xf32, #tpu.memory_space<vmem>> -> memref<128xf32, #tpu.memory_space<vmem>>
          tpu.enqueue_dma source(%dma_start3A_1194 : memref<128xf32, #tpu.memory_space<vmem>>) target(%dma_start3A_1193 : memref<128xf32, #tpu.memory_space<hbm>>) target_semaphore(%arg16 : memref<!tpu.dma_semaphore, #tpu.memory_space<semaphore_mem>>)
        } else {
        }
        %lt3A_679 = arith.constant 100000 : i32
        %lt3A_680 = arith.cmpi slt, %squeeze3A_670, %lt3A_679 : i32
        %ge3A_681 = arith.constant 99968 : i32
        %ge3A_682 = arith.cmpi sge, %squeeze3A_670, %ge3A_681 : i32
        %and3A_683 = arith.andi %lt3A_680, %ge3A_682 : i1
        %convert_element_type3A_684 = arith.extui %and3A_683 : i1 to i32
        %cond3A_685 = arith.constant 0 : i32
        %cond3A_686 = arith.cmpi ne, %convert_element_type3A_684, %cond3A_685 : i32
        scf.if %cond3A_686 {
          %mul3A_1187 = arith.constant 32 : i32
          %mul3A_1188 = arith.muli %add3A_177, %mul3A_1187 : i32
          %dma_start3A_1189 = arith.constant 99968 : i32
          %dma_start3A_1190 = tpu.memref_slice %arg7[%dma_start3A_1189] : memref<100352xf32, #tpu.memory_space<vmem>> -> memref<32xf32, #tpu.memory_space<vmem>>
          %dma_start3A_1191 = tpu.memref_slice %arg6[%mul3A_1188] : memref<8192xf32, #tpu.memory_space<hbm>> -> memref<32xf32, #tpu.memory_space<hbm>>
          %dma_start3A_1192 = tpu.memref_slice %arg6[%mul3A_1188] : memref<8192xf32, #tpu.memory_space<hbm>> -> memref<32xf32, #tpu.memory_space<hbm>>
          %dma_start3A_1193 = arith.constant 99968 : i32
          %dma_start3A_1194 = tpu.memref_slice %arg7[%dma_start3A_1193] : memref<100352xf32, #tpu.memory_space<vmem>> -> memref<32xf32, #tpu.memory_space<vmem>>
          tpu.enqueue_dma source(%dma_start3A_1194 : memref<32xf32, #tpu.memory_space<vmem>>) target(%dma_start3A_1192 : memref<32xf32, #tpu.memory_space<hbm>>) target_semaphore(%arg16 : memref<!tpu.dma_semaphore, #tpu.memory_space<semaphore_mem>>)
        } else {
        }
        %get3A_687 = arith.constant 0 : index
        %get3A_688 = tpu.vector_load %arg13[%get3A_687] {strides = array<i32>} : memref<32xi32, #tpu.memory_space<vmem>>, vector<16xi32>,
        %slice3A_689 = vector.extract_strided_slice %get3A_688 {offsets = [15], sizes = [1], strides = [1]} : vector<16xi32> to vector<1xi32>
        %squeeze3A_690 = vector.extract %slice3A_689[0] : i32 from vector<1xi32>
        %lt3A_691 = arith.constant 100000 : i32
        %lt3A_692 = arith.cmpi slt, %squeeze3A_690, %lt3A_691 : i32
        %lt3A_693 = arith.constant 99968 : i32
        %lt3A_694 = arith.cmpi slt, %squeeze3A_690, %lt3A_693 : i32
        %and3A_695 = arith.andi %lt3A_692, %lt3A_694 : i1
        %convert_element_type3A_696 = arith.extui %and3A_695 : i1 to i32
        %cond3A_697 = arith.constant 0 : i32
        %cond3A_698 = arith.cmpi ne, %convert_element_type3A_696, %cond3A_697 : i32
        scf.if %cond3A_698 {
          %shift_right_arithmetic3A = arith.constant 7 : i32
          %shift_right_arithmetic3A_1187 = arith.shrsi %squeeze3A_690, %shift_right_arithmetic3A : i32
          %shift_left3A = arith.constant 7 : i32
          %shift_left3A_1188 = arith.shli %shift_right_arithmetic3A_1187, %shift_left3A : i32
          %multiple_of3A = tpu.assume_multiple %shift_left3A_1188, 128 : i32
          %dma_start3A_1189 = tpu.memref_slice %arg7[%multiple_of3A] : memref<100352xf32, #tpu.memory_space<vmem>> -> memref<128xf32, #tpu.memory_space<vmem>>
          %dma_start3A_1190 = tpu.memref_slice %arg5[%add3A_177, %multiple_of3A] : memref<256x100000xf32, #tpu.memory_space<hbm>> -> memref<1x128xf32, #tpu.memory_space<hbm>>
          %dma_start3A_1191 = tpu.memref_squeeze %dma_start3A_1190 : memref<1x128xf32, #tpu.memory_space<hbm>> -> memref<128xf32, #tpu.memory_space<hbm>>
          %dma_start3A_1192 = tpu.memref_slice %arg5[%add3A_177, %multiple_of3A] : memref<256x100000xf32, #tpu.memory_space<hbm>> -> memref<1x128xf32, #tpu.memory_space<hbm>>
          %dma_start3A_1193 = tpu.memref_squeeze %dma_start3A_1192 : memref<1x128xf32, #tpu.memory_space<hbm>> -> memref<128xf32, #tpu.memory_space<hbm>>
          %dma_start3A_1194 = tpu.memref_slice %arg7[%multiple_of3A] : memref<100352xf32, #tpu.memory_space<vmem>> -> memref<128xf32, #tpu.memory_space<vmem>>
          tpu.enqueue_dma source(%dma_start3A_1194 : memref<128xf32, #tpu.memory_space<vmem>>) target(%dma_start3A_1193 : memref<128xf32, #tpu.memory_space<hbm>>) target_semaphore(%arg16 : memref<!tpu.dma_semaphore, #tpu.memory_space<semaphore_mem>>)
        } else {
        }
        %lt3A_699 = arith.constant 100000 : i32
        %lt3A_700 = arith.cmpi slt, %squeeze3A_690, %lt3A_699 : i32
        %ge3A_701 = arith.constant 99968 : i32
        %ge3A_702 = arith.cmpi sge, %squeeze3A_690, %ge3A_701 : i32
        %and3A_703 = arith.andi %lt3A_700, %ge3A_702 : i1
        %convert_element_type3A_704 = arith.extui %and3A_703 : i1 to i32
        %cond3A_705 = arith.constant 0 : i32
        %cond3A_706 = arith.cmpi ne, %convert_element_type3A_704, %cond3A_705 : i32
        scf.if %cond3A_706 {
          %mul3A_1187 = arith.constant 32 : i32
          %mul3A_1188 = arith.muli %add3A_177, %mul3A_1187 : i32
          %dma_start3A_1189 = arith.constant 99968 : i32
          %dma_start3A_1190 = tpu.memref_slice %arg7[%dma_start3A_1189] : memref<100352xf32, #tpu.memory_space<vmem>> -> memref<32xf32, #tpu.memory_space<vmem>>
          %dma_start3A_1191 = tpu.memref_slice %arg6[%mul3A_1188] : memref<8192xf32, #tpu.memory_space<hbm>> -> memref<32xf32, #tpu.memory_space<hbm>>
          %dma_start3A_1192 = tpu.memref_slice %arg6[%mul3A_1188] : memref<8192xf32, #tpu.memory_space<hbm>> -> memref<32xf32, #tpu.memory_space<hbm>>
          %dma_start3A_1193 = arith.constant 99968 : i32
          %dma_start3A_1194 = tpu.memref_slice %arg7[%dma_start3A_1193] : memref<100352xf32, #tpu.memory_space<vmem>> -> memref<32xf32, #tpu.memory_space<vmem>>
          tpu.enqueue_dma source(%dma_start3A_1194 : memref<32xf32, #tpu.memory_space<vmem>>) target(%dma_start3A_1192 : memref<32xf32, #tpu.memory_space<hbm>>) target_semaphore(%arg16 : memref<!tpu.dma_semaphore, #tpu.memory_space<semaphore_mem>>)
        } else {
        }
        %get3A_707 = arith.constant 16 : index
        %get3A_708 = tpu.vector_load %arg13[%get3A_707] {strides = array<i32>} : memref<32xi32, #tpu.memory_space<vmem>>, vector<16xi32>,
        %slice3A_709 = vector.extract_strided_slice %get3A_708 {offsets = [0], sizes = [1], strides = [1]} : vector<16xi32> to vector<1xi32>
        %squeeze3A_710 = vector.extract %slice3A_709[0] : i32 from vector<1xi32>
        %lt3A_711 = arith.constant 100000 : i32
        %lt3A_712 = arith.cmpi slt, %squeeze3A_710, %lt3A_711 : i32
        %lt3A_713 = arith.constant 99968 : i32
        %lt3A_714 = arith.cmpi slt, %squeeze3A_710, %lt3A_713 : i32
        %and3A_715 = arith.andi %lt3A_712, %lt3A_714 : i1
        %convert_element_type3A_716 = arith.extui %and3A_715 : i1 to i32
        %cond3A_717 = arith.constant 0 : i32
        %cond3A_718 = arith.cmpi ne, %convert_element_type3A_716, %cond3A_717 : i32
        scf.if %cond3A_718 {
          %shift_right_arithmetic3A = arith.constant 7 : i32
          %shift_right_arithmetic3A_1187 = arith.shrsi %squeeze3A_710, %shift_right_arithmetic3A : i32
          %shift_left3A = arith.constant 7 : i32
          %shift_left3A_1188 = arith.shli %shift_right_arithmetic3A_1187, %shift_left3A : i32
          %multiple_of3A = tpu.assume_multiple %shift_left3A_1188, 128 : i32
          %dma_start3A_1189 = tpu.memref_slice %arg7[%multiple_of3A] : memref<100352xf32, #tpu.memory_space<vmem>> -> memref<128xf32, #tpu.memory_space<vmem>>
          %dma_start3A_1190 = tpu.memref_slice %arg5[%add3A_177, %multiple_of3A] : memref<256x100000xf32, #tpu.memory_space<hbm>> -> memref<1x128xf32, #tpu.memory_space<hbm>>
          %dma_start3A_1191 = tpu.memref_squeeze %dma_start3A_1190 : memref<1x128xf32, #tpu.memory_space<hbm>> -> memref<128xf32, #tpu.memory_space<hbm>>
          %dma_start3A_1192 = tpu.memref_slice %arg5[%add3A_177, %multiple_of3A] : memref<256x100000xf32, #tpu.memory_space<hbm>> -> memref<1x128xf32, #tpu.memory_space<hbm>>
          %dma_start3A_1193 = tpu.memref_squeeze %dma_start3A_1192 : memref<1x128xf32, #tpu.memory_space<hbm>> -> memref<128xf32, #tpu.memory_space<hbm>>
          %dma_start3A_1194 = tpu.memref_slice %arg7[%multiple_of3A] : memref<100352xf32, #tpu.memory_space<vmem>> -> memref<128xf32, #tpu.memory_space<vmem>>
          tpu.enqueue_dma source(%dma_start3A_1194 : memref<128xf32, #tpu.memory_space<vmem>>) target(%dma_start3A_1193 : memref<128xf32, #tpu.memory_space<hbm>>) target_semaphore(%arg16 : memref<!tpu.dma_semaphore, #tpu.memory_space<semaphore_mem>>)
        } else {
        }
        %lt3A_719 = arith.constant 100000 : i32
        %lt3A_720 = arith.cmpi slt, %squeeze3A_710, %lt3A_719 : i32
        %ge3A_721 = arith.constant 99968 : i32
        %ge3A_722 = arith.cmpi sge, %squeeze3A_710, %ge3A_721 : i32
        %and3A_723 = arith.andi %lt3A_720, %ge3A_722 : i1
        %convert_element_type3A_724 = arith.extui %and3A_723 : i1 to i32
        %cond3A_725 = arith.constant 0 : i32
        %cond3A_726 = arith.cmpi ne, %convert_element_type3A_724, %cond3A_725 : i32
        scf.if %cond3A_726 {
          %mul3A_1187 = arith.constant 32 : i32
          %mul3A_1188 = arith.muli %add3A_177, %mul3A_1187 : i32
          %dma_start3A_1189 = arith.constant 99968 : i32
          %dma_start3A_1190 = tpu.memref_slice %arg7[%dma_start3A_1189] : memref<100352xf32, #tpu.memory_space<vmem>> -> memref<32xf32, #tpu.memory_space<vmem>>
          %dma_start3A_1191 = tpu.memref_slice %arg6[%mul3A_1188] : memref<8192xf32, #tpu.memory_space<hbm>> -> memref<32xf32, #tpu.memory_space<hbm>>
          %dma_start3A_1192 = tpu.memref_slice %arg6[%mul3A_1188] : memref<8192xf32, #tpu.memory_space<hbm>> -> memref<32xf32, #tpu.memory_space<hbm>>
          %dma_start3A_1193 = arith.constant 99968 : i32
          %dma_start3A_1194 = tpu.memref_slice %arg7[%dma_start3A_1193] : memref<100352xf32, #tpu.memory_space<vmem>> -> memref<32xf32, #tpu.memory_space<vmem>>
          tpu.enqueue_dma source(%dma_start3A_1194 : memref<32xf32, #tpu.memory_space<vmem>>) target(%dma_start3A_1192 : memref<32xf32, #tpu.memory_space<hbm>>) target_semaphore(%arg16 : memref<!tpu.dma_semaphore, #tpu.memory_space<semaphore_mem>>)
        } else {
        }
        %get3A_727 = arith.constant 16 : index
        %get3A_728 = tpu.vector_load %arg13[%get3A_727] {strides = array<i32>} : memref<32xi32, #tpu.memory_space<vmem>>, vector<16xi32>,
        %slice3A_729 = vector.extract_strided_slice %get3A_728 {offsets = [1], sizes = [1], strides = [1]} : vector<16xi32> to vector<1xi32>
        %squeeze3A_730 = vector.extract %slice3A_729[0] : i32 from vector<1xi32>
        %lt3A_731 = arith.constant 100000 : i32
        %lt3A_732 = arith.cmpi slt, %squeeze3A_730, %lt3A_731 : i32
        %lt3A_733 = arith.constant 99968 : i32
        %lt3A_734 = arith.cmpi slt, %squeeze3A_730, %lt3A_733 : i32
        %and3A_735 = arith.andi %lt3A_732, %lt3A_734 : i1
        %convert_element_type3A_736 = arith.extui %and3A_735 : i1 to i32
        %cond3A_737 = arith.constant 0 : i32
        %cond3A_738 = arith.cmpi ne, %convert_element_type3A_736, %cond3A_737 : i32
        scf.if %cond3A_738 {
          %shift_right_arithmetic3A = arith.constant 7 : i32
          %shift_right_arithmetic3A_1187 = arith.shrsi %squeeze3A_730, %shift_right_arithmetic3A : i32
          %shift_left3A = arith.constant 7 : i32
          %shift_left3A_1188 = arith.shli %shift_right_arithmetic3A_1187, %shift_left3A : i32
          %multiple_of3A = tpu.assume_multiple %shift_left3A_1188, 128 : i32
          %dma_start3A_1189 = tpu.memref_slice %arg7[%multiple_of3A] : memref<100352xf32, #tpu.memory_space<vmem>> -> memref<128xf32, #tpu.memory_space<vmem>>
          %dma_start3A_1190 = tpu.memref_slice %arg5[%add3A_177, %multiple_of3A] : memref<256x100000xf32, #tpu.memory_space<hbm>> -> memref<1x128xf32, #tpu.memory_space<hbm>>
          %dma_start3A_1191 = tpu.memref_squeeze %dma_start3A_1190 : memref<1x128xf32, #tpu.memory_space<hbm>> -> memref<128xf32, #tpu.memory_space<hbm>>
          %dma_start3A_1192 = tpu.memref_slice %arg5[%add3A_177, %multiple_of3A] : memref<256x100000xf32, #tpu.memory_space<hbm>> -> memref<1x128xf32, #tpu.memory_space<hbm>>
          %dma_start3A_1193 = tpu.memref_squeeze %dma_start3A_1192 : memref<1x128xf32, #tpu.memory_space<hbm>> -> memref<128xf32, #tpu.memory_space<hbm>>
          %dma_start3A_1194 = tpu.memref_slice %arg7[%multiple_of3A] : memref<100352xf32, #tpu.memory_space<vmem>> -> memref<128xf32, #tpu.memory_space<vmem>>
          tpu.enqueue_dma source(%dma_start3A_1194 : memref<128xf32, #tpu.memory_space<vmem>>) target(%dma_start3A_1193 : memref<128xf32, #tpu.memory_space<hbm>>) target_semaphore(%arg16 : memref<!tpu.dma_semaphore, #tpu.memory_space<semaphore_mem>>)
        } else {
        }
        %lt3A_739 = arith.constant 100000 : i32
        %lt3A_740 = arith.cmpi slt, %squeeze3A_730, %lt3A_739 : i32
        %ge3A_741 = arith.constant 99968 : i32
        %ge3A_742 = arith.cmpi sge, %squeeze3A_730, %ge3A_741 : i32
        %and3A_743 = arith.andi %lt3A_740, %ge3A_742 : i1
        %convert_element_type3A_744 = arith.extui %and3A_743 : i1 to i32
        %cond3A_745 = arith.constant 0 : i32
        %cond3A_746 = arith.cmpi ne, %convert_element_type3A_744, %cond3A_745 : i32
        scf.if %cond3A_746 {
          %mul3A_1187 = arith.constant 32 : i32
          %mul3A_1188 = arith.muli %add3A_177, %mul3A_1187 : i32
          %dma_start3A_1189 = arith.constant 99968 : i32
          %dma_start3A_1190 = tpu.memref_slice %arg7[%dma_start3A_1189] : memref<100352xf32, #tpu.memory_space<vmem>> -> memref<32xf32, #tpu.memory_space<vmem>>
          %dma_start3A_1191 = tpu.memref_slice %arg6[%mul3A_1188] : memref<8192xf32, #tpu.memory_space<hbm>> -> memref<32xf32, #tpu.memory_space<hbm>>
          %dma_start3A_1192 = tpu.memref_slice %arg6[%mul3A_1188] : memref<8192xf32, #tpu.memory_space<hbm>> -> memref<32xf32, #tpu.memory_space<hbm>>
          %dma_start3A_1193 = arith.constant 99968 : i32
          %dma_start3A_1194 = tpu.memref_slice %arg7[%dma_start3A_1193] : memref<100352xf32, #tpu.memory_space<vmem>> -> memref<32xf32, #tpu.memory_space<vmem>>
          tpu.enqueue_dma source(%dma_start3A_1194 : memref<32xf32, #tpu.memory_space<vmem>>) target(%dma_start3A_1192 : memref<32xf32, #tpu.memory_space<hbm>>) target_semaphore(%arg16 : memref<!tpu.dma_semaphore, #tpu.memory_space<semaphore_mem>>)
        } else {
        }
        %get3A_747 = arith.constant 16 : index
        %get3A_748 = tpu.vector_load %arg13[%get3A_747] {strides = array<i32>} : memref<32xi32, #tpu.memory_space<vmem>>, vector<16xi32>,
        %slice3A_749 = vector.extract_strided_slice %get3A_748 {offsets = [2], sizes = [1], strides = [1]} : vector<16xi32> to vector<1xi32>
        %squeeze3A_750 = vector.extract %slice3A_749[0] : i32 from vector<1xi32>
        %lt3A_751 = arith.constant 100000 : i32
        %lt3A_752 = arith.cmpi slt, %squeeze3A_750, %lt3A_751 : i32
        %lt3A_753 = arith.constant 99968 : i32
        %lt3A_754 = arith.cmpi slt, %squeeze3A_750, %lt3A_753 : i32
        %and3A_755 = arith.andi %lt3A_752, %lt3A_754 : i1
        %convert_element_type3A_756 = arith.extui %and3A_755 : i1 to i32
        %cond3A_757 = arith.constant 0 : i32
        %cond3A_758 = arith.cmpi ne, %convert_element_type3A_756, %cond3A_757 : i32
        scf.if %cond3A_758 {
          %shift_right_arithmetic3A = arith.constant 7 : i32
          %shift_right_arithmetic3A_1187 = arith.shrsi %squeeze3A_750, %shift_right_arithmetic3A : i32
          %shift_left3A = arith.constant 7 : i32
          %shift_left3A_1188 = arith.shli %shift_right_arithmetic3A_1187, %shift_left3A : i32
          %multiple_of3A = tpu.assume_multiple %shift_left3A_1188, 128 : i32
          %dma_start3A_1189 = tpu.memref_slice %arg7[%multiple_of3A] : memref<100352xf32, #tpu.memory_space<vmem>> -> memref<128xf32, #tpu.memory_space<vmem>>
          %dma_start3A_1190 = tpu.memref_slice %arg5[%add3A_177, %multiple_of3A] : memref<256x100000xf32, #tpu.memory_space<hbm>> -> memref<1x128xf32, #tpu.memory_space<hbm>>
          %dma_start3A_1191 = tpu.memref_squeeze %dma_start3A_1190 : memref<1x128xf32, #tpu.memory_space<hbm>> -> memref<128xf32, #tpu.memory_space<hbm>>
          %dma_start3A_1192 = tpu.memref_slice %arg5[%add3A_177, %multiple_of3A] : memref<256x100000xf32, #tpu.memory_space<hbm>> -> memref<1x128xf32, #tpu.memory_space<hbm>>
          %dma_start3A_1193 = tpu.memref_squeeze %dma_start3A_1192 : memref<1x128xf32, #tpu.memory_space<hbm>> -> memref<128xf32, #tpu.memory_space<hbm>>
          %dma_start3A_1194 = tpu.memref_slice %arg7[%multiple_of3A] : memref<100352xf32, #tpu.memory_space<vmem>> -> memref<128xf32, #tpu.memory_space<vmem>>
          tpu.enqueue_dma source(%dma_start3A_1194 : memref<128xf32, #tpu.memory_space<vmem>>) target(%dma_start3A_1193 : memref<128xf32, #tpu.memory_space<hbm>>) target_semaphore(%arg16 : memref<!tpu.dma_semaphore, #tpu.memory_space<semaphore_mem>>)
        } else {
        }
        %lt3A_759 = arith.constant 100000 : i32
        %lt3A_760 = arith.cmpi slt, %squeeze3A_750, %lt3A_759 : i32
        %ge3A_761 = arith.constant 99968 : i32
        %ge3A_762 = arith.cmpi sge, %squeeze3A_750, %ge3A_761 : i32
        %and3A_763 = arith.andi %lt3A_760, %ge3A_762 : i1
        %convert_element_type3A_764 = arith.extui %and3A_763 : i1 to i32
        %cond3A_765 = arith.constant 0 : i32
        %cond3A_766 = arith.cmpi ne, %convert_element_type3A_764, %cond3A_765 : i32
        scf.if %cond3A_766 {
          %mul3A_1187 = arith.constant 32 : i32
          %mul3A_1188 = arith.muli %add3A_177, %mul3A_1187 : i32
          %dma_start3A_1189 = arith.constant 99968 : i32
          %dma_start3A_1190 = tpu.memref_slice %arg7[%dma_start3A_1189] : memref<100352xf32, #tpu.memory_space<vmem>> -> memref<32xf32, #tpu.memory_space<vmem>>
          %dma_start3A_1191 = tpu.memref_slice %arg6[%mul3A_1188] : memref<8192xf32, #tpu.memory_space<hbm>> -> memref<32xf32, #tpu.memory_space<hbm>>
          %dma_start3A_1192 = tpu.memref_slice %arg6[%mul3A_1188] : memref<8192xf32, #tpu.memory_space<hbm>> -> memref<32xf32, #tpu.memory_space<hbm>>
          %dma_start3A_1193 = arith.constant 99968 : i32
          %dma_start3A_1194 = tpu.memref_slice %arg7[%dma_start3A_1193] : memref<100352xf32, #tpu.memory_space<vmem>> -> memref<32xf32, #tpu.memory_space<vmem>>
          tpu.enqueue_dma source(%dma_start3A_1194 : memref<32xf32, #tpu.memory_space<vmem>>) target(%dma_start3A_1192 : memref<32xf32, #tpu.memory_space<hbm>>) target_semaphore(%arg16 : memref<!tpu.dma_semaphore, #tpu.memory_space<semaphore_mem>>)
        } else {
        }
        %get3A_767 = arith.constant 16 : index
        %get3A_768 = tpu.vector_load %arg13[%get3A_767] {strides = array<i32>} : memref<32xi32, #tpu.memory_space<vmem>>, vector<16xi32>,
        %slice3A_769 = vector.extract_strided_slice %get3A_768 {offsets = [3], sizes = [1], strides = [1]} : vector<16xi32> to vector<1xi32>
        %squeeze3A_770 = vector.extract %slice3A_769[0] : i32 from vector<1xi32>
        %lt3A_771 = arith.constant 100000 : i32
        %lt3A_772 = arith.cmpi slt, %squeeze3A_770, %lt3A_771 : i32
        %lt3A_773 = arith.constant 99968 : i32
        %lt3A_774 = arith.cmpi slt, %squeeze3A_770, %lt3A_773 : i32
        %and3A_775 = arith.andi %lt3A_772, %lt3A_774 : i1
        %convert_element_type3A_776 = arith.extui %and3A_775 : i1 to i32
        %cond3A_777 = arith.constant 0 : i32
        %cond3A_778 = arith.cmpi ne, %convert_element_type3A_776, %cond3A_777 : i32
        scf.if %cond3A_778 {
          %shift_right_arithmetic3A = arith.constant 7 : i32
          %shift_right_arithmetic3A_1187 = arith.shrsi %squeeze3A_770, %shift_right_arithmetic3A : i32
          %shift_left3A = arith.constant 7 : i32
          %shift_left3A_1188 = arith.shli %shift_right_arithmetic3A_1187, %shift_left3A : i32
          %multiple_of3A = tpu.assume_multiple %shift_left3A_1188, 128 : i32
          %dma_start3A_1189 = tpu.memref_slice %arg7[%multiple_of3A] : memref<100352xf32, #tpu.memory_space<vmem>> -> memref<128xf32, #tpu.memory_space<vmem>>
          %dma_start3A_1190 = tpu.memref_slice %arg5[%add3A_177, %multiple_of3A] : memref<256x100000xf32, #tpu.memory_space<hbm>> -> memref<1x128xf32, #tpu.memory_space<hbm>>
          %dma_start3A_1191 = tpu.memref_squeeze %dma_start3A_1190 : memref<1x128xf32, #tpu.memory_space<hbm>> -> memref<128xf32, #tpu.memory_space<hbm>>
          %dma_start3A_1192 = tpu.memref_slice %arg5[%add3A_177, %multiple_of3A] : memref<256x100000xf32, #tpu.memory_space<hbm>> -> memref<1x128xf32, #tpu.memory_space<hbm>>
          %dma_start3A_1193 = tpu.memref_squeeze %dma_start3A_1192 : memref<1x128xf32, #tpu.memory_space<hbm>> -> memref<128xf32, #tpu.memory_space<hbm>>
          %dma_start3A_1194 = tpu.memref_slice %arg7[%multiple_of3A] : memref<100352xf32, #tpu.memory_space<vmem>> -> memref<128xf32, #tpu.memory_space<vmem>>
          tpu.enqueue_dma source(%dma_start3A_1194 : memref<128xf32, #tpu.memory_space<vmem>>) target(%dma_start3A_1193 : memref<128xf32, #tpu.memory_space<hbm>>) target_semaphore(%arg16 : memref<!tpu.dma_semaphore, #tpu.memory_space<semaphore_mem>>)
        } else {
        }
        %lt3A_779 = arith.constant 100000 : i32
        %lt3A_780 = arith.cmpi slt, %squeeze3A_770, %lt3A_779 : i32
        %ge3A_781 = arith.constant 99968 : i32
        %ge3A_782 = arith.cmpi sge, %squeeze3A_770, %ge3A_781 : i32
        %and3A_783 = arith.andi %lt3A_780, %ge3A_782 : i1
        %convert_element_type3A_784 = arith.extui %and3A_783 : i1 to i32
        %cond3A_785 = arith.constant 0 : i32
        %cond3A_786 = arith.cmpi ne, %convert_element_type3A_784, %cond3A_785 : i32
        scf.if %cond3A_786 {
          %mul3A_1187 = arith.constant 32 : i32
          %mul3A_1188 = arith.muli %add3A_177, %mul3A_1187 : i32
          %dma_start3A_1189 = arith.constant 99968 : i32
          %dma_start3A_1190 = tpu.memref_slice %arg7[%dma_start3A_1189] : memref<100352xf32, #tpu.memory_space<vmem>> -> memref<32xf32, #tpu.memory_space<vmem>>
          %dma_start3A_1191 = tpu.memref_slice %arg6[%mul3A_1188] : memref<8192xf32, #tpu.memory_space<hbm>> -> memref<32xf32, #tpu.memory_space<hbm>>
          %dma_start3A_1192 = tpu.memref_slice %arg6[%mul3A_1188] : memref<8192xf32, #tpu.memory_space<hbm>> -> memref<32xf32, #tpu.memory_space<hbm>>
          %dma_start3A_1193 = arith.constant 99968 : i32
          %dma_start3A_1194 = tpu.memref_slice %arg7[%dma_start3A_1193] : memref<100352xf32, #tpu.memory_space<vmem>> -> memref<32xf32, #tpu.memory_space<vmem>>
          tpu.enqueue_dma source(%dma_start3A_1194 : memref<32xf32, #tpu.memory_space<vmem>>) target(%dma_start3A_1192 : memref<32xf32, #tpu.memory_space<hbm>>) target_semaphore(%arg16 : memref<!tpu.dma_semaphore, #tpu.memory_space<semaphore_mem>>)
        } else {
        }
        %get3A_787 = arith.constant 0 : index
        %get3A_788 = tpu.vector_load %arg13[%get3A_787] {strides = array<i32>} : memref<32xi32, #tpu.memory_space<vmem>>, vector<16xi32>,
        %slice3A_789 = vector.extract_strided_slice %get3A_788 {offsets = [0], sizes = [1], strides = [1]} : vector<16xi32> to vector<1xi32>
        %squeeze3A_790 = vector.extract %slice3A_789[0] : i32 from vector<1xi32>
        %lt3A_791 = arith.constant 100000 : i32
        %lt3A_792 = arith.cmpi slt, %squeeze3A_790, %lt3A_791 : i32
        %lt3A_793 = arith.constant 99968 : i32
        %lt3A_794 = arith.cmpi slt, %squeeze3A_790, %lt3A_793 : i32
        %and3A_795 = arith.andi %lt3A_792, %lt3A_794 : i1
        %convert_element_type3A_796 = arith.extui %and3A_795 : i1 to i32
        %cond3A_797 = arith.constant 0 : i32
        %cond3A_798 = arith.cmpi ne, %convert_element_type3A_796, %cond3A_797 : i32
        scf.if %cond3A_798 {
          %shift_right_arithmetic3A = arith.constant 7 : i32
          %shift_right_arithmetic3A_1187 = arith.shrsi %squeeze3A_790, %shift_right_arithmetic3A : i32
          %shift_left3A = arith.constant 7 : i32
          %shift_left3A_1188 = arith.shli %shift_right_arithmetic3A_1187, %shift_left3A : i32
          %multiple_of3A = tpu.assume_multiple %shift_left3A_1188, 128 : i32
          %dma_wait3A_1189 = tpu.memref_slice %arg7[%multiple_of3A] : memref<100352xf32, #tpu.memory_space<vmem>> -> memref<128xf32, #tpu.memory_space<vmem>>
          %dma_wait3A_1190 = tpu.memref_slice %arg5[%add3A_177, %multiple_of3A] : memref<256x100000xf32, #tpu.memory_space<hbm>> -> memref<1x128xf32, #tpu.memory_space<hbm>>
          %dma_wait3A_1191 = tpu.memref_squeeze %dma_wait3A_1190 : memref<1x128xf32, #tpu.memory_space<hbm>> -> memref<128xf32, #tpu.memory_space<hbm>>
          %dma_wait3A_1192 = tpu.memref_slice %arg5[%add3A_177, %multiple_of3A] : memref<256x100000xf32, #tpu.memory_space<hbm>> -> memref<1x128xf32, #tpu.memory_space<hbm>>
          %dma_wait3A_1193 = tpu.memref_squeeze %dma_wait3A_1192 : memref<1x128xf32, #tpu.memory_space<hbm>> -> memref<128xf32, #tpu.memory_space<hbm>>
          %dma_wait3A_1194 = tpu.memref_slice %arg7[%multiple_of3A] : memref<100352xf32, #tpu.memory_space<vmem>> -> memref<128xf32, #tpu.memory_space<vmem>>
          tpu.wait_dma2 semaphore(%arg16 : memref<!tpu.dma_semaphore, #tpu.memory_space<semaphore_mem>>) src(%dma_wait3A_1194 : memref<128xf32, #tpu.memory_space<vmem>>) dst(%dma_wait3A_1193 : memref<128xf32, #tpu.memory_space<hbm>>)
        } else {
        }
        %lt3A_799 = arith.constant 100000 : i32
        %lt3A_800 = arith.cmpi slt, %squeeze3A_790, %lt3A_799 : i32
        %ge3A_801 = arith.constant 99968 : i32
        %ge3A_802 = arith.cmpi sge, %squeeze3A_790, %ge3A_801 : i32
        %and3A_803 = arith.andi %lt3A_800, %ge3A_802 : i1
        %convert_element_type3A_804 = arith.extui %and3A_803 : i1 to i32
        %cond3A_805 = arith.constant 0 : i32
        %cond3A_806 = arith.cmpi ne, %convert_element_type3A_804, %cond3A_805 : i32
        scf.if %cond3A_806 {
          %mul3A_1187 = arith.constant 32 : i32
          %mul3A_1188 = arith.muli %add3A_177, %mul3A_1187 : i32
          %dma_wait3A_1189 = arith.constant 99968 : i32
          %dma_wait3A_1190 = tpu.memref_slice %arg7[%dma_wait3A_1189] : memref<100352xf32, #tpu.memory_space<vmem>> -> memref<32xf32, #tpu.memory_space<vmem>>
          %dma_wait3A_1191 = tpu.memref_slice %arg6[%mul3A_1188] : memref<8192xf32, #tpu.memory_space<hbm>> -> memref<32xf32, #tpu.memory_space<hbm>>
          %dma_wait3A_1192 = tpu.memref_slice %arg6[%mul3A_1188] : memref<8192xf32, #tpu.memory_space<hbm>> -> memref<32xf32, #tpu.memory_space<hbm>>
          %dma_wait3A_1193 = arith.constant 99968 : i32
          %dma_wait3A_1194 = tpu.memref_slice %arg7[%dma_wait3A_1193] : memref<100352xf32, #tpu.memory_space<vmem>> -> memref<32xf32, #tpu.memory_space<vmem>>
          tpu.wait_dma2 semaphore(%arg16 : memref<!tpu.dma_semaphore, #tpu.memory_space<semaphore_mem>>) src(%dma_wait3A_1194 : memref<32xf32, #tpu.memory_space<vmem>>) dst(%dma_wait3A_1192 : memref<32xf32, #tpu.memory_space<hbm>>)
        } else {
        }
        %get3A_807 = arith.constant 0 : index
        %get3A_808 = tpu.vector_load %arg13[%get3A_807] {strides = array<i32>} : memref<32xi32, #tpu.memory_space<vmem>>, vector<16xi32>,
        %slice3A_809 = vector.extract_strided_slice %get3A_808 {offsets = [1], sizes = [1], strides = [1]} : vector<16xi32> to vector<1xi32>
        %squeeze3A_810 = vector.extract %slice3A_809[0] : i32 from vector<1xi32>
        %lt3A_811 = arith.constant 100000 : i32
        %lt3A_812 = arith.cmpi slt, %squeeze3A_810, %lt3A_811 : i32
        %lt3A_813 = arith.constant 99968 : i32
        %lt3A_814 = arith.cmpi slt, %squeeze3A_810, %lt3A_813 : i32
        %and3A_815 = arith.andi %lt3A_812, %lt3A_814 : i1
        %convert_element_type3A_816 = arith.extui %and3A_815 : i1 to i32
        %cond3A_817 = arith.constant 0 : i32
        %cond3A_818 = arith.cmpi ne, %convert_element_type3A_816, %cond3A_817 : i32
        scf.if %cond3A_818 {
          %shift_right_arithmetic3A = arith.constant 7 : i32
          %shift_right_arithmetic3A_1187 = arith.shrsi %squeeze3A_810, %shift_right_arithmetic3A : i32
          %shift_left3A = arith.constant 7 : i32
          %shift_left3A_1188 = arith.shli %shift_right_arithmetic3A_1187, %shift_left3A : i32
          %multiple_of3A = tpu.assume_multiple %shift_left3A_1188, 128 : i32
          %dma_wait3A_1189 = tpu.memref_slice %arg7[%multiple_of3A] : memref<100352xf32, #tpu.memory_space<vmem>> -> memref<128xf32, #tpu.memory_space<vmem>>
          %dma_wait3A_1190 = tpu.memref_slice %arg5[%add3A_177, %multiple_of3A] : memref<256x100000xf32, #tpu.memory_space<hbm>> -> memref<1x128xf32, #tpu.memory_space<hbm>>
          %dma_wait3A_1191 = tpu.memref_squeeze %dma_wait3A_1190 : memref<1x128xf32, #tpu.memory_space<hbm>> -> memref<128xf32, #tpu.memory_space<hbm>>
          %dma_wait3A_1192 = tpu.memref_slice %arg5[%add3A_177, %multiple_of3A] : memref<256x100000xf32, #tpu.memory_space<hbm>> -> memref<1x128xf32, #tpu.memory_space<hbm>>
          %dma_wait3A_1193 = tpu.memref_squeeze %dma_wait3A_1192 : memref<1x128xf32, #tpu.memory_space<hbm>> -> memref<128xf32, #tpu.memory_space<hbm>>
          %dma_wait3A_1194 = tpu.memref_slice %arg7[%multiple_of3A] : memref<100352xf32, #tpu.memory_space<vmem>> -> memref<128xf32, #tpu.memory_space<vmem>>
          tpu.wait_dma2 semaphore(%arg16 : memref<!tpu.dma_semaphore, #tpu.memory_space<semaphore_mem>>) src(%dma_wait3A_1194 : memref<128xf32, #tpu.memory_space<vmem>>) dst(%dma_wait3A_1193 : memref<128xf32, #tpu.memory_space<hbm>>)
        } else {
        }
        %lt3A_819 = arith.constant 100000 : i32
        %lt3A_820 = arith.cmpi slt, %squeeze3A_810, %lt3A_819 : i32
        %ge3A_821 = arith.constant 99968 : i32
        %ge3A_822 = arith.cmpi sge, %squeeze3A_810, %ge3A_821 : i32
        %and3A_823 = arith.andi %lt3A_820, %ge3A_822 : i1
        %convert_element_type3A_824 = arith.extui %and3A_823 : i1 to i32
        %cond3A_825 = arith.constant 0 : i32
        %cond3A_826 = arith.cmpi ne, %convert_element_type3A_824, %cond3A_825 : i32
        scf.if %cond3A_826 {
          %mul3A_1187 = arith.constant 32 : i32
          %mul3A_1188 = arith.muli %add3A_177, %mul3A_1187 : i32
          %dma_wait3A_1189 = arith.constant 99968 : i32
          %dma_wait3A_1190 = tpu.memref_slice %arg7[%dma_wait3A_1189] : memref<100352xf32, #tpu.memory_space<vmem>> -> memref<32xf32, #tpu.memory_space<vmem>>
          %dma_wait3A_1191 = tpu.memref_slice %arg6[%mul3A_1188] : memref<8192xf32, #tpu.memory_space<hbm>> -> memref<32xf32, #tpu.memory_space<hbm>>
          %dma_wait3A_1192 = tpu.memref_slice %arg6[%mul3A_1188] : memref<8192xf32, #tpu.memory_space<hbm>> -> memref<32xf32, #tpu.memory_space<hbm>>
          %dma_wait3A_1193 = arith.constant 99968 : i32
          %dma_wait3A_1194 = tpu.memref_slice %arg7[%dma_wait3A_1193] : memref<100352xf32, #tpu.memory_space<vmem>> -> memref<32xf32, #tpu.memory_space<vmem>>
          tpu.wait_dma2 semaphore(%arg16 : memref<!tpu.dma_semaphore, #tpu.memory_space<semaphore_mem>>) src(%dma_wait3A_1194 : memref<32xf32, #tpu.memory_space<vmem>>) dst(%dma_wait3A_1192 : memref<32xf32, #tpu.memory_space<hbm>>)
        } else {
        }
        %get3A_827 = arith.constant 0 : index
        %get3A_828 = tpu.vector_load %arg13[%get3A_827] {strides = array<i32>} : memref<32xi32, #tpu.memory_space<vmem>>, vector<16xi32>,
        %slice3A_829 = vector.extract_strided_slice %get3A_828 {offsets = [2], sizes = [1], strides = [1]} : vector<16xi32> to vector<1xi32>
        %squeeze3A_830 = vector.extract %slice3A_829[0] : i32 from vector<1xi32>
        %lt3A_831 = arith.constant 100000 : i32
        %lt3A_832 = arith.cmpi slt, %squeeze3A_830, %lt3A_831 : i32
        %lt3A_833 = arith.constant 99968 : i32
        %lt3A_834 = arith.cmpi slt, %squeeze3A_830, %lt3A_833 : i32
        %and3A_835 = arith.andi %lt3A_832, %lt3A_834 : i1
        %convert_element_type3A_836 = arith.extui %and3A_835 : i1 to i32
        %cond3A_837 = arith.constant 0 : i32
        %cond3A_838 = arith.cmpi ne, %convert_element_type3A_836, %cond3A_837 : i32
        scf.if %cond3A_838 {
          %shift_right_arithmetic3A = arith.constant 7 : i32
          %shift_right_arithmetic3A_1187 = arith.shrsi %squeeze3A_830, %shift_right_arithmetic3A : i32
          %shift_left3A = arith.constant 7 : i32
          %shift_left3A_1188 = arith.shli %shift_right_arithmetic3A_1187, %shift_left3A : i32
          %multiple_of3A = tpu.assume_multiple %shift_left3A_1188, 128 : i32
          %dma_wait3A_1189 = tpu.memref_slice %arg7[%multiple_of3A] : memref<100352xf32, #tpu.memory_space<vmem>> -> memref<128xf32, #tpu.memory_space<vmem>>
          %dma_wait3A_1190 = tpu.memref_slice %arg5[%add3A_177, %multiple_of3A] : memref<256x100000xf32, #tpu.memory_space<hbm>> -> memref<1x128xf32, #tpu.memory_space<hbm>>
          %dma_wait3A_1191 = tpu.memref_squeeze %dma_wait3A_1190 : memref<1x128xf32, #tpu.memory_space<hbm>> -> memref<128xf32, #tpu.memory_space<hbm>>
          %dma_wait3A_1192 = tpu.memref_slice %arg5[%add3A_177, %multiple_of3A] : memref<256x100000xf32, #tpu.memory_space<hbm>> -> memref<1x128xf32, #tpu.memory_space<hbm>>
          %dma_wait3A_1193 = tpu.memref_squeeze %dma_wait3A_1192 : memref<1x128xf32, #tpu.memory_space<hbm>> -> memref<128xf32, #tpu.memory_space<hbm>>
          %dma_wait3A_1194 = tpu.memref_slice %arg7[%multiple_of3A] : memref<100352xf32, #tpu.memory_space<vmem>> -> memref<128xf32, #tpu.memory_space<vmem>>
          tpu.wait_dma2 semaphore(%arg16 : memref<!tpu.dma_semaphore, #tpu.memory_space<semaphore_mem>>) src(%dma_wait3A_1194 : memref<128xf32, #tpu.memory_space<vmem>>) dst(%dma_wait3A_1193 : memref<128xf32, #tpu.memory_space<hbm>>)
        } else {
        }
        %lt3A_839 = arith.constant 100000 : i32
        %lt3A_840 = arith.cmpi slt, %squeeze3A_830, %lt3A_839 : i32
        %ge3A_841 = arith.constant 99968 : i32
        %ge3A_842 = arith.cmpi sge, %squeeze3A_830, %ge3A_841 : i32
        %and3A_843 = arith.andi %lt3A_840, %ge3A_842 : i1
        %convert_element_type3A_844 = arith.extui %and3A_843 : i1 to i32
        %cond3A_845 = arith.constant 0 : i32
        %cond3A_846 = arith.cmpi ne, %convert_element_type3A_844, %cond3A_845 : i32
        scf.if %cond3A_846 {
          %mul3A_1187 = arith.constant 32 : i32
          %mul3A_1188 = arith.muli %add3A_177, %mul3A_1187 : i32
          %dma_wait3A_1189 = arith.constant 99968 : i32
          %dma_wait3A_1190 = tpu.memref_slice %arg7[%dma_wait3A_1189] : memref<100352xf32, #tpu.memory_space<vmem>> -> memref<32xf32, #tpu.memory_space<vmem>>
          %dma_wait3A_1191 = tpu.memref_slice %arg6[%mul3A_1188] : memref<8192xf32, #tpu.memory_space<hbm>> -> memref<32xf32, #tpu.memory_space<hbm>>
          %dma_wait3A_1192 = tpu.memref_slice %arg6[%mul3A_1188] : memref<8192xf32, #tpu.memory_space<hbm>> -> memref<32xf32, #tpu.memory_space<hbm>>
          %dma_wait3A_1193 = arith.constant 99968 : i32
          %dma_wait3A_1194 = tpu.memref_slice %arg7[%dma_wait3A_1193] : memref<100352xf32, #tpu.memory_space<vmem>> -> memref<32xf32, #tpu.memory_space<vmem>>
          tpu.wait_dma2 semaphore(%arg16 : memref<!tpu.dma_semaphore, #tpu.memory_space<semaphore_mem>>) src(%dma_wait3A_1194 : memref<32xf32, #tpu.memory_space<vmem>>) dst(%dma_wait3A_1192 : memref<32xf32, #tpu.memory_space<hbm>>)
        } else {
        }
        %get3A_847 = arith.constant 0 : index
        %get3A_848 = tpu.vector_load %arg13[%get3A_847] {strides = array<i32>} : memref<32xi32, #tpu.memory_space<vmem>>, vector<16xi32>,
        %slice3A_849 = vector.extract_strided_slice %get3A_848 {offsets = [3], sizes = [1], strides = [1]} : vector<16xi32> to vector<1xi32>
        %squeeze3A_850 = vector.extract %slice3A_849[0] : i32 from vector<1xi32>
        %lt3A_851 = arith.constant 100000 : i32
        %lt3A_852 = arith.cmpi slt, %squeeze3A_850, %lt3A_851 : i32
        %lt3A_853 = arith.constant 99968 : i32
        %lt3A_854 = arith.cmpi slt, %squeeze3A_850, %lt3A_853 : i32
        %and3A_855 = arith.andi %lt3A_852, %lt3A_854 : i1
        %convert_element_type3A_856 = arith.extui %and3A_855 : i1 to i32
        %cond3A_857 = arith.constant 0 : i32
        %cond3A_858 = arith.cmpi ne, %convert_element_type3A_856, %cond3A_857 : i32
        scf.if %cond3A_858 {
          %shift_right_arithmetic3A = arith.constant 7 : i32
          %shift_right_arithmetic3A_1187 = arith.shrsi %squeeze3A_850, %shift_right_arithmetic3A : i32
          %shift_left3A = arith.constant 7 : i32
          %shift_left3A_1188 = arith.shli %shift_right_arithmetic3A_1187, %shift_left3A : i32
          %multiple_of3A = tpu.assume_multiple %shift_left3A_1188, 128 : i32
          %dma_wait3A_1189 = tpu.memref_slice %arg7[%multiple_of3A] : memref<100352xf32, #tpu.memory_space<vmem>> -> memref<128xf32, #tpu.memory_space<vmem>>
          %dma_wait3A_1190 = tpu.memref_slice %arg5[%add3A_177, %multiple_of3A] : memref<256x100000xf32, #tpu.memory_space<hbm>> -> memref<1x128xf32, #tpu.memory_space<hbm>>
          %dma_wait3A_1191 = tpu.memref_squeeze %dma_wait3A_1190 : memref<1x128xf32, #tpu.memory_space<hbm>> -> memref<128xf32, #tpu.memory_space<hbm>>
          %dma_wait3A_1192 = tpu.memref_slice %arg5[%add3A_177, %multiple_of3A] : memref<256x100000xf32, #tpu.memory_space<hbm>> -> memref<1x128xf32, #tpu.memory_space<hbm>>
          %dma_wait3A_1193 = tpu.memref_squeeze %dma_wait3A_1192 : memref<1x128xf32, #tpu.memory_space<hbm>> -> memref<128xf32, #tpu.memory_space<hbm>>
          %dma_wait3A_1194 = tpu.memref_slice %arg7[%multiple_of3A] : memref<100352xf32, #tpu.memory_space<vmem>> -> memref<128xf32, #tpu.memory_space<vmem>>
          tpu.wait_dma2 semaphore(%arg16 : memref<!tpu.dma_semaphore, #tpu.memory_space<semaphore_mem>>) src(%dma_wait3A_1194 : memref<128xf32, #tpu.memory_space<vmem>>) dst(%dma_wait3A_1193 : memref<128xf32, #tpu.memory_space<hbm>>)
        } else {
        }
        %lt3A_859 = arith.constant 100000 : i32
        %lt3A_860 = arith.cmpi slt, %squeeze3A_850, %lt3A_859 : i32
        %ge3A_861 = arith.constant 99968 : i32
        %ge3A_862 = arith.cmpi sge, %squeeze3A_850, %ge3A_861 : i32
        %and3A_863 = arith.andi %lt3A_860, %ge3A_862 : i1
        %convert_element_type3A_864 = arith.extui %and3A_863 : i1 to i32
        %cond3A_865 = arith.constant 0 : i32
        %cond3A_866 = arith.cmpi ne, %convert_element_type3A_864, %cond3A_865 : i32
        scf.if %cond3A_866 {
          %mul3A_1187 = arith.constant 32 : i32
          %mul3A_1188 = arith.muli %add3A_177, %mul3A_1187 : i32
          %dma_wait3A_1189 = arith.constant 99968 : i32
          %dma_wait3A_1190 = tpu.memref_slice %arg7[%dma_wait3A_1189] : memref<100352xf32, #tpu.memory_space<vmem>> -> memref<32xf32, #tpu.memory_space<vmem>>
          %dma_wait3A_1191 = tpu.memref_slice %arg6[%mul3A_1188] : memref<8192xf32, #tpu.memory_space<hbm>> -> memref<32xf32, #tpu.memory_space<hbm>>
          %dma_wait3A_1192 = tpu.memref_slice %arg6[%mul3A_1188] : memref<8192xf32, #tpu.memory_space<hbm>> -> memref<32xf32, #tpu.memory_space<hbm>>
          %dma_wait3A_1193 = arith.constant 99968 : i32
          %dma_wait3A_1194 = tpu.memref_slice %arg7[%dma_wait3A_1193] : memref<100352xf32, #tpu.memory_space<vmem>> -> memref<32xf32, #tpu.memory_space<vmem>>
          tpu.wait_dma2 semaphore(%arg16 : memref<!tpu.dma_semaphore, #tpu.memory_space<semaphore_mem>>) src(%dma_wait3A_1194 : memref<32xf32, #tpu.memory_space<vmem>>) dst(%dma_wait3A_1192 : memref<32xf32, #tpu.memory_space<hbm>>)
        } else {
        }
        %get3A_867 = arith.constant 0 : index
        %get3A_868 = tpu.vector_load %arg13[%get3A_867] {strides = array<i32>} : memref<32xi32, #tpu.memory_space<vmem>>, vector<16xi32>,
        %slice3A_869 = vector.extract_strided_slice %get3A_868 {offsets = [4], sizes = [1], strides = [1]} : vector<16xi32> to vector<1xi32>
        %squeeze3A_870 = vector.extract %slice3A_869[0] : i32 from vector<1xi32>
        %lt3A_871 = arith.constant 100000 : i32
        %lt3A_872 = arith.cmpi slt, %squeeze3A_870, %lt3A_871 : i32
        %lt3A_873 = arith.constant 99968 : i32
        %lt3A_874 = arith.cmpi slt, %squeeze3A_870, %lt3A_873 : i32
        %and3A_875 = arith.andi %lt3A_872, %lt3A_874 : i1
        %convert_element_type3A_876 = arith.extui %and3A_875 : i1 to i32
        %cond3A_877 = arith.constant 0 : i32
        %cond3A_878 = arith.cmpi ne, %convert_element_type3A_876, %cond3A_877 : i32
        scf.if %cond3A_878 {
          %shift_right_arithmetic3A = arith.constant 7 : i32
          %shift_right_arithmetic3A_1187 = arith.shrsi %squeeze3A_870, %shift_right_arithmetic3A : i32
          %shift_left3A = arith.constant 7 : i32
          %shift_left3A_1188 = arith.shli %shift_right_arithmetic3A_1187, %shift_left3A : i32
          %multiple_of3A = tpu.assume_multiple %shift_left3A_1188, 128 : i32
          %dma_wait3A_1189 = tpu.memref_slice %arg7[%multiple_of3A] : memref<100352xf32, #tpu.memory_space<vmem>> -> memref<128xf32, #tpu.memory_space<vmem>>
          %dma_wait3A_1190 = tpu.memref_slice %arg5[%add3A_177, %multiple_of3A] : memref<256x100000xf32, #tpu.memory_space<hbm>> -> memref<1x128xf32, #tpu.memory_space<hbm>>
          %dma_wait3A_1191 = tpu.memref_squeeze %dma_wait3A_1190 : memref<1x128xf32, #tpu.memory_space<hbm>> -> memref<128xf32, #tpu.memory_space<hbm>>
          %dma_wait3A_1192 = tpu.memref_slice %arg5[%add3A_177, %multiple_of3A] : memref<256x100000xf32, #tpu.memory_space<hbm>> -> memref<1x128xf32, #tpu.memory_space<hbm>>
          %dma_wait3A_1193 = tpu.memref_squeeze %dma_wait3A_1192 : memref<1x128xf32, #tpu.memory_space<hbm>> -> memref<128xf32, #tpu.memory_space<hbm>>
          %dma_wait3A_1194 = tpu.memref_slice %arg7[%multiple_of3A] : memref<100352xf32, #tpu.memory_space<vmem>> -> memref<128xf32, #tpu.memory_space<vmem>>
          tpu.wait_dma2 semaphore(%arg16 : memref<!tpu.dma_semaphore, #tpu.memory_space<semaphore_mem>>) src(%dma_wait3A_1194 : memref<128xf32, #tpu.memory_space<vmem>>) dst(%dma_wait3A_1193 : memref<128xf32, #tpu.memory_space<hbm>>)
        } else {
        }
        %lt3A_879 = arith.constant 100000 : i32
        %lt3A_880 = arith.cmpi slt, %squeeze3A_870, %lt3A_879 : i32
        %ge3A_881 = arith.constant 99968 : i32
        %ge3A_882 = arith.cmpi sge, %squeeze3A_870, %ge3A_881 : i32
        %and3A_883 = arith.andi %lt3A_880, %ge3A_882 : i1
        %convert_element_type3A_884 = arith.extui %and3A_883 : i1 to i32
        %cond3A_885 = arith.constant 0 : i32
        %cond3A_886 = arith.cmpi ne, %convert_element_type3A_884, %cond3A_885 : i32
        scf.if %cond3A_886 {
          %mul3A_1187 = arith.constant 32 : i32
          %mul3A_1188 = arith.muli %add3A_177, %mul3A_1187 : i32
          %dma_wait3A_1189 = arith.constant 99968 : i32
          %dma_wait3A_1190 = tpu.memref_slice %arg7[%dma_wait3A_1189] : memref<100352xf32, #tpu.memory_space<vmem>> -> memref<32xf32, #tpu.memory_space<vmem>>
          %dma_wait3A_1191 = tpu.memref_slice %arg6[%mul3A_1188] : memref<8192xf32, #tpu.memory_space<hbm>> -> memref<32xf32, #tpu.memory_space<hbm>>
          %dma_wait3A_1192 = tpu.memref_slice %arg6[%mul3A_1188] : memref<8192xf32, #tpu.memory_space<hbm>> -> memref<32xf32, #tpu.memory_space<hbm>>
          %dma_wait3A_1193 = arith.constant 99968 : i32
          %dma_wait3A_1194 = tpu.memref_slice %arg7[%dma_wait3A_1193] : memref<100352xf32, #tpu.memory_space<vmem>> -> memref<32xf32, #tpu.memory_space<vmem>>
          tpu.wait_dma2 semaphore(%arg16 : memref<!tpu.dma_semaphore, #tpu.memory_space<semaphore_mem>>) src(%dma_wait3A_1194 : memref<32xf32, #tpu.memory_space<vmem>>) dst(%dma_wait3A_1192 : memref<32xf32, #tpu.memory_space<hbm>>)
        } else {
        }
        %get3A_887 = arith.constant 0 : index
        %get3A_888 = tpu.vector_load %arg13[%get3A_887] {strides = array<i32>} : memref<32xi32, #tpu.memory_space<vmem>>, vector<16xi32>,
        %slice3A_889 = vector.extract_strided_slice %get3A_888 {offsets = [5], sizes = [1], strides = [1]} : vector<16xi32> to vector<1xi32>
        %squeeze3A_890 = vector.extract %slice3A_889[0] : i32 from vector<1xi32>
        %lt3A_891 = arith.constant 100000 : i32
        %lt3A_892 = arith.cmpi slt, %squeeze3A_890, %lt3A_891 : i32
        %lt3A_893 = arith.constant 99968 : i32
        %lt3A_894 = arith.cmpi slt, %squeeze3A_890, %lt3A_893 : i32
        %and3A_895 = arith.andi %lt3A_892, %lt3A_894 : i1
        %convert_element_type3A_896 = arith.extui %and3A_895 : i1 to i32
        %cond3A_897 = arith.constant 0 : i32
        %cond3A_898 = arith.cmpi ne, %convert_element_type3A_896, %cond3A_897 : i32
        scf.if %cond3A_898 {
          %shift_right_arithmetic3A = arith.constant 7 : i32
          %shift_right_arithmetic3A_1187 = arith.shrsi %squeeze3A_890, %shift_right_arithmetic3A : i32
          %shift_left3A = arith.constant 7 : i32
          %shift_left3A_1188 = arith.shli %shift_right_arithmetic3A_1187, %shift_left3A : i32
          %multiple_of3A = tpu.assume_multiple %shift_left3A_1188, 128 : i32
          %dma_wait3A_1189 = tpu.memref_slice %arg7[%multiple_of3A] : memref<100352xf32, #tpu.memory_space<vmem>> -> memref<128xf32, #tpu.memory_space<vmem>>
          %dma_wait3A_1190 = tpu.memref_slice %arg5[%add3A_177, %multiple_of3A] : memref<256x100000xf32, #tpu.memory_space<hbm>> -> memref<1x128xf32, #tpu.memory_space<hbm>>
          %dma_wait3A_1191 = tpu.memref_squeeze %dma_wait3A_1190 : memref<1x128xf32, #tpu.memory_space<hbm>> -> memref<128xf32, #tpu.memory_space<hbm>>
          %dma_wait3A_1192 = tpu.memref_slice %arg5[%add3A_177, %multiple_of3A] : memref<256x100000xf32, #tpu.memory_space<hbm>> -> memref<1x128xf32, #tpu.memory_space<hbm>>
          %dma_wait3A_1193 = tpu.memref_squeeze %dma_wait3A_1192 : memref<1x128xf32, #tpu.memory_space<hbm>> -> memref<128xf32, #tpu.memory_space<hbm>>
          %dma_wait3A_1194 = tpu.memref_slice %arg7[%multiple_of3A] : memref<100352xf32, #tpu.memory_space<vmem>> -> memref<128xf32, #tpu.memory_space<vmem>>
          tpu.wait_dma2 semaphore(%arg16 : memref<!tpu.dma_semaphore, #tpu.memory_space<semaphore_mem>>) src(%dma_wait3A_1194 : memref<128xf32, #tpu.memory_space<vmem>>) dst(%dma_wait3A_1193 : memref<128xf32, #tpu.memory_space<hbm>>)
        } else {
        }
        %lt3A_899 = arith.constant 100000 : i32
        %lt3A_900 = arith.cmpi slt, %squeeze3A_890, %lt3A_899 : i32
        %ge3A_901 = arith.constant 99968 : i32
        %ge3A_902 = arith.cmpi sge, %squeeze3A_890, %ge3A_901 : i32
        %and3A_903 = arith.andi %lt3A_900, %ge3A_902 : i1
        %convert_element_type3A_904 = arith.extui %and3A_903 : i1 to i32
        %cond3A_905 = arith.constant 0 : i32
        %cond3A_906 = arith.cmpi ne, %convert_element_type3A_904, %cond3A_905 : i32
        scf.if %cond3A_906 {
          %mul3A_1187 = arith.constant 32 : i32
          %mul3A_1188 = arith.muli %add3A_177, %mul3A_1187 : i32
          %dma_wait3A_1189 = arith.constant 99968 : i32
          %dma_wait3A_1190 = tpu.memref_slice %arg7[%dma_wait3A_1189] : memref<100352xf32, #tpu.memory_space<vmem>> -> memref<32xf32, #tpu.memory_space<vmem>>
          %dma_wait3A_1191 = tpu.memref_slice %arg6[%mul3A_1188] : memref<8192xf32, #tpu.memory_space<hbm>> -> memref<32xf32, #tpu.memory_space<hbm>>
          %dma_wait3A_1192 = tpu.memref_slice %arg6[%mul3A_1188] : memref<8192xf32, #tpu.memory_space<hbm>> -> memref<32xf32, #tpu.memory_space<hbm>>
          %dma_wait3A_1193 = arith.constant 99968 : i32
          %dma_wait3A_1194 = tpu.memref_slice %arg7[%dma_wait3A_1193] : memref<100352xf32, #tpu.memory_space<vmem>> -> memref<32xf32, #tpu.memory_space<vmem>>
          tpu.wait_dma2 semaphore(%arg16 : memref<!tpu.dma_semaphore, #tpu.memory_space<semaphore_mem>>) src(%dma_wait3A_1194 : memref<32xf32, #tpu.memory_space<vmem>>) dst(%dma_wait3A_1192 : memref<32xf32, #tpu.memory_space<hbm>>)
        } else {
        }
        %get3A_907 = arith.constant 0 : index
        %get3A_908 = tpu.vector_load %arg13[%get3A_907] {strides = array<i32>} : memref<32xi32, #tpu.memory_space<vmem>>, vector<16xi32>,
        %slice3A_909 = vector.extract_strided_slice %get3A_908 {offsets = [6], sizes = [1], strides = [1]} : vector<16xi32> to vector<1xi32>
        %squeeze3A_910 = vector.extract %slice3A_909[0] : i32 from vector<1xi32>
        %lt3A_911 = arith.constant 100000 : i32
        %lt3A_912 = arith.cmpi slt, %squeeze3A_910, %lt3A_911 : i32
        %lt3A_913 = arith.constant 99968 : i32
        %lt3A_914 = arith.cmpi slt, %squeeze3A_910, %lt3A_913 : i32
        %and3A_915 = arith.andi %lt3A_912, %lt3A_914 : i1
        %convert_element_type3A_916 = arith.extui %and3A_915 : i1 to i32
        %cond3A_917 = arith.constant 0 : i32
        %cond3A_918 = arith.cmpi ne, %convert_element_type3A_916, %cond3A_917 : i32
        scf.if %cond3A_918 {
          %shift_right_arithmetic3A = arith.constant 7 : i32
          %shift_right_arithmetic3A_1187 = arith.shrsi %squeeze3A_910, %shift_right_arithmetic3A : i32
          %shift_left3A = arith.constant 7 : i32
          %shift_left3A_1188 = arith.shli %shift_right_arithmetic3A_1187, %shift_left3A : i32
          %multiple_of3A = tpu.assume_multiple %shift_left3A_1188, 128 : i32
          %dma_wait3A_1189 = tpu.memref_slice %arg7[%multiple_of3A] : memref<100352xf32, #tpu.memory_space<vmem>> -> memref<128xf32, #tpu.memory_space<vmem>>
          %dma_wait3A_1190 = tpu.memref_slice %arg5[%add3A_177, %multiple_of3A] : memref<256x100000xf32, #tpu.memory_space<hbm>> -> memref<1x128xf32, #tpu.memory_space<hbm>>
          %dma_wait3A_1191 = tpu.memref_squeeze %dma_wait3A_1190 : memref<1x128xf32, #tpu.memory_space<hbm>> -> memref<128xf32, #tpu.memory_space<hbm>>
          %dma_wait3A_1192 = tpu.memref_slice %arg5[%add3A_177, %multiple_of3A] : memref<256x100000xf32, #tpu.memory_space<hbm>> -> memref<1x128xf32, #tpu.memory_space<hbm>>
          %dma_wait3A_1193 = tpu.memref_squeeze %dma_wait3A_1192 : memref<1x128xf32, #tpu.memory_space<hbm>> -> memref<128xf32, #tpu.memory_space<hbm>>
          %dma_wait3A_1194 = tpu.memref_slice %arg7[%multiple_of3A] : memref<100352xf32, #tpu.memory_space<vmem>> -> memref<128xf32, #tpu.memory_space<vmem>>
          tpu.wait_dma2 semaphore(%arg16 : memref<!tpu.dma_semaphore, #tpu.memory_space<semaphore_mem>>) src(%dma_wait3A_1194 : memref<128xf32, #tpu.memory_space<vmem>>) dst(%dma_wait3A_1193 : memref<128xf32, #tpu.memory_space<hbm>>)
        } else {
        }
        %lt3A_919 = arith.constant 100000 : i32
        %lt3A_920 = arith.cmpi slt, %squeeze3A_910, %lt3A_919 : i32
        %ge3A_921 = arith.constant 99968 : i32
        %ge3A_922 = arith.cmpi sge, %squeeze3A_910, %ge3A_921 : i32
        %and3A_923 = arith.andi %lt3A_920, %ge3A_922 : i1
        %convert_element_type3A_924 = arith.extui %and3A_923 : i1 to i32
        %cond3A_925 = arith.constant 0 : i32
        %cond3A_926 = arith.cmpi ne, %convert_element_type3A_924, %cond3A_925 : i32
        scf.if %cond3A_926 {
          %mul3A_1187 = arith.constant 32 : i32
          %mul3A_1188 = arith.muli %add3A_177, %mul3A_1187 : i32
          %dma_wait3A_1189 = arith.constant 99968 : i32
          %dma_wait3A_1190 = tpu.memref_slice %arg7[%dma_wait3A_1189] : memref<100352xf32, #tpu.memory_space<vmem>> -> memref<32xf32, #tpu.memory_space<vmem>>
          %dma_wait3A_1191 = tpu.memref_slice %arg6[%mul3A_1188] : memref<8192xf32, #tpu.memory_space<hbm>> -> memref<32xf32, #tpu.memory_space<hbm>>
          %dma_wait3A_1192 = tpu.memref_slice %arg6[%mul3A_1188] : memref<8192xf32, #tpu.memory_space<hbm>> -> memref<32xf32, #tpu.memory_space<hbm>>
          %dma_wait3A_1193 = arith.constant 99968 : i32
          %dma_wait3A_1194 = tpu.memref_slice %arg7[%dma_wait3A_1193] : memref<100352xf32, #tpu.memory_space<vmem>> -> memref<32xf32, #tpu.memory_space<vmem>>
          tpu.wait_dma2 semaphore(%arg16 : memref<!tpu.dma_semaphore, #tpu.memory_space<semaphore_mem>>) src(%dma_wait3A_1194 : memref<32xf32, #tpu.memory_space<vmem>>) dst(%dma_wait3A_1192 : memref<32xf32, #tpu.memory_space<hbm>>)
        } else {
        }
        %get3A_927 = arith.constant 0 : index
        %get3A_928 = tpu.vector_load %arg13[%get3A_927] {strides = array<i32>} : memref<32xi32, #tpu.memory_space<vmem>>, vector<16xi32>,
        %slice3A_929 = vector.extract_strided_slice %get3A_928 {offsets = [7], sizes = [1], strides = [1]} : vector<16xi32> to vector<1xi32>
        %squeeze3A_930 = vector.extract %slice3A_929[0] : i32 from vector<1xi32>
        %lt3A_931 = arith.constant 100000 : i32
        %lt3A_932 = arith.cmpi slt, %squeeze3A_930, %lt3A_931 : i32
        %lt3A_933 = arith.constant 99968 : i32
        %lt3A_934 = arith.cmpi slt, %squeeze3A_930, %lt3A_933 : i32
        %and3A_935 = arith.andi %lt3A_932, %lt3A_934 : i1
        %convert_element_type3A_936 = arith.extui %and3A_935 : i1 to i32
        %cond3A_937 = arith.constant 0 : i32
        %cond3A_938 = arith.cmpi ne, %convert_element_type3A_936, %cond3A_937 : i32
        scf.if %cond3A_938 {
          %shift_right_arithmetic3A = arith.constant 7 : i32
          %shift_right_arithmetic3A_1187 = arith.shrsi %squeeze3A_930, %shift_right_arithmetic3A : i32
          %shift_left3A = arith.constant 7 : i32
          %shift_left3A_1188 = arith.shli %shift_right_arithmetic3A_1187, %shift_left3A : i32
          %multiple_of3A = tpu.assume_multiple %shift_left3A_1188, 128 : i32
          %dma_wait3A_1189 = tpu.memref_slice %arg7[%multiple_of3A] : memref<100352xf32, #tpu.memory_space<vmem>> -> memref<128xf32, #tpu.memory_space<vmem>>
          %dma_wait3A_1190 = tpu.memref_slice %arg5[%add3A_177, %multiple_of3A] : memref<256x100000xf32, #tpu.memory_space<hbm>> -> memref<1x128xf32, #tpu.memory_space<hbm>>
          %dma_wait3A_1191 = tpu.memref_squeeze %dma_wait3A_1190 : memref<1x128xf32, #tpu.memory_space<hbm>> -> memref<128xf32, #tpu.memory_space<hbm>>
          %dma_wait3A_1192 = tpu.memref_slice %arg5[%add3A_177, %multiple_of3A] : memref<256x100000xf32, #tpu.memory_space<hbm>> -> memref<1x128xf32, #tpu.memory_space<hbm>>
          %dma_wait3A_1193 = tpu.memref_squeeze %dma_wait3A_1192 : memref<1x128xf32, #tpu.memory_space<hbm>> -> memref<128xf32, #tpu.memory_space<hbm>>
          %dma_wait3A_1194 = tpu.memref_slice %arg7[%multiple_of3A] : memref<100352xf32, #tpu.memory_space<vmem>> -> memref<128xf32, #tpu.memory_space<vmem>>
          tpu.wait_dma2 semaphore(%arg16 : memref<!tpu.dma_semaphore, #tpu.memory_space<semaphore_mem>>) src(%dma_wait3A_1194 : memref<128xf32, #tpu.memory_space<vmem>>) dst(%dma_wait3A_1193 : memref<128xf32, #tpu.memory_space<hbm>>)
        } else {
        }
        %lt3A_939 = arith.constant 100000 : i32
        %lt3A_940 = arith.cmpi slt, %squeeze3A_930, %lt3A_939 : i32
        %ge3A_941 = arith.constant 99968 : i32
        %ge3A_942 = arith.cmpi sge, %squeeze3A_930, %ge3A_941 : i32
        %and3A_943 = arith.andi %lt3A_940, %ge3A_942 : i1
        %convert_element_type3A_944 = arith.extui %and3A_943 : i1 to i32
        %cond3A_945 = arith.constant 0 : i32
        %cond3A_946 = arith.cmpi ne, %convert_element_type3A_944, %cond3A_945 : i32
        scf.if %cond3A_946 {
          %mul3A_1187 = arith.constant 32 : i32
          %mul3A_1188 = arith.muli %add3A_177, %mul3A_1187 : i32
          %dma_wait3A_1189 = arith.constant 99968 : i32
          %dma_wait3A_1190 = tpu.memref_slice %arg7[%dma_wait3A_1189] : memref<100352xf32, #tpu.memory_space<vmem>> -> memref<32xf32, #tpu.memory_space<vmem>>
          %dma_wait3A_1191 = tpu.memref_slice %arg6[%mul3A_1188] : memref<8192xf32, #tpu.memory_space<hbm>> -> memref<32xf32, #tpu.memory_space<hbm>>
          %dma_wait3A_1192 = tpu.memref_slice %arg6[%mul3A_1188] : memref<8192xf32, #tpu.memory_space<hbm>> -> memref<32xf32, #tpu.memory_space<hbm>>
          %dma_wait3A_1193 = arith.constant 99968 : i32
          %dma_wait3A_1194 = tpu.memref_slice %arg7[%dma_wait3A_1193] : memref<100352xf32, #tpu.memory_space<vmem>> -> memref<32xf32, #tpu.memory_space<vmem>>
          tpu.wait_dma2 semaphore(%arg16 : memref<!tpu.dma_semaphore, #tpu.memory_space<semaphore_mem>>) src(%dma_wait3A_1194 : memref<32xf32, #tpu.memory_space<vmem>>) dst(%dma_wait3A_1192 : memref<32xf32, #tpu.memory_space<hbm>>)
        } else {
        }
        %get3A_947 = arith.constant 0 : index
        %get3A_948 = tpu.vector_load %arg13[%get3A_947] {strides = array<i32>} : memref<32xi32, #tpu.memory_space<vmem>>, vector<16xi32>,
        %slice3A_949 = vector.extract_strided_slice %get3A_948 {offsets = [8], sizes = [1], strides = [1]} : vector<16xi32> to vector<1xi32>
        %squeeze3A_950 = vector.extract %slice3A_949[0] : i32 from vector<1xi32>
        %lt3A_951 = arith.constant 100000 : i32
        %lt3A_952 = arith.cmpi slt, %squeeze3A_950, %lt3A_951 : i32
        %lt3A_953 = arith.constant 99968 : i32
        %lt3A_954 = arith.cmpi slt, %squeeze3A_950, %lt3A_953 : i32
        %and3A_955 = arith.andi %lt3A_952, %lt3A_954 : i1
        %convert_element_type3A_956 = arith.extui %and3A_955 : i1 to i32
        %cond3A_957 = arith.constant 0 : i32
        %cond3A_958 = arith.cmpi ne, %convert_element_type3A_956, %cond3A_957 : i32
        scf.if %cond3A_958 {
          %shift_right_arithmetic3A = arith.constant 7 : i32
          %shift_right_arithmetic3A_1187 = arith.shrsi %squeeze3A_950, %shift_right_arithmetic3A : i32
          %shift_left3A = arith.constant 7 : i32
          %shift_left3A_1188 = arith.shli %shift_right_arithmetic3A_1187, %shift_left3A : i32
          %multiple_of3A = tpu.assume_multiple %shift_left3A_1188, 128 : i32
          %dma_wait3A_1189 = tpu.memref_slice %arg7[%multiple_of3A] : memref<100352xf32, #tpu.memory_space<vmem>> -> memref<128xf32, #tpu.memory_space<vmem>>
          %dma_wait3A_1190 = tpu.memref_slice %arg5[%add3A_177, %multiple_of3A] : memref<256x100000xf32, #tpu.memory_space<hbm>> -> memref<1x128xf32, #tpu.memory_space<hbm>>
          %dma_wait3A_1191 = tpu.memref_squeeze %dma_wait3A_1190 : memref<1x128xf32, #tpu.memory_space<hbm>> -> memref<128xf32, #tpu.memory_space<hbm>>
          %dma_wait3A_1192 = tpu.memref_slice %arg5[%add3A_177, %multiple_of3A] : memref<256x100000xf32, #tpu.memory_space<hbm>> -> memref<1x128xf32, #tpu.memory_space<hbm>>
          %dma_wait3A_1193 = tpu.memref_squeeze %dma_wait3A_1192 : memref<1x128xf32, #tpu.memory_space<hbm>> -> memref<128xf32, #tpu.memory_space<hbm>>
          %dma_wait3A_1194 = tpu.memref_slice %arg7[%multiple_of3A] : memref<100352xf32, #tpu.memory_space<vmem>> -> memref<128xf32, #tpu.memory_space<vmem>>
          tpu.wait_dma2 semaphore(%arg16 : memref<!tpu.dma_semaphore, #tpu.memory_space<semaphore_mem>>) src(%dma_wait3A_1194 : memref<128xf32, #tpu.memory_space<vmem>>) dst(%dma_wait3A_1193 : memref<128xf32, #tpu.memory_space<hbm>>)
        } else {
        }
        %lt3A_959 = arith.constant 100000 : i32
        %lt3A_960 = arith.cmpi slt, %squeeze3A_950, %lt3A_959 : i32
        %ge3A_961 = arith.constant 99968 : i32
        %ge3A_962 = arith.cmpi sge, %squeeze3A_950, %ge3A_961 : i32
        %and3A_963 = arith.andi %lt3A_960, %ge3A_962 : i1
        %convert_element_type3A_964 = arith.extui %and3A_963 : i1 to i32
        %cond3A_965 = arith.constant 0 : i32
        %cond3A_966 = arith.cmpi ne, %convert_element_type3A_964, %cond3A_965 : i32
        scf.if %cond3A_966 {
          %mul3A_1187 = arith.constant 32 : i32
          %mul3A_1188 = arith.muli %add3A_177, %mul3A_1187 : i32
          %dma_wait3A_1189 = arith.constant 99968 : i32
          %dma_wait3A_1190 = tpu.memref_slice %arg7[%dma_wait3A_1189] : memref<100352xf32, #tpu.memory_space<vmem>> -> memref<32xf32, #tpu.memory_space<vmem>>
          %dma_wait3A_1191 = tpu.memref_slice %arg6[%mul3A_1188] : memref<8192xf32, #tpu.memory_space<hbm>> -> memref<32xf32, #tpu.memory_space<hbm>>
          %dma_wait3A_1192 = tpu.memref_slice %arg6[%mul3A_1188] : memref<8192xf32, #tpu.memory_space<hbm>> -> memref<32xf32, #tpu.memory_space<hbm>>
          %dma_wait3A_1193 = arith.constant 99968 : i32
          %dma_wait3A_1194 = tpu.memref_slice %arg7[%dma_wait3A_1193] : memref<100352xf32, #tpu.memory_space<vmem>> -> memref<32xf32, #tpu.memory_space<vmem>>
          tpu.wait_dma2 semaphore(%arg16 : memref<!tpu.dma_semaphore, #tpu.memory_space<semaphore_mem>>) src(%dma_wait3A_1194 : memref<32xf32, #tpu.memory_space<vmem>>) dst(%dma_wait3A_1192 : memref<32xf32, #tpu.memory_space<hbm>>)
        } else {
        }
        %get3A_967 = arith.constant 0 : index
        %get3A_968 = tpu.vector_load %arg13[%get3A_967] {strides = array<i32>} : memref<32xi32, #tpu.memory_space<vmem>>, vector<16xi32>,
        %slice3A_969 = vector.extract_strided_slice %get3A_968 {offsets = [9], sizes = [1], strides = [1]} : vector<16xi32> to vector<1xi32>
        %squeeze3A_970 = vector.extract %slice3A_969[0] : i32 from vector<1xi32>
        %lt3A_971 = arith.constant 100000 : i32
        %lt3A_972 = arith.cmpi slt, %squeeze3A_970, %lt3A_971 : i32
        %lt3A_973 = arith.constant 99968 : i32
        %lt3A_974 = arith.cmpi slt, %squeeze3A_970, %lt3A_973 : i32
        %and3A_975 = arith.andi %lt3A_972, %lt3A_974 : i1
        %convert_element_type3A_976 = arith.extui %and3A_975 : i1 to i32
        %cond3A_977 = arith.constant 0 : i32
        %cond3A_978 = arith.cmpi ne, %convert_element_type3A_976, %cond3A_977 : i32
        scf.if %cond3A_978 {
          %shift_right_arithmetic3A = arith.constant 7 : i32
          %shift_right_arithmetic3A_1187 = arith.shrsi %squeeze3A_970, %shift_right_arithmetic3A : i32
          %shift_left3A = arith.constant 7 : i32
          %shift_left3A_1188 = arith.shli %shift_right_arithmetic3A_1187, %shift_left3A : i32
          %multiple_of3A = tpu.assume_multiple %shift_left3A_1188, 128 : i32
          %dma_wait3A_1189 = tpu.memref_slice %arg7[%multiple_of3A] : memref<100352xf32, #tpu.memory_space<vmem>> -> memref<128xf32, #tpu.memory_space<vmem>>
          %dma_wait3A_1190 = tpu.memref_slice %arg5[%add3A_177, %multiple_of3A] : memref<256x100000xf32, #tpu.memory_space<hbm>> -> memref<1x128xf32, #tpu.memory_space<hbm>>
          %dma_wait3A_1191 = tpu.memref_squeeze %dma_wait3A_1190 : memref<1x128xf32, #tpu.memory_space<hbm>> -> memref<128xf32, #tpu.memory_space<hbm>>
          %dma_wait3A_1192 = tpu.memref_slice %arg5[%add3A_177, %multiple_of3A] : memref<256x100000xf32, #tpu.memory_space<hbm>> -> memref<1x128xf32, #tpu.memory_space<hbm>>
          %dma_wait3A_1193 = tpu.memref_squeeze %dma_wait3A_1192 : memref<1x128xf32, #tpu.memory_space<hbm>> -> memref<128xf32, #tpu.memory_space<hbm>>
          %dma_wait3A_1194 = tpu.memref_slice %arg7[%multiple_of3A] : memref<100352xf32, #tpu.memory_space<vmem>> -> memref<128xf32, #tpu.memory_space<vmem>>
          tpu.wait_dma2 semaphore(%arg16 : memref<!tpu.dma_semaphore, #tpu.memory_space<semaphore_mem>>) src(%dma_wait3A_1194 : memref<128xf32, #tpu.memory_space<vmem>>) dst(%dma_wait3A_1193 : memref<128xf32, #tpu.memory_space<hbm>>)
        } else {
        }
        %lt3A_979 = arith.constant 100000 : i32
        %lt3A_980 = arith.cmpi slt, %squeeze3A_970, %lt3A_979 : i32
        %ge3A_981 = arith.constant 99968 : i32
        %ge3A_982 = arith.cmpi sge, %squeeze3A_970, %ge3A_981 : i32
        %and3A_983 = arith.andi %lt3A_980, %ge3A_982 : i1
        %convert_element_type3A_984 = arith.extui %and3A_983 : i1 to i32
        %cond3A_985 = arith.constant 0 : i32
        %cond3A_986 = arith.cmpi ne, %convert_element_type3A_984, %cond3A_985 : i32
        scf.if %cond3A_986 {
          %mul3A_1187 = arith.constant 32 : i32
          %mul3A_1188 = arith.muli %add3A_177, %mul3A_1187 : i32
          %dma_wait3A_1189 = arith.constant 99968 : i32
          %dma_wait3A_1190 = tpu.memref_slice %arg7[%dma_wait3A_1189] : memref<100352xf32, #tpu.memory_space<vmem>> -> memref<32xf32, #tpu.memory_space<vmem>>
          %dma_wait3A_1191 = tpu.memref_slice %arg6[%mul3A_1188] : memref<8192xf32, #tpu.memory_space<hbm>> -> memref<32xf32, #tpu.memory_space<hbm>>
          %dma_wait3A_1192 = tpu.memref_slice %arg6[%mul3A_1188] : memref<8192xf32, #tpu.memory_space<hbm>> -> memref<32xf32, #tpu.memory_space<hbm>>
          %dma_wait3A_1193 = arith.constant 99968 : i32
          %dma_wait3A_1194 = tpu.memref_slice %arg7[%dma_wait3A_1193] : memref<100352xf32, #tpu.memory_space<vmem>> -> memref<32xf32, #tpu.memory_space<vmem>>
          tpu.wait_dma2 semaphore(%arg16 : memref<!tpu.dma_semaphore, #tpu.memory_space<semaphore_mem>>) src(%dma_wait3A_1194 : memref<32xf32, #tpu.memory_space<vmem>>) dst(%dma_wait3A_1192 : memref<32xf32, #tpu.memory_space<hbm>>)
        } else {
        }
        %get3A_987 = arith.constant 0 : index
        %get3A_988 = tpu.vector_load %arg13[%get3A_987] {strides = array<i32>} : memref<32xi32, #tpu.memory_space<vmem>>, vector<16xi32>,
        %slice3A_989 = vector.extract_strided_slice %get3A_988 {offsets = [10], sizes = [1], strides = [1]} : vector<16xi32> to vector<1xi32>
        %squeeze3A_990 = vector.extract %slice3A_989[0] : i32 from vector<1xi32>
        %lt3A_991 = arith.constant 100000 : i32
        %lt3A_992 = arith.cmpi slt, %squeeze3A_990, %lt3A_991 : i32
        %lt3A_993 = arith.constant 99968 : i32
        %lt3A_994 = arith.cmpi slt, %squeeze3A_990, %lt3A_993 : i32
        %and3A_995 = arith.andi %lt3A_992, %lt3A_994 : i1
        %convert_element_type3A_996 = arith.extui %and3A_995 : i1 to i32
        %cond3A_997 = arith.constant 0 : i32
        %cond3A_998 = arith.cmpi ne, %convert_element_type3A_996, %cond3A_997 : i32
        scf.if %cond3A_998 {
          %shift_right_arithmetic3A = arith.constant 7 : i32
          %shift_right_arithmetic3A_1187 = arith.shrsi %squeeze3A_990, %shift_right_arithmetic3A : i32
          %shift_left3A = arith.constant 7 : i32
          %shift_left3A_1188 = arith.shli %shift_right_arithmetic3A_1187, %shift_left3A : i32
          %multiple_of3A = tpu.assume_multiple %shift_left3A_1188, 128 : i32
          %dma_wait3A_1189 = tpu.memref_slice %arg7[%multiple_of3A] : memref<100352xf32, #tpu.memory_space<vmem>> -> memref<128xf32, #tpu.memory_space<vmem>>
          %dma_wait3A_1190 = tpu.memref_slice %arg5[%add3A_177, %multiple_of3A] : memref<256x100000xf32, #tpu.memory_space<hbm>> -> memref<1x128xf32, #tpu.memory_space<hbm>>
          %dma_wait3A_1191 = tpu.memref_squeeze %dma_wait3A_1190 : memref<1x128xf32, #tpu.memory_space<hbm>> -> memref<128xf32, #tpu.memory_space<hbm>>
          %dma_wait3A_1192 = tpu.memref_slice %arg5[%add3A_177, %multiple_of3A] : memref<256x100000xf32, #tpu.memory_space<hbm>> -> memref<1x128xf32, #tpu.memory_space<hbm>>
          %dma_wait3A_1193 = tpu.memref_squeeze %dma_wait3A_1192 : memref<1x128xf32, #tpu.memory_space<hbm>> -> memref<128xf32, #tpu.memory_space<hbm>>
          %dma_wait3A_1194 = tpu.memref_slice %arg7[%multiple_of3A] : memref<100352xf32, #tpu.memory_space<vmem>> -> memref<128xf32, #tpu.memory_space<vmem>>
          tpu.wait_dma2 semaphore(%arg16 : memref<!tpu.dma_semaphore, #tpu.memory_space<semaphore_mem>>) src(%dma_wait3A_1194 : memref<128xf32, #tpu.memory_space<vmem>>) dst(%dma_wait3A_1193 : memref<128xf32, #tpu.memory_space<hbm>>)
        } else {
        }
        %lt3A_999 = arith.constant 100000 : i32
        %lt3A_1000 = arith.cmpi slt, %squeeze3A_990, %lt3A_999 : i32
        %ge3A_1001 = arith.constant 99968 : i32
        %ge3A_1002 = arith.cmpi sge, %squeeze3A_990, %ge3A_1001 : i32
        %and3A_1003 = arith.andi %lt3A_1000, %ge3A_1002 : i1
        %convert_element_type3A_1004 = arith.extui %and3A_1003 : i1 to i32
        %cond3A_1005 = arith.constant 0 : i32
        %cond3A_1006 = arith.cmpi ne, %convert_element_type3A_1004, %cond3A_1005 : i32
        scf.if %cond3A_1006 {
          %mul3A_1187 = arith.constant 32 : i32
          %mul3A_1188 = arith.muli %add3A_177, %mul3A_1187 : i32
          %dma_wait3A_1189 = arith.constant 99968 : i32
          %dma_wait3A_1190 = tpu.memref_slice %arg7[%dma_wait3A_1189] : memref<100352xf32, #tpu.memory_space<vmem>> -> memref<32xf32, #tpu.memory_space<vmem>>
          %dma_wait3A_1191 = tpu.memref_slice %arg6[%mul3A_1188] : memref<8192xf32, #tpu.memory_space<hbm>> -> memref<32xf32, #tpu.memory_space<hbm>>
          %dma_wait3A_1192 = tpu.memref_slice %arg6[%mul3A_1188] : memref<8192xf32, #tpu.memory_space<hbm>> -> memref<32xf32, #tpu.memory_space<hbm>>
          %dma_wait3A_1193 = arith.constant 99968 : i32
          %dma_wait3A_1194 = tpu.memref_slice %arg7[%dma_wait3A_1193] : memref<100352xf32, #tpu.memory_space<vmem>> -> memref<32xf32, #tpu.memory_space<vmem>>
          tpu.wait_dma2 semaphore(%arg16 : memref<!tpu.dma_semaphore, #tpu.memory_space<semaphore_mem>>) src(%dma_wait3A_1194 : memref<32xf32, #tpu.memory_space<vmem>>) dst(%dma_wait3A_1192 : memref<32xf32, #tpu.memory_space<hbm>>)
        } else {
        }
        %get3A_1007 = arith.constant 0 : index
        %get3A_1008 = tpu.vector_load %arg13[%get3A_1007] {strides = array<i32>} : memref<32xi32, #tpu.memory_space<vmem>>, vector<16xi32>,
        %slice3A_1009 = vector.extract_strided_slice %get3A_1008 {offsets = [11], sizes = [1], strides = [1]} : vector<16xi32> to vector<1xi32>
        %squeeze3A_1010 = vector.extract %slice3A_1009[0] : i32 from vector<1xi32>
        %lt3A_1011 = arith.constant 100000 : i32
        %lt3A_1012 = arith.cmpi slt, %squeeze3A_1010, %lt3A_1011 : i32
        %lt3A_1013 = arith.constant 99968 : i32
        %lt3A_1014 = arith.cmpi slt, %squeeze3A_1010, %lt3A_1013 : i32
        %and3A_1015 = arith.andi %lt3A_1012, %lt3A_1014 : i1
        %convert_element_type3A_1016 = arith.extui %and3A_1015 : i1 to i32
        %cond3A_1017 = arith.constant 0 : i32
        %cond3A_1018 = arith.cmpi ne, %convert_element_type3A_1016, %cond3A_1017 : i32
        scf.if %cond3A_1018 {
          %shift_right_arithmetic3A = arith.constant 7 : i32
          %shift_right_arithmetic3A_1187 = arith.shrsi %squeeze3A_1010, %shift_right_arithmetic3A : i32
          %shift_left3A = arith.constant 7 : i32
          %shift_left3A_1188 = arith.shli %shift_right_arithmetic3A_1187, %shift_left3A : i32
          %multiple_of3A = tpu.assume_multiple %shift_left3A_1188, 128 : i32
          %dma_wait3A_1189 = tpu.memref_slice %arg7[%multiple_of3A] : memref<100352xf32, #tpu.memory_space<vmem>> -> memref<128xf32, #tpu.memory_space<vmem>>
          %dma_wait3A_1190 = tpu.memref_slice %arg5[%add3A_177, %multiple_of3A] : memref<256x100000xf32, #tpu.memory_space<hbm>> -> memref<1x128xf32, #tpu.memory_space<hbm>>
          %dma_wait3A_1191 = tpu.memref_squeeze %dma_wait3A_1190 : memref<1x128xf32, #tpu.memory_space<hbm>> -> memref<128xf32, #tpu.memory_space<hbm>>
          %dma_wait3A_1192 = tpu.memref_slice %arg5[%add3A_177, %multiple_of3A] : memref<256x100000xf32, #tpu.memory_space<hbm>> -> memref<1x128xf32, #tpu.memory_space<hbm>>
          %dma_wait3A_1193 = tpu.memref_squeeze %dma_wait3A_1192 : memref<1x128xf32, #tpu.memory_space<hbm>> -> memref<128xf32, #tpu.memory_space<hbm>>
          %dma_wait3A_1194 = tpu.memref_slice %arg7[%multiple_of3A] : memref<100352xf32, #tpu.memory_space<vmem>> -> memref<128xf32, #tpu.memory_space<vmem>>
          tpu.wait_dma2 semaphore(%arg16 : memref<!tpu.dma_semaphore, #tpu.memory_space<semaphore_mem>>) src(%dma_wait3A_1194 : memref<128xf32, #tpu.memory_space<vmem>>) dst(%dma_wait3A_1193 : memref<128xf32, #tpu.memory_space<hbm>>)
        } else {
        }
        %lt3A_1019 = arith.constant 100000 : i32
        %lt3A_1020 = arith.cmpi slt, %squeeze3A_1010, %lt3A_1019 : i32
        %ge3A_1021 = arith.constant 99968 : i32
        %ge3A_1022 = arith.cmpi sge, %squeeze3A_1010, %ge3A_1021 : i32
        %and3A_1023 = arith.andi %lt3A_1020, %ge3A_1022 : i1
        %convert_element_type3A_1024 = arith.extui %and3A_1023 : i1 to i32
        %cond3A_1025 = arith.constant 0 : i32
        %cond3A_1026 = arith.cmpi ne, %convert_element_type3A_1024, %cond3A_1025 : i32
        scf.if %cond3A_1026 {
          %mul3A_1187 = arith.constant 32 : i32
          %mul3A_1188 = arith.muli %add3A_177, %mul3A_1187 : i32
          %dma_wait3A_1189 = arith.constant 99968 : i32
          %dma_wait3A_1190 = tpu.memref_slice %arg7[%dma_wait3A_1189] : memref<100352xf32, #tpu.memory_space<vmem>> -> memref<32xf32, #tpu.memory_space<vmem>>
          %dma_wait3A_1191 = tpu.memref_slice %arg6[%mul3A_1188] : memref<8192xf32, #tpu.memory_space<hbm>> -> memref<32xf32, #tpu.memory_space<hbm>>
          %dma_wait3A_1192 = tpu.memref_slice %arg6[%mul3A_1188] : memref<8192xf32, #tpu.memory_space<hbm>> -> memref<32xf32, #tpu.memory_space<hbm>>
          %dma_wait3A_1193 = arith.constant 99968 : i32
          %dma_wait3A_1194 = tpu.memref_slice %arg7[%dma_wait3A_1193] : memref<100352xf32, #tpu.memory_space<vmem>> -> memref<32xf32, #tpu.memory_space<vmem>>
          tpu.wait_dma2 semaphore(%arg16 : memref<!tpu.dma_semaphore, #tpu.memory_space<semaphore_mem>>) src(%dma_wait3A_1194 : memref<32xf32, #tpu.memory_space<vmem>>) dst(%dma_wait3A_1192 : memref<32xf32, #tpu.memory_space<hbm>>)
        } else {
        }
        %get3A_1027 = arith.constant 0 : index
        %get3A_1028 = tpu.vector_load %arg13[%get3A_1027] {strides = array<i32>} : memref<32xi32, #tpu.memory_space<vmem>>, vector<16xi32>,
        %slice3A_1029 = vector.extract_strided_slice %get3A_1028 {offsets = [12], sizes = [1], strides = [1]} : vector<16xi32> to vector<1xi32>
        %squeeze3A_1030 = vector.extract %slice3A_1029[0] : i32 from vector<1xi32>
        %lt3A_1031 = arith.constant 100000 : i32
        %lt3A_1032 = arith.cmpi slt, %squeeze3A_1030, %lt3A_1031 : i32
        %lt3A_1033 = arith.constant 99968 : i32
        %lt3A_1034 = arith.cmpi slt, %squeeze3A_1030, %lt3A_1033 : i32
        %and3A_1035 = arith.andi %lt3A_1032, %lt3A_1034 : i1
        %convert_element_type3A_1036 = arith.extui %and3A_1035 : i1 to i32
        %cond3A_1037 = arith.constant 0 : i32
        %cond3A_1038 = arith.cmpi ne, %convert_element_type3A_1036, %cond3A_1037 : i32
        scf.if %cond3A_1038 {
          %shift_right_arithmetic3A = arith.constant 7 : i32
          %shift_right_arithmetic3A_1187 = arith.shrsi %squeeze3A_1030, %shift_right_arithmetic3A : i32
          %shift_left3A = arith.constant 7 : i32
          %shift_left3A_1188 = arith.shli %shift_right_arithmetic3A_1187, %shift_left3A : i32
          %multiple_of3A = tpu.assume_multiple %shift_left3A_1188, 128 : i32
          %dma_wait3A_1189 = tpu.memref_slice %arg7[%multiple_of3A] : memref<100352xf32, #tpu.memory_space<vmem>> -> memref<128xf32, #tpu.memory_space<vmem>>
          %dma_wait3A_1190 = tpu.memref_slice %arg5[%add3A_177, %multiple_of3A] : memref<256x100000xf32, #tpu.memory_space<hbm>> -> memref<1x128xf32, #tpu.memory_space<hbm>>
          %dma_wait3A_1191 = tpu.memref_squeeze %dma_wait3A_1190 : memref<1x128xf32, #tpu.memory_space<hbm>> -> memref<128xf32, #tpu.memory_space<hbm>>
          %dma_wait3A_1192 = tpu.memref_slice %arg5[%add3A_177, %multiple_of3A] : memref<256x100000xf32, #tpu.memory_space<hbm>> -> memref<1x128xf32, #tpu.memory_space<hbm>>
          %dma_wait3A_1193 = tpu.memref_squeeze %dma_wait3A_1192 : memref<1x128xf32, #tpu.memory_space<hbm>> -> memref<128xf32, #tpu.memory_space<hbm>>
          %dma_wait3A_1194 = tpu.memref_slice %arg7[%multiple_of3A] : memref<100352xf32, #tpu.memory_space<vmem>> -> memref<128xf32, #tpu.memory_space<vmem>>
          tpu.wait_dma2 semaphore(%arg16 : memref<!tpu.dma_semaphore, #tpu.memory_space<semaphore_mem>>) src(%dma_wait3A_1194 : memref<128xf32, #tpu.memory_space<vmem>>) dst(%dma_wait3A_1193 : memref<128xf32, #tpu.memory_space<hbm>>)
        } else {
        }
        %lt3A_1039 = arith.constant 100000 : i32
        %lt3A_1040 = arith.cmpi slt, %squeeze3A_1030, %lt3A_1039 : i32
        %ge3A_1041 = arith.constant 99968 : i32
        %ge3A_1042 = arith.cmpi sge, %squeeze3A_1030, %ge3A_1041 : i32
        %and3A_1043 = arith.andi %lt3A_1040, %ge3A_1042 : i1
        %convert_element_type3A_1044 = arith.extui %and3A_1043 : i1 to i32
        %cond3A_1045 = arith.constant 0 : i32
        %cond3A_1046 = arith.cmpi ne, %convert_element_type3A_1044, %cond3A_1045 : i32
        scf.if %cond3A_1046 {
          %mul3A_1187 = arith.constant 32 : i32
          %mul3A_1188 = arith.muli %add3A_177, %mul3A_1187 : i32
          %dma_wait3A_1189 = arith.constant 99968 : i32
          %dma_wait3A_1190 = tpu.memref_slice %arg7[%dma_wait3A_1189] : memref<100352xf32, #tpu.memory_space<vmem>> -> memref<32xf32, #tpu.memory_space<vmem>>
          %dma_wait3A_1191 = tpu.memref_slice %arg6[%mul3A_1188] : memref<8192xf32, #tpu.memory_space<hbm>> -> memref<32xf32, #tpu.memory_space<hbm>>
          %dma_wait3A_1192 = tpu.memref_slice %arg6[%mul3A_1188] : memref<8192xf32, #tpu.memory_space<hbm>> -> memref<32xf32, #tpu.memory_space<hbm>>
          %dma_wait3A_1193 = arith.constant 99968 : i32
          %dma_wait3A_1194 = tpu.memref_slice %arg7[%dma_wait3A_1193] : memref<100352xf32, #tpu.memory_space<vmem>> -> memref<32xf32, #tpu.memory_space<vmem>>
          tpu.wait_dma2 semaphore(%arg16 : memref<!tpu.dma_semaphore, #tpu.memory_space<semaphore_mem>>) src(%dma_wait3A_1194 : memref<32xf32, #tpu.memory_space<vmem>>) dst(%dma_wait3A_1192 : memref<32xf32, #tpu.memory_space<hbm>>)
        } else {
        }
        %get3A_1047 = arith.constant 0 : index
        %get3A_1048 = tpu.vector_load %arg13[%get3A_1047] {strides = array<i32>} : memref<32xi32, #tpu.memory_space<vmem>>, vector<16xi32>,
        %slice3A_1049 = vector.extract_strided_slice %get3A_1048 {offsets = [13], sizes = [1], strides = [1]} : vector<16xi32> to vector<1xi32>
        %squeeze3A_1050 = vector.extract %slice3A_1049[0] : i32 from vector<1xi32>
        %lt3A_1051 = arith.constant 100000 : i32
        %lt3A_1052 = arith.cmpi slt, %squeeze3A_1050, %lt3A_1051 : i32
        %lt3A_1053 = arith.constant 99968 : i32
        %lt3A_1054 = arith.cmpi slt, %squeeze3A_1050, %lt3A_1053 : i32
        %and3A_1055 = arith.andi %lt3A_1052, %lt3A_1054 : i1
        %convert_element_type3A_1056 = arith.extui %and3A_1055 : i1 to i32
        %cond3A_1057 = arith.constant 0 : i32
        %cond3A_1058 = arith.cmpi ne, %convert_element_type3A_1056, %cond3A_1057 : i32
        scf.if %cond3A_1058 {
          %shift_right_arithmetic3A = arith.constant 7 : i32
          %shift_right_arithmetic3A_1187 = arith.shrsi %squeeze3A_1050, %shift_right_arithmetic3A : i32
          %shift_left3A = arith.constant 7 : i32
          %shift_left3A_1188 = arith.shli %shift_right_arithmetic3A_1187, %shift_left3A : i32
          %multiple_of3A = tpu.assume_multiple %shift_left3A_1188, 128 : i32
          %dma_wait3A_1189 = tpu.memref_slice %arg7[%multiple_of3A] : memref<100352xf32, #tpu.memory_space<vmem>> -> memref<128xf32, #tpu.memory_space<vmem>>
          %dma_wait3A_1190 = tpu.memref_slice %arg5[%add3A_177, %multiple_of3A] : memref<256x100000xf32, #tpu.memory_space<hbm>> -> memref<1x128xf32, #tpu.memory_space<hbm>>
          %dma_wait3A_1191 = tpu.memref_squeeze %dma_wait3A_1190 : memref<1x128xf32, #tpu.memory_space<hbm>> -> memref<128xf32, #tpu.memory_space<hbm>>
          %dma_wait3A_1192 = tpu.memref_slice %arg5[%add3A_177, %multiple_of3A] : memref<256x100000xf32, #tpu.memory_space<hbm>> -> memref<1x128xf32, #tpu.memory_space<hbm>>
          %dma_wait3A_1193 = tpu.memref_squeeze %dma_wait3A_1192 : memref<1x128xf32, #tpu.memory_space<hbm>> -> memref<128xf32, #tpu.memory_space<hbm>>
          %dma_wait3A_1194 = tpu.memref_slice %arg7[%multiple_of3A] : memref<100352xf32, #tpu.memory_space<vmem>> -> memref<128xf32, #tpu.memory_space<vmem>>
          tpu.wait_dma2 semaphore(%arg16 : memref<!tpu.dma_semaphore, #tpu.memory_space<semaphore_mem>>) src(%dma_wait3A_1194 : memref<128xf32, #tpu.memory_space<vmem>>) dst(%dma_wait3A_1193 : memref<128xf32, #tpu.memory_space<hbm>>)
        } else {
        }
        %lt3A_1059 = arith.constant 100000 : i32
        %lt3A_1060 = arith.cmpi slt, %squeeze3A_1050, %lt3A_1059 : i32
        %ge3A_1061 = arith.constant 99968 : i32
        %ge3A_1062 = arith.cmpi sge, %squeeze3A_1050, %ge3A_1061 : i32
        %and3A_1063 = arith.andi %lt3A_1060, %ge3A_1062 : i1
        %convert_element_type3A_1064 = arith.extui %and3A_1063 : i1 to i32
        %cond3A_1065 = arith.constant 0 : i32
        %cond3A_1066 = arith.cmpi ne, %convert_element_type3A_1064, %cond3A_1065 : i32
        scf.if %cond3A_1066 {
          %mul3A_1187 = arith.constant 32 : i32
          %mul3A_1188 = arith.muli %add3A_177, %mul3A_1187 : i32
          %dma_wait3A_1189 = arith.constant 99968 : i32
          %dma_wait3A_1190 = tpu.memref_slice %arg7[%dma_wait3A_1189] : memref<100352xf32, #tpu.memory_space<vmem>> -> memref<32xf32, #tpu.memory_space<vmem>>
          %dma_wait3A_1191 = tpu.memref_slice %arg6[%mul3A_1188] : memref<8192xf32, #tpu.memory_space<hbm>> -> memref<32xf32, #tpu.memory_space<hbm>>
          %dma_wait3A_1192 = tpu.memref_slice %arg6[%mul3A_1188] : memref<8192xf32, #tpu.memory_space<hbm>> -> memref<32xf32, #tpu.memory_space<hbm>>
          %dma_wait3A_1193 = arith.constant 99968 : i32
          %dma_wait3A_1194 = tpu.memref_slice %arg7[%dma_wait3A_1193] : memref<100352xf32, #tpu.memory_space<vmem>> -> memref<32xf32, #tpu.memory_space<vmem>>
          tpu.wait_dma2 semaphore(%arg16 : memref<!tpu.dma_semaphore, #tpu.memory_space<semaphore_mem>>) src(%dma_wait3A_1194 : memref<32xf32, #tpu.memory_space<vmem>>) dst(%dma_wait3A_1192 : memref<32xf32, #tpu.memory_space<hbm>>)
        } else {
        }
        %get3A_1067 = arith.constant 0 : index
        %get3A_1068 = tpu.vector_load %arg13[%get3A_1067] {strides = array<i32>} : memref<32xi32, #tpu.memory_space<vmem>>, vector<16xi32>,
        %slice3A_1069 = vector.extract_strided_slice %get3A_1068 {offsets = [14], sizes = [1], strides = [1]} : vector<16xi32> to vector<1xi32>
        %squeeze3A_1070 = vector.extract %slice3A_1069[0] : i32 from vector<1xi32>
        %lt3A_1071 = arith.constant 100000 : i32
        %lt3A_1072 = arith.cmpi slt, %squeeze3A_1070, %lt3A_1071 : i32
        %lt3A_1073 = arith.constant 99968 : i32
        %lt3A_1074 = arith.cmpi slt, %squeeze3A_1070, %lt3A_1073 : i32
        %and3A_1075 = arith.andi %lt3A_1072, %lt3A_1074 : i1
        %convert_element_type3A_1076 = arith.extui %and3A_1075 : i1 to i32
        %cond3A_1077 = arith.constant 0 : i32
        %cond3A_1078 = arith.cmpi ne, %convert_element_type3A_1076, %cond3A_1077 : i32
        scf.if %cond3A_1078 {
          %shift_right_arithmetic3A = arith.constant 7 : i32
          %shift_right_arithmetic3A_1187 = arith.shrsi %squeeze3A_1070, %shift_right_arithmetic3A : i32
          %shift_left3A = arith.constant 7 : i32
          %shift_left3A_1188 = arith.shli %shift_right_arithmetic3A_1187, %shift_left3A : i32
          %multiple_of3A = tpu.assume_multiple %shift_left3A_1188, 128 : i32
          %dma_wait3A_1189 = tpu.memref_slice %arg7[%multiple_of3A] : memref<100352xf32, #tpu.memory_space<vmem>> -> memref<128xf32, #tpu.memory_space<vmem>>
          %dma_wait3A_1190 = tpu.memref_slice %arg5[%add3A_177, %multiple_of3A] : memref<256x100000xf32, #tpu.memory_space<hbm>> -> memref<1x128xf32, #tpu.memory_space<hbm>>
          %dma_wait3A_1191 = tpu.memref_squeeze %dma_wait3A_1190 : memref<1x128xf32, #tpu.memory_space<hbm>> -> memref<128xf32, #tpu.memory_space<hbm>>
          %dma_wait3A_1192 = tpu.memref_slice %arg5[%add3A_177, %multiple_of3A] : memref<256x100000xf32, #tpu.memory_space<hbm>> -> memref<1x128xf32, #tpu.memory_space<hbm>>
          %dma_wait3A_1193 = tpu.memref_squeeze %dma_wait3A_1192 : memref<1x128xf32, #tpu.memory_space<hbm>> -> memref<128xf32, #tpu.memory_space<hbm>>
          %dma_wait3A_1194 = tpu.memref_slice %arg7[%multiple_of3A] : memref<100352xf32, #tpu.memory_space<vmem>> -> memref<128xf32, #tpu.memory_space<vmem>>
          tpu.wait_dma2 semaphore(%arg16 : memref<!tpu.dma_semaphore, #tpu.memory_space<semaphore_mem>>) src(%dma_wait3A_1194 : memref<128xf32, #tpu.memory_space<vmem>>) dst(%dma_wait3A_1193 : memref<128xf32, #tpu.memory_space<hbm>>)
        } else {
        }
        %lt3A_1079 = arith.constant 100000 : i32
        %lt3A_1080 = arith.cmpi slt, %squeeze3A_1070, %lt3A_1079 : i32
        %ge3A_1081 = arith.constant 99968 : i32
        %ge3A_1082 = arith.cmpi sge, %squeeze3A_1070, %ge3A_1081 : i32
        %and3A_1083 = arith.andi %lt3A_1080, %ge3A_1082 : i1
        %convert_element_type3A_1084 = arith.extui %and3A_1083 : i1 to i32
        %cond3A_1085 = arith.constant 0 : i32
        %cond3A_1086 = arith.cmpi ne, %convert_element_type3A_1084, %cond3A_1085 : i32
        scf.if %cond3A_1086 {
          %mul3A_1187 = arith.constant 32 : i32
          %mul3A_1188 = arith.muli %add3A_177, %mul3A_1187 : i32
          %dma_wait3A_1189 = arith.constant 99968 : i32
          %dma_wait3A_1190 = tpu.memref_slice %arg7[%dma_wait3A_1189] : memref<100352xf32, #tpu.memory_space<vmem>> -> memref<32xf32, #tpu.memory_space<vmem>>
          %dma_wait3A_1191 = tpu.memref_slice %arg6[%mul3A_1188] : memref<8192xf32, #tpu.memory_space<hbm>> -> memref<32xf32, #tpu.memory_space<hbm>>
          %dma_wait3A_1192 = tpu.memref_slice %arg6[%mul3A_1188] : memref<8192xf32, #tpu.memory_space<hbm>> -> memref<32xf32, #tpu.memory_space<hbm>>
          %dma_wait3A_1193 = arith.constant 99968 : i32
          %dma_wait3A_1194 = tpu.memref_slice %arg7[%dma_wait3A_1193] : memref<100352xf32, #tpu.memory_space<vmem>> -> memref<32xf32, #tpu.memory_space<vmem>>
          tpu.wait_dma2 semaphore(%arg16 : memref<!tpu.dma_semaphore, #tpu.memory_space<semaphore_mem>>) src(%dma_wait3A_1194 : memref<32xf32, #tpu.memory_space<vmem>>) dst(%dma_wait3A_1192 : memref<32xf32, #tpu.memory_space<hbm>>)
        } else {
        }
        %get3A_1087 = arith.constant 0 : index
        %get3A_1088 = tpu.vector_load %arg13[%get3A_1087] {strides = array<i32>} : memref<32xi32, #tpu.memory_space<vmem>>, vector<16xi32>,
        %slice3A_1089 = vector.extract_strided_slice %get3A_1088 {offsets = [15], sizes = [1], strides = [1]} : vector<16xi32> to vector<1xi32>
        %squeeze3A_1090 = vector.extract %slice3A_1089[0] : i32 from vector<1xi32>
        %lt3A_1091 = arith.constant 100000 : i32
        %lt3A_1092 = arith.cmpi slt, %squeeze3A_1090, %lt3A_1091 : i32
        %lt3A_1093 = arith.constant 99968 : i32
        %lt3A_1094 = arith.cmpi slt, %squeeze3A_1090, %lt3A_1093 : i32
        %and3A_1095 = arith.andi %lt3A_1092, %lt3A_1094 : i1
        %convert_element_type3A_1096 = arith.extui %and3A_1095 : i1 to i32
        %cond3A_1097 = arith.constant 0 : i32
        %cond3A_1098 = arith.cmpi ne, %convert_element_type3A_1096, %cond3A_1097 : i32
        scf.if %cond3A_1098 {
          %shift_right_arithmetic3A = arith.constant 7 : i32
          %shift_right_arithmetic3A_1187 = arith.shrsi %squeeze3A_1090, %shift_right_arithmetic3A : i32
          %shift_left3A = arith.constant 7 : i32
          %shift_left3A_1188 = arith.shli %shift_right_arithmetic3A_1187, %shift_left3A : i32
          %multiple_of3A = tpu.assume_multiple %shift_left3A_1188, 128 : i32
          %dma_wait3A_1189 = tpu.memref_slice %arg7[%multiple_of3A] : memref<100352xf32, #tpu.memory_space<vmem>> -> memref<128xf32, #tpu.memory_space<vmem>>
          %dma_wait3A_1190 = tpu.memref_slice %arg5[%add3A_177, %multiple_of3A] : memref<256x100000xf32, #tpu.memory_space<hbm>> -> memref<1x128xf32, #tpu.memory_space<hbm>>
          %dma_wait3A_1191 = tpu.memref_squeeze %dma_wait3A_1190 : memref<1x128xf32, #tpu.memory_space<hbm>> -> memref<128xf32, #tpu.memory_space<hbm>>
          %dma_wait3A_1192 = tpu.memref_slice %arg5[%add3A_177, %multiple_of3A] : memref<256x100000xf32, #tpu.memory_space<hbm>> -> memref<1x128xf32, #tpu.memory_space<hbm>>
          %dma_wait3A_1193 = tpu.memref_squeeze %dma_wait3A_1192 : memref<1x128xf32, #tpu.memory_space<hbm>> -> memref<128xf32, #tpu.memory_space<hbm>>
          %dma_wait3A_1194 = tpu.memref_slice %arg7[%multiple_of3A] : memref<100352xf32, #tpu.memory_space<vmem>> -> memref<128xf32, #tpu.memory_space<vmem>>
          tpu.wait_dma2 semaphore(%arg16 : memref<!tpu.dma_semaphore, #tpu.memory_space<semaphore_mem>>) src(%dma_wait3A_1194 : memref<128xf32, #tpu.memory_space<vmem>>) dst(%dma_wait3A_1193 : memref<128xf32, #tpu.memory_space<hbm>>)
        } else {
        }
        %lt3A_1099 = arith.constant 100000 : i32
        %lt3A_1100 = arith.cmpi slt, %squeeze3A_1090, %lt3A_1099 : i32
        %ge3A_1101 = arith.constant 99968 : i32
        %ge3A_1102 = arith.cmpi sge, %squeeze3A_1090, %ge3A_1101 : i32
        %and3A_1103 = arith.andi %lt3A_1100, %ge3A_1102 : i1
        %convert_element_type3A_1104 = arith.extui %and3A_1103 : i1 to i32
        %cond3A_1105 = arith.constant 0 : i32
        %cond3A_1106 = arith.cmpi ne, %convert_element_type3A_1104, %cond3A_1105 : i32
        scf.if %cond3A_1106 {
          %mul3A_1187 = arith.constant 32 : i32
          %mul3A_1188 = arith.muli %add3A_177, %mul3A_1187 : i32
          %dma_wait3A_1189 = arith.constant 99968 : i32
          %dma_wait3A_1190 = tpu.memref_slice %arg7[%dma_wait3A_1189] : memref<100352xf32, #tpu.memory_space<vmem>> -> memref<32xf32, #tpu.memory_space<vmem>>
          %dma_wait3A_1191 = tpu.memref_slice %arg6[%mul3A_1188] : memref<8192xf32, #tpu.memory_space<hbm>> -> memref<32xf32, #tpu.memory_space<hbm>>
          %dma_wait3A_1192 = tpu.memref_slice %arg6[%mul3A_1188] : memref<8192xf32, #tpu.memory_space<hbm>> -> memref<32xf32, #tpu.memory_space<hbm>>
          %dma_wait3A_1193 = arith.constant 99968 : i32
          %dma_wait3A_1194 = tpu.memref_slice %arg7[%dma_wait3A_1193] : memref<100352xf32, #tpu.memory_space<vmem>> -> memref<32xf32, #tpu.memory_space<vmem>>
          tpu.wait_dma2 semaphore(%arg16 : memref<!tpu.dma_semaphore, #tpu.memory_space<semaphore_mem>>) src(%dma_wait3A_1194 : memref<32xf32, #tpu.memory_space<vmem>>) dst(%dma_wait3A_1192 : memref<32xf32, #tpu.memory_space<hbm>>)
        } else {
        }
        %get3A_1107 = arith.constant 16 : index
        %get3A_1108 = tpu.vector_load %arg13[%get3A_1107] {strides = array<i32>} : memref<32xi32, #tpu.memory_space<vmem>>, vector<16xi32>,
        %slice3A_1109 = vector.extract_strided_slice %get3A_1108 {offsets = [0], sizes = [1], strides = [1]} : vector<16xi32> to vector<1xi32>
        %squeeze3A_1110 = vector.extract %slice3A_1109[0] : i32 from vector<1xi32>
        %lt3A_1111 = arith.constant 100000 : i32
        %lt3A_1112 = arith.cmpi slt, %squeeze3A_1110, %lt3A_1111 : i32
        %lt3A_1113 = arith.constant 99968 : i32
        %lt3A_1114 = arith.cmpi slt, %squeeze3A_1110, %lt3A_1113 : i32
        %and3A_1115 = arith.andi %lt3A_1112, %lt3A_1114 : i1
        %convert_element_type3A_1116 = arith.extui %and3A_1115 : i1 to i32
        %cond3A_1117 = arith.constant 0 : i32
        %cond3A_1118 = arith.cmpi ne, %convert_element_type3A_1116, %cond3A_1117 : i32
        scf.if %cond3A_1118 {
          %shift_right_arithmetic3A = arith.constant 7 : i32
          %shift_right_arithmetic3A_1187 = arith.shrsi %squeeze3A_1110, %shift_right_arithmetic3A : i32
          %shift_left3A = arith.constant 7 : i32
          %shift_left3A_1188 = arith.shli %shift_right_arithmetic3A_1187, %shift_left3A : i32
          %multiple_of3A = tpu.assume_multiple %shift_left3A_1188, 128 : i32
          %dma_wait3A_1189 = tpu.memref_slice %arg7[%multiple_of3A] : memref<100352xf32, #tpu.memory_space<vmem>> -> memref<128xf32, #tpu.memory_space<vmem>>
          %dma_wait3A_1190 = tpu.memref_slice %arg5[%add3A_177, %multiple_of3A] : memref<256x100000xf32, #tpu.memory_space<hbm>> -> memref<1x128xf32, #tpu.memory_space<hbm>>
          %dma_wait3A_1191 = tpu.memref_squeeze %dma_wait3A_1190 : memref<1x128xf32, #tpu.memory_space<hbm>> -> memref<128xf32, #tpu.memory_space<hbm>>
          %dma_wait3A_1192 = tpu.memref_slice %arg5[%add3A_177, %multiple_of3A] : memref<256x100000xf32, #tpu.memory_space<hbm>> -> memref<1x128xf32, #tpu.memory_space<hbm>>
          %dma_wait3A_1193 = tpu.memref_squeeze %dma_wait3A_1192 : memref<1x128xf32, #tpu.memory_space<hbm>> -> memref<128xf32, #tpu.memory_space<hbm>>
          %dma_wait3A_1194 = tpu.memref_slice %arg7[%multiple_of3A] : memref<100352xf32, #tpu.memory_space<vmem>> -> memref<128xf32, #tpu.memory_space<vmem>>
          tpu.wait_dma2 semaphore(%arg16 : memref<!tpu.dma_semaphore, #tpu.memory_space<semaphore_mem>>) src(%dma_wait3A_1194 : memref<128xf32, #tpu.memory_space<vmem>>) dst(%dma_wait3A_1193 : memref<128xf32, #tpu.memory_space<hbm>>)
        } else {
        }
        %lt3A_1119 = arith.constant 100000 : i32
        %lt3A_1120 = arith.cmpi slt, %squeeze3A_1110, %lt3A_1119 : i32
        %ge3A_1121 = arith.constant 99968 : i32
        %ge3A_1122 = arith.cmpi sge, %squeeze3A_1110, %ge3A_1121 : i32
        %and3A_1123 = arith.andi %lt3A_1120, %ge3A_1122 : i1
        %convert_element_type3A_1124 = arith.extui %and3A_1123 : i1 to i32
        %cond3A_1125 = arith.constant 0 : i32
        %cond3A_1126 = arith.cmpi ne, %convert_element_type3A_1124, %cond3A_1125 : i32
        scf.if %cond3A_1126 {
          %mul3A_1187 = arith.constant 32 : i32
          %mul3A_1188 = arith.muli %add3A_177, %mul3A_1187 : i32
          %dma_wait3A_1189 = arith.constant 99968 : i32
          %dma_wait3A_1190 = tpu.memref_slice %arg7[%dma_wait3A_1189] : memref<100352xf32, #tpu.memory_space<vmem>> -> memref<32xf32, #tpu.memory_space<vmem>>
          %dma_wait3A_1191 = tpu.memref_slice %arg6[%mul3A_1188] : memref<8192xf32, #tpu.memory_space<hbm>> -> memref<32xf32, #tpu.memory_space<hbm>>
          %dma_wait3A_1192 = tpu.memref_slice %arg6[%mul3A_1188] : memref<8192xf32, #tpu.memory_space<hbm>> -> memref<32xf32, #tpu.memory_space<hbm>>
          %dma_wait3A_1193 = arith.constant 99968 : i32
          %dma_wait3A_1194 = tpu.memref_slice %arg7[%dma_wait3A_1193] : memref<100352xf32, #tpu.memory_space<vmem>> -> memref<32xf32, #tpu.memory_space<vmem>>
          tpu.wait_dma2 semaphore(%arg16 : memref<!tpu.dma_semaphore, #tpu.memory_space<semaphore_mem>>) src(%dma_wait3A_1194 : memref<32xf32, #tpu.memory_space<vmem>>) dst(%dma_wait3A_1192 : memref<32xf32, #tpu.memory_space<hbm>>)
        } else {
        }
        %get3A_1127 = arith.constant 16 : index
        %get3A_1128 = tpu.vector_load %arg13[%get3A_1127] {strides = array<i32>} : memref<32xi32, #tpu.memory_space<vmem>>, vector<16xi32>,
        %slice3A_1129 = vector.extract_strided_slice %get3A_1128 {offsets = [1], sizes = [1], strides = [1]} : vector<16xi32> to vector<1xi32>
        %squeeze3A_1130 = vector.extract %slice3A_1129[0] : i32 from vector<1xi32>
        %lt3A_1131 = arith.constant 100000 : i32
        %lt3A_1132 = arith.cmpi slt, %squeeze3A_1130, %lt3A_1131 : i32
        %lt3A_1133 = arith.constant 99968 : i32
        %lt3A_1134 = arith.cmpi slt, %squeeze3A_1130, %lt3A_1133 : i32
        %and3A_1135 = arith.andi %lt3A_1132, %lt3A_1134 : i1
        %convert_element_type3A_1136 = arith.extui %and3A_1135 : i1 to i32
        %cond3A_1137 = arith.constant 0 : i32
        %cond3A_1138 = arith.cmpi ne, %convert_element_type3A_1136, %cond3A_1137 : i32
        scf.if %cond3A_1138 {
          %shift_right_arithmetic3A = arith.constant 7 : i32
          %shift_right_arithmetic3A_1187 = arith.shrsi %squeeze3A_1130, %shift_right_arithmetic3A : i32
          %shift_left3A = arith.constant 7 : i32
          %shift_left3A_1188 = arith.shli %shift_right_arithmetic3A_1187, %shift_left3A : i32
          %multiple_of3A = tpu.assume_multiple %shift_left3A_1188, 128 : i32
          %dma_wait3A_1189 = tpu.memref_slice %arg7[%multiple_of3A] : memref<100352xf32, #tpu.memory_space<vmem>> -> memref<128xf32, #tpu.memory_space<vmem>>
          %dma_wait3A_1190 = tpu.memref_slice %arg5[%add3A_177, %multiple_of3A] : memref<256x100000xf32, #tpu.memory_space<hbm>> -> memref<1x128xf32, #tpu.memory_space<hbm>>
          %dma_wait3A_1191 = tpu.memref_squeeze %dma_wait3A_1190 : memref<1x128xf32, #tpu.memory_space<hbm>> -> memref<128xf32, #tpu.memory_space<hbm>>
          %dma_wait3A_1192 = tpu.memref_slice %arg5[%add3A_177, %multiple_of3A] : memref<256x100000xf32, #tpu.memory_space<hbm>> -> memref<1x128xf32, #tpu.memory_space<hbm>>
          %dma_wait3A_1193 = tpu.memref_squeeze %dma_wait3A_1192 : memref<1x128xf32, #tpu.memory_space<hbm>> -> memref<128xf32, #tpu.memory_space<hbm>>
          %dma_wait3A_1194 = tpu.memref_slice %arg7[%multiple_of3A] : memref<100352xf32, #tpu.memory_space<vmem>> -> memref<128xf32, #tpu.memory_space<vmem>>
          tpu.wait_dma2 semaphore(%arg16 : memref<!tpu.dma_semaphore, #tpu.memory_space<semaphore_mem>>) src(%dma_wait3A_1194 : memref<128xf32, #tpu.memory_space<vmem>>) dst(%dma_wait3A_1193 : memref<128xf32, #tpu.memory_space<hbm>>)
        } else {
        }
        %lt3A_1139 = arith.constant 100000 : i32
        %lt3A_1140 = arith.cmpi slt, %squeeze3A_1130, %lt3A_1139 : i32
        %ge3A_1141 = arith.constant 99968 : i32
        %ge3A_1142 = arith.cmpi sge, %squeeze3A_1130, %ge3A_1141 : i32
        %and3A_1143 = arith.andi %lt3A_1140, %ge3A_1142 : i1
        %convert_element_type3A_1144 = arith.extui %and3A_1143 : i1 to i32
        %cond3A_1145 = arith.constant 0 : i32
        %cond3A_1146 = arith.cmpi ne, %convert_element_type3A_1144, %cond3A_1145 : i32
        scf.if %cond3A_1146 {
          %mul3A_1187 = arith.constant 32 : i32
          %mul3A_1188 = arith.muli %add3A_177, %mul3A_1187 : i32
          %dma_wait3A_1189 = arith.constant 99968 : i32
          %dma_wait3A_1190 = tpu.memref_slice %arg7[%dma_wait3A_1189] : memref<100352xf32, #tpu.memory_space<vmem>> -> memref<32xf32, #tpu.memory_space<vmem>>
          %dma_wait3A_1191 = tpu.memref_slice %arg6[%mul3A_1188] : memref<8192xf32, #tpu.memory_space<hbm>> -> memref<32xf32, #tpu.memory_space<hbm>>
          %dma_wait3A_1192 = tpu.memref_slice %arg6[%mul3A_1188] : memref<8192xf32, #tpu.memory_space<hbm>> -> memref<32xf32, #tpu.memory_space<hbm>>
          %dma_wait3A_1193 = arith.constant 99968 : i32
          %dma_wait3A_1194 = tpu.memref_slice %arg7[%dma_wait3A_1193] : memref<100352xf32, #tpu.memory_space<vmem>> -> memref<32xf32, #tpu.memory_space<vmem>>
          tpu.wait_dma2 semaphore(%arg16 : memref<!tpu.dma_semaphore, #tpu.memory_space<semaphore_mem>>) src(%dma_wait3A_1194 : memref<32xf32, #tpu.memory_space<vmem>>) dst(%dma_wait3A_1192 : memref<32xf32, #tpu.memory_space<hbm>>)
        } else {
        }
        %get3A_1147 = arith.constant 16 : index
        %get3A_1148 = tpu.vector_load %arg13[%get3A_1147] {strides = array<i32>} : memref<32xi32, #tpu.memory_space<vmem>>, vector<16xi32>,
        %slice3A_1149 = vector.extract_strided_slice %get3A_1148 {offsets = [2], sizes = [1], strides = [1]} : vector<16xi32> to vector<1xi32>
        %squeeze3A_1150 = vector.extract %slice3A_1149[0] : i32 from vector<1xi32>
        %lt3A_1151 = arith.constant 100000 : i32
        %lt3A_1152 = arith.cmpi slt, %squeeze3A_1150, %lt3A_1151 : i32
        %lt3A_1153 = arith.constant 99968 : i32
        %lt3A_1154 = arith.cmpi slt, %squeeze3A_1150, %lt3A_1153 : i32
        %and3A_1155 = arith.andi %lt3A_1152, %lt3A_1154 : i1
        %convert_element_type3A_1156 = arith.extui %and3A_1155 : i1 to i32
        %cond3A_1157 = arith.constant 0 : i32
        %cond3A_1158 = arith.cmpi ne, %convert_element_type3A_1156, %cond3A_1157 : i32
        scf.if %cond3A_1158 {
          %shift_right_arithmetic3A = arith.constant 7 : i32
          %shift_right_arithmetic3A_1187 = arith.shrsi %squeeze3A_1150, %shift_right_arithmetic3A : i32
          %shift_left3A = arith.constant 7 : i32
          %shift_left3A_1188 = arith.shli %shift_right_arithmetic3A_1187, %shift_left3A : i32
          %multiple_of3A = tpu.assume_multiple %shift_left3A_1188, 128 : i32
          %dma_wait3A_1189 = tpu.memref_slice %arg7[%multiple_of3A] : memref<100352xf32, #tpu.memory_space<vmem>> -> memref<128xf32, #tpu.memory_space<vmem>>
          %dma_wait3A_1190 = tpu.memref_slice %arg5[%add3A_177, %multiple_of3A] : memref<256x100000xf32, #tpu.memory_space<hbm>> -> memref<1x128xf32, #tpu.memory_space<hbm>>
          %dma_wait3A_1191 = tpu.memref_squeeze %dma_wait3A_1190 : memref<1x128xf32, #tpu.memory_space<hbm>> -> memref<128xf32, #tpu.memory_space<hbm>>
          %dma_wait3A_1192 = tpu.memref_slice %arg5[%add3A_177, %multiple_of3A] : memref<256x100000xf32, #tpu.memory_space<hbm>> -> memref<1x128xf32, #tpu.memory_space<hbm>>
          %dma_wait3A_1193 = tpu.memref_squeeze %dma_wait3A_1192 : memref<1x128xf32, #tpu.memory_space<hbm>> -> memref<128xf32, #tpu.memory_space<hbm>>
          %dma_wait3A_1194 = tpu.memref_slice %arg7[%multiple_of3A] : memref<100352xf32, #tpu.memory_space<vmem>> -> memref<128xf32, #tpu.memory_space<vmem>>
          tpu.wait_dma2 semaphore(%arg16 : memref<!tpu.dma_semaphore, #tpu.memory_space<semaphore_mem>>) src(%dma_wait3A_1194 : memref<128xf32, #tpu.memory_space<vmem>>) dst(%dma_wait3A_1193 : memref<128xf32, #tpu.memory_space<hbm>>)
        } else {
        }
        %lt3A_1159 = arith.constant 100000 : i32
        %lt3A_1160 = arith.cmpi slt, %squeeze3A_1150, %lt3A_1159 : i32
        %ge3A_1161 = arith.constant 99968 : i32
        %ge3A_1162 = arith.cmpi sge, %squeeze3A_1150, %ge3A_1161 : i32
        %and3A_1163 = arith.andi %lt3A_1160, %ge3A_1162 : i1
        %convert_element_type3A_1164 = arith.extui %and3A_1163 : i1 to i32
        %cond3A_1165 = arith.constant 0 : i32
        %cond3A_1166 = arith.cmpi ne, %convert_element_type3A_1164, %cond3A_1165 : i32
        scf.if %cond3A_1166 {
          %mul3A_1187 = arith.constant 32 : i32
          %mul3A_1188 = arith.muli %add3A_177, %mul3A_1187 : i32
          %dma_wait3A_1189 = arith.constant 99968 : i32
          %dma_wait3A_1190 = tpu.memref_slice %arg7[%dma_wait3A_1189] : memref<100352xf32, #tpu.memory_space<vmem>> -> memref<32xf32, #tpu.memory_space<vmem>>
          %dma_wait3A_1191 = tpu.memref_slice %arg6[%mul3A_1188] : memref<8192xf32, #tpu.memory_space<hbm>> -> memref<32xf32, #tpu.memory_space<hbm>>
          %dma_wait3A_1192 = tpu.memref_slice %arg6[%mul3A_1188] : memref<8192xf32, #tpu.memory_space<hbm>> -> memref<32xf32, #tpu.memory_space<hbm>>
          %dma_wait3A_1193 = arith.constant 99968 : i32
          %dma_wait3A_1194 = tpu.memref_slice %arg7[%dma_wait3A_1193] : memref<100352xf32, #tpu.memory_space<vmem>> -> memref<32xf32, #tpu.memory_space<vmem>>
          tpu.wait_dma2 semaphore(%arg16 : memref<!tpu.dma_semaphore, #tpu.memory_space<semaphore_mem>>) src(%dma_wait3A_1194 : memref<32xf32, #tpu.memory_space<vmem>>) dst(%dma_wait3A_1192 : memref<32xf32, #tpu.memory_space<hbm>>)
        } else {
        }
        %get3A_1167 = arith.constant 16 : index
        %get3A_1168 = tpu.vector_load %arg13[%get3A_1167] {strides = array<i32>} : memref<32xi32, #tpu.memory_space<vmem>>, vector<16xi32>,
        %slice3A_1169 = vector.extract_strided_slice %get3A_1168 {offsets = [3], sizes = [1], strides = [1]} : vector<16xi32> to vector<1xi32>
        %squeeze3A_1170 = vector.extract %slice3A_1169[0] : i32 from vector<1xi32>
        %lt3A_1171 = arith.constant 100000 : i32
        %lt3A_1172 = arith.cmpi slt, %squeeze3A_1170, %lt3A_1171 : i32
        %lt3A_1173 = arith.constant 99968 : i32
        %lt3A_1174 = arith.cmpi slt, %squeeze3A_1170, %lt3A_1173 : i32
        %and3A_1175 = arith.andi %lt3A_1172, %lt3A_1174 : i1
        %convert_element_type3A_1176 = arith.extui %and3A_1175 : i1 to i32
        %cond3A_1177 = arith.constant 0 : i32
        %cond3A_1178 = arith.cmpi ne, %convert_element_type3A_1176, %cond3A_1177 : i32
        scf.if %cond3A_1178 {
          %shift_right_arithmetic3A = arith.constant 7 : i32
          %shift_right_arithmetic3A_1187 = arith.shrsi %squeeze3A_1170, %shift_right_arithmetic3A : i32
          %shift_left3A = arith.constant 7 : i32
          %shift_left3A_1188 = arith.shli %shift_right_arithmetic3A_1187, %shift_left3A : i32
          %multiple_of3A = tpu.assume_multiple %shift_left3A_1188, 128 : i32
          %dma_wait3A_1189 = tpu.memref_slice %arg7[%multiple_of3A] : memref<100352xf32, #tpu.memory_space<vmem>> -> memref<128xf32, #tpu.memory_space<vmem>>
          %dma_wait3A_1190 = tpu.memref_slice %arg5[%add3A_177, %multiple_of3A] : memref<256x100000xf32, #tpu.memory_space<hbm>> -> memref<1x128xf32, #tpu.memory_space<hbm>>
          %dma_wait3A_1191 = tpu.memref_squeeze %dma_wait3A_1190 : memref<1x128xf32, #tpu.memory_space<hbm>> -> memref<128xf32, #tpu.memory_space<hbm>>
          %dma_wait3A_1192 = tpu.memref_slice %arg5[%add3A_177, %multiple_of3A] : memref<256x100000xf32, #tpu.memory_space<hbm>> -> memref<1x128xf32, #tpu.memory_space<hbm>>
          %dma_wait3A_1193 = tpu.memref_squeeze %dma_wait3A_1192 : memref<1x128xf32, #tpu.memory_space<hbm>> -> memref<128xf32, #tpu.memory_space<hbm>>
          %dma_wait3A_1194 = tpu.memref_slice %arg7[%multiple_of3A] : memref<100352xf32, #tpu.memory_space<vmem>> -> memref<128xf32, #tpu.memory_space<vmem>>
          tpu.wait_dma2 semaphore(%arg16 : memref<!tpu.dma_semaphore, #tpu.memory_space<semaphore_mem>>) src(%dma_wait3A_1194 : memref<128xf32, #tpu.memory_space<vmem>>) dst(%dma_wait3A_1193 : memref<128xf32, #tpu.memory_space<hbm>>)
        } else {
        }
        %lt3A_1179 = arith.constant 100000 : i32
        %lt3A_1180 = arith.cmpi slt, %squeeze3A_1170, %lt3A_1179 : i32
        %ge3A_1181 = arith.constant 99968 : i32
        %ge3A_1182 = arith.cmpi sge, %squeeze3A_1170, %ge3A_1181 : i32
        %and3A_1183 = arith.andi %lt3A_1180, %ge3A_1182 : i1
        %convert_element_type3A_1184 = arith.extui %and3A_1183 : i1 to i32
        %cond3A_1185 = arith.constant 0 : i32
        %cond3A_1186 = arith.cmpi ne, %convert_element_type3A_1184, %cond3A_1185 : i32
        scf.if %cond3A_1186 {
          %mul3A_1187 = arith.constant 32 : i32
          %mul3A_1188 = arith.muli %add3A_177, %mul3A_1187 : i32
          %dma_wait3A_1189 = arith.constant 99968 : i32
          %dma_wait3A_1190 = tpu.memref_slice %arg7[%dma_wait3A_1189] : memref<100352xf32, #tpu.memory_space<vmem>> -> memref<32xf32, #tpu.memory_space<vmem>>
          %dma_wait3A_1191 = tpu.memref_slice %arg6[%mul3A_1188] : memref<8192xf32, #tpu.memory_space<hbm>> -> memref<32xf32, #tpu.memory_space<hbm>>
          %dma_wait3A_1192 = tpu.memref_slice %arg6[%mul3A_1188] : memref<8192xf32, #tpu.memory_space<hbm>> -> memref<32xf32, #tpu.memory_space<hbm>>
          %dma_wait3A_1193 = arith.constant 99968 : i32
          %dma_wait3A_1194 = tpu.memref_slice %arg7[%dma_wait3A_1193] : memref<100352xf32, #tpu.memory_space<vmem>> -> memref<32xf32, #tpu.memory_space<vmem>>
          tpu.wait_dma2 semaphore(%arg16 : memref<!tpu.dma_semaphore, #tpu.memory_space<semaphore_mem>>) src(%dma_wait3A_1194 : memref<32xf32, #tpu.memory_space<vmem>>) dst(%dma_wait3A_1192 : memref<32xf32, #tpu.memory_space<hbm>>)
        } else {
        }
      } else {
      }
      %lt3A = arith.constant 7 : i32
      %lt3A_373 = arith.cmpi slt, %scan3A_174, %lt3A : i32
      %convert_element_type3A_374 = arith.extui %lt3A_373 : i1 to i32
      %cond3A_375 = arith.constant 0 : i32
      %cond3A_376 = arith.cmpi ne, %convert_element_type3A_374, %cond3A_375 : i32
      scf.if %cond3A_376 {
        %add3A_377 = arith.constant 1 : i32
        %add3A_378 = arith.addi %add3A_177, %add3A_377 : i32
        %dma_start3A_379 = arith.constant 0 : i32
        %dma_start3A_380 = tpu.memref_slice %arg7[%dma_start3A_379] : memref<100352xf32, #tpu.memory_space<vmem>> -> memref<24832xf32, #tpu.memory_space<vmem>>
        %dma_start3A_381 = arith.constant 0 : i32
        %dma_start3A_382 = tpu.memref_slice %arg2[%add3A_378, %dma_start3A_381] : memref<256x100000xf32, #tpu.memory_space<hbm>> -> memref<1x24832xf32, #tpu.memory_space<hbm>>
        %dma_start3A_383 = tpu.memref_squeeze %dma_start3A_382 : memref<1x24832xf32, #tpu.memory_space<hbm>> -> memref<24832xf32, #tpu.memory_space<hbm>>
        %dma_start3A_384 = arith.constant 0 : i32
        %dma_start3A_385 = tpu.memref_slice %arg7[%dma_start3A_384] : memref<100352xf32, #tpu.memory_space<vmem>> -> memref<24832xf32, #tpu.memory_space<vmem>>
        %dma_start3A_386 = arith.constant 0 : i32
        %dma_start3A_387 = tpu.memref_slice %arg2[%add3A_378, %dma_start3A_386] : memref<256x100000xf32, #tpu.memory_space<hbm>> -> memref<1x24832xf32, #tpu.memory_space<hbm>>
        %dma_start3A_388 = tpu.memref_squeeze %dma_start3A_387 : memref<1x24832xf32, #tpu.memory_space<hbm>> -> memref<24832xf32, #tpu.memory_space<hbm>>
        tpu.enqueue_dma source(%dma_start3A_388 : memref<24832xf32, #tpu.memory_space<hbm>>) target(%dma_start3A_385 : memref<24832xf32, #tpu.memory_space<vmem>>) target_semaphore(%arg14 : memref<!tpu.dma_semaphore, #tpu.memory_space<semaphore_mem>>)
        %add3A_389 = arith.constant 1 : i32
        %add3A_390 = arith.addi %add3A_177, %add3A_389 : i32
        %dma_start3A_391 = arith.constant 24832 : i32
        %dma_start3A_392 = tpu.memref_slice %arg7[%dma_start3A_391] : memref<100352xf32, #tpu.memory_space<vmem>> -> memref<24832xf32, #tpu.memory_space<vmem>>
        %dma_start3A_393 = arith.constant 24832 : i32
        %dma_start3A_394 = tpu.memref_slice %arg2[%add3A_390, %dma_start3A_393] : memref<256x100000xf32, #tpu.memory_space<hbm>> -> memref<1x24832xf32, #tpu.memory_space<hbm>>
        %dma_start3A_395 = tpu.memref_squeeze %dma_start3A_394 : memref<1x24832xf32, #tpu.memory_space<hbm>> -> memref<24832xf32, #tpu.memory_space<hbm>>
        %dma_start3A_396 = arith.constant 24832 : i32
        %dma_start3A_397 = tpu.memref_slice %arg7[%dma_start3A_396] : memref<100352xf32, #tpu.memory_space<vmem>> -> memref<24832xf32, #tpu.memory_space<vmem>>
        %dma_start3A_398 = arith.constant 24832 : i32
        %dma_start3A_399 = tpu.memref_slice %arg2[%add3A_390, %dma_start3A_398] : memref<256x100000xf32, #tpu.memory_space<hbm>> -> memref<1x24832xf32, #tpu.memory_space<hbm>>
        %dma_start3A_400 = tpu.memref_squeeze %dma_start3A_399 : memref<1x24832xf32, #tpu.memory_space<hbm>> -> memref<24832xf32, #tpu.memory_space<hbm>>
        tpu.enqueue_dma source(%dma_start3A_400 : memref<24832xf32, #tpu.memory_space<hbm>>) target(%dma_start3A_397 : memref<24832xf32, #tpu.memory_space<vmem>>) target_semaphore(%arg14 : memref<!tpu.dma_semaphore, #tpu.memory_space<semaphore_mem>>)
        %add3A_401 = arith.constant 1 : i32
        %add3A_402 = arith.addi %add3A_177, %add3A_401 : i32
        %dma_start3A_403 = arith.constant 49664 : i32
        %dma_start3A_404 = tpu.memref_slice %arg7[%dma_start3A_403] : memref<100352xf32, #tpu.memory_space<vmem>> -> memref<24832xf32, #tpu.memory_space<vmem>>
        %dma_start3A_405 = arith.constant 49664 : i32
        %dma_start3A_406 = tpu.memref_slice %arg2[%add3A_402, %dma_start3A_405] : memref<256x100000xf32, #tpu.memory_space<hbm>> -> memref<1x24832xf32, #tpu.memory_space<hbm>>
        %dma_start3A_407 = tpu.memref_squeeze %dma_start3A_406 : memref<1x24832xf32, #tpu.memory_space<hbm>> -> memref<24832xf32, #tpu.memory_space<hbm>>
        %dma_start3A_408 = arith.constant 49664 : i32
        %dma_start3A_409 = tpu.memref_slice %arg7[%dma_start3A_408] : memref<100352xf32, #tpu.memory_space<vmem>> -> memref<24832xf32, #tpu.memory_space<vmem>>
        %dma_start3A_410 = arith.constant 49664 : i32
        %dma_start3A_411 = tpu.memref_slice %arg2[%add3A_402, %dma_start3A_410] : memref<256x100000xf32, #tpu.memory_space<hbm>> -> memref<1x24832xf32, #tpu.memory_space<hbm>>
        %dma_start3A_412 = tpu.memref_squeeze %dma_start3A_411 : memref<1x24832xf32, #tpu.memory_space<hbm>> -> memref<24832xf32, #tpu.memory_space<hbm>>
        tpu.enqueue_dma source(%dma_start3A_412 : memref<24832xf32, #tpu.memory_space<hbm>>) target(%dma_start3A_409 : memref<24832xf32, #tpu.memory_space<vmem>>) target_semaphore(%arg14 : memref<!tpu.dma_semaphore, #tpu.memory_space<semaphore_mem>>)
        %add3A_413 = arith.constant 1 : i32
        %add3A_414 = arith.addi %add3A_177, %add3A_413 : i32
        %dma_start3A_415 = arith.constant 74496 : i32
        %dma_start3A_416 = tpu.memref_slice %arg7[%dma_start3A_415] : memref<100352xf32, #tpu.memory_space<vmem>> -> memref<24832xf32, #tpu.memory_space<vmem>>
        %dma_start3A_417 = arith.constant 74496 : i32
        %dma_start3A_418 = tpu.memref_slice %arg2[%add3A_414, %dma_start3A_417] : memref<256x100000xf32, #tpu.memory_space<hbm>> -> memref<1x24832xf32, #tpu.memory_space<hbm>>
        %dma_start3A_419 = tpu.memref_squeeze %dma_start3A_418 : memref<1x24832xf32, #tpu.memory_space<hbm>> -> memref<24832xf32, #tpu.memory_space<hbm>>
        %dma_start3A_420 = arith.constant 74496 : i32
        %dma_start3A_421 = tpu.memref_slice %arg7[%dma_start3A_420] : memref<100352xf32, #tpu.memory_space<vmem>> -> memref<24832xf32, #tpu.memory_space<vmem>>
        %dma_start3A_422 = arith.constant 74496 : i32
        %dma_start3A_423 = tpu.memref_slice %arg2[%add3A_414, %dma_start3A_422] : memref<256x100000xf32, #tpu.memory_space<hbm>> -> memref<1x24832xf32, #tpu.memory_space<hbm>>
        %dma_start3A_424 = tpu.memref_squeeze %dma_start3A_423 : memref<1x24832xf32, #tpu.memory_space<hbm>> -> memref<24832xf32, #tpu.memory_space<hbm>>
        tpu.enqueue_dma source(%dma_start3A_424 : memref<24832xf32, #tpu.memory_space<hbm>>) target(%dma_start3A_421 : memref<24832xf32, #tpu.memory_space<vmem>>) target_semaphore(%arg14 : memref<!tpu.dma_semaphore, #tpu.memory_space<semaphore_mem>>)
        %add3A_425 = arith.constant 1 : i32
        %add3A_426 = arith.addi %add3A_177, %add3A_425 : i32
        %dma_start3A_427 = arith.constant 99328 : i32
        %dma_start3A_428 = tpu.memref_slice %arg7[%dma_start3A_427] : memref<100352xf32, #tpu.memory_space<vmem>> -> memref<640xf32, #tpu.memory_space<vmem>>
        %dma_start3A_429 = arith.constant 99328 : i32
        %dma_start3A_430 = tpu.memref_slice %arg2[%add3A_426, %dma_start3A_429] : memref<256x100000xf32, #tpu.memory_space<hbm>> -> memref<1x640xf32, #tpu.memory_space<hbm>>
        %dma_start3A_431 = tpu.memref_squeeze %dma_start3A_430 : memref<1x640xf32, #tpu.memory_space<hbm>> -> memref<640xf32, #tpu.memory_space<hbm>>
        %dma_start3A_432 = arith.constant 99328 : i32
        %dma_start3A_433 = tpu.memref_slice %arg7[%dma_start3A_432] : memref<100352xf32, #tpu.memory_space<vmem>> -> memref<640xf32, #tpu.memory_space<vmem>>
        %dma_start3A_434 = arith.constant 99328 : i32
        %dma_start3A_435 = tpu.memref_slice %arg2[%add3A_426, %dma_start3A_434] : memref<256x100000xf32, #tpu.memory_space<hbm>> -> memref<1x640xf32, #tpu.memory_space<hbm>>
        %dma_start3A_436 = tpu.memref_squeeze %dma_start3A_435 : memref<1x640xf32, #tpu.memory_space<hbm>> -> memref<640xf32, #tpu.memory_space<hbm>>
        tpu.enqueue_dma source(%dma_start3A_436 : memref<640xf32, #tpu.memory_space<hbm>>) target(%dma_start3A_433 : memref<640xf32, #tpu.memory_space<vmem>>) target_semaphore(%arg14 : memref<!tpu.dma_semaphore, #tpu.memory_space<semaphore_mem>>)
        %add3A_437 = arith.constant 1 : i32
        %add3A_438 = arith.addi %add3A_177, %add3A_437 : i32
        %mul3A_439 = arith.constant 32 : i32
        %mul3A_440 = arith.muli %add3A_438, %mul3A_439 : i32
        %dma_start3A_441 = arith.constant 99968 : i32
        %dma_start3A_442 = tpu.memref_slice %arg7[%dma_start3A_441] : memref<100352xf32, #tpu.memory_space<vmem>> -> memref<32xf32, #tpu.memory_space<vmem>>
        %dma_start3A_443 = tpu.memref_slice %arg3[%mul3A_440] : memref<8192xf32, #tpu.memory_space<hbm>> -> memref<32xf32, #tpu.memory_space<hbm>>
        %dma_start3A_444 = arith.constant 99968 : i32
        %dma_start3A_445 = tpu.memref_slice %arg7[%dma_start3A_444] : memref<100352xf32, #tpu.memory_space<vmem>> -> memref<32xf32, #tpu.memory_space<vmem>>
        %dma_start3A_446 = tpu.memref_slice %arg3[%mul3A_440] : memref<8192xf32, #tpu.memory_space<hbm>> -> memref<32xf32, #tpu.memory_space<hbm>>
        tpu.enqueue_dma source(%dma_start3A_446 : memref<32xf32, #tpu.memory_space<hbm>>) target(%dma_start3A_445 : memref<32xf32, #tpu.memory_space<vmem>>) target_semaphore(%arg14 : memref<!tpu.dma_semaphore, #tpu.memory_space<semaphore_mem>>)
      } else {
      }
    }
    %scan3A_173 = arith.constant 8 : i32
    return
  }
}

module attributes {stable_mosaic.version = 14 : i64} {
  func.func @_flags_body(%arg0: memref<32x8x4096xf32, #tpu.memory_space<vmem>>, %arg1: memref<512x4096xf32, #tpu.memory_space<vmem>>, %arg2: memref<32x1x1xf32, #tpu.memory_space<vmem>>) attributes {dimension_semantics = [], scalar_prefetch = 0 : i64, scratch_operands = 0 : i64, tpu.core_type = #tpu.core_type<tc>} {
    %get3A = arith.constant 0 : index
    %get3A_0 = arith.constant 0 : index
    %get3A_1 = arith.constant 0 : index
    %get3A_2 = vector.load %arg0[%get3A, %get3A_0, %get3A_1] : memref<32x8x4096xf32, #tpu.memory_space<vmem>>, vector<32x8x4096xf32>
    %reduce_sum3A = arith.constant dense<0.000000e+00> : vector<32x4096xf32>
    %reduce_sum3A_3 = vector.multi_reduction <add>, %get3A_2, %reduce_sum3A [1] : vector<32x8x4096xf32> to vector<32x4096xf32>
    %div3A = arith.constant 8.000000e+00 : f32
    %div3A_4 = vector.broadcast %div3A : f32 to vector<32x4096xf32>
    %div3A_5 = arith.divf %reduce_sum3A_3, %div3A_4 : vector<32x4096xf32>
    %get3A_6 = arith.constant 0 : index
    %get3A_7 = arith.constant 0 : index
    %get3A_8 = vector.load %arg1[%get3A_6, %get3A_7] : memref<512x4096xf32, #tpu.memory_space<vmem>>, vector<512x4096xf32>
    %mul3A = arith.mulf %div3A_5, %div3A_5 : vector<32x4096xf32>
    %reduce_sum3A_9 = arith.constant dense<0.000000e+00> : vector<32xf32>
    %reduce_sum3A_10 = vector.multi_reduction <add>, %mul3A, %reduce_sum3A_9 [1] : vector<32x4096xf32> to vector<32xf32>
    %broadcast_in_dim3A = vector.shape_cast %reduce_sum3A_10 : vector<32xf32> to vector<32x1xf32>
    %sqrt3A = math.sqrt %broadcast_in_dim3A : vector<32x1xf32>
    %broadcast_in_dim3A_11 = arith.constant 1.000000e+00 : f32
    %broadcast_in_dim3A_12 = vector.broadcast %broadcast_in_dim3A_11 : f32 to vector<1x4096xf32>
    %mul3A_13 = arith.mulf %get3A_8, %get3A_8 : vector<512x4096xf32>
    %dot_general3A = arith.constant dense<0.000000e+00> : vector<1x512xf32>
    %dot_general3A_14 = tpu.matmul %broadcast_in_dim3A_12, %mul3A_13, %dot_general3A {dimension_numbers = #tpu.dot_dimension_numbers<[1], [1], [0], [0], [0, 0, 1, 0], [], []>, precision = #tpu.contract_precision<fp32>, transpose_lhs_hint = false} : vector<1x4096xf32>, vector<512x4096xf32>, vector<1x512xf32> -> vector<1x512xf32>
    %sqrt3A_15 = math.sqrt %dot_general3A_14 : vector<1x512xf32>
    %dot_general3A_16 = arith.constant dense<0.000000e+00> : vector<32x512xf32>
    %dot_general3A_17 = tpu.matmul %div3A_5, %get3A_8, %dot_general3A_16 {dimension_numbers = #tpu.dot_dimension_numbers<[1], [1], [0], [0], [0, 0, 1, 0], [], []>, precision = #tpu.contract_precision<fp32>, transpose_lhs_hint = false} : vector<32x4096xf32>, vector<512x4096xf32>, vector<32x512xf32> -> vector<32x512xf32>
    %mul3A_18 = vector.broadcast %sqrt3A : vector<32x1xf32> to vector<32x512xf32>
    %mul3A_19 = vector.broadcast %sqrt3A_15 : vector<1x512xf32> to vector<32x512xf32>
    %mul3A_20 = arith.mulf %mul3A_18, %mul3A_19 : vector<32x512xf32>
    %max3A = arith.constant 9.99999993E-9 : f32
    %max3A_21 = vector.broadcast %max3A : f32 to vector<32x512xf32>
    %max3A_22 = arith.maximumf %mul3A_20, %max3A_21 : vector<32x512xf32>
    %div3A_23 = arith.divf %dot_general3A_17, %max3A_22 : vector<32x512xf32>
    %reduce_sum3A_24 = arith.constant dense<0.000000e+00> : vector<32xf32>
    %reduce_sum3A_25 = vector.multi_reduction <add>, %div3A_23, %reduce_sum3A_24 [1] : vector<32x512xf32> to vector<32xf32>
    %broadcast_in_dim3A_26 = vector.shape_cast %reduce_sum3A_25 : vector<32xf32> to vector<32x1xf32>
    %div3A_27 = arith.constant 5.120000e+02 : f32
    %div3A_28 = vector.broadcast %div3A_27 : f32 to vector<32x1xf32>
    %div3A_29 = arith.divf %broadcast_in_dim3A_26, %div3A_28 : vector<32x1xf32>
    %gt3A = arith.constant 0.000000e+00 : f32
    %gt3A_30 = vector.broadcast %gt3A : f32 to vector<32x1xf32>
    %gt3A_31 = arith.cmpf ogt, %div3A_29, %gt3A_30 : vector<32x1xf32>
    %convert_element_type3A = arith.extui %gt3A_31 : vector<32x1xi1> to vector<32x1xi32>
    %convert_element_type3A_32 = arith.sitofp %convert_element_type3A : vector<32x1xi32> to vector<32x1xf32>
    %broadcast_in_dim3A_33 = vector.shape_cast %convert_element_type3A_32 : vector<32x1xf32> to vector<32x1x1xf32>
    %swap3A = arith.constant 0 : index
    %swap3A_34 = arith.constant 0 : index
    %swap3A_35 = arith.constant 0 : index
    %swap3A_36 = vector.load %arg2[%swap3A, %swap3A_34, %swap3A_35] : memref<32x1x1xf32, #tpu.memory_space<vmem>>, vector<32x1x1xf32>
    tpu.vector_store %arg2[%swap3A, %swap3A_34, %swap3A_35], %broadcast_in_dim3A_33 {strides = array<i32>} : memref<32x1x1xf32, #tpu.memory_space<vmem>>, vector<32x1x1xf32>,
    return
  }
}

</mosaic_0001>

<sc_bundles>
// kernel: kernel.4.cloned.1.call-start
scs
__scs_entry_jumppad:
0x0: {  	(pc) =	sbr.rel $0x88, $3  }
0x1: {  	(tag) =	ssettag $0x0;
	lr =	simm.s32 $0x1  }
0x2: {  	[smem:$0x3F9E] =	sst lr;
	_ =	strace $0xD0000000  }
0x3: {  	_ = 	snop  }
0x4: {  	_ = 	snop  }
0x5: {  	_ = 	snop  }
0x6: {  	_ = 	snop  }
0x7: {  	_ = 	snop  }
__scs_overlays_trampoline_lowered:
0x8: {  	[smem:$0x3FAD] =	sst s0  }
0x9: {  	[smem:$0x3FAE] =	sst s1  }
0xa: {  	[smem:$0x3FAF] =	sst s2  }
0xb: {  	[smem:$0x3FB0] =	sst s3  }
0xc: {  	[smem:$0x3FB1] =	sst s4  }
0xd: {  	[smem:$0x3FB2] =	sst s5  }
0xe: {  	[smem:$0x3FB3] =	sst s6  }
0xf: {  	[smem:$0x3FB4] =	sst s7  }
0x10: {  	[smem:$0x3FB5] =	sst s8  }
0x11: {  	[smem:$0x3FB6] =	sst s9;
	s0 =	simm.s32 @!p0 $0x0  }
0x12: {  	s1 =	sld [smem:$0x3F9C];
	s0 =	simm.s32 @p0 $0x1  }
0x13: {  	[smem:$0x3FB7] =	sst s0;
	s0 =	simm.s32 @!p1 $0x0  }
0x14: {  	s2 =	sld [smem:$0x3F9B];
	s0 =	simm.s32 @p1 $0x1  }
0x15: {  	[smem:$0x3FB8] =	sst s0;
	s0 =	simm.s32 @!p2 $0x0  }
0x16: {  	s3 =	sld [smem:$0x3FDB];
	s0 =	simm.s32 @p2 $0x1  }
0x17: {  	s4 =	simm.s32 $0x1BF5;
	[smem:$0x3FBA] =	sst s0  }
0x18: {  	s0 =	sld [smem:$0x3F9D];
	_ =	swait.ge [sflag:s4], $0x0  }
0x19: {  	s7 =	sld [smem:$0x3F9E]  }
0x1a: {  	s8 =	sadd.s32 $0xFFFFE003, lr  }
0x1b: {  	s9 =	sadd.s32 $0xFFFFFEF7, lr;
	s5 =	simm.s32 $0xFFFFFFFF;
	p2 =	slt.u32 s8, $0xFFFFF086  }
0x1c: {  	p1 =	slt.u32 s9, $0xF7A;
	s5 =	simm.s32 @!p2 $0x0  }
0x1d: {  	s5 =	simm.s32 @p1 $0x1;
	p0 =	seq.s32 s7, s2  }
0x1e: {  	s7 =	smul.u32 @!p0 $0xF7A, s2;
	p2 =	seq.s32 @!p0 s5, $0x0  }
0x1f: {  	s9 =	smul.u32 $0xF7A, s1;
	s8 =	simm.s32 @!p0 $0x1BF5;
	p2 =	por !p2, p0  }
0x20: {  	[sflag:s8] =	ssyncset.s32 @!p0 $0xFFFFF086;
	s6 =	sadd.s32 @!p0 s3, s7;
	s7 =	simm.s32 @!p0 $0x108  }
0x21: {  	s3 =	sadd.s32 s3, s9;
	s6 =	sadd.s32 @!p0 $0x88, s6;
	s7 =	simm.s32 @p2 $0x1082  }
0x22: {  	[simem:s7], [sflag:s8] =	dma.local @!p0 [hbm:s6], $0xF7A  }
0x23: {  	s9 =	sor.u32 $0xD0000000, s2;
	s6 =	simm.s32 $0x108;
	_ =	swait.ge @!p0 [sflag:s8], $0x0  }
0x24: {  	s3 =	sadd.s32 $0x88, s3;
	s6 =	simm.s32 @!p1 $0x1082;
	[sflag:s4] =	ssyncset.s32 $0xFFFFF086  }
0x25: {  	[simem:s6], [sflag:s4] =	dma.local [hbm:s3], $0xF7A  }
0x26: {  	[smem:$0x3F9E] =	sst s1;
	(tag) =	ssettag s2;
	_ =	strace s9  }
0x27: {  	s1 =	sld [smem:$0x3FAE]  }
0x28: {  	s2 =	sld [smem:$0x3FAF]  }
0x29: {  	s4 =	sld [smem:$0x3FB1]  }
0x2a: {  	p0 =	seq.s32 s5, $0x0;
	s5 =	sld [smem:$0x3FB2]  }
0x2b: {  	s6 =	sld [smem:$0x3FB3]  }
0x2c: {  	s7 =	sld [smem:$0x3FB4]  }
0x2d: {  	s3 =	simm.s32 $0x108;
	s8 =	sld [smem:$0x3FB5]  }
0x2e: {  	s3 =	simm.s32 @!p0 $0x1082;
	s9 =	sld [smem:$0x3FB6]  }
0x2f: {  	lr =	sadd.s32 s0, s3;
	s0 =	sld [smem:$0x3FAD]  }
0x30: {  	s3 =	sld [smem:$0x3FB0]  }
0x31: {  	[smem:$0x3FB9] =	sst s10  }
0x32: {  	s10 =	sld [smem:$0x3FB7];
	_ =	sdelay $0x3  }
0x33: {  	p0 =	seq.s32 s10, $0x1;
	s10 =	sld [smem:$0x3FB9];
	_ =	sdelay $0x3  }
0x34: {  	[smem:$0x3FB9] =	sst s10  }
0x35: {  	s10 =	sld [smem:$0x3FB8];
	_ =	sdelay $0x3  }
0x36: {  	p1 =	seq.s32 s10, $0x1;
	s10 =	sld [smem:$0x3FB9];
	_ =	sdelay $0x3  }
0x37: {  	[smem:$0x3FB9] =	sst s10  }
0x38: {  	s10 =	sld [smem:$0x3FBA]  }
0x39: {  	_ = 	snop;
	(pc) =	sbr.ind lr, $3  }
0x3a: {  	_ = 	snop  }
0x3b: {  	_ = 	snop  }
0x3c: {  	p2 =	seq.s32 s10, $0x1;
	s10 =	sld [smem:$0x3FB9]  }
0x3d: {  	_ =	shalt  }
0x3e: {  	_ =	shalt  }
0x3f: {  	_ =	shalt  }
0x40: {  	_ =	shalt  }
0x41: {  	_ =	shalt  }
0x42: {  	_ =	shalt  }
0x43: {  	_ =	shalt  }
0x44: {  	_ =	shalt  }
0x45: {  	_ =	shalt  }
0x46: {  	_ =	shalt  }
0x47: {  	_ =	shalt  }
0x48: {  	_ =	shalt  }
0x49: {  	_ =	shalt  }
0x4a: {  	_ =	shalt  }
0x4b: {  	_ =	shalt  }
0x4c: {  	_ =	shalt  }
0x4d: {  	_ =	shalt  }
0x4e: {  	_ =	shalt  }
0x4f: {  	_ =	shalt  }
0x50: {  	_ =	shalt  }
0x51: {  	_ =	shalt  }
0x52: {  	_ =	shalt  }
0x53: {  	_ =	shalt  }
0x54: {  	_ =	shalt  }
0x55: {  	_ =	shalt  }
0x56: {  	_ =	shalt  }
0x57: {  	_ =	shalt  }
0x58: {  	_ =	shalt  }
0x59: {  	_ =	shalt  }
0x5a: {  	_ =	shalt  }
0x5b: {  	_ =	shalt  }
0x5c: {  	_ =	shalt  }
0x5d: {  	_ =	shalt  }
0x5e: {  	_ =	shalt  }
0x5f: {  	_ =	shalt  }
0x60: {  	_ =	shalt  }
0x61: {  	_ =	shalt  }
0x62: {  	_ =	shalt  }
0x63: {  	_ =	shalt  }
0x64: {  	_ =	shalt  }
0x65: {  	_ =	shalt  }
0x66: {  	_ =	shalt  }
0x67: {  	_ =	shalt  }
0x68: {  	_ =	shalt  }
0x69: {  	_ =	shalt  }
0x6a: {  	_ =	shalt  }
0x6b: {  	_ =	shalt  }
0x6c: {  	_ =	shalt  }
0x6d: {  	_ =	shalt  }
0x6e: {  	_ =	shalt  }
0x6f: {  	_ =	shalt  }
0x70: {  	_ =	shalt  }
0x71: {  	_ =	shalt  }
0x72: {  	_ =	shalt  }
0x73: {  	_ =	shalt  }
0x74: {  	_ =	shalt  }
0x75: {  	_ =	shalt  }
0x76: {  	_ =	shalt  }
0x77: {  	_ =	shalt  }
0x78: {  	_ =	shalt  }
0x79: {  	_ =	shalt  }
0x7a: {  	_ =	shalt  }
0x7b: {  	_ =	shalt  }
0x7c: {  	_ =	shalt  }
0x7d: {  	_ =	shalt  }
0x7e: {  	_ =	shalt  }
0x7f: {  	_ =	shalt  }
0x80: {  	_ =	shalt  }
0x81: {  	_ =	shalt  }
0x82: {  	_ =	shalt  }
0x83: {  	_ =	shalt  }
0x84: {  	_ =	shalt  }
0x85: {  	_ =	shalt  }
0x86: {  	_ =	shalt  }
0x87: {  	_ =	shalt  }
.Lfunc_end0:
.L_simem_size_0:
called_computation_lowered:
.L_overlay_start_0:
0x88: {  	s2 =	sld [smem:$0x3FD9]  }
0x89: {  	s3 =	sld [smem:$0x3FFE];
	_ =	sdelay $0x1  }
0x8a: {  	s1 =	srdreg.scid  }
0x8b: {  	s0 =	sand.u32 $0x1, s1  }
0x8c: {  	s17 =	sshll.u32 s0, $0xA;
	s2 =	sadd.s32 s3, s2  }
0x8d: {  	s2 =	sadd.s32 s2, s17  }
0x8e: {  	[smem:$0x3FC5] =	sst s2  }
0x8f: {  	_ = 	snop  }
0x90: {  	s2 =	sld [smem:$0x3FC8]  }
0x91: {  	s18 =	sld [smem:$0x3FD0];
	(tm) =	ssettm $0x1  }
0x92: {  	s4 =	sld [smem:$0x3FFB];
	_ =	sdelay $0x3  }
0x93: {  	_ =	strace s4  }
0x94: {  	s4 =	sld [smem:$0x3FFC];
	_ =	sdelay $0x3  }
0x95: {  	_ =	strace s4  }
0x96: {  	s4 =	sld [smem:$0x3FFD];
	_ =	sdelay $0x3  }
0x97: {  	_ =	strace s4  }
0x98: {  	_ =	strace $0x8FFFFFFF  }
0x99: {  	s19 =	sld [smem:$0x3FDB];
	_ =	sdelay $0x1  }
0x9a: {  	s5 =	simm.s32 $_scs_section_size  }
0x9b: {  	s6 =	simm.s32 $_size__tile_overlayer_lowered;
	s7 =	simm.s32 $_tile_overlayer_lowered  }
0x9c: {  	s22 =	simm.s32 $0x1BFF;
	s21 =	sshll.u32 s7, $0x1;
	s4 =	sadd.s32 s5, s19  }
0x9d: {  	s8 =	simm.s32 $0x0;
	s20 =	sshll.u32 s6, $0x1;
	s6 =	sadd.s32 s21, s4  }
0x9e: {  	[timem:s8], [sflag:s22] =	dma.local [hbm:s6], s20  }
0x9f: {  	_ =	swait.ge [sflag:s22], s20  }
0xa0: {  	s5 =	ssub.s32 $0x0, s20;
	[sflag:s22] =	ssyncset.done $0x0  }
0xa1: {  	[sflag:s22] =	ssyncadd.s32 s5;
	_ =	sdelay $0x1  }
0xa2: {  	s23 =	simm.s32 $0x1B8B  }
0xa3: {  	_ =	swait.ge [sflag:s23], $0x1  }
0xa4: {  	[sflag:s23] =	ssyncset.done $0x0  }
0xa5: {  	s25 =	simm.s32 $0x1B8E;
	s24 =	sld [smem:$0x3FFE];
	[sflag:s23] =	ssyncadd.s32 $0xFFFFFFFF  }
0xa6: {  	s26 =	simm.s32 $execute0_lowered;
	[smem:$0x3FD2] =	sst s25  }
0xa7: {  	s6 =	sshll.u32 s26, $0x1;
	_ =	strace $0x80000046;
	[dreg:$0x1] =	wrdreg $0xFFFFFFFF  }
0xa8: {  	s28 =	simm.s32 $_size_execute0_lowered;
	s4 =	sadd.s32 s4, s6;
	[dreg:$0x0] =	wrdreg $0x0  }
0xa9: {  	s6 =	sshll.u32 s28, $0x1;
	[dreg:$0x2] =	wrdreg s4  }
0xaa: {  	[dreg:$0x3] =	wrdreg s6  }
0xab: {  	[dreg:$0x4] =	wrdreg $0xC0  }
0xac: {  	_ =	task [dreg:s8], $0x5FFFF  }
0xad: {  	[dreg:$0x1] =	wrdreg $0xFFFFFFFF  }
0xae: {  	[dreg:$0x0] =	wrdreg $0x60  }
0xaf: {  	[dreg:$0x2] =	wrdreg s2  }
0xb0: {  	[dreg:$0x3] =	wrdreg s24  }
0xb1: {  	[dreg:$0x4] =	wrdreg s18  }
0xb2: {  	[dreg:$0x5] =	wrdreg $0x9  }
0xb3: {  	_ =	task.clear_ibuf [dreg:s8], $0x6FFFF;
	_ =	strace $0x90000046  }
0xb4: {  	s29 =	simm.s32 $0x9;
	_ =	strace $0x80000048  }
0xb5: {  	_ =	swait.ge [sflag:s29], $0x1  }
0xb6: {  	[sflag:s29] =	ssyncadd.s32 $0xFFFFFFFF  }
0xb7: {  	_ =	strace $0x90000048  }
0xb8: {  	_ =	sfence  }
0xb9: {  	s30 =	sld [smem:$0x0];
	_ =	sdelay $0x2  }
0xba: {  	s31 =	sshll.u32 s1, $0xD;
	s1 =	sshrl.u32 s1, $0x2  }
0xbb: {  	s3 =	sand.u32 $0x4000, s31;
	s1 =	sadd.s32 s1, s30  }
0xbc: {  	s0 =	sor.u32 s3, s0;
	s1 =	sshll.u32 s1, $0x11  }
0xbd: {  	s0 =	sor.u32 s1, s0  }
0xbe: {  	s0 =	sadd.s32 $0x8F2B, s0  }
0xbf: {  	[sflag:s0] =	ssyncadd.remote.s32 $0x1  }
0xc0: {  	_ =	sfence.sel $0xFFFF  }
0xc1: {  	[dreg:$0x0] =	wrdreg $0xFFFFFFFF;
	(pc) =	sbr.abs _section_cstart, $3  }
0xc2: {  	[dreg:$0x1] =	wrdreg $0xFFFFFFFF  }
0xc3: {  	_ =	task.clear_ibuf [dreg:s8], $0x2FFFF;
	_ =	strace $0x9FFFFFFF  }
0xc4: {  	(tm) =	ssettm $0x7FFFFFFF  }
0xc5: {  	_ =	shalt  }
tec
execute0_lowered:
.L_overlay_start_1:
0x0: {  	(tag) =	ssettag $0x1  }
0x1: {  	s1 =	rddreg [dreg:$0x0]  }
0x2: {  	s0 =	rddreg [dreg:$0x1]  }
0x3: {  	s3 =	rddreg [dreg:$0x2]  }
0x4: {  	s2 =	srdreg.scid;
	s5 =	stileid.u32;
	s4 =	simm.s32 $0x0  }
0x5: {  	s28 =	simm.s32 $0x12300;
	s29 =	simm.s32 $0x18400;
	s30 =	simm.s32 $0x18680  }
0x6: {  	s31 =	simm.s32 $0x1;
	s2 =	sand.u32 $0x1, s2;
	s5 =	sshll.u32 s5, $0x1  }
0x7: {  	[smem:$0x7FF] =	sst s4;
	s8 =	sadd.s32 $0x800, s0;
	s9 =	sadd.s32 $0xC00, s0  }
0x8: {  	s0 =	sadd.s32 $0xE00, s0;
	_ =	strace $0x80000047;
	[dreg:$0x5] =	wrdreg s9  }
0x9: {  	v0 =	vimm.s32 $0xFEDCBA98;
	v1 =	vimm.s32 $0x76543210;
	v5 =	vimm.s32 $0x32107654;
	s6 =	sor.u32 s2, s5;
	s2 =	ssub.s32 $0x2, s2;
	[dreg:$0x6] =	wrdreg s0  }
0xa: {  	v6 =	vimm.s32 $0xDCFE98BA;
	v7 =	vimm.s32 $0x54761032;
	[dreg:$0x4] =	wrdreg s8;
	s7 =	sadd.s32 $0xFFFFFFF0, s6;
	s5 =	smul.u32 $0xC3800, s6  }
0xb: {  	v8 =	vimm.s32 $0xEFCDAB89;
	v0 =	vunpack.c.l.s4.s8 v0;
	v3 =	vmov s6;
	s18 =	sshrl.u32 s2, $0x1;
	s20 =	sshll.u32 s6, $0x3;
	s6 =	sshll.u32 s6, $0x5  }
0xc: {  	v9 =	vimm.s32 $0x67452301;
	v1 =	vunpack.c.l.s4.s8 v1;
	v5 =	vunpack.c.l.s4.s8 v5;
	s0 =	ssub.s32 s2, s18;
	[dreg:$0x7] =	wrdreg s20;
	s26 =	sadd.s32 s8, s6  }
0xd: {  	v2 =	vunpack.c.0.s8.s32 v0;
	v0 =	vlaneseq.u32;
	v4 =	vmov s7;
	s6 =	simm.s32 $0x0;
	s19 =	sadd.s32 $0x30800, s5;
	s21 =	sshrl.u32 s5, $0x3  }
0xe: {  	v6 =	vunpack.c.l.s4.s8 v6;
	vm0 =	veq.s32 v4, v0;
	v4 =	vimm.s32 $0xBA98FEDC;
	s11 =	sadd.s32 $0x61000, s5;
	s12 =	sadd.s32 $0x91800, s5;
	s16 =	sadd.s32 $0xC2000, s5  }
0xf: {  	v7 =	vunpack.c.l.s4.s8 v7;
	v8 =	vunpack.c.l.s4.s8 v8;
	[dreg:$0xd] =	wrdreg s26;
	s0 =	smax.u32 s0, $0x1;
	s26 =	simm.s32 $0xC200;
	v4 =	vunpack.c.l.s4.s8 v4  }
0x10: {  	v9 =	vunpack.c.l.s4.s8 v9;
	v1 =	vunpack.c.0.s8.s32 v1;
	v5 =	vunpack.c.0.s8.s32 v5;
	s10 =	smov.u32 s19;
	s7 =	sshrl.u32 s19, $0x3;
	s2 =	sadd.s32 s1, s21  }
0x11: {  	v6 =	vunpack.c.0.s8.s32 v6;
	v7 =	vunpack.c.0.s8.s32 v7;
	s23 =	sshrl.u32 s11, $0x3;
	s24 =	sshrl.u32 s12, $0x3;
	[dreg:$0xe] =	wrdreg s0;
	v4 =	vunpack.c.0.s8.s32 v4  }
.Ltmp0:
0x12: {  	v8 =	vunpack.c.0.s8.s32 v8;
	v9 =	vunpack.c.0.s8.s32 v9;
	v2 =	vand.u32 $0xF, v2;
	[dreg:$0x8] =	wrdreg s2;
	s22 =	sadd.s32 s1, s7;
	(pc) =	sbr.rel .LBB2_1-.Ltmp0, $4  }
0x13: {  	vm2 =	vmxor vm2, vm2;
	s25 =	sshrl.u32 s16, $0x3;
	v1 =	vcombine.low v2, v1;
	s2 =	sadd.s32 s1, s23;
	[dreg:$0x9] =	wrdreg s22;
	v2 =	vcombine.low v5, v4  }
0x14: {  	v10 =	vimm.f32 $-1.000000000e+02;
	s0 =	simm.s32 $0x2;
	[dreg:$0xa] =	wrdreg s2;
	s2 =	sadd.s32 s1, s24;
	v4 =	vcombine.low v7, v6;
	v5 =	vcombine.low v9, v8  }
0x15: {  	vm1 =	veq.s32 v3, v0;
	v3 =	vimm.f32 $-Inf;
	s23 =	simm.s32 $0x80;
	[dreg:$0xb] =	wrdreg s2;
	s2 =	sadd.s32 s1, s25;
	v6 =	vimm.s32 $0x40000000  }
0x16: {  	s24 =	simm.s32 $0x400;
	s25 =	simm.s32 $0x6100;
	[dreg:$0xc] =	wrdreg s2;
	v7 =	vand.u32 $0xF, v2;
	v8 =	vand.u32 $0xF, v4;
	v9 =	vand.u32 $0xF, v5  }
.LBB2_36:
0x17: {  	s6 =	rddreg [dreg:$0xf]  }
0x18: {  	s2 =	rddreg [dreg:$0xe];
	s6 =	sadd.s32 $0x1, s6  }
0x19: {  	p0 =	sne.s32 s6, s2  }
.Ltmp1:
0x1a: {  	_ = 	snop;
	(pc) =	sbr.rel @!p0 .LBB2_37-.Ltmp1, $1  }
0x1b: {  	_ =	sdelay $0x3  }
.LBB2_1:
0x1c: {  	[dreg:$0xf] =	wrdreg s6  }
0x1d: {  	s2 =	rddreg [dreg:$0x5];
	s13 =	simm.s32 $0x1BD80;
	s14 =	simm.s32 $0x4  }
0x1e: {  	[tilespmem:s13], [sflag:$0x4] =	stream.linear.gather [hbm4b:s2+s4], $0x80, $0x38;
	[tilespmem:$0x1BE80] =	vst v63  }
0x1f: {  	_ =	swait.ge [sflag:s14], $0x80  }
0x20: {  	[sflag:s14] =	ssyncset.done $0x0  }
0x21: {  	[sflag:s14] =	ssyncadd.s32 $0xFFFFFF80  }
0x22: {  	[tilespmem:$0x186A0] =	vst v3  }
0x23: {  	[tilespmem:$0x186B0] =	vst v3  }
0x24: {  	[tilespmem:$0x186C0] =	vst v3  }
0x25: {  	[tilespmem:$0x186D0] =	vst v3  }
0x26: {  	[tilespmem:$0x186E0] =	vst v3  }
0x27: {  	[tilespmem:$0x186F0] =	vst v3  }
0x28: {  	[tilespmem:$0x18700] =	vst v3  }
0x29: {  	[tilespmem:$0x18710] =	vst v3  }
0x2a: {  	v11 =	vld [tilespmem:$0x1BD80];
	[tilespmem:$0x18720] =	vst v3  }
0x2b: {  	v12 =	vld [tilespmem:$0x1BD90];
	[tilespmem:$0x18730] =	vst v3  }
0x2c: {  	[tilespmem:$0x18740] =	vst v3  }
0x2d: {  	[tilespmem:$0x18750] =	vst v3  }
0x2e: {  	[tilespmem:$0x18760] =	vst v3  }
0x2f: {  	[tilespmem:$0x18770] =	vst v3  }
0x30: {  	[tilespmem:$0x18780] =	vst v3;
	v11 =	vnsel vm1, $0x0, v11;
	v12 =	vnsel vm0, $0x0, v12  }
0x31: {  	[tilespmem:$0x18790] =	vst v3;
	v11 =	vadd.f32 v12, v11  }
0x32: {  	[tilespmem:$0x187A0] =	vst v3  }
0x33: {  	[tilespmem:$0x187B0] =	vst v3;
	vm3 =	vgt.f32 v11, $5.000000000e-01  }
0x34: {  	[tilespmem:$0x187C0] =	vst v3;
	v11 =	vmpcnt.ones.xlane vm3  }
0x35: {  	[tilespmem:$0x187D0] =	vst v3  }
0x36: {  	[tilespmem:$0x187E0] =	vst v3;
	(v2sf) =	vpush v11, $0x0  }
0x37: {  	[tilespmem:$0x187F0] =	vst v3  }
0x38: {  	[tilespmem:$0x1B8E0] =	vst v3  }
0x39: {  	s15 =	rddreg [dreg:$0x8];
	[tilespmem:$0x1B8F0] =	vst v3  }
0x3a: {  	[tilespmem:s4], [sflag:$0x1] =	stream.strided.gather [hbm4b:s15+s23], $0x6100, s24, s23, $0x38;
	[tilespmem:$0x1BE80] =	vst v63  }
0x3b: {  	s17 =	rddreg [dreg:$0x9]  }
0x3c: {  	[tilespmem:s25], [sflag:$0x1] =	stream.strided.gather [hbm4b:s17+s23], $0x6100, s24, s23, $0x38;
	[tilespmem:$0x1BE80] =	vst v63  }
0x3d: {  	s18 =	rddreg [dreg:$0xa]  }
0x3e: {  	[tilespmem:s26], [sflag:$0x1] =	stream.strided.gather [hbm4b:s18+s23], $0x6100, s24, s23, $0x38;
	[tilespmem:$0x1BE80] =	vst v63  }
0x3f: {  	s19 =	rddreg [dreg:$0xb]  }
0x40: {  	[tilespmem:s28], [sflag:$0x1] =	stream.strided.gather [hbm4b:s19+s23], $0x6100, s24, s23, $0x38;
	[tilespmem:$0x1BE80] =	vst v63  }
0x41: {  	s20 =	rddreg [dreg:$0xc]  }
0x42: {  	[tilespmem:s29], [sflag:$0x1] =	stream.strided.gather [hbm4b:s20+s23], $0x280, s24, s23, $0x38;
	[tilespmem:$0x1BE80] =	vst v63  }
0x43: {  	s21 =	rddreg [dreg:$0xd]  }
0x44: {  	[tilespmem:s30], [sflag:$0x1] =	stream.linear.gather [hbm4b:s21+s4], $0x20, $0x38;
	[tilespmem:$0x1BE80] =	vst v63  }
0x45: {  	s22 =	spop (v2sf)  }
0x46: {  	s21 =	simm.s32 $0x0;
	p0 =	slt.s32 s22, $0x1  }
.LBB2_2:
0x47: {  	s7 =	sshll.u32 s21, $0x7  }
.Ltmp2:
0x48: {  	_ =	swait.ge [sflag:s31], $0x6100;
	s2 =	sor.u32 s5, s7;
	(pc) =	sbr.rel @p0 .LBB2_8-.Ltmp2, $4  }
0x49: {  	[sflag:s31] =	ssyncset.done $0x0;
	s2 =	sshrl.u32 s2, $0x3  }
0x4a: {  	[sflag:s31] =	ssyncadd.s32 $0xFFFF9F00;
	s6 =	sadd.s32 s3, s2;
	s2 =	simm.s32 $0x0  }
0x4b: {  	[hbm4b:s6+s23] =	stream.strided.scatter [tilespmem:s2], [sflag:$0x2], $0x6100, s24, s23, $0x38;
	[tilespmem:$0x1BE80] =	vst v63  }
0x4c: {  	s6 =	simm.s32 $0x40  }
0x4d: {  	v11 =	vld [tilespmem:s6+$0x0]  }
0x4e: {  	v12 =	vld [tilespmem:s6+$0xFFFFFFC0]  }
0x4f: {  	v13 =	vld [tilespmem:s6+$0xFFFFFFD0]  }
0x50: {  	v14 =	vld [tilespmem:s6+$0x10]  }
0x51: {  	v15 =	vld [tilespmem:s6+$0xFFFFFFE0]  }
0x52: {  	v16 =	vld [tilespmem:s6+$0x20]  }
0x53: {  	v17 =	vld [tilespmem:s6+$0xFFFFFFF0]  }
0x54: {  	v18 =	vld [tilespmem:s6+$0x30];
	s8 =	simm.s32 $0x40  }
.LBB2_4:
0x55: {  	p1 =	sne.s32 s8, $0x3040;
	_ =	sdelay $0x2  }
0x56: {  	v11 =	vmax.f32 v12, v11  }
0x57: {  	v12 =	vmax.f32 v13, v14;
	v13 =	vmax.f32 v15, v16;
	v14 =	vmax.f32 v17, v18  }
0x58: {  	v11 =	vmax.f32 v11, v12;
	v12 =	vmax.f32 v13, v14  }
0x59: {  	s13 =	sshra.s32 s2, $0x2;
	s2 =	smov.u32 s8;
	v11 =	vmax.f32 v11, v12  }
0x5a: {  	s6 =	sadd.s32 $0x80, s6;
	[tilespmem:s13+$0x18800] =	vst v11  }
0x5b: {  	v11 =	vld [tilespmem:s6+$0x0]  }
0x5c: {  	v12 =	vld [tilespmem:s6+$0xFFFFFFC0]  }
0x5d: {  	v13 =	vld [tilespmem:s6+$0xFFFFFFD0]  }
.Ltmp3:
0x5e: {  	v14 =	vld [tilespmem:s6+$0x10];
	(pc) =	sbr.rel @p1 .LBB2_4-.Ltmp3, $4  }
0x5f: {  	v15 =	vld [tilespmem:s6+$0xFFFFFFE0]  }
0x60: {  	v16 =	vld [tilespmem:s6+$0x20]  }
0x61: {  	v17 =	vld [tilespmem:s6+$0xFFFFFFF0]  }
0x62: {  	s8 =	sadd.s32 $0x40, s8;
	v18 =	vld [tilespmem:s6+$0x30]  }
0x63: {  	_ =	sdelay $0x2  }
0x64: {  	v11 =	vmax.f32 v12, v11  }
0x65: {  	v12 =	vmax.f32 v13, v14;
	v13 =	vmax.f32 v15, v16;
	v14 =	vmax.f32 v17, v18  }
0x66: {  	v11 =	vmax.f32 v11, v12;
	v12 =	vmax.f32 v13, v14  }
0x67: {  	s2 =	sshra.s32 s2, $0x2;
	v11 =	vmax.f32 v11, v12  }
0x68: {  	[tilespmem:s2+$0x18800] =	vst v11  }
0x69: {  	s20 =	sor.u32 s10, s7;
	_ =	swait.ge [sflag:s31], $0x6100  }
0x6a: {  	s2 =	sshrl.u32 s20, $0x3;
	[sflag:s31] =	ssyncset.done $0x0  }
0x6b: {  	s22 =	simm.s32 $0x0;
	s2 =	sadd.s32 s3, s2;
	[sflag:s31] =	ssyncadd.s32 $0xFFFF9F00  }
0x6c: {  	[hbm4b:s2+s23] =	stream.strided.scatter [tilespmem:s25], [sflag:$0x2], $0x6100, s24, s23, $0x38;
	[tilespmem:$0x1BE80] =	vst v63  }
0x6d: {  	v11 =	vld [tilespmem:s22+$0x6140]  }
0x6e: {  	v12 =	vld [tilespmem:s22+$0x6100]  }
0x6f: {  	v13 =	vld [tilespmem:s22+$0x6110]  }
0x70: {  	v14 =	vld [tilespmem:s22+$0x6150]  }
0x71: {  	v15 =	vld [tilespmem:s22+$0x6120]  }
0x72: {  	v16 =	vld [tilespmem:s22+$0x6160]  }
0x73: {  	v17 =	vld [tilespmem:s22+$0x6130]  }
0x74: {  	v18 =	vld [tilespmem:s22+$0x6170];
	_ =	sdelay $0x3  }
0x75: {  	v11 =	vmax.f32 v12, v11  }
0x76: {  	v12 =	vmax.f32 v13, v14;
	v13 =	vmax.f32 v15, v16;
	v14 =	vmax.f32 v17, v18  }
0x77: {  	v11 =	vmax.f32 v11, v12;
	v12 =	vmax.f32 v13, v14  }
0x78: {  	s2 =	simm.s32 $0x19420;
	v11 =	vmax.f32 v11, v12  }
0x79: {  	s8 =	simm.s32 $0x80;
	[tilespmem:s2+$0x0] =	vst v11  }
0x7a: {  	v11 =	vld [tilespmem:s8+$0x6140]  }
0x7b: {  	v12 =	vld [tilespmem:s8+$0x6100]  }
0x7c: {  	v13 =	vld [tilespmem:s8+$0x6110]  }
0x7d: {  	v14 =	vld [tilespmem:s8+$0x6150]  }
0x7e: {  	v15 =	vld [tilespmem:s8+$0x6120]  }
0x7f: {  	v16 =	vld [tilespmem:s8+$0x6160]  }
0x80: {  	s6 =	simm.s32 $0x400;
	v17 =	vld [tilespmem:s8+$0x6130]  }
.LBB2_6:
0x81: {  	p1 =	seq.s32 s6, $0x18200;
	v18 =	vld [tilespmem:s8+$0x6170];
	_ =	sdelay $0x3  }
0x82: {  	v11 =	vmax.f32 v12, v11  }
0x83: {  	v12 =	vmax.f32 v13, v14;
	v13 =	vmax.f32 v15, v16;
	v14 =	vmax.f32 v17, v18  }
0x84: {  	v11 =	vmax.f32 v11, v12;
	v12 =	vmax.f32 v13, v14  }
0x85: {  	s2 =	sadd.s32 $0x10, s2;
	v11 =	vmax.f32 v11, v12  }
0x86: {  	s8 =	sshra.s32 s6, $0x2;
	[tilespmem:s2+$0x0] =	vst v11  }
0x87: {  	v11 =	vld [tilespmem:s8+$0x6140]  }
0x88: {  	v12 =	vld [tilespmem:s8+$0x6100]  }
.Ltmp4:
0x89: {  	v13 =	vld [tilespmem:s8+$0x6110];
	(pc) =	sbr.rel @!p1 .LBB2_6-.Ltmp4, $4  }
0x8a: {  	v14 =	vld [tilespmem:s8+$0x6150]  }
0x8b: {  	v15 =	vld [tilespmem:s8+$0x6120]  }
0x8c: {  	v16 =	vld [tilespmem:s8+$0x6160]  }
0x8d: {  	s6 =	sadd.s32 $0x200, s6;
	v17 =	vld [tilespmem:s8+$0x6130]  }
0x8e: {  	v18 =	vld [tilespmem:s8+$0x6170];
	_ =	sdelay $0x3  }
.Ltmp5:
0x8f: {  	v11 =	vmax.f32 v12, v11;
	(pc) =	sbr.rel .LBB2_9-.Ltmp5, $4  }
0x90: {  	v60 =	vmax.f32 v13, v14;
	v61 =	vmax.f32 v15, v16;
	v62 =	vmax.f32 v17, v18  }
0x91: {  	v11 =	vmax.f32 v11, v60;
	v63 =	vmax.f32 v61, v62  }
0x92: {  	s2 =	sadd.s32 $0x10, s2;
	v11 =	vmax.f32 v11, v63  }
0x93: {  	[tilespmem:s2+$0x0] =	vst v11  }
.LBB2_8:
0x94: {  	_ =	swait.ge [sflag:s31], $0x6100;
	s2 =	sor.u32 s10, s7  }
0x95: {  	[sflag:s31] =	ssyncset.done $0x0;
	s2 =	sshrl.u32 s2, $0x3  }
0x96: {  	[sflag:s31] =	ssyncadd.s32 $0xFFFF9F00;
	s2 =	sadd.s32 s3, s2  }
0x97: {  	[hbm4b:s2+s23] =	stream.strided.scatter [tilespmem:s25], [sflag:$0x2], $0x6100, s24, s23, $0x38;
	[tilespmem:$0x1BE80] =	vst v63  }
.LBB2_9:
.Ltmp6:
0x98: {  	(pc) =	sbr.rel @p0 .LBB2_15-.Ltmp6, $4  }
0x99: {  	_ =	swait.ge [sflag:s31], $0x6100;
	s2 =	sor.u32 s11, s7  }
0x9a: {  	[sflag:s31] =	ssyncset.done $0x0;
	s2 =	sshrl.u32 s2, $0x3  }
0x9b: {  	[sflag:s31] =	ssyncadd.s32 $0xFFFF9F00;
	s2 =	sadd.s32 s3, s2  }
0x9c: {  	[hbm4b:s2+s23] =	stream.strided.scatter [tilespmem:s26], [sflag:$0x2], $0x6100, s24, s23, $0x38;
	[tilespmem:$0x1BE80] =	vst v63  }
0x9d: {  	s2 =	simm.s32 $0x0  }
0x9e: {  	v11 =	vld [tilespmem:s2+$0xC240]  }
0x9f: {  	v12 =	vld [tilespmem:s2+$0xC200]  }
0xa0: {  	v13 =	vld [tilespmem:s2+$0xC210]  }
0xa1: {  	v14 =	vld [tilespmem:s2+$0xC250]  }
0xa2: {  	v15 =	vld [tilespmem:s2+$0xC220]  }
0xa3: {  	v16 =	vld [tilespmem:s2+$0xC260]  }
0xa4: {  	v17 =	vld [tilespmem:s2+$0xC230]  }
0xa5: {  	v18 =	vld [tilespmem:s2+$0xC270];
	_ =	sdelay $0x3  }
0xa6: {  	v11 =	vmax.f32 v12, v11  }
0xa7: {  	v12 =	vmax.f32 v13, v14;
	v13 =	vmax.f32 v15, v16;
	v14 =	vmax.f32 v17, v18  }
0xa8: {  	v11 =	vmax.f32 v11, v12;
	v12 =	vmax.f32 v13, v14  }
0xa9: {  	s2 =	simm.s32 $0x1A040;
	v11 =	vmax.f32 v11, v12  }
0xaa: {  	s8 =	simm.s32 $0x80;
	[tilespmem:s2+$0x0] =	vst v11  }
0xab: {  	v11 =	vld [tilespmem:s8+$0xC240]  }
0xac: {  	v12 =	vld [tilespmem:s8+$0xC200]  }
0xad: {  	v13 =	vld [tilespmem:s8+$0xC210]  }
0xae: {  	v14 =	vld [tilespmem:s8+$0xC250]  }
0xaf: {  	v15 =	vld [tilespmem:s8+$0xC220]  }
0xb0: {  	v16 =	vld [tilespmem:s8+$0xC260]  }
0xb1: {  	s6 =	simm.s32 $0x400;
	v17 =	vld [tilespmem:s8+$0xC230]  }
.LBB2_11:
0xb2: {  	p1 =	sne.s32 s6, $0x18200;
	v18 =	vld [tilespmem:s8+$0xC270];
	_ =	sdelay $0x3  }
0xb3: {  	v11 =	vmax.f32 v12, v11  }
0xb4: {  	v12 =	vmax.f32 v13, v14;
	v13 =	vmax.f32 v15, v16;
	v14 =	vmax.f32 v17, v18  }
0xb5: {  	v11 =	vmax.f32 v11, v12;
	v12 =	vmax.f32 v13, v14  }
0xb6: {  	s2 =	sadd.s32 $0x10, s2;
	v11 =	vmax.f32 v11, v12  }
0xb7: {  	s8 =	sshra.s32 s6, $0x2;
	[tilespmem:s2+$0x0] =	vst v11  }
0xb8: {  	v11 =	vld [tilespmem:s8+$0xC240]  }
0xb9: {  	v12 =	vld [tilespmem:s8+$0xC200]  }
.Ltmp7:
0xba: {  	v13 =	vld [tilespmem:s8+$0xC210];
	(pc) =	sbr.rel @p1 .LBB2_11-.Ltmp7, $4  }
0xbb: {  	v14 =	vld [tilespmem:s8+$0xC250]  }
0xbc: {  	v15 =	vld [tilespmem:s8+$0xC220]  }
0xbd: {  	v16 =	vld [tilespmem:s8+$0xC260]  }
0xbe: {  	s6 =	sadd.s32 $0x200, s6;
	v17 =	vld [tilespmem:s8+$0xC230]  }
0xbf: {  	v18 =	vld [tilespmem:s8+$0xC270];
	_ =	sdelay $0x3  }
0xc0: {  	v11 =	vmax.f32 v12, v11  }
0xc1: {  	v12 =	vmax.f32 v13, v14;
	v13 =	vmax.f32 v15, v16;
	v14 =	vmax.f32 v17, v18  }
0xc2: {  	v11 =	vmax.f32 v11, v12;
	v12 =	vmax.f32 v13, v14  }
0xc3: {  	s2 =	sadd.s32 $0x10, s2;
	v11 =	vmax.f32 v11, v12  }
0xc4: {  	[tilespmem:s2+$0x0] =	vst v11  }
0xc5: {  	s20 =	sor.u32 s12, s7;
	_ =	swait.ge [sflag:s31], $0x6100  }
0xc6: {  	s2 =	sshrl.u32 s20, $0x3;
	[sflag:s31] =	ssyncset.done $0x0  }
0xc7: {  	s22 =	simm.s32 $0x0;
	s2 =	sadd.s32 s3, s2;
	[sflag:s31] =	ssyncadd.s32 $0xFFFF9F00  }
0xc8: {  	[hbm4b:s2+s23] =	stream.strided.scatter [tilespmem:s28], [sflag:$0x2], $0x6100, s24, s23, $0x38;
	[tilespmem:$0x1BE80] =	vst v63  }
0xc9: {  	v11 =	vld [tilespmem:s22+$0x12340]  }
0xca: {  	v12 =	vld [tilespmem:s22+$0x12300]  }
0xcb: {  	v13 =	vld [tilespmem:s22+$0x12310]  }
0xcc: {  	v14 =	vld [tilespmem:s22+$0x12350]  }
0xcd: {  	v15 =	vld [tilespmem:s22+$0x12320]  }
0xce: {  	v16 =	vld [tilespmem:s22+$0x12360]  }
0xcf: {  	v17 =	vld [tilespmem:s22+$0x12330]  }
0xd0: {  	v18 =	vld [tilespmem:s22+$0x12370];
	_ =	sdelay $0x3  }
0xd1: {  	v11 =	vmax.f32 v12, v11  }
0xd2: {  	v12 =	vmax.f32 v13, v14;
	v13 =	vmax.f32 v15, v16;
	v14 =	vmax.f32 v17, v18  }
0xd3: {  	v11 =	vmax.f32 v11, v12;
	v12 =	vmax.f32 v13, v14  }
0xd4: {  	s2 =	simm.s32 $0x1AC60;
	v11 =	vmax.f32 v11, v12  }
0xd5: {  	s8 =	simm.s32 $0x80;
	[tilespmem:s2+$0x0] =	vst v11  }
0xd6: {  	v11 =	vld [tilespmem:s8+$0x12340]  }
0xd7: {  	v12 =	vld [tilespmem:s8+$0x12300]  }
0xd8: {  	v13 =	vld [tilespmem:s8+$0x12310]  }
0xd9: {  	v14 =	vld [tilespmem:s8+$0x12350]  }
0xda: {  	v15 =	vld [tilespmem:s8+$0x12320]  }
0xdb: {  	v16 =	vld [tilespmem:s8+$0x12360]  }
0xdc: {  	s6 =	simm.s32 $0x400;
	v17 =	vld [tilespmem:s8+$0x12330]  }
.LBB2_13:
0xdd: {  	p1 =	seq.s32 s6, $0x18200;
	v18 =	vld [tilespmem:s8+$0x12370];
	_ =	sdelay $0x3  }
0xde: {  	v11 =	vmax.f32 v12, v11  }
0xdf: {  	v12 =	vmax.f32 v13, v14;
	v13 =	vmax.f32 v15, v16;
	v14 =	vmax.f32 v17, v18  }
0xe0: {  	v11 =	vmax.f32 v11, v12;
	v12 =	vmax.f32 v13, v14  }
0xe1: {  	s2 =	sadd.s32 $0x10, s2;
	v11 =	vmax.f32 v11, v12  }
0xe2: {  	s8 =	sshra.s32 s6, $0x2;
	[tilespmem:s2+$0x0] =	vst v11  }
0xe3: {  	v11 =	vld [tilespmem:s8+$0x12340]  }
0xe4: {  	v12 =	vld [tilespmem:s8+$0x12300]  }
.Ltmp8:
0xe5: {  	v13 =	vld [tilespmem:s8+$0x12310];
	(pc) =	sbr.rel @!p1 .LBB2_13-.Ltmp8, $4  }
0xe6: {  	v14 =	vld [tilespmem:s8+$0x12350]  }
0xe7: {  	v15 =	vld [tilespmem:s8+$0x12320]  }
0xe8: {  	v16 =	vld [tilespmem:s8+$0x12360]  }
0xe9: {  	s6 =	sadd.s32 $0x200, s6;
	v17 =	vld [tilespmem:s8+$0x12330]  }
0xea: {  	v18 =	vld [tilespmem:s8+$0x12370];
	_ =	sdelay $0x3  }
.Ltmp9:
0xeb: {  	v11 =	vmax.f32 v12, v11;
	(pc) =	sbr.rel .LBB2_16-.Ltmp9, $4  }
0xec: {  	v60 =	vmax.f32 v13, v14;
	v61 =	vmax.f32 v15, v16;
	v62 =	vmax.f32 v17, v18  }
0xed: {  	v11 =	vmax.f32 v11, v60;
	v63 =	vmax.f32 v61, v62  }
0xee: {  	s2 =	sadd.s32 $0x10, s2;
	v11 =	vmax.f32 v11, v63  }
0xef: {  	[tilespmem:s2+$0x0] =	vst v11  }
.LBB2_15:
0xf0: {  	_ =	swait.ge [sflag:s31], $0x6100;
	s2 =	sor.u32 s12, s7  }
0xf1: {  	[sflag:s31] =	ssyncset.done $0x0;
	s2 =	sshrl.u32 s2, $0x3  }
0xf2: {  	[sflag:s31] =	ssyncadd.s32 $0xFFFF9F00;
	s2 =	sadd.s32 s3, s2  }
0xf3: {  	[hbm4b:s2+s23] =	stream.strided.scatter [tilespmem:s28], [sflag:$0x2], $0x6100, s24, s23, $0x38;
	[tilespmem:$0x1BE80] =	vst v63  }
.LBB2_16:
.Ltmp10:
0xf4: {  	(pc) =	sbr.rel @p0 .LBB2_18-.Ltmp10, $4  }
0xf5: {  	_ =	swait.ge [sflag:s31], $0x280;
	s2 =	sor.u32 s16, s7  }
0xf6: {  	[sflag:s31] =	ssyncset.done $0x0;
	s2 =	sshrl.u32 s2, $0x3  }
0xf7: {  	[sflag:s31] =	ssyncadd.s32 $0xFFFFFD80;
	s2 =	sadd.s32 s3, s2  }
0xf8: {  	[hbm4b:s2+s23] =	stream.strided.scatter [tilespmem:s29], [sflag:$0x2], $0x280, s24, s23, $0x38;
	[tilespmem:$0x1BE80] =	vst v63  }
0xf9: {  	v11 =	vld [tilespmem:$0x18400]  }
0xfa: {  	v12 =	vld [tilespmem:$0x18410]  }
0xfb: {  	v13 =	vld [tilespmem:$0x18420]  }
0xfc: {  	v14 =	vld [tilespmem:$0x18430]  }
0xfd: {  	v15 =	vld [tilespmem:$0x18440]  }
0xfe: {  	v16 =	vld [tilespmem:$0x18450]  }
0xff: {  	v17 =	vld [tilespmem:$0x18460]  }
0x100: {  	v18 =	vld [tilespmem:$0x18470]  }
0x101: {  	v19 =	vld [tilespmem:$0x18480]  }
0x102: {  	v20 =	vld [tilespmem:$0x18490]  }
0x103: {  	v21 =	vld [tilespmem:$0x184A0]  }
0x104: {  	v22 =	vld [tilespmem:$0x184B0]  }
0x105: {  	v23 =	vld [tilespmem:$0x184C0]  }
0x106: {  	v24 =	vld [tilespmem:$0x184D0]  }
0x107: {  	v25 =	vld [tilespmem:$0x184E0]  }
0x108: {  	v26 =	vld [tilespmem:$0x184F0]  }
0x109: {  	v27 =	vld [tilespmem:$0x18500]  }
0x10a: {  	v28 =	vld [tilespmem:$0x18510]  }
0x10b: {  	v29 =	vld [tilespmem:$0x18520]  }
0x10c: {  	v30 =	vld [tilespmem:$0x18530]  }
0x10d: {  	v31 =	vld [tilespmem:$0x18540]  }
0x10e: {  	v32 =	vld [tilespmem:$0x18550]  }
0x10f: {  	v33 =	vld [tilespmem:$0x18560]  }
0x110: {  	v34 =	vld [tilespmem:$0x18570]  }
0x111: {  	v35 =	vld [tilespmem:$0x18580]  }
0x112: {  	v36 =	vld [tilespmem:$0x18590]  }
0x113: {  	v37 =	vld [tilespmem:$0x185A0]  }
0x114: {  	v38 =	vld [tilespmem:$0x185B0]  }
0x115: {  	v39 =	vld [tilespmem:$0x185C0]  }
0x116: {  	v40 =	vld [tilespmem:$0x185D0]  }
0x117: {  	v41 =	vld [tilespmem:$0x185E0]  }
0x118: {  	v42 =	vld [tilespmem:$0x185F0]  }
0x119: {  	v62 =	vld [tilespmem:$0x18610]  }
0x11a: {  	v63 =	vld [tilespmem:$0x18620]  }
0x11b: {  	v48 =	vld [tilespmem:$0x18650];
	v11 =	vmax.f32 v11, v15  }
0x11c: {  	v51 =	vld [tilespmem:$0x18660];
	v12 =	vmax.f32 v12, v16;
	v13 =	vmax.f32 v13, v17;
	v14 =	vmax.f32 v14, v18  }
0x11d: {  	v43 =	vld [tilespmem:$0x18600];
	v45 =	vmax.f32 v19, v23;
	v46 =	vmax.f32 v20, v24;
	v47 =	vmax.f32 v21, v25  }
0x11e: {  	v44 =	vld [tilespmem:$0x18640];
	v49 =	vmax.f32 v22, v26;
	v50 =	vmax.f32 v27, v31;
	v52 =	vmax.f32 v28, v32  }
0x11f: {  	v55 =	vld [tilespmem:$0x18670];
	v53 =	vmax.f32 v29, v33;
	v54 =	vmax.f32 v30, v34;
	v57 =	vmax.f32 v35, v39  }
0x120: {  	v58 =	vmax.f32 v36, v40;
	v59 =	vmax.f32 v37, v41;
	v18 =	vmax.f32 v13, v14;
	v13 =	vld [tilespmem:$0x18630]  }
0x121: {  	v60 =	vmax.f32 v38, v42;
	v62 =	vmax.f32 v62, v48;
	v63 =	vmax.f32 v63, v51  }
0x122: {  	v11 =	vmax.f32 v11, v12;
	v14 =	vmax.f32 v45, v46;
	v17 =	vmax.f32 v50, v52  }
0x123: {  	v56 =	vmax.f32 v53, v54;
	v61 =	vmax.f32 v59, v60;
	v11 =	vmax.f32 v11, v18  }
0x124: {  	v12 =	vmax.f32 v43, v44;
	v18 =	vmax.f32 v47, v49;
	v17 =	vmax.f32 v17, v56;
	[tilespmem:$0x1B880] =	vst v11  }
0x125: {  	v14 =	vmax.f32 v14, v18;
	v11 =	vmax.f32 v57, v58;
	[tilespmem:$0x1B8A0] =	vst v17;
	v13 =	vmax.f32 v13, v55  }
0x126: {  	v12 =	vmax.f32 v12, v62;
	[tilespmem:$0x1B890] =	vst v14;
	v11 =	vmax.f32 v11, v61;
	v13 =	vmax.f32 v63, v13  }
0x127: {  	[tilespmem:$0x1B8B0] =	vst v11;
	v11 =	vmax.f32 v12, v13  }
0x128: {  	[tilespmem:$0x1B8C0] =	vst v11  }
.LBB2_18:
.Ltmp11:
0x129: {  	s2 =	rddreg [dreg:$0x7];
	(pc) =	sbr.rel @p0 .LBB2_32-.Ltmp11, $4  }
0x12a: {  	_ =	swait.ge [sflag:s31], $0x20;
	s13 =	sadd.s32 s2, s21  }
0x12b: {  	[sflag:s31] =	ssyncset.done $0x0;
	s6 =	rddreg [dreg:$0x6];
	s2 =	sshll.u32 s13, $0x2  }
0x12c: {  	[sflag:s31] =	ssyncadd.s32 $0xFFFFFFE0;
	s14 =	sadd.s32 s6, s2  }
0x12d: {  	[hbm4b:s14+s4] =	stream.linear.scatter [tilespmem:s30], [sflag:$0x2], $0x20, $0x38;
	[tilespmem:$0x1BE80] =	vst v63  }
0x12e: {  	v11 =	vld [tilespmem:$0x18680]  }
0x12f: {  	v12 =	vld [tilespmem:$0x18690]  }
0x130: {  	v13 =	vld [tilespmem:$0x186A0]  }
0x131: {  	v14 =	vld [tilespmem:$0x186B0]  }
0x132: {  	v15 =	vld [tilespmem:$0x186C0]  }
0x133: {  	v16 =	vld [tilespmem:$0x186D0]  }
0x134: {  	v17 =	vld [tilespmem:$0x186E0]  }
0x135: {  	v18 =	vld [tilespmem:$0x186F0];
	_ =	sdelay $0x3  }
0x136: {  	v11 =	vmax.f32 v11, v15  }
0x137: {  	v12 =	vmax.f32 v12, v16;
	v13 =	vmax.f32 v13, v17;
	v14 =	vmax.f32 v14, v18  }
0x138: {  	v11 =	vmax.f32 v11, v12;
	v12 =	vmax.f32 v13, v14  }
0x139: {  	v11 =	vmax.f32 v11, v12  }
0x13a: {  	s15 =	simm.s32 $0x18880;
	[tilespmem:$0x1B8D0] =	vst v11  }
0x13b: {  	v11 =	vld [tilespmem:s15+$0xFFFFFF90]  }
0x13c: {  	v12 =	vld [tilespmem:s15+$0xFFFFFF80]  }
0x13d: {  	v18 =	vld [tilespmem:s15+$0xFFFFFFA0]  }
0x13e: {  	v19 =	vld [tilespmem:s15+$0xFFFFFFB0]  }
0x13f: {  	v22 =	vld [tilespmem:s15+$0xFFFFFFC0]  }
0x140: {  	v28 =	vld [tilespmem:s15+$0xFFFFFFD0]  }
0x141: {  	v24 =	vld [tilespmem:s15+$0xFFFFFFE0]  }
0x142: {  	v17 =	vld [tilespmem:s15+$0xFFFFFFF0]  }
0x143: {  	v13 =	vld [tilespmem:s15+$0x0]  }
0x144: {  	v15 =	vld [tilespmem:s15+$0x10];
	_ =	sdelay $0x1  }
0x145: {  	v21 =	vimm.f32 $-Inf;
	v23 =	vmax.f32 v18, v19  }
0x146: {  	v25 =	vmax.f32 v22, v28;
	v26 =	vmin.f32 v21, v12;
	v27 =	vmax.f32 v21, v12  }
0x147: {  	v16 =	vld [tilespmem:s15+$0x30];
	v12 =	vmax.f32 v12, v11;
	v20 =	vmin.f32 v21, v11;
	v29 =	vmax.f32 v24, v17  }
0x148: {  	v14 =	vld [tilespmem:s15+$0x20];
	v30 =	vmax.f32 v21, v11;
	v32 =	vmax.f32 v13, v15;
	v11 =	vmax.f32 v12, v23  }
0x149: {  	v20 =	vmax.f32 v21, v20;
	v31 =	vmax.f32 v27, v18;
	v12 =	vmax.f32 v11, v25;
	v11 =	vld [tilespmem:s15+$0x70]  }
0x14a: {  	v26 =	vmax.f32 v21, v26;
	v18 =	vmin.f32 v27, v18;
	v27 =	vmax.f32 v12, v29;
	v12 =	vld [tilespmem:s15+$0x50]  }
0x14b: {  	v23 =	vmin.f32 v30, v19;
	v25 =	vmax.f32 v31, v22;
	v29 =	vmax.f32 v30, v19;
	v19 =	vld [tilespmem:s15+$0x40]  }
0x14c: {  	v21 =	vmin.f32 v25, v24;
	v24 =	vmax.f32 v25, v24;
	v25 =	vmax.f32 v26, v18;
	v18 =	vld [tilespmem:s15+$0x60]  }
0x14d: {  	v30 =	vmax.f32 v14, v16;
	v26 =	vmax.f32 v29, v28;
	v32 =	vmax.f32 v27, v32  }
0x14e: {  	s17 =	simm.s32 $0x0;
	s2 =	simm.s32 $0x40;
	v27 =	vmin.f32 v31, v22;
	v22 =	vmin.f32 v29, v28;
	v28 =	vmax.f32 v32, v30  }
.LBB2_20:
0x14f: {  	p1 =	sne.s32 s2, $0xC00  }
0x150: {  	v29 =	vmin.f32 v26, v17;
	v30 =	vmin.f32 v24, v13;
	v31 =	vmax.f32 v19, v12;
	s15 =	sadd.s32 $0x100, s15;
	s6 =	smov.u32 s2;
	s2 =	sadd.s32 $0x40, s2  }
0x151: {  	v17 =	vmax.f32 v26, v17;
	v26 =	vmax.f32 v28, v31;
	v28 =	vmax.f32 v18, v11  }
0x152: {  	v25 =	vmax.f32 v25, v27;
	s8 =	sshra.s32 s17, $0x2;
	v27 =	vmin.f32 v17, v15;
	s17 =	smov.u32 s6;
	v26 =	vmax.f32 v26, v28  }
0x153: {  	v20 =	vmax.f32 v20, v23;
	v13 =	vmax.f32 v24, v13;
	v15 =	vmax.f32 v17, v15;
	[tilespmem:s8+$0x1B900] =	vst v26  }
0x154: {  	v17 =	vmax.f32 v25, v21;
	v21 =	vmin.f32 v15, v16;
	v15 =	vmax.f32 v15, v16;
	v23 =	vld [tilespmem:s15+$0xFFFFFF90]  }
0x155: {  	v16 =	vmax.f32 v17, v30;
	v17 =	vmin.f32 v13, v14;
	v25 =	vmax.f32 v15, v12;
	v24 =	vld [tilespmem:s15+$0xFFFFFF80]  }
0x156: {  	v13 =	vmax.f32 v13, v14;
	v16 =	vmax.f32 v16, v17;
	v28 =	vmax.f32 v25, v11;
	v26 =	vld [tilespmem:s15+$0xFFFFFFA0]  }
0x157: {  	v14 =	vmax.f32 v20, v22;
	v17 =	vmin.f32 v13, v19;
	v13 =	vmax.f32 v13, v19;
	v30 =	vld [tilespmem:s15+$0xFFFFFFB0]  }
0x158: {  	v14 =	vmax.f32 v14, v29;
	v16 =	vmax.f32 v16, v17;
	v17 =	vmin.f32 v13, v18;
	v22 =	vld [tilespmem:s15+$0xFFFFFFC0]  }
0x159: {  	v14 =	vmax.f32 v14, v27;
	v19 =	vmax.f32 v16, v17;
	v16 =	vmax.f32 v13, v18;
	v29 =	vld [tilespmem:s15+$0xFFFFFFD0]  }
0x15a: {  	v12 =	vmin.f32 v15, v12;
	v13 =	vmax.f32 v14, v21;
	v27 =	vld [tilespmem:s15+$0xFFFFFFE0]  }
0x15b: {  	v11 =	vmin.f32 v25, v11;
	v12 =	vmax.f32 v13, v12;
	v17 =	vld [tilespmem:s15+$0xFFFFFFF0]  }
0x15c: {  	v11 =	vmax.f32 v12, v11;
	v13 =	vld [tilespmem:s15+$0x0]  }
0x15d: {  	v15 =	vld [tilespmem:s15+$0x10]  }
0x15e: {  	v12 =	vmax.f32 v26, v30;
	v18 =	vmax.f32 v22, v29  }
0x15f: {  	v21 =	vmin.f32 v16, v24;
	v25 =	vmax.f32 v16, v24;
	v16 =	vld [tilespmem:s15+$0x30]  }
0x160: {  	v20 =	vmin.f32 v28, v23;
	v24 =	vmax.f32 v24, v23;
	v31 =	vmax.f32 v27, v17;
	v14 =	vld [tilespmem:s15+$0x20]  }
0x161: {  	v28 =	vmax.f32 v28, v23;
	v20 =	vmax.f32 v11, v20;
	v32 =	vmax.f32 v25, v26;
	v11 =	vld [tilespmem:s15+$0x70]  }
0x162: {  	v33 =	vmax.f32 v19, v21;
	v19 =	vmax.f32 v24, v12;
	v34 =	vmax.f32 v13, v15;
	v12 =	vld [tilespmem:s15+$0x50]  }
.Ltmp12:
0x163: {  	v25 =	vmin.f32 v25, v26;
	v24 =	vmax.f32 v32, v22;
	v18 =	vmax.f32 v19, v18;
	v19 =	vld [tilespmem:s15+$0x40];
	(pc) =	sbr.rel @p1 .LBB2_20-.Ltmp12, $4  }
0x164: {  	v23 =	vmin.f32 v28, v30;
	v21 =	vmin.f32 v24, v27;
	v31 =	vmax.f32 v18, v31;
	v18 =	vld [tilespmem:s15+$0x60]  }
0x165: {  	v28 =	vmax.f32 v28, v30;
	v24 =	vmax.f32 v24, v27;
	v30 =	vmax.f32 v14, v16  }
0x166: {  	v25 =	vmax.f32 v33, v25;
	v26 =	vmax.f32 v28, v29;
	v31 =	vmax.f32 v31, v34  }
0x167: {  	v27 =	vmin.f32 v32, v22;
	v22 =	vmin.f32 v28, v29;
	v28 =	vmax.f32 v31, v30  }
0x168: {  	v29 =	vmin.f32 v26, v17;
	v30 =	vmin.f32 v24, v13;
	v31 =	vmax.f32 v19, v12  }
0x169: {  	v52 =	vmax.f32 v26, v17;
	v25 =	vmax.f32 v25, v27;
	v20 =	vmax.f32 v20, v23  }
0x16a: {  	v13 =	vmax.f32 v24, v13;
	v53 =	vmax.f32 v28, v31;
	v54 =	vmin.f32 v52, v15  }
0x16b: {  	v15 =	vmax.f32 v52, v15;
	v55 =	vmax.f32 v25, v21;
	v58 =	vmin.f32 v13, v14  }
0x16c: {  	v60 =	vmax.f32 v20, v22;
	v13 =	vmax.f32 v13, v14;
	v56 =	vmin.f32 v15, v16  }
0x16d: {  	v15 =	vmax.f32 v15, v16;
	v57 =	vmax.f32 v55, v30;
	v17 =	vmax.f32 v60, v29  }
0x16e: {  	v61 =	vmin.f32 v13, v19;
	v13 =	vmax.f32 v13, v19;
	v59 =	vmax.f32 v15, v12  }
0x16f: {  	v16 =	vmax.f32 v57, v58;
	v17 =	vmax.f32 v17, v54;
	v12 =	vmin.f32 v15, v12  }
0x170: {  	v15 =	vmin.f32 v13, v18;
	v13 =	vmax.f32 v13, v18;
	v17 =	vmax.f32 v17, v56  }
0x171: {  	v16 =	vmax.f32 v16, v61;
	v62 =	vmin.f32 v59, v11;
	v12 =	vmax.f32 v17, v12  }
0x172: {  	v14 =	vmax.f32 v59, v11;
	v15 =	vmax.f32 v16, v15;
	v12 =	vmax.f32 v12, v62  }
0x173: {  	v11 =	vmax.f32 v18, v11;
	v63 =	vmin.f32 v13, v14;
	v12 =	vmax.f32 v15, v12  }
0x174: {  	s2 =	sshra.s32 s17, $0x2;
	v15 =	vmax.f32 v53, v11;
	v11 =	vmax.f32 v13, v14;
	v12 =	vmax.f32 v63, v12  }
0x175: {  	[tilespmem:s2+$0x1B900] =	vst v15;
	s2 =	simm.s32 $0x13;
	v13 =	vmax.f32 v11, v12  }
.LBB2_22:
0x176: {  	p1 =	sne.s32 s2, $0x1;
	v14 =	vperm.xlane v13, v1;
	_ =	sdelay $0x1  }
0x177: {  	v13 =	vmax.f32 v13, v14  }
0x178: {  	v14 =	vperm.xlane v13, v2;
	_ =	sdelay $0x1  }
0x179: {  	v13 =	vmax.f32 v13, v14  }
0x17a: {  	v14 =	vperm.xlane v13, v4;
	_ =	sdelay $0x1  }
0x17b: {  	v13 =	vmax.f32 v13, v14  }
0x17c: {  	v14 =	vperm.xlane v13, v5  }
.Ltmp13:
0x17d: {  	(pc) =	sbr.rel @p1 .LBB2_22-.Ltmp13, $4  }
0x17e: {  	v13 =	vmax.f32 v13, v14  }
0x17f: {  	vm3 =	vge.f32 v11, v13;
	vm4 =	vge.f32 v12, v13  }
0x180: {  	v11 =	vsel vm3, $0xFF800000, v11;
	v12 =	vsel vm4, $0xFF800000, v12  }
0x181: {  	s2 =	sadd.s32 $0xFFFFFFFF, s2;
	v13 =	vmax.f32 v11, v12  }
0x182: {  	v11 =	vperm.xlane v13, v1;
	_ =	sdelay $0x1  }
0x183: {  	[tilespmem:$0x1BC80] =	vst v3;
	v11 =	vmax.f32 v13, v11  }
0x184: {  	[tilespmem:$0x1BD00] =	vst v6;
	v12 =	vperm.xlane v11, v2  }
0x185: {  	[tilespmem:$0x1BC90] =	vst v3  }
0x186: {  	[tilespmem:$0x1BD10] =	vst v6;
	v11 =	vmax.f32 v11, v12  }
0x187: {  	[tilespmem:$0x1BCA0] =	vst v3;
	v12 =	vperm.xlane v11, v4  }
.Ltmp14:
0x188: {  	[tilespmem:$0x1BD20] =	vst v6;
	(pc) =	sbr.rel .LBB2_24-.Ltmp14, $4  }
0x189: {  	[tilespmem:$0x1BCB0] =	vst v3;
	v11 =	vmax.f32 v11, v12  }
0x18a: {  	[tilespmem:$0x1BD30] =	vst v6;
	v12 =	vperm.xlane v11, v5  }
0x18b: {  	[tilespmem:$0x1BCC0] =	vst v3;
	s22 =	simm.s32 $0x18800;
	s17 =	simm.s32 $0x0  }
0x18c: {  	[tilespmem:$0x1BD40] =	vst v6;
	s20 =	simm.s32 $0x40;
	s8 =	simm.s32 $0x0;
	s19 =	simm.s32 $0x0;
	v11 =	vmax.f32 v11, v12  }
.LBB2_28:
0x18d: {  	s19 =	sadd.s32 $0x1, s19  }
0x18e: {  	p1 =	sne.s32 s19, $0x31  }
.Ltmp15:
0x18f: {  	_ = 	snop;
	(pc) =	sbr.rel @!p1 .LBB2_29-.Ltmp15, $2  }
0x190: {  	_ =	sdelay $0x2  }
0x191: {  	s22 =	sadd.s32 $0x100, s22;
	s17 =	sadd.s32 $0x800, s17;
	s20 =	sadd.s32 $0x800, s20  }
.LBB2_24:
0x192: {  	s2 =	sshll.u32 s19, $0x4  }
0x193: {  	v12 =	vld [tilespmem:s2+$0x1B900];
	_ =	sdelay $0x4  }
0x194: {  	vm3 =	vge.f32 v12, v11  }
0x195: {  	v12 =	vmpcnt.ones.xlane vm3;
	_ =	sdelay $0x1  }
0x196: {  	(v2sf) =	vpush v12, $0x0;
	_ =	sdelay $0xe  }
0x197: {  	s18 =	spop (v2sf)  }
0x198: {  	p1 =	slt.s32 s18, $0x1  }
.Ltmp16:
0x199: {  	_ = 	snop;
	(pc) =	sbr.rel @!p1 .LBB2_25-.Ltmp16, $4  }
.Ltmp17:
0x19a: {  	_ = 	snop;
	(pc) =	sbr.rel @p1 .LBB2_28-.Ltmp17, $4  }
0x19b: {  	_ = 	snop  }
0x19c: {  	_ = 	snop  }
0x19d: {  	s15 =	smov.u32 s22;
	s2 =	simm.s32 $0x0;
	s18 =	smov.u32 s20  }
0x19e: {  	_ = 	snop  }
.LBB2_27:
0x19f: {  	s2 =	sadd.s32 $0x80, s2  }
0x1a0: {  	p1 =	sne.s32 s2, $0x800  }
.Ltmp18:
0x1a1: {  	_ = 	snop;
	(pc) =	sbr.rel @!p1 .LBB2_28-.Ltmp18, $2  }
0x1a2: {  	_ =	sdelay $0x2  }
0x1a3: {  	s15 =	sadd.s32 $0x10, s15;
	s18 =	sadd.s32 $0x80, s18  }
.LBB2_25:
0x1a4: {  	v12 =	vld [tilespmem:s15+$0x0];
	_ =	sdelay $0x4  }
0x1a5: {  	vm3 =	vge.f32 v12, v11  }
0x1a6: {  	v12 =	vmpcnt.ones.xlane vm3;
	_ =	sdelay $0x1  }
0x1a7: {  	(v2sf) =	vpush v12, $0x0;
	_ =	sdelay $0xe  }
0x1a8: {  	s6 =	spop (v2sf)  }
0x1a9: {  	p1 =	slt.s32 s6, $0x1  }
.Ltmp19:
0x1aa: {  	_ = 	snop;
	(pc) =	sbr.rel @p1 .LBB2_27-.Ltmp19, $1  }
0x1ab: {  	_ =	sdelay $0x3  }
0x1ac: {  	v12 =	vld [tilespmem:s18+$0xFFFFFFC0];
	_ =	sdelay $0x3  }
0x1ad: {  	p1 =	slt.s32 s8, $0x40;
	vm3 =	vmmov vm2  }
0x1ae: {  	vm3 =	vmneg @p1 vm3;
	vm4 =	vge.f32 v12, v11  }
0x1af: {  	vm3 =	vmand vm3, vm4  }
0x1b0: {  	v13 =	vmpcnt.ones.xlane vm3;
	_ =	sdelay $0x1  }
0x1b1: {  	(v2sf) =	vpush v13, $0x0;
	_ =	sdelay $0x9  }
0x1b2: {  	s6 =	sadd.s32 s2, s17  }
0x1b3: {  	v49 =	vor.u32 s6, v0;
	[tilespmem:s8+$0x1BC80] =	vst.msk vm3, v12  }
0x1b4: {  	[tilespmem:s8+$0x1BD00] =	vst.msk vm3, v49  }
0x1b5: {  	v12 =	vld [tilespmem:s18+$0xFFFFFFD0];
	_ =	sdelay $0x1  }
0x1b6: {  	s9 =	spop (v2sf)  }
0x1b7: {  	s8 =	sadd.s32 s8, s9  }
0x1b8: {  	vm3 =	vmmov vm2;
	p1 =	slt.s32 s8, $0x40  }
0x1b9: {  	vm9 =	vge.f32 v12, v11;
	vm3 =	vmneg @p1 vm3  }
0x1ba: {  	vm3 =	vmand vm9, vm3  }
0x1bb: {  	v50 =	vmpcnt.ones.xlane vm3;
	_ =	sdelay $0x1  }
0x1bc: {  	(v2sf) =	vpush v50, $0x0;
	_ =	sdelay $0x9  }
0x1bd: {  	s9 =	sadd.s32 $0x10, s6  }
0x1be: {  	v51 =	vor.u32 s9, v0;
	[tilespmem:s8+$0x1BC80] =	vst.msk vm3, v12  }
0x1bf: {  	[tilespmem:s8+$0x1BD00] =	vst.msk vm3, v51  }
0x1c0: {  	v12 =	vld [tilespmem:s18+$0xFFFFFFE0];
	_ =	sdelay $0x1  }
0x1c1: {  	s9 =	spop (v2sf)  }
0x1c2: {  	s8 =	sadd.s32 s8, s9  }
0x1c3: {  	vm3 =	vmmov vm2;
	p1 =	slt.s32 s8, $0x40  }
0x1c4: {  	vm10 =	vge.f32 v12, v11;
	vm3 =	vmneg @p1 vm3  }
0x1c5: {  	vm3 =	vmand vm10, vm3  }
0x1c6: {  	v52 =	vmpcnt.ones.xlane vm3;
	_ =	sdelay $0x1  }
0x1c7: {  	(v2sf) =	vpush v52, $0x0;
	_ =	sdelay $0x9  }
0x1c8: {  	s9 =	sadd.s32 $0x20, s6  }
0x1c9: {  	v53 =	vor.u32 s9, v0;
	[tilespmem:s8+$0x1BC80] =	vst.msk vm3, v12  }
0x1ca: {  	[tilespmem:s8+$0x1BD00] =	vst.msk vm3, v53  }
0x1cb: {  	v12 =	vld [tilespmem:s18+$0xFFFFFFF0];
	_ =	sdelay $0x1  }
0x1cc: {  	s9 =	spop (v2sf)  }
0x1cd: {  	s8 =	sadd.s32 s8, s9  }
0x1ce: {  	vm3 =	vmmov vm2;
	p1 =	slt.s32 s8, $0x40  }
0x1cf: {  	vm11 =	vge.f32 v12, v11;
	vm3 =	vmneg @p1 vm3  }
0x1d0: {  	vm3 =	vmand vm11, vm3  }
0x1d1: {  	v54 =	vmpcnt.ones.xlane vm3;
	_ =	sdelay $0x1  }
0x1d2: {  	(v2sf) =	vpush v54, $0x0;
	_ =	sdelay $0x9  }
0x1d3: {  	s9 =	sadd.s32 $0x30, s6  }
0x1d4: {  	v55 =	vor.u32 s9, v0;
	[tilespmem:s8+$0x1BC80] =	vst.msk vm3, v12  }
0x1d5: {  	[tilespmem:s8+$0x1BD00] =	vst.msk vm3, v55  }
0x1d6: {  	v12 =	vld [tilespmem:s18+$0x0];
	_ =	sdelay $0x1  }
0x1d7: {  	s9 =	spop (v2sf)  }
0x1d8: {  	s8 =	sadd.s32 s8, s9  }
0x1d9: {  	vm3 =	vmmov vm2;
	p1 =	slt.s32 s8, $0x40  }
0x1da: {  	vm12 =	vge.f32 v12, v11;
	vm3 =	vmneg @p1 vm3  }
0x1db: {  	vm3 =	vmand vm12, vm3  }
0x1dc: {  	v56 =	vmpcnt.ones.xlane vm3;
	_ =	sdelay $0x1  }
0x1dd: {  	(v2sf) =	vpush v56, $0x0;
	_ =	sdelay $0x9  }
0x1de: {  	s9 =	sadd.s32 $0x40, s6  }
0x1df: {  	v57 =	vor.u32 s9, v0;
	[tilespmem:s8+$0x1BC80] =	vst.msk vm3, v12  }
0x1e0: {  	[tilespmem:s8+$0x1BD00] =	vst.msk vm3, v57  }
0x1e1: {  	v12 =	vld [tilespmem:s18+$0x10];
	_ =	sdelay $0x1  }
0x1e2: {  	s9 =	spop (v2sf)  }
0x1e3: {  	s8 =	sadd.s32 s8, s9  }
0x1e4: {  	vm3 =	vmmov vm2;
	p1 =	slt.s32 s8, $0x40  }
0x1e5: {  	vm13 =	vge.f32 v12, v11;
	vm3 =	vmneg @p1 vm3  }
0x1e6: {  	vm3 =	vmand vm13, vm3  }
0x1e7: {  	v58 =	vmpcnt.ones.xlane vm3;
	_ =	sdelay $0x1  }
0x1e8: {  	(v2sf) =	vpush v58, $0x0;
	_ =	sdelay $0x9  }
0x1e9: {  	s9 =	sadd.s32 $0x50, s6  }
0x1ea: {  	v59 =	vor.u32 s9, v0;
	[tilespmem:s8+$0x1BC80] =	vst.msk vm3, v12  }
0x1eb: {  	[tilespmem:s8+$0x1BD00] =	vst.msk vm3, v59  }
0x1ec: {  	v12 =	vld [tilespmem:s18+$0x20];
	_ =	sdelay $0x1  }
0x1ed: {  	s9 =	spop (v2sf)  }
0x1ee: {  	s8 =	sadd.s32 s8, s9  }
0x1ef: {  	vm3 =	vmmov vm2;
	p1 =	slt.s32 s8, $0x40  }
0x1f0: {  	vm14 =	vge.f32 v12, v11;
	vm3 =	vmneg @p1 vm3  }
0x1f1: {  	vm3 =	vmand vm14, vm3  }
0x1f2: {  	v60 =	vmpcnt.ones.xlane vm3;
	_ =	sdelay $0x1  }
0x1f3: {  	(v2sf) =	vpush v60, $0x0;
	_ =	sdelay $0x9  }
0x1f4: {  	s9 =	sadd.s32 $0x60, s6  }
0x1f5: {  	v61 =	vor.u32 s9, v0;
	[tilespmem:s8+$0x1BC80] =	vst.msk vm3, v12  }
0x1f6: {  	[tilespmem:s8+$0x1BD00] =	vst.msk vm3, v61  }
0x1f7: {  	v12 =	vld [tilespmem:s18+$0x30];
	_ =	sdelay $0x1  }
0x1f8: {  	s9 =	spop (v2sf)  }
0x1f9: {  	s8 =	sadd.s32 s8, s9  }
0x1fa: {  	vm3 =	vmmov vm2;
	p1 =	slt.s32 s8, $0x40  }
0x1fb: {  	vm15 =	vge.f32 v12, v11;
	vm3 =	vmneg @p1 vm3  }
0x1fc: {  	vm3 =	vmand vm15, vm3  }
0x1fd: {  	v62 =	vmpcnt.ones.xlane vm3;
	_ =	sdelay $0x1  }
0x1fe: {  	(v2sf) =	vpush v62, $0x0;
	_ =	sdelay $0xb  }
.Ltmp20:
0x1ff: {  	_ = 	snop;
	(pc) =	sbr.rel .LBB2_27-.Ltmp20, $4  }
0x200: {  	_ = 	snop  }
0x201: {  	s6 =	sadd.s32 $0x70, s6  }
0x202: {  	v63 =	vor.u32 s6, v0;
	[tilespmem:s8+$0x1BC80] =	vst.msk vm3, v12;
	s9 =	spop (v2sf)  }
0x203: {  	[tilespmem:s8+$0x1BD00] =	vst.msk vm3, v63;
	s8 =	sadd.s32 s8, s9  }
.LBB2_29:
0x204: {  	v11 =	vld [tilespmem:$0x1BC90]  }
0x205: {  	v12 =	vld [tilespmem:$0x1BC80]  }
0x206: {  	v13 =	vld [tilespmem:$0x1BCA0]  }
0x207: {  	v14 =	vld [tilespmem:$0x1BCB0]  }
0x208: {  	v15 =	vld [tilespmem:$0x1BCC0];
	_ =	sdelay $0x1  }
0x209: {  	v16 =	vmax.f32 v12, v11  }
0x20a: {  	v16 =	vmax.f32 v16, v13  }
0x20b: {  	v16 =	vmax.f32 v16, v14  }
0x20c: {  	v16 =	vmax.f32 v16, v15  }
0x20d: {  	v17 =	vperm.xlane v16, v1;
	_ =	sdelay $0x1  }
0x20e: {  	v16 =	vmax.f32 v16, v17  }
0x20f: {  	v17 =	vperm.xlane v16, v7;
	_ =	sdelay $0x1  }
0x210: {  	v16 =	vmax.f32 v16, v17  }
0x211: {  	v18 =	vld [tilespmem:$0x1BD00];
	v17 =	vperm.xlane v16, v8;
	_ =	sdelay $0x1  }
0x212: {  	v16 =	vmax.f32 v16, v17  }
0x213: {  	v19 =	vld [tilespmem:$0x1BD10];
	v17 =	vperm.xlane v16, v9;
	_ =	sdelay $0x1  }
0x214: {  	vm4 =	vlt.s32 v18, $0x40000000;
	v16 =	vmax.f32 v16, v17;
	v17 =	vld [tilespmem:$0x1BD20]  }
0x215: {  	v20 =	vnsel vm4, $0x40000000, v18;
	vm3 =	veq.f32 v12, v16  }
0x216: {  	v21 =	vld [tilespmem:$0x1BD30];
	v20 =	vnsel vm3, $0x40000000, v20  }
0x217: {  	vm14 =	vlt.s32 v20, v19  }
0x218: {  	v22 =	vld [tilespmem:$0x1BD40];
	vm5 =	veq.f32 v11, v16;
	vm6 =	veq.f32 v13, v16;
	v19 =	vsel vm14, v20, v19  }
0x219: {  	v19 =	vsel vm5, v19, v20;
	v17 =	vnsel vm6, $0x40000000, v17  }
0x21a: {  	vm15 =	veq.f32 v14, v16;
	vm7 =	vlt.s32 v19, v17  }
0x21b: {  	v58 =	vnsel vm15, $0x40000000, v21;
	v17 =	vsel vm7, v19, v17  }
0x21c: {  	vm12 =	veq.f32 v15, v16;
	vm8 =	vlt.s32 v17, v58  }
0x21d: {  	v16 =	vsel vm8, v17, v58;
	v17 =	vnsel vm12, $0x40000000, v22  }
0x21e: {  	vm8 =	vlt.s32 v16, v17  }
0x21f: {  	v16 =	vsel vm8, v16, v17  }
0x220: {  	v17 =	vperm.xlane v16, v1;
	_ =	sdelay $0x1  }
0x221: {  	vm8 =	vlt.s32 v16, v17  }
0x222: {  	v16 =	vsel vm8, v16, v17  }
0x223: {  	v17 =	vperm.xlane v16, v7;
	_ =	sdelay $0x1  }
0x224: {  	vm8 =	vlt.s32 v16, v17  }
0x225: {  	v16 =	vsel vm8, v16, v17  }
0x226: {  	v17 =	vperm.xlane v16, v8;
	_ =	sdelay $0x1  }
0x227: {  	vm8 =	vlt.s32 v16, v17  }
0x228: {  	v60 =	vld [tilespmem:$0x1BD20];
	v16 =	vsel vm8, v16, v17  }
0x229: {  	v17 =	vld [tilespmem:$0x1BD10];
	v59 =	vperm.xlane v16, v9  }
0x22a: {  	v61 =	vld [tilespmem:$0x1BD30]  }
0x22b: {  	vm8 =	vlt.s32 v16, v59  }
0x22c: {  	s2 =	simm.s32 $0x0;
	v62 =	vimm.s32 $0x0;
	s6 =	simm.s32 $0xFFFFFFF0;
	v23 =	vld [tilespmem:$0x1BD40];
	v16 =	vsel vm8, v16, v59  }
0x22d: {  	v63 =	vmov s2;
	v24 =	vmov s6;
	vm8 =	veq.s32 v18, v16  }
0x22e: {  	vm10 =	veq.s32 v17, v16;
	vm13 =	veq.s32 v60, v16;
	vm3 =	vmand vm3, vm8  }
0x22f: {  	vm14 =	veq.s32 v61, v16;
	vm5 =	vmand vm5, vm10;
	v12 =	vsel vm3, $0xFF800000, v12  }
0x230: {  	vm4 =	vmand vm15, vm14;
	vm3 =	vmand vm6, vm13;
	v11 =	vsel vm5, $0xFF800000, v11;
	[tilespmem:$0x1BC80] =	vst v12  }
0x231: {  	v17 =	vsel vm4, $0xFF800000, v14;
	v12 =	vsel vm3, $0xFF800000, v13;
	vm3 =	veq.s32 v23, v16;
	[tilespmem:$0x1BC90] =	vst v11  }
0x232: {  	vm9 =	veq.s32 v63, v0;
	vm15 =	veq.s32 v24, v0;
	[tilespmem:$0x1BCB0] =	vst v17;
	vm3 =	vmand vm12, vm3;
	v13 =	vld [tilespmem:$0x1BC90]  }
0x233: {  	s15 =	simm.s32 $0x1;
	s17 =	simm.s32 $0x2;
	v11 =	vsel vm9, v16, v62;
	[tilespmem:$0x1BCA0] =	vst v12;
	v12 =	vsel vm15, v16, v62;
	v14 =	vld [tilespmem:$0x1BC80];
	v15 =	vsel vm3, $0xFF800000, v15  }
.LBB2_30:
0x234: {  	p1 =	sne.s32 s17, $0x13;
	v17 =	vld [tilespmem:$0x1BCA0];
	[tilespmem:$0x1BCC0] =	vst v15  }
0x235: {  	v15 =	vld [tilespmem:$0x1BCB0]  }
0x236: {  	v16 =	vld [tilespmem:$0x1BCC0];
	_ =	sdelay $0x1  }
0x237: {  	v18 =	vmax.f32 v14, v13  }
0x238: {  	v18 =	vmax.f32 v18, v17  }
0x239: {  	v18 =	vmax.f32 v18, v15  }
0x23a: {  	v18 =	vmax.f32 v18, v16  }
0x23b: {  	v19 =	vperm.xlane v18, v1;
	_ =	sdelay $0x1  }
0x23c: {  	v18 =	vmax.f32 v18, v19  }
0x23d: {  	v19 =	vperm.xlane v18, v7;
	_ =	sdelay $0x1  }
0x23e: {  	v18 =	vmax.f32 v18, v19  }
0x23f: {  	v19 =	vperm.xlane v18, v8;
	v20 =	vld [tilespmem:$0x1BD00];
	_ =	sdelay $0x1  }
0x240: {  	v18 =	vmax.f32 v18, v19  }
0x241: {  	v19 =	vperm.xlane v18, v9;
	v21 =	vld [tilespmem:$0x1BD10];
	_ =	sdelay $0x1  }
0x242: {  	v18 =	vmax.f32 v18, v19;
	vm4 =	vlt.s32 v20, $0x40000000;
	v19 =	vld [tilespmem:$0x1BD20]  }
0x243: {  	vm3 =	veq.f32 v14, v18;
	v22 =	vnsel vm4, $0x40000000, v20  }
0x244: {  	v22 =	vnsel vm3, $0x40000000, v22;
	v23 =	vld [tilespmem:$0x1BD30]  }
0x245: {  	vm4 =	vlt.s32 v22, v21  }
0x246: {  	vm5 =	veq.f32 v13, v18;
	vm6 =	veq.f32 v17, v18;
	v21 =	vsel vm4, v22, v21;
	v24 =	vld [tilespmem:$0x1BD40]  }
0x247: {  	v21 =	vsel vm5, v21, v22;
	v19 =	vnsel vm6, $0x40000000, v19  }
0x248: {  	vm4 =	veq.f32 v15, v18;
	vm7 =	vlt.s32 v21, v19  }
0x249: {  	v19 =	vsel vm7, v21, v19;
	v21 =	vnsel vm4, $0x40000000, v23  }
0x24a: {  	vm7 =	veq.f32 v16, v18;
	vm8 =	vlt.s32 v19, v21  }
0x24b: {  	v18 =	vsel vm8, v19, v21;
	v19 =	vnsel vm7, $0x40000000, v24  }
0x24c: {  	vm8 =	vlt.s32 v18, v19  }
0x24d: {  	v18 =	vsel vm8, v18, v19  }
0x24e: {  	v19 =	vperm.xlane v18, v1;
	_ =	sdelay $0x1  }
0x24f: {  	vm8 =	vlt.s32 v18, v19  }
0x250: {  	v18 =	vsel vm8, v18, v19  }
0x251: {  	v19 =	vperm.xlane v18, v7;
	_ =	sdelay $0x1  }
0x252: {  	vm8 =	vlt.s32 v18, v19  }
0x253: {  	v18 =	vsel vm8, v18, v19  }
0x254: {  	v19 =	vperm.xlane v18, v8;
	_ =	sdelay $0x1  }
0x255: {  	vm8 =	vlt.s32 v18, v19;
	v21 =	vld [tilespmem:$0x1BD10]  }
0x256: {  	v18 =	vsel vm8, v18, v19;
	v19 =	vld [tilespmem:$0x1BD20]  }
0x257: {  	v22 =	vperm.xlane v18, v9  }
0x258: {  	s2 =	sadd.s32 $0xFFFFFFF0, s15;
	v23 =	vld [tilespmem:$0x1BD30]  }
0x259: {  	v25 =	vmov s15;
	s15 =	smov.u32 s17;
	v26 =	vmov s2;
	vm8 =	vlt.s32 v18, v22;
	v24 =	vld [tilespmem:$0x1BD40]  }
0x25a: {  	vm9 =	veq.s32 v26, v0;
	v18 =	vsel vm8, v18, v22;
	vm8 =	veq.s32 v25, v0  }
0x25b: {  	vm10 =	veq.s32 v20, v18;
	vm11 =	veq.s32 v21, v18;
	vm12 =	veq.s32 v19, v18  }
0x25c: {  	vm3 =	vmand vm3, vm10;
	vm5 =	vmand vm5, vm11;
	vm6 =	vmand vm6, vm12  }
.Ltmp21:
0x25d: {  	v14 =	vsel vm3, $0xFF800000, v14;
	v13 =	vsel vm5, $0xFF800000, v13;
	v17 =	vsel vm6, $0xFF800000, v17;
	(pc) =	sbr.rel @p1 .LBB2_30-.Ltmp21, $4  }
0x25e: {  	v11 =	vsel vm8, v18, v11;
	vm3 =	veq.s32 v23, v18;
	[tilespmem:$0x1BC80] =	vst v14;
	vm5 =	veq.s32 v24, v18  }
0x25f: {  	v12 =	vsel vm9, v18, v12;
	vm3 =	vmand vm4, vm3;
	[tilespmem:$0x1BC90] =	vst v13;
	vm4 =	vmand vm7, vm5  }
0x260: {  	v13 =	vld [tilespmem:$0x1BC90];
	[tilespmem:$0x1BCA0] =	vst v17;
	v17 =	vsel vm3, $0xFF800000, v15;
	v15 =	vsel vm4, $0xFF800000, v16  }
0x261: {  	s17 =	sadd.s32 $0x1, s17;
	v14 =	vld [tilespmem:$0x1BC80];
	[tilespmem:$0x1BCB0] =	vst v17  }
0x262: {  	v16 =	vld [tilespmem:$0x1BCA0]  }
0x263: {  	[tilespmem:$0x1BCC0] =	vst v15;
	v47 =	vld [tilespmem:$0x1BCB0]  }
0x264: {  	v17 =	vld [tilespmem:$0x1BCC0];
	_ =	sdelay $0x1  }
0x265: {  	v18 =	vmax.f32 v14, v13  }
0x266: {  	v18 =	vmax.f32 v18, v16  }
0x267: {  	v18 =	vmax.f32 v18, v47  }
0x268: {  	v18 =	vmax.f32 v18, v17  }
0x269: {  	v19 =	vperm.xlane v18, v1;
	_ =	sdelay $0x1  }
0x26a: {  	v18 =	vmax.f32 v18, v19  }
0x26b: {  	v19 =	vperm.xlane v18, v7;
	_ =	sdelay $0x1  }
0x26c: {  	v18 =	vmax.f32 v18, v19  }
0x26d: {  	v20 =	vld [tilespmem:$0x1BD00];
	v19 =	vperm.xlane v18, v8;
	_ =	sdelay $0x1  }
0x26e: {  	v18 =	vmax.f32 v18, v19  }
0x26f: {  	v21 =	vld [tilespmem:$0x1BD10];
	v19 =	vperm.xlane v18, v9;
	_ =	sdelay $0x1  }
0x270: {  	v48 =	vld [tilespmem:$0x1BD20];
	vm4 =	vlt.s32 v20, $0x40000000;
	v18 =	vmax.f32 v18, v19  }
0x271: {  	v22 =	vnsel vm4, $0x40000000, v20;
	vm3 =	veq.f32 v14, v18  }
0x272: {  	v23 =	vld [tilespmem:$0x1BD30];
	v22 =	vnsel vm3, $0x40000000, v22  }
0x273: {  	vm13 =	vlt.s32 v22, v21  }
0x274: {  	v24 =	vld [tilespmem:$0x1BD40];
	vm6 =	veq.f32 v13, v18;
	vm7 =	veq.f32 v16, v18;
	v21 =	vsel vm13, v22, v21  }
0x275: {  	v19 =	vnsel vm7, $0x40000000, v48;
	v21 =	vsel vm6, v21, v22  }
0x276: {  	vm14 =	veq.f32 v47, v18;
	vm5 =	vlt.s32 v21, v19  }
0x277: {  	v49 =	vnsel vm14, $0x40000000, v23;
	v19 =	vsel vm5, v21, v19  }
0x278: {  	vm15 =	veq.f32 v17, v18;
	vm8 =	vlt.s32 v19, v49  }
0x279: {  	v51 =	vnsel vm15, $0x40000000, v24;
	v50 =	vsel vm8, v19, v49  }
0x27a: {  	vm8 =	vlt.s32 v50, v51  }
0x27b: {  	v18 =	vsel vm8, v50, v51  }
0x27c: {  	v19 =	vperm.xlane v18, v1;
	_ =	sdelay $0x1  }
0x27d: {  	vm8 =	vlt.s32 v18, v19  }
0x27e: {  	v18 =	vsel vm8, v18, v19  }
0x27f: {  	v19 =	vperm.xlane v18, v7;
	_ =	sdelay $0x1  }
0x280: {  	vm8 =	vlt.s32 v18, v19  }
0x281: {  	v18 =	vsel vm8, v18, v19  }
0x282: {  	v19 =	vperm.xlane v18, v8;
	_ =	sdelay $0x1  }
0x283: {  	vm8 =	vlt.s32 v18, v19  }
0x284: {  	v18 =	vsel vm8, v18, v19  }
0x285: {  	v52 =	vld [tilespmem:$0x1BD10];
	v53 =	vperm.xlane v18, v9  }
0x286: {  	v55 =	vld [tilespmem:$0x1BD30]  }
0x287: {  	v54 =	vld [tilespmem:$0x1BD20];
	vm8 =	vlt.s32 v18, v53  }
0x288: {  	v18 =	vsel vm8, v18, v53  }
0x289: {  	v56 =	vld [tilespmem:$0x1BD40];
	v57 =	vmov s15;
	s2 =	sadd.s32 $0xFFFFFFF0, s15;
	vm8 =	veq.s32 v20, v18  }
0x28a: {  	v61 =	vmov s2;
	vm9 =	veq.s32 v52, v18;
	vm3 =	vmand vm3, vm8  }
0x28b: {  	vm13 =	veq.s32 v55, v18;
	vm6 =	vmand vm6, vm9;
	v58 =	vsel vm3, $0xFF800000, v14  }
0x28c: {  	vm12 =	veq.s32 v54, v18;
	vm4 =	vmand vm14, vm13;
	v59 =	vsel vm6, $0xFF800000, v13;
	[tilespmem:$0x1BC80] =	vst v58  }
0x28d: {  	vm14 =	veq.s32 v57, v0;
	vm3 =	vmand vm7, vm12;
	v62 =	vsel vm4, $0xFF800000, v47;
	[tilespmem:$0x1BC90] =	vst v59  }
0x28e: {  	v11 =	vsel vm14, v18, v11;
	v60 =	vsel vm3, $0xFF800000, v16;
	vm3 =	veq.s32 v56, v18;
	[tilespmem:$0x1BCB0] =	vst v62  }
0x28f: {  	[tilespmem:$0x1BE00] =	vst v11;
	vm3 =	vmand vm15, vm3;
	vm15 =	veq.s32 v61, v0  }
0x290: {  	[tilespmem:$0x1BCA0] =	vst v60;
	v63 =	vsel vm3, $0xFF800000, v17;
	v12 =	vsel vm15, v18, v12;
	vm3 =	vmmov $0xf  }
0x291: {  	[tilespmem:$0x1BCC0] =	vst v63;
	v11 =	vnsel vm3, $0x40000000, v12  }
0x292: {  	[tilespmem:$0x1BE10] =	vst v11  }
.LBB2_32:
0x293: {  	_ =	swait.ge [sflag:s0], $0x6100  }
0x294: {  	[sflag:s0] =	ssyncset.done $0x0  }
0x295: {  	[sflag:s0] =	ssyncadd.s32 $0xFFFF9F00  }
0x296: {  	_ =	swait.ge [sflag:s0], $0x6100  }
0x297: {  	[sflag:s0] =	ssyncset.done $0x0  }
0x298: {  	[sflag:s0] =	ssyncadd.s32 $0xFFFF9F00  }
0x299: {  	_ =	swait.ge [sflag:s0], $0x6100  }
0x29a: {  	[sflag:s0] =	ssyncset.done $0x0  }
0x29b: {  	[sflag:s0] =	ssyncadd.s32 $0xFFFF9F00  }
0x29c: {  	_ =	swait.ge [sflag:s0], $0x6100  }
0x29d: {  	[sflag:s0] =	ssyncset.done $0x0  }
0x29e: {  	[sflag:s0] =	ssyncadd.s32 $0xFFFF9F00  }
0x29f: {  	_ =	swait.ge [sflag:s0], $0x280  }
.Ltmp22:
0x2a0: {  	[sflag:s0] =	ssyncset.done $0x0;
	(pc) =	sbr.rel @p0 .LBB2_34-.Ltmp22, $4  }
0x2a1: {  	[sflag:s0] =	ssyncadd.s32 $0xFFFFFD80  }
0x2a2: {  	_ =	swait.ge [sflag:s0], $0x20  }
0x2a3: {  	[sflag:s0] =	ssyncset.done $0x0  }
0x2a4: {  	[sflag:s0] =	ssyncadd.s32 $0xFFFFFFE0  }
0x2a5: {  	v11 =	vld [tilespmem:$0x1BE00]  }
0x2a6: {  	v12 =	vld [tilespmem:$0x1BE10];
	_ =	sdelay $0x3  }
0x2a7: {  	vm3 =	vlt.s32 v11, $0x186A0  }
0x2a8: {  	vm4 =	vlt.s32 v12, $0x186A0;
	_ =	sdelay $0x4  }
0x2a9: {  	[tilespmem:v11+s4+$0x0] =	vst.idx.msk vm3, v10  }
0x2aa: {  	[tilespmem:v12+s4+$0x0] =	vst.idx.msk vm4, v10  }
0x2ab: {  	v11 =	vld [tilespmem:$0x1BE00];
	_ =	sdelay $0x4  }
0x2ac: {  	(v2sf) =	vpush v11, $0x0;
	_ =	sdelay $0xe  }
0x2ad: {  	s2 =	spop (v2sf)  }
0x2ae: {  	p1 =	sgt.s32 s2, $0x1867F  }
0x2af: {  	s6 =	sshll.u32 @!p1 s2, $0x3  }
0x2b0: {  	s6 =	sand.u32 @!p1 $0xFFFFFC00, s6  }
0x2b1: {  	s6 =	sadd.s32 @!p1 s5, s6  }
0x2b2: {  	s6 =	sadd.s32 @!p1 s7, s6  }
0x2b3: {  	s8 =	sand.u32 @!p1 $0xFFFFFF80, s2;
	s6 =	sshrl.u32 @!p1 s6, $0x3  }
0x2b4: {  	s9 =	simm.s32 @!p1 $0x0;
	s2 =	sand.u32 $0xFFFFFFE0, s2;
	s6 =	sadd.s32 @!p1 s3, s6  }
0x2b5: {  	[hbm4b:s6+s9] =	stream.linear.scatter @!p1 [tilespmem:s8], [sflag:$0x3], $0x80, $0x38;
	[tilespmem:$0x1BE80] =	vst v63  }
0x2b6: {  	p1 =	sne.s32 s2, $0x18680  }
0x2b7: {  	s2 =	simm.s32 @!p1 $0x0;
	s6 =	simm.s32 @!p1 $0x18680  }
0x2b8: {  	[hbm4b:s14+s2] =	stream.linear.scatter @!p1 [tilespmem:s6], [sflag:$0x3], $0x20, $0x38;
	[tilespmem:$0x1BE80] =	vst v63  }
0x2b9: {  	v11 =	vld [tilespmem:$0x1BE00];
	_ =	sdelay $0x4  }
0x2ba: {  	(v2sf) =	vpush v11, $0x1;
	_ =	sdelay $0xe  }
0x2bb: {  	s2 =	spop (v2sf)  }
0x2bc: {  	p1 =	sgt.s32 s2, $0x1867F  }
0x2bd: {  	s6 =	sshll.u32 @!p1 s2, $0x3  }
0x2be: {  	s6 =	sand.u32 @!p1 $0xFFFFFC00, s6  }
0x2bf: {  	s6 =	sadd.s32 @!p1 s5, s6  }
0x2c0: {  	s6 =	sadd.s32 @!p1 s7, s6  }
0x2c1: {  	s8 =	sand.u32 @!p1 $0xFFFFFF80, s2;
	s6 =	sshrl.u32 @!p1 s6, $0x3  }
0x2c2: {  	s9 =	simm.s32 @!p1 $0x0;
	s2 =	sand.u32 $0xFFFFFFE0, s2;
	s6 =	sadd.s32 @!p1 s3, s6  }
0x2c3: {  	[hbm4b:s6+s9] =	stream.linear.scatter @!p1 [tilespmem:s8], [sflag:$0x3], $0x80, $0x38;
	[tilespmem:$0x1BE80] =	vst v63  }
0x2c4: {  	p1 =	sne.s32 s2, $0x18680  }
0x2c5: {  	s2 =	simm.s32 @!p1 $0x0;
	s6 =	simm.s32 @!p1 $0x18680  }
0x2c6: {  	[hbm4b:s14+s2] =	stream.linear.scatter @!p1 [tilespmem:s6], [sflag:$0x3], $0x20, $0x38;
	[tilespmem:$0x1BE80] =	vst v63  }
0x2c7: {  	v11 =	vld [tilespmem:$0x1BE00];
	_ =	sdelay $0x4  }
0x2c8: {  	(v2sf) =	vpush v11, $0x2;
	_ =	sdelay $0xe  }
0x2c9: {  	s2 =	spop (v2sf)  }
0x2ca: {  	p1 =	sgt.s32 s2, $0x1867F  }
0x2cb: {  	s6 =	sshll.u32 @!p1 s2, $0x3  }
0x2cc: {  	s6 =	sand.u32 @!p1 $0xFFFFFC00, s6  }
0x2cd: {  	s6 =	sadd.s32 @!p1 s5, s6  }
0x2ce: {  	s6 =	sadd.s32 @!p1 s7, s6  }
0x2cf: {  	s8 =	sand.u32 @!p1 $0xFFFFFF80, s2;
	s6 =	sshrl.u32 @!p1 s6, $0x3  }
0x2d0: {  	s9 =	simm.s32 @!p1 $0x0;
	s2 =	sand.u32 $0xFFFFFFE0, s2;
	s6 =	sadd.s32 @!p1 s3, s6  }
0x2d1: {  	[hbm4b:s6+s9] =	stream.linear.scatter @!p1 [tilespmem:s8], [sflag:$0x3], $0x80, $0x38;
	[tilespmem:$0x1BE80] =	vst v63  }
0x2d2: {  	p1 =	sne.s32 s2, $0x18680  }
0x2d3: {  	s2 =	simm.s32 @!p1 $0x0;
	s6 =	simm.s32 @!p1 $0x18680  }
0x2d4: {  	[hbm4b:s14+s2] =	stream.linear.scatter @!p1 [tilespmem:s6], [sflag:$0x3], $0x20, $0x38;
	[tilespmem:$0x1BE80] =	vst v63  }
0x2d5: {  	v11 =	vld [tilespmem:$0x1BE00];
	_ =	sdelay $0x4  }
0x2d6: {  	(v2sf) =	vpush v11, $0x3;
	_ =	sdelay $0xe  }
0x2d7: {  	s2 =	spop (v2sf)  }
0x2d8: {  	p1 =	sgt.s32 s2, $0x1867F  }
0x2d9: {  	s6 =	sshll.u32 @!p1 s2, $0x3  }
0x2da: {  	s6 =	sand.u32 @!p1 $0xFFFFFC00, s6  }
0x2db: {  	s6 =	sadd.s32 @!p1 s5, s6  }
0x2dc: {  	s6 =	sadd.s32 @!p1 s7, s6  }
0x2dd: {  	s8 =	sand.u32 @!p1 $0xFFFFFF80, s2;
	s6 =	sshrl.u32 @!p1 s6, $0x3  }
0x2de: {  	s9 =	simm.s32 @!p1 $0x0;
	s2 =	sand.u32 $0xFFFFFFE0, s2;
	s6 =	sadd.s32 @!p1 s3, s6  }
0x2df: {  	[hbm4b:s6+s9] =	stream.linear.scatter @!p1 [tilespmem:s8], [sflag:$0x3], $0x80, $0x38;
	[tilespmem:$0x1BE80] =	vst v63  }
0x2e0: {  	p1 =	sne.s32 s2, $0x18680  }
0x2e1: {  	s2 =	simm.s32 @!p1 $0x0;
	s6 =	simm.s32 @!p1 $0x18680  }
0x2e2: {  	[hbm4b:s14+s2] =	stream.linear.scatter @!p1 [tilespmem:s6], [sflag:$0x3], $0x20, $0x38;
	[tilespmem:$0x1BE80] =	vst v63  }
0x2e3: {  	v11 =	vld [tilespmem:$0x1BE00];
	_ =	sdelay $0x4  }
0x2e4: {  	(v2sf) =	vpush v11, $0x4;
	_ =	sdelay $0xe  }
0x2e5: {  	s2 =	spop (v2sf)  }
0x2e6: {  	p1 =	sgt.s32 s2, $0x1867F  }
0x2e7: {  	s6 =	sshll.u32 @!p1 s2, $0x3  }
0x2e8: {  	s6 =	sand.u32 @!p1 $0xFFFFFC00, s6  }
0x2e9: {  	s6 =	sadd.s32 @!p1 s5, s6  }
0x2ea: {  	s6 =	sadd.s32 @!p1 s7, s6  }
0x2eb: {  	s8 =	sand.u32 @!p1 $0xFFFFFF80, s2;
	s6 =	sshrl.u32 @!p1 s6, $0x3  }
0x2ec: {  	s9 =	simm.s32 @!p1 $0x0;
	s2 =	sand.u32 $0xFFFFFFE0, s2;
	s6 =	sadd.s32 @!p1 s3, s6  }
0x2ed: {  	[hbm4b:s6+s9] =	stream.linear.scatter @!p1 [tilespmem:s8], [sflag:$0x3], $0x80, $0x38;
	[tilespmem:$0x1BE80] =	vst v63  }
0x2ee: {  	p1 =	sne.s32 s2, $0x18680  }
0x2ef: {  	s2 =	simm.s32 @!p1 $0x0;
	s6 =	simm.s32 @!p1 $0x18680  }
0x2f0: {  	[hbm4b:s14+s2] =	stream.linear.scatter @!p1 [tilespmem:s6], [sflag:$0x3], $0x20, $0x38;
	[tilespmem:$0x1BE80] =	vst v63  }
0x2f1: {  	v11 =	vld [tilespmem:$0x1BE00];
	_ =	sdelay $0x4  }
0x2f2: {  	(v2sf) =	vpush v11, $0x5;
	_ =	sdelay $0xe  }
0x2f3: {  	s2 =	spop (v2sf)  }
0x2f4: {  	p1 =	sgt.s32 s2, $0x1867F  }
0x2f5: {  	s6 =	sshll.u32 @!p1 s2, $0x3  }
0x2f6: {  	s6 =	sand.u32 @!p1 $0xFFFFFC00, s6  }
0x2f7: {  	s6 =	sadd.s32 @!p1 s5, s6  }
0x2f8: {  	s6 =	sadd.s32 @!p1 s7, s6  }
0x2f9: {  	s8 =	sand.u32 @!p1 $0xFFFFFF80, s2;
	s6 =	sshrl.u32 @!p1 s6, $0x3  }
0x2fa: {  	s9 =	simm.s32 @!p1 $0x0;
	s2 =	sand.u32 $0xFFFFFFE0, s2;
	s6 =	sadd.s32 @!p1 s3, s6  }
0x2fb: {  	[hbm4b:s6+s9] =	stream.linear.scatter @!p1 [tilespmem:s8], [sflag:$0x3], $0x80, $0x38;
	[tilespmem:$0x1BE80] =	vst v63  }
0x2fc: {  	p1 =	sne.s32 s2, $0x18680  }
0x2fd: {  	s2 =	simm.s32 @!p1 $0x0;
	s6 =	simm.s32 @!p1 $0x18680  }
0x2fe: {  	[hbm4b:s14+s2] =	stream.linear.scatter @!p1 [tilespmem:s6], [sflag:$0x3], $0x20, $0x38;
	[tilespmem:$0x1BE80] =	vst v63  }
0x2ff: {  	v11 =	vld [tilespmem:$0x1BE00];
	_ =	sdelay $0x4  }
0x300: {  	(v2sf) =	vpush v11, $0x6;
	_ =	sdelay $0xe  }
0x301: {  	s2 =	spop (v2sf)  }
0x302: {  	p1 =	sgt.s32 s2, $0x1867F  }
0x303: {  	s6 =	sshll.u32 @!p1 s2, $0x3  }
0x304: {  	s6 =	sand.u32 @!p1 $0xFFFFFC00, s6  }
0x305: {  	s6 =	sadd.s32 @!p1 s5, s6  }
0x306: {  	s6 =	sadd.s32 @!p1 s7, s6  }
0x307: {  	s8 =	sand.u32 @!p1 $0xFFFFFF80, s2;
	s6 =	sshrl.u32 @!p1 s6, $0x3  }
0x308: {  	s9 =	simm.s32 @!p1 $0x0;
	s2 =	sand.u32 $0xFFFFFFE0, s2;
	s6 =	sadd.s32 @!p1 s3, s6  }
0x309: {  	[hbm4b:s6+s9] =	stream.linear.scatter @!p1 [tilespmem:s8], [sflag:$0x3], $0x80, $0x38;
	[tilespmem:$0x1BE80] =	vst v63  }
0x30a: {  	p1 =	sne.s32 s2, $0x18680  }
0x30b: {  	s2 =	simm.s32 @!p1 $0x0;
	s6 =	simm.s32 @!p1 $0x18680  }
0x30c: {  	[hbm4b:s14+s2] =	stream.linear.scatter @!p1 [tilespmem:s6], [sflag:$0x3], $0x20, $0x38;
	[tilespmem:$0x1BE80] =	vst v63  }
0x30d: {  	v11 =	vld [tilespmem:$0x1BE00];
	_ =	sdelay $0x4  }
0x30e: {  	(v2sf) =	vpush v11, $0x7;
	_ =	sdelay $0xe  }
0x30f: {  	s2 =	spop (v2sf)  }
0x310: {  	p1 =	sgt.s32 s2, $0x1867F  }
0x311: {  	s6 =	sshll.u32 @!p1 s2, $0x3  }
0x312: {  	s6 =	sand.u32 @!p1 $0xFFFFFC00, s6  }
0x313: {  	s6 =	sadd.s32 @!p1 s5, s6  }
0x314: {  	s6 =	sadd.s32 @!p1 s7, s6  }
0x315: {  	s8 =	sand.u32 @!p1 $0xFFFFFF80, s2;
	s6 =	sshrl.u32 @!p1 s6, $0x3  }
0x316: {  	s9 =	simm.s32 @!p1 $0x0;
	s2 =	sand.u32 $0xFFFFFFE0, s2;
	s6 =	sadd.s32 @!p1 s3, s6  }
0x317: {  	[hbm4b:s6+s9] =	stream.linear.scatter @!p1 [tilespmem:s8], [sflag:$0x3], $0x80, $0x38;
	[tilespmem:$0x1BE80] =	vst v63  }
0x318: {  	p1 =	sne.s32 s2, $0x18680  }
0x319: {  	s2 =	simm.s32 @!p1 $0x0;
	s6 =	simm.s32 @!p1 $0x18680  }
0x31a: {  	[hbm4b:s14+s2] =	stream.linear.scatter @!p1 [tilespmem:s6], [sflag:$0x3], $0x20, $0x38;
	[tilespmem:$0x1BE80] =	vst v63  }
0x31b: {  	v11 =	vld [tilespmem:$0x1BE00];
	_ =	sdelay $0x4  }
0x31c: {  	(v2sf) =	vpush v11, $0x8;
	_ =	sdelay $0xe  }
0x31d: {  	s2 =	spop (v2sf)  }
0x31e: {  	p1 =	sgt.s32 s2, $0x1867F  }
0x31f: {  	s6 =	sshll.u32 @!p1 s2, $0x3  }
0x320: {  	s6 =	sand.u32 @!p1 $0xFFFFFC00, s6  }
0x321: {  	s6 =	sadd.s32 @!p1 s5, s6  }
0x322: {  	s6 =	sadd.s32 @!p1 s7, s6  }
0x323: {  	s8 =	sand.u32 @!p1 $0xFFFFFF80, s2;
	s6 =	sshrl.u32 @!p1 s6, $0x3  }
0x324: {  	s9 =	simm.s32 @!p1 $0x0;
	s2 =	sand.u32 $0xFFFFFFE0, s2;
	s6 =	sadd.s32 @!p1 s3, s6  }
0x325: {  	[hbm4b:s6+s9] =	stream.linear.scatter @!p1 [tilespmem:s8], [sflag:$0x3], $0x80, $0x38;
	[tilespmem:$0x1BE80] =	vst v63  }
0x326: {  	p1 =	sne.s32 s2, $0x18680  }
0x327: {  	s2 =	simm.s32 @!p1 $0x0;
	s6 =	simm.s32 @!p1 $0x18680  }
0x328: {  	[hbm4b:s14+s2] =	stream.linear.scatter @!p1 [tilespmem:s6], [sflag:$0x3], $0x20, $0x38;
	[tilespmem:$0x1BE80] =	vst v63  }
0x329: {  	v11 =	vld [tilespmem:$0x1BE00];
	_ =	sdelay $0x4  }
0x32a: {  	(v2sf) =	vpush v11, $0x9;
	_ =	sdelay $0xe  }
0x32b: {  	s2 =	spop (v2sf)  }
0x32c: {  	p1 =	sgt.s32 s2, $0x1867F  }
0x32d: {  	s6 =	sshll.u32 @!p1 s2, $0x3  }
0x32e: {  	s6 =	sand.u32 @!p1 $0xFFFFFC00, s6  }
0x32f: {  	s6 =	sadd.s32 @!p1 s5, s6  }
0x330: {  	s6 =	sadd.s32 @!p1 s7, s6  }
0x331: {  	s8 =	sand.u32 @!p1 $0xFFFFFF80, s2;
	s6 =	sshrl.u32 @!p1 s6, $0x3  }
0x332: {  	s9 =	simm.s32 @!p1 $0x0;
	s2 =	sand.u32 $0xFFFFFFE0, s2;
	s6 =	sadd.s32 @!p1 s3, s6  }
0x333: {  	[hbm4b:s6+s9] =	stream.linear.scatter @!p1 [tilespmem:s8], [sflag:$0x3], $0x80, $0x38;
	[tilespmem:$0x1BE80] =	vst v63  }
0x334: {  	p1 =	sne.s32 s2, $0x18680  }
0x335: {  	s2 =	simm.s32 @!p1 $0x0;
	s6 =	simm.s32 @!p1 $0x18680  }
0x336: {  	[hbm4b:s14+s2] =	stream.linear.scatter @!p1 [tilespmem:s6], [sflag:$0x3], $0x20, $0x38;
	[tilespmem:$0x1BE80] =	vst v63  }
0x337: {  	v11 =	vld [tilespmem:$0x1BE00];
	_ =	sdelay $0x4  }
0x338: {  	(v2sf) =	vpush v11, $0xA;
	_ =	sdelay $0xe  }
0x339: {  	s2 =	spop (v2sf)  }
0x33a: {  	p1 =	sgt.s32 s2, $0x1867F  }
0x33b: {  	s6 =	sshll.u32 @!p1 s2, $0x3  }
0x33c: {  	s6 =	sand.u32 @!p1 $0xFFFFFC00, s6  }
0x33d: {  	s6 =	sadd.s32 @!p1 s5, s6  }
0x33e: {  	s6 =	sadd.s32 @!p1 s7, s6  }
0x33f: {  	s8 =	sand.u32 @!p1 $0xFFFFFF80, s2;
	s6 =	sshrl.u32 @!p1 s6, $0x3  }
0x340: {  	s9 =	simm.s32 @!p1 $0x0;
	s2 =	sand.u32 $0xFFFFFFE0, s2;
	s6 =	sadd.s32 @!p1 s3, s6  }
0x341: {  	[hbm4b:s6+s9] =	stream.linear.scatter @!p1 [tilespmem:s8], [sflag:$0x3], $0x80, $0x38;
	[tilespmem:$0x1BE80] =	vst v63  }
0x342: {  	p1 =	sne.s32 s2, $0x18680  }
0x343: {  	s2 =	simm.s32 @!p1 $0x0;
	s6 =	simm.s32 @!p1 $0x18680  }
0x344: {  	[hbm4b:s14+s2] =	stream.linear.scatter @!p1 [tilespmem:s6], [sflag:$0x3], $0x20, $0x38;
	[tilespmem:$0x1BE80] =	vst v63  }
0x345: {  	v11 =	vld [tilespmem:$0x1BE00];
	_ =	sdelay $0x4  }
0x346: {  	(v2sf) =	vpush v11, $0xB;
	_ =	sdelay $0xe  }
0x347: {  	s2 =	spop (v2sf)  }
0x348: {  	p1 =	sgt.s32 s2, $0x1867F  }
0x349: {  	s6 =	sshll.u32 @!p1 s2, $0x3  }
0x34a: {  	s6 =	sand.u32 @!p1 $0xFFFFFC00, s6  }
0x34b: {  	s6 =	sadd.s32 @!p1 s5, s6  }
0x34c: {  	s6 =	sadd.s32 @!p1 s7, s6  }
0x34d: {  	s8 =	sand.u32 @!p1 $0xFFFFFF80, s2;
	s6 =	sshrl.u32 @!p1 s6, $0x3  }
0x34e: {  	s9 =	simm.s32 @!p1 $0x0;
	s2 =	sand.u32 $0xFFFFFFE0, s2;
	s6 =	sadd.s32 @!p1 s3, s6  }
0x34f: {  	[hbm4b:s6+s9] =	stream.linear.scatter @!p1 [tilespmem:s8], [sflag:$0x3], $0x80, $0x38;
	[tilespmem:$0x1BE80] =	vst v63  }
0x350: {  	p1 =	sne.s32 s2, $0x18680  }
0x351: {  	s2 =	simm.s32 @!p1 $0x0;
	s6 =	simm.s32 @!p1 $0x18680  }
0x352: {  	[hbm4b:s14+s2] =	stream.linear.scatter @!p1 [tilespmem:s6], [sflag:$0x3], $0x20, $0x38;
	[tilespmem:$0x1BE80] =	vst v63  }
0x353: {  	v11 =	vld [tilespmem:$0x1BE00];
	_ =	sdelay $0x4  }
0x354: {  	(v2sf) =	vpush v11, $0xC;
	_ =	sdelay $0xe  }
0x355: {  	s2 =	spop (v2sf)  }
0x356: {  	p1 =	sgt.s32 s2, $0x1867F  }
0x357: {  	s6 =	sshll.u32 @!p1 s2, $0x3  }
0x358: {  	s6 =	sand.u32 @!p1 $0xFFFFFC00, s6  }
0x359: {  	s6 =	sadd.s32 @!p1 s5, s6  }
0x35a: {  	s6 =	sadd.s32 @!p1 s7, s6  }
0x35b: {  	s8 =	sand.u32 @!p1 $0xFFFFFF80, s2;
	s6 =	sshrl.u32 @!p1 s6, $0x3  }
0x35c: {  	s9 =	simm.s32 @!p1 $0x0;
	s2 =	sand.u32 $0xFFFFFFE0, s2;
	s6 =	sadd.s32 @!p1 s3, s6  }
0x35d: {  	[hbm4b:s6+s9] =	stream.linear.scatter @!p1 [tilespmem:s8], [sflag:$0x3], $0x80, $0x38;
	[tilespmem:$0x1BE80] =	vst v63  }
0x35e: {  	p1 =	sne.s32 s2, $0x18680  }
0x35f: {  	s2 =	simm.s32 @!p1 $0x0;
	s6 =	simm.s32 @!p1 $0x18680  }
0x360: {  	[hbm4b:s14+s2] =	stream.linear.scatter @!p1 [tilespmem:s6], [sflag:$0x3], $0x20, $0x38;
	[tilespmem:$0x1BE80] =	vst v63  }
0x361: {  	v11 =	vld [tilespmem:$0x1BE00];
	_ =	sdelay $0x4  }
0x362: {  	(v2sf) =	vpush v11, $0xD;
	_ =	sdelay $0xe  }
0x363: {  	s2 =	spop (v2sf)  }
0x364: {  	p1 =	sgt.s32 s2, $0x1867F  }
0x365: {  	s6 =	sshll.u32 @!p1 s2, $0x3  }
0x366: {  	s6 =	sand.u32 @!p1 $0xFFFFFC00, s6  }
0x367: {  	s6 =	sadd.s32 @!p1 s5, s6  }
0x368: {  	s6 =	sadd.s32 @!p1 s7, s6  }
0x369: {  	s8 =	sand.u32 @!p1 $0xFFFFFF80, s2;
	s6 =	sshrl.u32 @!p1 s6, $0x3  }
0x36a: {  	s9 =	simm.s32 @!p1 $0x0;
	s2 =	sand.u32 $0xFFFFFFE0, s2;
	s6 =	sadd.s32 @!p1 s3, s6  }
0x36b: {  	[hbm4b:s6+s9] =	stream.linear.scatter @!p1 [tilespmem:s8], [sflag:$0x3], $0x80, $0x38;
	[tilespmem:$0x1BE80] =	vst v63  }
0x36c: {  	p1 =	sne.s32 s2, $0x18680  }
0x36d: {  	s2 =	simm.s32 @!p1 $0x0;
	s6 =	simm.s32 @!p1 $0x18680  }
0x36e: {  	[hbm4b:s14+s2] =	stream.linear.scatter @!p1 [tilespmem:s6], [sflag:$0x3], $0x20, $0x38;
	[tilespmem:$0x1BE80] =	vst v63  }
0x36f: {  	v11 =	vld [tilespmem:$0x1BE00];
	_ =	sdelay $0x4  }
0x370: {  	(v2sf) =	vpush v11, $0xE;
	_ =	sdelay $0xe  }
0x371: {  	s2 =	spop (v2sf)  }
0x372: {  	p1 =	sgt.s32 s2, $0x1867F  }
0x373: {  	s6 =	sshll.u32 @!p1 s2, $0x3  }
0x374: {  	s6 =	sand.u32 @!p1 $0xFFFFFC00, s6  }
0x375: {  	s6 =	sadd.s32 @!p1 s5, s6  }
0x376: {  	s6 =	sadd.s32 @!p1 s7, s6  }
0x377: {  	s8 =	sand.u32 @!p1 $0xFFFFFF80, s2;
	s6 =	sshrl.u32 @!p1 s6, $0x3  }
0x378: {  	s9 =	simm.s32 @!p1 $0x0;
	s2 =	sand.u32 $0xFFFFFFE0, s2;
	s6 =	sadd.s32 @!p1 s3, s6  }
0x379: {  	[hbm4b:s6+s9] =	stream.linear.scatter @!p1 [tilespmem:s8], [sflag:$0x3], $0x80, $0x38;
	[tilespmem:$0x1BE80] =	vst v63  }
0x37a: {  	p1 =	sne.s32 s2, $0x18680  }
0x37b: {  	s2 =	simm.s32 @!p1 $0x0;
	s6 =	simm.s32 @!p1 $0x18680  }
0x37c: {  	[hbm4b:s14+s2] =	stream.linear.scatter @!p1 [tilespmem:s6], [sflag:$0x3], $0x20, $0x38;
	[tilespmem:$0x1BE80] =	vst v63  }
0x37d: {  	v11 =	vld [tilespmem:$0x1BE00];
	_ =	sdelay $0x4  }
0x37e: {  	(v2sf) =	vpush v11, $0xF;
	_ =	sdelay $0xe  }
0x37f: {  	s2 =	spop (v2sf)  }
0x380: {  	p1 =	sgt.s32 s2, $0x1867F  }
0x381: {  	s6 =	sshll.u32 @!p1 s2, $0x3  }
0x382: {  	s6 =	sand.u32 @!p1 $0xFFFFFC00, s6  }
0x383: {  	s6 =	sadd.s32 @!p1 s5, s6  }
0x384: {  	s6 =	sadd.s32 @!p1 s7, s6  }
0x385: {  	s8 =	sand.u32 @!p1 $0xFFFFFF80, s2;
	s6 =	sshrl.u32 @!p1 s6, $0x3  }
0x386: {  	s9 =	simm.s32 @!p1 $0x0;
	s2 =	sand.u32 $0xFFFFFFE0, s2;
	s6 =	sadd.s32 @!p1 s3, s6  }
0x387: {  	[hbm4b:s6+s9] =	stream.linear.scatter @!p1 [tilespmem:s8], [sflag:$0x3], $0x80, $0x38;
	[tilespmem:$0x1BE80] =	vst v63  }
0x388: {  	p1 =	sne.s32 s2, $0x18680  }
0x389: {  	s2 =	simm.s32 @!p1 $0x0;
	s6 =	simm.s32 @!p1 $0x18680  }
0x38a: {  	[hbm4b:s14+s2] =	stream.linear.scatter @!p1 [tilespmem:s6], [sflag:$0x3], $0x20, $0x38;
	[tilespmem:$0x1BE80] =	vst v63  }
0x38b: {  	v11 =	vld [tilespmem:$0x1BE10];
	_ =	sdelay $0x4  }
0x38c: {  	(v2sf) =	vpush v11, $0x0;
	_ =	sdelay $0xe  }
0x38d: {  	s2 =	spop (v2sf)  }
0x38e: {  	p1 =	sgt.s32 s2, $0x1867F  }
0x38f: {  	s6 =	sshll.u32 @!p1 s2, $0x3  }
0x390: {  	s6 =	sand.u32 @!p1 $0xFFFFFC00, s6  }
0x391: {  	s6 =	sadd.s32 @!p1 s5, s6  }
0x392: {  	s6 =	sadd.s32 @!p1 s7, s6  }
0x393: {  	s8 =	sand.u32 @!p1 $0xFFFFFF80, s2;
	s6 =	sshrl.u32 @!p1 s6, $0x3  }
0x394: {  	s9 =	simm.s32 @!p1 $0x0;
	s2 =	sand.u32 $0xFFFFFFE0, s2;
	s6 =	sadd.s32 @!p1 s3, s6  }
0x395: {  	[hbm4b:s6+s9] =	stream.linear.scatter @!p1 [tilespmem:s8], [sflag:$0x3], $0x80, $0x38;
	[tilespmem:$0x1BE80] =	vst v63  }
0x396: {  	p1 =	sne.s32 s2, $0x18680  }
0x397: {  	s2 =	simm.s32 @!p1 $0x0;
	s6 =	simm.s32 @!p1 $0x18680  }
0x398: {  	[hbm4b:s14+s2] =	stream.linear.scatter @!p1 [tilespmem:s6], [sflag:$0x3], $0x20, $0x38;
	[tilespmem:$0x1BE80] =	vst v63  }
0x399: {  	v11 =	vld [tilespmem:$0x1BE10];
	_ =	sdelay $0x4  }
0x39a: {  	(v2sf) =	vpush v11, $0x1;
	_ =	sdelay $0xe  }
0x39b: {  	s2 =	spop (v2sf)  }
0x39c: {  	p1 =	sgt.s32 s2, $0x1867F  }
0x39d: {  	s6 =	sshll.u32 @!p1 s2, $0x3  }
0x39e: {  	s6 =	sand.u32 @!p1 $0xFFFFFC00, s6  }
0x39f: {  	s6 =	sadd.s32 @!p1 s5, s6  }
0x3a0: {  	s6 =	sadd.s32 @!p1 s7, s6  }
0x3a1: {  	s8 =	sand.u32 @!p1 $0xFFFFFF80, s2;
	s6 =	sshrl.u32 @!p1 s6, $0x3  }
0x3a2: {  	s9 =	simm.s32 @!p1 $0x0;
	s2 =	sand.u32 $0xFFFFFFE0, s2;
	s6 =	sadd.s32 @!p1 s3, s6  }
0x3a3: {  	[hbm4b:s6+s9] =	stream.linear.scatter @!p1 [tilespmem:s8], [sflag:$0x3], $0x80, $0x38;
	[tilespmem:$0x1BE80] =	vst v63  }
0x3a4: {  	p1 =	sne.s32 s2, $0x18680  }
0x3a5: {  	s2 =	simm.s32 @!p1 $0x0;
	s6 =	simm.s32 @!p1 $0x18680  }
0x3a6: {  	[hbm4b:s14+s2] =	stream.linear.scatter @!p1 [tilespmem:s6], [sflag:$0x3], $0x20, $0x38;
	[tilespmem:$0x1BE80] =	vst v63  }
0x3a7: {  	v11 =	vld [tilespmem:$0x1BE10];
	_ =	sdelay $0x4  }
0x3a8: {  	(v2sf) =	vpush v11, $0x2;
	_ =	sdelay $0xe  }
0x3a9: {  	s2 =	spop (v2sf)  }
0x3aa: {  	p1 =	sgt.s32 s2, $0x1867F  }
0x3ab: {  	s6 =	sshll.u32 @!p1 s2, $0x3  }
0x3ac: {  	s6 =	sand.u32 @!p1 $0xFFFFFC00, s6  }
0x3ad: {  	s6 =	sadd.s32 @!p1 s5, s6  }
0x3ae: {  	s6 =	sadd.s32 @!p1 s7, s6  }
0x3af: {  	s8 =	sand.u32 @!p1 $0xFFFFFF80, s2;
	s6 =	sshrl.u32 @!p1 s6, $0x3  }
0x3b0: {  	s9 =	simm.s32 @!p1 $0x0;
	s2 =	sand.u32 $0xFFFFFFE0, s2;
	s6 =	sadd.s32 @!p1 s3, s6  }
0x3b1: {  	[hbm4b:s6+s9] =	stream.linear.scatter @!p1 [tilespmem:s8], [sflag:$0x3], $0x80, $0x38;
	[tilespmem:$0x1BE80] =	vst v63  }
0x3b2: {  	p1 =	sne.s32 s2, $0x18680  }
0x3b3: {  	s2 =	simm.s32 @!p1 $0x0;
	s6 =	simm.s32 @!p1 $0x18680  }
0x3b4: {  	[hbm4b:s14+s2] =	stream.linear.scatter @!p1 [tilespmem:s6], [sflag:$0x3], $0x20, $0x38;
	[tilespmem:$0x1BE80] =	vst v63  }
0x3b5: {  	v11 =	vld [tilespmem:$0x1BE10];
	_ =	sdelay $0x4  }
0x3b6: {  	(v2sf) =	vpush v11, $0x3;
	_ =	sdelay $0xe  }
0x3b7: {  	s2 =	spop (v2sf)  }
0x3b8: {  	p1 =	sgt.s32 s2, $0x1867F  }
0x3b9: {  	s6 =	sshll.u32 @!p1 s2, $0x3  }
0x3ba: {  	s6 =	sand.u32 @!p1 $0xFFFFFC00, s6  }
0x3bb: {  	s6 =	sadd.s32 @!p1 s5, s6  }
0x3bc: {  	s6 =	sadd.s32 @!p1 s7, s6  }
0x3bd: {  	s8 =	simm.s32 @!p1 $0x0;
	s6 =	sshrl.u32 @!p1 s6, $0x3  }
0x3be: {  	s7 =	sand.u32 @!p1 $0xFFFFFF80, s2;
	s2 =	sand.u32 $0xFFFFFFE0, s2;
	s6 =	sadd.s32 @!p1 s3, s6  }
0x3bf: {  	[hbm4b:s6+s8] =	stream.linear.scatter @!p1 [tilespmem:s7], [sflag:$0x3], $0x80, $0x38;
	[tilespmem:$0x1BE80] =	vst v63  }
0x3c0: {  	p1 =	sne.s32 s2, $0x18680  }
0x3c1: {  	s2 =	simm.s32 @!p1 $0x0;
	s6 =	simm.s32 @!p1 $0x18680  }
0x3c2: {  	[hbm4b:s14+s2] =	stream.linear.scatter @!p1 [tilespmem:s6], [sflag:$0x3], $0x20, $0x38;
	[tilespmem:$0x1BE80] =	vst v63  }
0x3c3: {  	v11 =	vld [tilespmem:$0x1BE00];
	_ =	sdelay $0x4  }
0x3c4: {  	(v2sf) =	vpush v11, $0x0;
	_ =	sdelay $0xe  }
0x3c5: {  	s7 =	spop (v2sf)  }
0x3c6: {  	p1 =	sgt.s32 s7, $0x1867F  }
0x3c7: {  	s6 =	simm.s32 @!p1 $0x3  }
0x3c8: {  	s2 =	sand.u32 $0xFFFFFFE0, s7;
	_ =	swait.ge @!p1 [sflag:s6], $0x80  }
0x3c9: {  	p2 =	sne.s32 s2, $0x18680;
	[sflag:s6] =	ssyncset.done @!p1 $0x0  }
0x3ca: {  	s2 =	simm.s32 @!p2 $0x3;
	[sflag:s6] =	ssyncadd.s32 @!p1 $0xFFFFFF80  }
0x3cb: {  	_ =	swait.ge @!p2 [sflag:s2], $0x20  }
0x3cc: {  	(v2sf) =	vpush v11, $0x1;
	_ =	sdelay $0xe  }
0x3cd: {  	s8 =	spop (v2sf)  }
0x3ce: {  	[sflag:s2] =	ssyncset.done @!p2 $0x0;
	p1 =	sgt.s32 s8, $0x1867F  }
0x3cf: {  	[sflag:s2] =	ssyncadd.s32 @!p2 $0xFFFFFFE0;
	s2 =	simm.s32 @!p1 $0x3  }
0x3d0: {  	s6 =	sand.u32 $0xFFFFFFE0, s8;
	_ =	swait.ge @!p1 [sflag:s2], $0x80  }
0x3d1: {  	p2 =	sne.s32 s6, $0x18680;
	[sflag:s2] =	ssyncset.done @!p1 $0x0  }
0x3d2: {  	[sflag:s2] =	ssyncadd.s32 @!p1 $0xFFFFFF80;
	s2 =	simm.s32 @!p2 $0x3  }
0x3d3: {  	_ =	swait.ge @!p2 [sflag:s2], $0x20  }
0x3d4: {  	(v2sf) =	vpush v11, $0x2;
	_ =	sdelay $0xe  }
0x3d5: {  	s9 =	spop (v2sf)  }
0x3d6: {  	[sflag:s2] =	ssyncset.done @!p2 $0x0;
	p1 =	sgt.s32 s9, $0x1867F  }
0x3d7: {  	[sflag:s2] =	ssyncadd.s32 @!p2 $0xFFFFFFE0;
	s2 =	simm.s32 @!p1 $0x3  }
0x3d8: {  	s6 =	sand.u32 $0xFFFFFFE0, s9;
	_ =	swait.ge @!p1 [sflag:s2], $0x80  }
0x3d9: {  	p2 =	sne.s32 s6, $0x18680;
	[sflag:s2] =	ssyncset.done @!p1 $0x0  }
0x3da: {  	[sflag:s2] =	ssyncadd.s32 @!p1 $0xFFFFFF80;
	s2 =	simm.s32 @!p2 $0x3  }
0x3db: {  	_ =	swait.ge @!p2 [sflag:s2], $0x20  }
0x3dc: {  	(v2sf) =	vpush v11, $0x3;
	_ =	sdelay $0xe  }
0x3dd: {  	s14 =	spop (v2sf)  }
0x3de: {  	[sflag:s2] =	ssyncset.done @!p2 $0x0;
	p1 =	sgt.s32 s14, $0x1867F  }
0x3df: {  	[sflag:s2] =	ssyncadd.s32 @!p2 $0xFFFFFFE0;
	s2 =	simm.s32 @!p1 $0x3  }
0x3e0: {  	s6 =	sand.u32 $0xFFFFFFE0, s14;
	_ =	swait.ge @!p1 [sflag:s2], $0x80  }
0x3e1: {  	p2 =	sne.s32 s6, $0x18680;
	[sflag:s2] =	ssyncset.done @!p1 $0x0  }
0x3e2: {  	[sflag:s2] =	ssyncadd.s32 @!p1 $0xFFFFFF80;
	s2 =	simm.s32 @!p2 $0x3  }
0x3e3: {  	_ =	swait.ge @!p2 [sflag:s2], $0x20  }
0x3e4: {  	(v2sf) =	vpush v11, $0x4;
	_ =	sdelay $0xe  }
0x3e5: {  	s15 =	spop (v2sf)  }
0x3e6: {  	[sflag:s2] =	ssyncset.done @!p2 $0x0;
	p1 =	sgt.s32 s15, $0x1867F  }
0x3e7: {  	[sflag:s2] =	ssyncadd.s32 @!p2 $0xFFFFFFE0;
	s2 =	simm.s32 @!p1 $0x3  }
0x3e8: {  	s6 =	sand.u32 $0xFFFFFFE0, s15;
	_ =	swait.ge @!p1 [sflag:s2], $0x80  }
0x3e9: {  	p2 =	sne.s32 s6, $0x18680;
	[sflag:s2] =	ssyncset.done @!p1 $0x0  }
0x3ea: {  	[sflag:s2] =	ssyncadd.s32 @!p1 $0xFFFFFF80;
	s2 =	simm.s32 @!p2 $0x3  }
0x3eb: {  	_ =	swait.ge @!p2 [sflag:s2], $0x20  }
0x3ec: {  	(v2sf) =	vpush v11, $0x5;
	_ =	sdelay $0xe  }
0x3ed: {  	s17 =	spop (v2sf)  }
0x3ee: {  	[sflag:s2] =	ssyncset.done @!p2 $0x0;
	p1 =	sgt.s32 s17, $0x1867F  }
0x3ef: {  	[sflag:s2] =	ssyncadd.s32 @!p2 $0xFFFFFFE0;
	s2 =	simm.s32 @!p1 $0x3  }
0x3f0: {  	s6 =	sand.u32 $0xFFFFFFE0, s17;
	_ =	swait.ge @!p1 [sflag:s2], $0x80  }
0x3f1: {  	p2 =	sne.s32 s6, $0x18680;
	[sflag:s2] =	ssyncset.done @!p1 $0x0  }
0x3f2: {  	[sflag:s2] =	ssyncadd.s32 @!p1 $0xFFFFFF80;
	s2 =	simm.s32 @!p2 $0x3  }
0x3f3: {  	_ =	swait.ge @!p2 [sflag:s2], $0x20  }
0x3f4: {  	(v2sf) =	vpush v11, $0x6;
	_ =	sdelay $0xe  }
0x3f5: {  	s18 =	spop (v2sf)  }
0x3f6: {  	[sflag:s2] =	ssyncset.done @!p2 $0x0;
	p1 =	sgt.s32 s18, $0x1867F  }
0x3f7: {  	[sflag:s2] =	ssyncadd.s32 @!p2 $0xFFFFFFE0;
	s2 =	simm.s32 @!p1 $0x3  }
0x3f8: {  	s6 =	sand.u32 $0xFFFFFFE0, s18;
	_ =	swait.ge @!p1 [sflag:s2], $0x80  }
0x3f9: {  	p2 =	sne.s32 s6, $0x18680;
	[sflag:s2] =	ssyncset.done @!p1 $0x0  }
0x3fa: {  	[sflag:s2] =	ssyncadd.s32 @!p1 $0xFFFFFF80;
	s2 =	simm.s32 @!p2 $0x3  }
0x3fb: {  	_ =	swait.ge @!p2 [sflag:s2], $0x20  }
0x3fc: {  	(v2sf) =	vpush v11, $0x7;
	_ =	sdelay $0xe  }
0x3fd: {  	s19 =	spop (v2sf)  }
0x3fe: {  	[sflag:s2] =	ssyncset.done @!p2 $0x0;
	p1 =	sgt.s32 s19, $0x1867F  }
0x3ff: {  	[sflag:s2] =	ssyncadd.s32 @!p2 $0xFFFFFFE0;
	s2 =	simm.s32 @!p1 $0x3  }
0x400: {  	s6 =	sand.u32 $0xFFFFFFE0, s19;
	_ =	swait.ge @!p1 [sflag:s2], $0x80  }
0x401: {  	p2 =	sne.s32 s6, $0x18680;
	[sflag:s2] =	ssyncset.done @!p1 $0x0  }
0x402: {  	[sflag:s2] =	ssyncadd.s32 @!p1 $0xFFFFFF80;
	s2 =	simm.s32 @!p2 $0x3  }
0x403: {  	_ =	swait.ge @!p2 [sflag:s2], $0x20  }
0x404: {  	(v2sf) =	vpush v11, $0x8;
	_ =	sdelay $0xe  }
0x405: {  	s20 =	spop (v2sf)  }
0x406: {  	[sflag:s2] =	ssyncset.done @!p2 $0x0;
	p1 =	sgt.s32 s20, $0x1867F  }
0x407: {  	[sflag:s2] =	ssyncadd.s32 @!p2 $0xFFFFFFE0;
	s2 =	simm.s32 @!p1 $0x3  }
0x408: {  	s6 =	sand.u32 $0xFFFFFFE0, s20;
	_ =	swait.ge @!p1 [sflag:s2], $0x80  }
0x409: {  	p2 =	sne.s32 s6, $0x18680;
	[sflag:s2] =	ssyncset.done @!p1 $0x0  }
0x40a: {  	[sflag:s2] =	ssyncadd.s32 @!p1 $0xFFFFFF80;
	s2 =	simm.s32 @!p2 $0x3  }
0x40b: {  	_ =	swait.ge @!p2 [sflag:s2], $0x20  }
0x40c: {  	(v2sf) =	vpush v11, $0x9;
	_ =	sdelay $0xe  }
0x40d: {  	s22 =	spop (v2sf)  }
0x40e: {  	[sflag:s2] =	ssyncset.done @!p2 $0x0;
	p1 =	sgt.s32 s22, $0x1867F  }
0x40f: {  	[sflag:s2] =	ssyncadd.s32 @!p2 $0xFFFFFFE0;
	s2 =	simm.s32 @!p1 $0x3  }
0x410: {  	s6 =	sand.u32 $0xFFFFFFE0, s22;
	_ =	swait.ge @!p1 [sflag:s2], $0x80  }
0x411: {  	p2 =	sne.s32 s6, $0x18680;
	[sflag:s2] =	ssyncset.done @!p1 $0x0  }
0x412: {  	[sflag:s2] =	ssyncadd.s32 @!p1 $0xFFFFFF80;
	s2 =	simm.s32 @!p2 $0x3  }
0x413: {  	_ =	swait.ge @!p2 [sflag:s2], $0x20  }
0x414: {  	(v2sf) =	vpush v11, $0xA;
	_ =	sdelay $0xe  }
0x415: {  	s7 =	spop (v2sf)  }
0x416: {  	[sflag:s2] =	ssyncset.done @!p2 $0x0;
	p1 =	sgt.s32 s7, $0x1867F  }
0x417: {  	[sflag:s2] =	ssyncadd.s32 @!p2 $0xFFFFFFE0;
	s2 =	simm.s32 @!p1 $0x3  }
0x418: {  	s6 =	sand.u32 $0xFFFFFFE0, s7;
	_ =	swait.ge @!p1 [sflag:s2], $0x80  }
0x419: {  	p2 =	sne.s32 s6, $0x18680;
	[sflag:s2] =	ssyncset.done @!p1 $0x0  }
0x41a: {  	[sflag:s2] =	ssyncadd.s32 @!p1 $0xFFFFFF80;
	s2 =	simm.s32 @!p2 $0x3  }
0x41b: {  	_ =	swait.ge @!p2 [sflag:s2], $0x20  }
0x41c: {  	(v2sf) =	vpush v11, $0xB;
	_ =	sdelay $0xe  }
0x41d: {  	s8 =	spop (v2sf)  }
0x41e: {  	[sflag:s2] =	ssyncset.done @!p2 $0x0;
	p1 =	sgt.s32 s8, $0x1867F  }
0x41f: {  	[sflag:s2] =	ssyncadd.s32 @!p2 $0xFFFFFFE0;
	s2 =	simm.s32 @!p1 $0x3  }
0x420: {  	s6 =	sand.u32 $0xFFFFFFE0, s8;
	_ =	swait.ge @!p1 [sflag:s2], $0x80  }
0x421: {  	p2 =	sne.s32 s6, $0x18680;
	[sflag:s2] =	ssyncset.done @!p1 $0x0  }
0x422: {  	[sflag:s2] =	ssyncadd.s32 @!p1 $0xFFFFFF80;
	s2 =	simm.s32 @!p2 $0x3  }
0x423: {  	_ =	swait.ge @!p2 [sflag:s2], $0x20  }
0x424: {  	(v2sf) =	vpush v11, $0xC;
	_ =	sdelay $0xe  }
0x425: {  	s9 =	spop (v2sf)  }
0x426: {  	[sflag:s2] =	ssyncset.done @!p2 $0x0;
	p1 =	sgt.s32 s9, $0x1867F  }
0x427: {  	[sflag:s2] =	ssyncadd.s32 @!p2 $0xFFFFFFE0;
	s2 =	simm.s32 @!p1 $0x3  }
0x428: {  	s6 =	sand.u32 $0xFFFFFFE0, s9;
	_ =	swait.ge @!p1 [sflag:s2], $0x80  }
0x429: {  	p2 =	sne.s32 s6, $0x18680;
	[sflag:s2] =	ssyncset.done @!p1 $0x0  }
0x42a: {  	[sflag:s2] =	ssyncadd.s32 @!p1 $0xFFFFFF80;
	s2 =	simm.s32 @!p2 $0x3  }
0x42b: {  	_ =	swait.ge @!p2 [sflag:s2], $0x20  }
0x42c: {  	(v2sf) =	vpush v11, $0xD;
	_ =	sdelay $0xe  }
0x42d: {  	s14 =	spop (v2sf)  }
0x42e: {  	[sflag:s2] =	ssyncset.done @!p2 $0x0;
	p1 =	sgt.s32 s14, $0x1867F  }
0x42f: {  	[sflag:s2] =	ssyncadd.s32 @!p2 $0xFFFFFFE0;
	s2 =	simm.s32 @!p1 $0x3  }
0x430: {  	s6 =	sand.u32 $0xFFFFFFE0, s14;
	_ =	swait.ge @!p1 [sflag:s2], $0x80  }
0x431: {  	p2 =	sne.s32 s6, $0x18680;
	[sflag:s2] =	ssyncset.done @!p1 $0x0  }
0x432: {  	[sflag:s2] =	ssyncadd.s32 @!p1 $0xFFFFFF80;
	s2 =	simm.s32 @!p2 $0x3  }
0x433: {  	_ =	swait.ge @!p2 [sflag:s2], $0x20  }
0x434: {  	(v2sf) =	vpush v11, $0xE;
	_ =	sdelay $0xe  }
0x435: {  	s15 =	spop (v2sf)  }
0x436: {  	[sflag:s2] =	ssyncset.done @!p2 $0x0;
	p1 =	sgt.s32 s15, $0x1867F  }
0x437: {  	[sflag:s2] =	ssyncadd.s32 @!p2 $0xFFFFFFE0;
	s2 =	simm.s32 @!p1 $0x3  }
0x438: {  	s6 =	sand.u32 $0xFFFFFFE0, s15;
	_ =	swait.ge @!p1 [sflag:s2], $0x80  }
0x439: {  	p2 =	sne.s32 s6, $0x18680;
	[sflag:s2] =	ssyncset.done @!p1 $0x0  }
0x43a: {  	[sflag:s2] =	ssyncadd.s32 @!p1 $0xFFFFFF80;
	s2 =	simm.s32 @!p2 $0x3  }
0x43b: {  	_ =	swait.ge @!p2 [sflag:s2], $0x20  }
0x43c: {  	(v2sf) =	vpush v11, $0xF;
	_ =	sdelay $0xe  }
0x43d: {  	s17 =	spop (v2sf)  }
0x43e: {  	[sflag:s2] =	ssyncset.done @!p2 $0x0;
	p1 =	sgt.s32 s17, $0x1867F  }
0x43f: {  	[sflag:s2] =	ssyncadd.s32 @!p2 $0xFFFFFFE0;
	s2 =	simm.s32 @!p1 $0x3  }
0x440: {  	s6 =	sand.u32 $0xFFFFFFE0, s17;
	_ =	swait.ge @!p1 [sflag:s2], $0x80  }
0x441: {  	p2 =	sne.s32 s6, $0x18680;
	[sflag:s2] =	ssyncset.done @!p1 $0x0  }
0x442: {  	[sflag:s2] =	ssyncadd.s32 @!p1 $0xFFFFFF80;
	s2 =	simm.s32 @!p2 $0x3  }
0x443: {  	_ =	swait.ge @!p2 [sflag:s2], $0x20  }
0x444: {  	[sflag:s2] =	ssyncset.done @!p2 $0x0  }
0x445: {  	[sflag:s2] =	ssyncadd.s32 @!p2 $0xFFFFFFE0  }
0x446: {  	v11 =	vld [tilespmem:$0x1BE10];
	_ =	sdelay $0x4  }
0x447: {  	(v2sf) =	vpush v11, $0x0;
	_ =	sdelay $0xe  }
0x448: {  	s18 =	spop (v2sf)  }
0x449: {  	p1 =	sgt.s32 s18, $0x1867F  }
0x44a: {  	s6 =	simm.s32 @!p1 $0x3  }
0x44b: {  	s2 =	sand.u32 $0xFFFFFFE0, s18;
	_ =	swait.ge @!p1 [sflag:s6], $0x80  }
0x44c: {  	p2 =	sne.s32 s2, $0x18680;
	[sflag:s6] =	ssyncset.done @!p1 $0x0  }
0x44d: {  	s2 =	simm.s32 @!p2 $0x3;
	[sflag:s6] =	ssyncadd.s32 @!p1 $0xFFFFFF80  }
0x44e: {  	_ =	swait.ge @!p2 [sflag:s2], $0x20  }
0x44f: {  	(v2sf) =	vpush v11, $0x1;
	_ =	sdelay $0xe  }
0x450: {  	s19 =	spop (v2sf)  }
0x451: {  	[sflag:s2] =	ssyncset.done @!p2 $0x0;
	p1 =	sgt.s32 s19, $0x1867F  }
0x452: {  	[sflag:s2] =	ssyncadd.s32 @!p2 $0xFFFFFFE0;
	s2 =	simm.s32 @!p1 $0x3  }
0x453: {  	s6 =	sand.u32 $0xFFFFFFE0, s19;
	_ =	swait.ge @!p1 [sflag:s2], $0x80  }
0x454: {  	p2 =	sne.s32 s6, $0x18680;
	[sflag:s2] =	ssyncset.done @!p1 $0x0  }
0x455: {  	[sflag:s2] =	ssyncadd.s32 @!p1 $0xFFFFFF80;
	s2 =	simm.s32 @!p2 $0x3  }
0x456: {  	_ =	swait.ge @!p2 [sflag:s2], $0x20  }
0x457: {  	(v2sf) =	vpush v11, $0x2;
	_ =	sdelay $0xe  }
0x458: {  	s20 =	spop (v2sf)  }
0x459: {  	[sflag:s2] =	ssyncset.done @!p2 $0x0;
	p1 =	sgt.s32 s20, $0x1867F  }
0x45a: {  	[sflag:s2] =	ssyncadd.s32 @!p2 $0xFFFFFFE0;
	s2 =	simm.s32 @!p1 $0x3  }
0x45b: {  	s6 =	sand.u32 $0xFFFFFFE0, s20;
	_ =	swait.ge @!p1 [sflag:s2], $0x80  }
0x45c: {  	p2 =	sne.s32 s6, $0x18680;
	[sflag:s2] =	ssyncset.done @!p1 $0x0  }
0x45d: {  	[sflag:s2] =	ssyncadd.s32 @!p1 $0xFFFFFF80;
	s2 =	simm.s32 @!p2 $0x3  }
0x45e: {  	_ =	swait.ge @!p2 [sflag:s2], $0x20  }
0x45f: {  	(v2sf) =	vpush v11, $0x3;
	_ =	sdelay $0xe  }
0x460: {  	s22 =	spop (v2sf)  }
0x461: {  	[sflag:s2] =	ssyncset.done @!p2 $0x0;
	p1 =	sgt.s32 s22, $0x1867F  }
0x462: {  	[sflag:s2] =	ssyncadd.s32 @!p2 $0xFFFFFFE0;
	s2 =	simm.s32 @!p1 $0x3  }
0x463: {  	s6 =	sand.u32 $0xFFFFFFE0, s22;
	_ =	swait.ge @!p1 [sflag:s2], $0x80  }
0x464: {  	p2 =	sne.s32 s6, $0x18680;
	[sflag:s2] =	ssyncset.done @!p1 $0x0  }
0x465: {  	[sflag:s2] =	ssyncadd.s32 @!p1 $0xFFFFFF80;
	s2 =	simm.s32 @!p2 $0x3  }
0x466: {  	_ =	swait.ge @!p2 [sflag:s2], $0x20  }
0x467: {  	[sflag:s2] =	ssyncset.done @!p2 $0x0  }
0x468: {  	[sflag:s2] =	ssyncadd.s32 @!p2 $0xFFFFFFE0  }
.LBB2_34:
0x469: {  	p1 =	seq.s32 s21, $0x7  }
.Ltmp23:
0x46a: {  	_ = 	snop;
	(pc) =	sbr.rel @p1 .LBB2_36-.Ltmp23, $1  }
0x46b: {  	_ =	sdelay $0x3  }
0x46c: {  	s2 =	sadd.s32 $0x1, s13  }
0x46d: {  	s6 =	sshrl.u32 s2, $0x3  }
0x46e: {  	s7 =	sshll.u32 s2, $0x7;
	s6 =	smul.u32 $0xC3800, s6  }
0x46f: {  	s7 =	sand.u32 $0x380, s7  }
0x470: {  	s6 =	sor.u32 s7, s6  }
0x471: {  	s7 =	sshrl.u32 s6, $0x3  }
0x472: {  	s18 =	sadd.s32 $0x30800, s6;
	s7 =	sadd.s32 s1, s7  }
0x473: {  	[tilespmem:s4], [sflag:$0x1] =	stream.strided.gather [hbm4b:s7+s23], $0x6100, s24, s23, $0x38;
	[tilespmem:$0x1BE80] =	vst v63  }
0x474: {  	s7 =	sshrl.u32 s18, $0x3  }
0x475: {  	s19 =	sadd.s32 $0x61000, s6;
	s7 =	sadd.s32 s1, s7  }
0x476: {  	[tilespmem:s25], [sflag:$0x1] =	stream.strided.gather [hbm4b:s7+s23], $0x6100, s24, s23, $0x38;
	[tilespmem:$0x1BE80] =	vst v63  }
0x477: {  	s7 =	sshrl.u32 s19, $0x3  }
0x478: {  	s20 =	sadd.s32 $0x91800, s6;
	s7 =	sadd.s32 s1, s7  }
0x479: {  	[tilespmem:s26], [sflag:$0x1] =	stream.strided.gather [hbm4b:s7+s23], $0x6100, s24, s23, $0x38;
	[tilespmem:$0x1BE80] =	vst v63  }
0x47a: {  	s7 =	sshrl.u32 s20, $0x3  }
0x47b: {  	s6 =	sadd.s32 $0xC2000, s6;
	s7 =	sadd.s32 s1, s7  }
0x47c: {  	[tilespmem:s28], [sflag:$0x1] =	stream.strided.gather [hbm4b:s7+s23], $0x6100, s24, s23, $0x38;
	[tilespmem:$0x1BE80] =	vst v63  }
.Ltmp24:
0x47d: {  	s2 =	sshll.u32 s2, $0x2;
	s6 =	sshrl.u32 s6, $0x3;
	(pc) =	sbr.rel .LBB2_2-.Ltmp24, $4  }
0x47e: {  	s22 =	rddreg [dreg:$0x4];
	s2 =	sand.u32 $0x1FFFFFFC, s2;
	s6 =	sadd.s32 s1, s6  }
0x47f: {  	[tilespmem:s29], [sflag:$0x1] =	stream.strided.gather [hbm4b:s6+s23], $0x280, s24, s23, $0x38;
	[tilespmem:$0x1BE80] =	vst v63  }
0x480: {  	s21 =	sadd.s32 $0x1, s21;
	s2 =	sadd.s32 s22, s2  }
0x481: {  	[tilespmem:s30], [sflag:$0x1] =	stream.linear.gather [hbm4b:s2+s4], $0x20, $0x38;
	[tilespmem:$0x1BE80] =	vst v63  }
.LBB2_37:
0x482: {  	_ =	sfence.sel $0x180000  }
0x483: {  	[bflag:$0x0] =	sbarrier.arrive $0xFFFF  }
0x484: {  	_ =	strace $0x90000047  }
0x485: {  	s0 =	stileid.u32;
	[bflag:$0x2] =	sbarrier.arrive $0xFFFF  }
0x486: {  	p0 =	sne.s32 s0, $0x0;
	s0 =	rddreg [dreg:$0x3]  }
0x487: {  	s0 =	sadd.s32 @!p0 $0x100000, s0  }
0x488: {  	[sflag:s0] =	ssyncadd.tile.s32 @!p0 $0x1;
	_ =	shalt  }
.Lfunc_end2:
_tile_overlayer_lowered:
.L_overlay_start_2:
0x489: {  	(tag) =	ssettag $0x2  }
0x48a: {  	s0 =	rddreg [dreg:$0x0];
	s2 =	stileid.u32  }
0x48b: {  	s1 =	rddreg [dreg:$0x1];
	p0 =	sne.s32 s2, $0x0  }
0x48c: {  	s3 =	rddreg [dreg:$0x2];
	[bflag:$0x3] =	sbarrier.arrive $0xFFFF;
	s2 =	simm.s32 @!p0 $0x1C04  }
0x48d: {  	[timem:s3], [sflag:s2] =	dma.local @!p0 [hbm:s0], s1  }
0x48e: {  	s0 =	simm.s32 @!p0 $0x4  }
0x48f: {  	_ =	swait.ge @!p0 [sflag:s0], s1  }
0x490: {  	s1 =	ssub.s32 @!p0 $0x0, s1;
	[sflag:s0] =	ssyncset.done @!p0 $0x0  }
0x491: {  	[sflag:s0] =	ssyncadd.s32 @!p0 s1  }
0x492: {  	[bflag:$0x3] =	sbarrier.arrive $0xFFFF  }
0x493: {  	_ =	shalt  }

</sc_bundles>
